<compile_context>
chip_gen: v7x
topology: tpu7x:2x2x1
jax: 0.10.2.dev20260603
libtpu: 0.0.44.dev20260713+nightly
codegen_flags: <defaults>
</compile_context>

<pallas_src>
import jax
import jax.numpy as jnp
from jax import lax
from jax.experimental import pallas as pl
from jax.experimental.pallas import tpu as pltpu
from jax.experimental.pallas import tpu_sc as plsc

N_ROWS = 1_000_000
D = 32
N_UPD = 16_384
NC = 2
NS = 16
NW = NC * NS
SC_COLS = 999_936
TAILC = N_ROWS - SC_COLS
L = 16
CB = 1024
NCH_A = 31
NCH_B = 30
XBASE = NCH_B * CB
XTRA = 512
UTAB = NCH_A * CB
SB = 16
NSB = CB // SB
VROW = 128


def _neg_pad_body(a0t_ref, o_ref):
    x = a0t_ref[...]
    o_ref[:, 0:D] = -jnp.transpose(x)
    o_ref[:, D:VROW] = jnp.zeros((x.shape[1], VROW - D), jnp.float32)


def _neg_pad(a0t):
    blk = 2048
    return pl.pallas_call(
        _neg_pad_body,
        out_shape=jax.ShapeDtypeStruct((N_UPD, VROW), jnp.float32),
        grid=(N_UPD // blk,),
        in_specs=[pl.BlockSpec((D, blk), lambda i: (0, i))],
        out_specs=pl.BlockSpec((blk, VROW), lambda i: (i, 0)),
    )(a0t)


def _tail_patch_body(out_ref, a1_ref, a0t_ref, idx_ref, o_ref):
    del out_ref
    acc = a1_ref[...]
    idxg = idx_ref[...]
    posg = (lax.broadcasted_iota(jnp.int32, (128, 128), 0) * 128
            + lax.broadcasted_iota(jnp.int32, (128, 128), 1))
    cvec = lax.broadcasted_iota(jnp.int32, (1, 128), 1)
    wpv = jnp.full((1, 128), -1, jnp.int32)
    for c in range(TAILC):
        sel = jnp.where(idxg == SC_COLS + c, posg, -1)
        wp = jnp.max(sel)
        wpv = jnp.where(cvec == c, wp, wpv)
    valid = wpv >= 0
    sel_mat = (lax.broadcasted_iota(jnp.int32, (N_UPD, 128), 0)
               == jnp.broadcast_to(wpv, (N_UPD, 128))).astype(jnp.float32)
    vals = lax.dot_general(a0t_ref[...], sel_mat, (((1,), (0,)), ((), ())),
                           preferred_element_type=jnp.float32)
    o_ref[...] = jnp.where(jnp.broadcast_to(valid, (D, 128)), -vals, acc)


def _tail_patch(out_t, a1t, a0t, idx):
    idxg = jnp.reshape(idx, (128, 128))
    tb = SC_COLS // 128
    return pl.pallas_call(
        _tail_patch_body,
        out_shape=jax.ShapeDtypeStruct((D, N_ROWS), jnp.float32),
        grid=(1,),
        in_specs=[
            pl.BlockSpec(memory_space=pl.ANY),
            pl.BlockSpec((D, 128), lambda i: (0, tb)),
            pl.BlockSpec((D, N_UPD), lambda i: (0, 0)),
            pl.BlockSpec((128, 128), lambda i: (0, 0)),
        ],
        out_specs=pl.BlockSpec((D, 128), lambda i: (0, tb)),
        input_output_aliases={0: 0},
    )(out_t, a1t, a0t, idxg)


def _sc_merge_kernel(neg0p_hbm, a1t_hbm, idx_hbm, out_hbm,
                     idx_v, utab,
                     buf0, buf1, cp0, cp1, cc0, cc1, vals0, vals1,
                     in_s0, in_s1, out_s0, out_s1, gat_s0, gat_s1, gat2_s):
    bufs = (buf0, buf1)
    cps = (cp0, cp1)
    ccs = (cc0, cc1)
    valss = (vals0, vals1)
    in_s = (in_s0, in_s1)
    out_s = (out_s0, out_s1)
    gat_s = (gat_s0, gat_s1)

    wid = lax.axis_index("s") * NC + lax.axis_index("c")
    is_a = wid < 16
    is_last = wid == NW - 1
    lo = pl.multiple_of(
        jnp.where(is_a, wid * (NCH_A * CB),
                  16 * NCH_A * CB + (wid - 16) * (NCH_B * CB)), 128)
    nch = jnp.where(is_a, NCH_A, NCH_B)
    hi = lo + nch * CB + jnp.where(is_last, XTRA, 0)

    def col0(k):
        return pl.multiple_of(lo + k * CB, 128)

    H = CB // 2

    def start_in(k, b):
        c = col0(k)
        pltpu.async_copy(a1t_hbm.at[:, pl.ds(c, H)],
                         bufs[b].at[:, pl.ds(0, H)], in_s[b])
        pltpu.async_copy(a1t_hbm.at[:, pl.ds(pl.multiple_of(c + H, 128), H)],
                         bufs[b].at[:, pl.ds(H, H)], in_s[b])

    def start_out(k, b):
        c = col0(k)
        pltpu.async_copy(bufs[b].at[:, pl.ds(0, H)],
                         out_hbm.at[:, pl.ds(c, H)], out_s[b])
        pltpu.async_copy(bufs[b].at[:, pl.ds(H, H)],
                         out_hbm.at[:, pl.ds(pl.multiple_of(c + H, 128), H)],
                         out_s[b])

    start_in(0, 0)

    lane = lax.iota(jnp.int32, L)
    neg1 = jnp.full((L,), -1, dtype=jnp.int32)

    def init_body(i, _):
        utab[pl.ds(i * L, L)] = neg1
        return 0

    lax.fori_loop(0, UTAB // L, init_body, 0, unroll=8)

    for half in range(2):
        pltpu.sync_copy(idx_hbm.at[pl.ds(half * (N_UPD // 2), N_UPD // 2)],
                        idx_v)

        def filt_body(g, _):
            v = idx_v[pl.ds(g * L, L)]
            m = (v >= lo) & (v < hi)
            pos = half * (N_UPD // 2) + g * L + lane
            plsc.store_scatter(utab, [v - lo], pos, mask=m)
            return 0

        lax.fori_loop(0, N_UPD // 2 // L, filt_body, 0, unroll=4)

    def seed_body(i, _):
        rvec = jnp.full((L,), lax.shift_right_logical(i, 3), jnp.int32)
        cvec = jnp.bitwise_and(i, 7) * L + lane
        pad = jnp.bitwise_and(wid * (NSB * SB) + i * L + lane, N_UPD - 1)
        plsc.store_scatter(cp0, [rvec, cvec], pad)
        plsc.store_scatter(cp1, [rvec, cvec], pad)
        return 0

    lax.fori_loop(0, NSB, seed_body, 0, unroll=4)

    def scan_chunk(k, par):
        base = jnp.minimum(k * CB, UTAB - CB)
        del k

        def scan_body(g, ucnt):
            wp = utab[pl.ds(base + g * L, L)]
            m = wp >= 0
            mi = m.astype(jnp.int32)
            pref = plsc.cumsum(mi)
            t = ucnt + pref - 1
            trow = lax.shift_right_logical(jnp.maximum(t, 0), 7)
            tcol = jnp.bitwise_and(t, 127)
            plsc.store_scatter(cps[par], [trow, tcol], wp, mask=m)
            plsc.store_scatter(ccs[par], [trow, tcol], g * L + lane, mask=m)
            return ucnt + plsc.all_reduce_population_count(m)[0]

        return lax.fori_loop(0, CB // L, scan_body, jnp.int32(0), unroll=4)

    def start_gather(par):
        pltpu.async_copy(neg0p_hbm.at[cps[par].at[0, pl.ds(0, SB)]],
                         valss[par], gat_s[par])

    def apply_chunk(par, ucnt):

        @pl.when(ucnt > 0)
        def _():
            pltpu.make_async_copy(
                neg0p_hbm.at[pl.ds(0, SB)], valss[par], gat_s[par]).wait()

            def batch_body(b2, _):
                brow = lax.shift_right_logical(b2, 3)
                bcol = jnp.bitwise_and(b2, 7) * L

                @pl.when(b2 > 0)
                def _():
                    pltpu.async_copy(
                        neg0p_hbm.at[cps[par].at[brow, pl.ds(bcol, SB)]],
                        valss[par], gat2_s).wait()

                j = lane
                valid = (b2 * SB + j) < ucnt
                browv = jnp.full((L,), brow, jnp.int32)
                ccol = plsc.load_gather(ccs[par], [browv, bcol + j],
                                        mask=valid)
                for r in range(D):
                    rvec = jnp.full((L,), r, jnp.int32)
                    x = plsc.load_gather(valss[par], [j, rvec], mask=valid)
                    plsc.store_scatter(bufs[par], [rvec, ccol], x,
                                       mask=valid)
                return 0

            nb = lax.div(ucnt + SB - 1, jnp.int32(SB))
            lax.fori_loop(0, nb, batch_body, 0, unroll=False)

    ucnt0 = scan_chunk(jnp.int32(0), 0)


    @pl.when(ucnt0 > 0)
    def _():
        start_gather(0)

    def slot(k, par, ucnt_in):
        live = k < nch

        @pl.when(live)
        def _():
            pltpu.make_async_copy(
                a1t_hbm.at[:, pl.ds(col0(k), CB)], bufs[par],
                in_s[par]).wait()
            @pl.when(k >= 1)
            def _():
                pltpu.make_async_copy(
                    bufs[1 - par], out_hbm.at[:, pl.ds(col0(k), CB)],
                    out_s[1 - par]).wait()

            @pl.when(k + 1 < nch)
            def _():
                start_in(k + 1, 1 - par)

            apply_chunk(par, ucnt_in)
            start_out(k, par)

        ucnt_next = scan_chunk(jnp.minimum(k + 1, NCH_A - 1), 1 - par)

        @pl.when(live & (k + 1 < nch) & (ucnt_next > 0))
        def _():
            start_gather(1 - par)

        return ucnt_next

    def pair_body(p, ucnt):
        ucnt = slot(2 * p, 0, ucnt)
        ucnt = slot(2 * p + 1, 1, ucnt)
        return ucnt

    lax.fori_loop(0, (NCH_A + 1) // 2, pair_body, ucnt0, unroll=False)

    @pl.when(is_a)
    def _():
        pltpu.make_async_copy(
            bufs[0], out_hbm.at[:, pl.ds(col0(0), CB)], out_s[0]).wait()

    @pl.when(jnp.logical_not(is_a))
    def _():
        pltpu.make_async_copy(
            bufs[1], out_hbm.at[:, pl.ds(col0(0), CB)], out_s[1]).wait()

    @pl.when(is_last)
    def _():
        xc = pl.multiple_of(lo + XBASE, 128)
        pltpu.sync_copy(a1t_hbm.at[:, pl.ds(xc, XTRA)],
                        bufs[0].at[:, pl.ds(0, XTRA)])
        xcnt = scan_chunk(jnp.int32(NCH_B), 0)

        @pl.when(xcnt > 0)
        def _():
            start_gather(0)

        apply_chunk(0, xcnt)
        pltpu.sync_copy(bufs[0].at[:, pl.ds(0, XTRA)],
                        out_hbm.at[:, pl.ds(xc, XTRA)])


@jax.jit
def _scatter_overwrite(arg0, arg1, idx):
    a0t = jnp.transpose(arg0)
    a1t = jnp.transpose(arg1)
    neg0p = _neg_pad(a0t)
    mesh = plsc.VectorSubcoreMesh(
        core_axis_name="c", subcore_axis_name="s",
        num_cores=NC, num_subcores=NS)
    f = pl.kernel(
        _sc_merge_kernel,
        out_type=jax.ShapeDtypeStruct((D, N_ROWS), jnp.float32),
        mesh=mesh,
        compiler_params=pltpu.CompilerParams(needs_layout_passes=False),
        scratch_types=[
            pltpu.VMEM((N_UPD // 2,), jnp.int32),
            pltpu.VMEM((UTAB,), jnp.int32),
            pltpu.VMEM((D, CB), jnp.float32),
            pltpu.VMEM((D, CB), jnp.float32),
            pltpu.VMEM((NSB // 8, 128), jnp.int32),
            pltpu.VMEM((NSB // 8, 128), jnp.int32),
            pltpu.VMEM((NSB // 8, 128), jnp.int32),
            pltpu.VMEM((NSB // 8, 128), jnp.int32),
            pltpu.VMEM((SB, VROW), jnp.float32),
            pltpu.VMEM((SB, VROW), jnp.float32),
            pltpu.SemaphoreType.DMA,
            pltpu.SemaphoreType.DMA,
            pltpu.SemaphoreType.DMA,
            pltpu.SemaphoreType.DMA,
            pltpu.SemaphoreType.DMA,
            pltpu.SemaphoreType.DMA,
            pltpu.SemaphoreType.DMA,
        ],
    )
    out_t = f(neg0p, a1t, idx)
    out_t = _tail_patch(out_t, a1t, a0t, idx)
    return jnp.transpose(out_t)


def kernel(arg0_1, arg1_1, arg2_1):
    idx = arg2_1.astype(jnp.int32)
    return (_scatter_overwrite(arg0_1, arg1_1, idx),)

# --- scband reference (transcript-rebuilt; emitter-appended) ---
"""Pipeline reference for scband-repro-7507602833963 (READ-ONLY COPY).

The authoritative reference and input builder live on the scoring server;
editing this copy changes nothing except your own understanding.
"""

import jax, jax.numpy as jnp
import numpy as np

def setup_inputs(seed: int = 0) -> dict:
    key = jax.random.key(seed)
    k0, k1, k2 = jax.random.split(key, 3)
    arg0_1 = jax.random.normal(k0, (16384, 32), dtype=jnp.float32)
    arg1_1 = jax.random.normal(k1, (1000000, 32), dtype=jnp.float32)
    arg2_1 = jax.random.randint(k2, (16384,), 0, 1000000, dtype=jnp.int64)
    return {"arg0_1": arg0_1, "arg1_1": arg1_1, "arg2_1": arg2_1}

def reference(arg0_1, arg1_1, arg2_1):
    # neg = aten.neg(arg0_1)
    neg = -arg0_1
    # index_put (overwrite) then copy_ back into arg1_1; functional equivalent:
    out = arg1_1.at[arg2_1].set(neg)
    return (out,)

if __name__ == "__main__":
    import jax
    _d = setup_inputs()
    print(jax.jit(kernel)(*tuple(_d.values())))

</pallas_src>

<mosaic_0001>
#map = affine_map<(d0, d1) -> (0, 0)>
#map1 = affine_map<(d0, d1) -> (0)>
module attributes {stable_mosaic.version = 14 : i64} {
  func.func @_sc_merge_kernel(%arg0: i32, %arg1: i32, %arg2: memref<16384x128xf32, #tpu.memory_space<hbm>>, %arg3: memref<32x1000000xf32, #tpu.memory_space<hbm>>, %arg4: memref<16384xi32, #tpu.memory_space<hbm>>, %arg5: memref<32x1000000xf32, #tpu.memory_space<hbm>>, %arg6: memref<8192xi32, #tpu.memory_space<vmem>>, %arg7: memref<31744xi32, #tpu.memory_space<vmem>>, %arg8: memref<32x1024xf32, #tpu.memory_space<vmem>>, %arg9: memref<32x1024xf32, #tpu.memory_space<vmem>>, %arg10: memref<8x128xi32, #tpu.memory_space<vmem>>, %arg11: memref<8x128xi32, #tpu.memory_space<vmem>>, %arg12: memref<8x128xi32, #tpu.memory_space<vmem>>, %arg13: memref<8x128xi32, #tpu.memory_space<vmem>>, %arg14: memref<16x128xf32, #tpu.memory_space<vmem>>, %arg15: memref<16x128xf32, #tpu.memory_space<vmem>>, %arg16: memref<!tpu.dma_semaphore, #tpu.memory_space<semaphore_mem>>, %arg17: memref<!tpu.dma_semaphore, #tpu.memory_space<semaphore_mem>>, %arg18: memref<!tpu.dma_semaphore, #tpu.memory_space<semaphore_mem>>, %arg19: memref<!tpu.dma_semaphore, #tpu.memory_space<semaphore_mem>>, %arg20: memref<!tpu.dma_semaphore, #tpu.memory_space<semaphore_mem>>, %arg21: memref<!tpu.dma_semaphore, #tpu.memory_space<semaphore_mem>>, %arg22: memref<!tpu.dma_semaphore, #tpu.memory_space<semaphore_mem>>) attributes {dimension_semantics = [#tpu.dimension_semantics<core_parallel>, #tpu.dimension_semantics<subcore_parallel>], iteration_bounds = array<i64: 2, 16>, scalar_prefetch = 0 : i64, scratch_operands = 17 : i64, tpu.core_type = #tpu.core_type<sc_vector_subcore>, window_params = [{transform_indices = #map}, {transform_indices = #map}, {transform_indices = #map1}, {transform_indices = #map}]} {
    %mul3A = arith.constant 2 : i32
    %mul3A_0 = arith.muli %arg1, %mul3A : i32
    %add3A = arith.addi %mul3A_0, %arg0 : i32
    %lt3A = arith.constant 16 : i32
    %lt3A_1 = arith.cmpi slt, %add3A, %lt3A : i32
    %eq3A = arith.constant 31 : i32
    %eq3A_2 = arith.cmpi eq, %add3A, %eq3A : i32
    %mul3A_3 = arith.constant 31744 : i32
    %mul3A_4 = arith.muli %add3A, %mul3A_3 : i32
    %sub3A = arith.constant 16 : i32
    %sub3A_5 = arith.subi %add3A, %sub3A : i32
    %mul3A_6 = arith.constant 30720 : i32
    %mul3A_7 = arith.muli %sub3A_5, %mul3A_6 : i32
    %add3A_8 = arith.constant 507904 : i32
    %add3A_9 = arith.addi %add3A_8, %mul3A_7 : i32
    %select_n3A = arith.select %lt3A_1, %mul3A_4, %add3A_9 : i32
    %multiple_of3A = tpu.assume_multiple %select_n3A, 128 : i32
    %jit3A = arith.constant 31 : i32
    %jit3A_10 = arith.constant 30 : i32
    %select_n3A_11 = arith.select %lt3A_1, %jit3A, %jit3A_10 : i32
    %mul3A_12 = arith.constant 1024 : i32
    %mul3A_13 = arith.muli %select_n3A_11, %mul3A_12 : i32
    %add3A_14 = arith.addi %multiple_of3A, %mul3A_13 : i32
    %jit3A_15 = arith.constant 512 : i32
    %jit3A_16 = arith.constant 0 : i32
    %select_n3A_17 = arith.select %eq3A_2, %jit3A_15, %jit3A_16 : i32
    %add3A_18 = arith.addi %add3A_14, %select_n3A_17 : i32
    %add3A_19 = arith.constant 0 : i32
    %add3A_20 = arith.addi %multiple_of3A, %add3A_19 : i32
    %multiple_of3A_21 = tpu.assume_multiple %add3A_20, 128 : i32
    %dma_start3A = arith.constant 0 : i32
    %dma_start3A_22 = arith.constant 0 : i32
    %dma_start3A_23 = tpu.memref_slice %arg8[%dma_start3A, %dma_start3A_22] : memref<32x1024xf32, #tpu.memory_space<vmem>> -> memref<32x512xf32, #tpu.memory_space<vmem>>
    %dma_start3A_24 = arith.constant 0 : i32
    %dma_start3A_25 = tpu.memref_slice %arg3[%dma_start3A_24, %multiple_of3A_21] : memref<32x1000000xf32, #tpu.memory_space<hbm>> -> memref<32x512xf32, #tpu.memory_space<hbm>>
    %dma_start3A_26 = arith.constant 0 : i32
    %dma_start3A_27 = arith.constant 0 : i32
    %dma_start3A_28 = tpu.memref_slice %arg8[%dma_start3A_26, %dma_start3A_27] : memref<32x1024xf32, #tpu.memory_space<vmem>> -> memref<32x512xf32, #tpu.memory_space<vmem>>
    %dma_start3A_29 = arith.constant 0 : i32
    %dma_start3A_30 = tpu.memref_slice %arg3[%dma_start3A_29, %multiple_of3A_21] : memref<32x1000000xf32, #tpu.memory_space<hbm>> -> memref<32x512xf32, #tpu.memory_space<hbm>>
    tpu.enqueue_dma source(%dma_start3A_30 : memref<32x512xf32, #tpu.memory_space<hbm>>) target(%dma_start3A_28 : memref<32x512xf32, #tpu.memory_space<vmem>>) target_semaphore(%arg16 : memref<!tpu.dma_semaphore, #tpu.memory_space<semaphore_mem>>)
    %add3A_31 = arith.constant 512 : i32
    %add3A_32 = arith.addi %multiple_of3A_21, %add3A_31 : i32
    %multiple_of3A_33 = tpu.assume_multiple %add3A_32, 128 : i32
    %dma_start3A_34 = arith.constant 0 : i32
    %dma_start3A_35 = arith.constant 512 : i32
    %dma_start3A_36 = tpu.memref_slice %arg8[%dma_start3A_34, %dma_start3A_35] : memref<32x1024xf32, #tpu.memory_space<vmem>> -> memref<32x512xf32, #tpu.memory_space<vmem>>
    %dma_start3A_37 = arith.constant 0 : i32
    %dma_start3A_38 = tpu.memref_slice %arg3[%dma_start3A_37, %multiple_of3A_33] : memref<32x1000000xf32, #tpu.memory_space<hbm>> -> memref<32x512xf32, #tpu.memory_space<hbm>>
    %dma_start3A_39 = arith.constant 0 : i32
    %dma_start3A_40 = arith.constant 512 : i32
    %dma_start3A_41 = tpu.memref_slice %arg8[%dma_start3A_39, %dma_start3A_40] : memref<32x1024xf32, #tpu.memory_space<vmem>> -> memref<32x512xf32, #tpu.memory_space<vmem>>
    %dma_start3A_42 = arith.constant 0 : i32
    %dma_start3A_43 = tpu.memref_slice %arg3[%dma_start3A_42, %multiple_of3A_33] : memref<32x1000000xf32, #tpu.memory_space<hbm>> -> memref<32x512xf32, #tpu.memory_space<hbm>>
    tpu.enqueue_dma source(%dma_start3A_43 : memref<32x512xf32, #tpu.memory_space<hbm>>) target(%dma_start3A_41 : memref<32x512xf32, #tpu.memory_space<vmem>>) target_semaphore(%arg16 : memref<!tpu.dma_semaphore, #tpu.memory_space<semaphore_mem>>)
    %iota3A = tpu.iota {dimensions = array<i32: 0>} : vector<16xi32>
    %broadcast_in_dim3A = arith.constant -1 : i32
    %broadcast_in_dim3A_44 = vector.broadcast %broadcast_in_dim3A : i32 to vector<16xi32>
    %scan3A = arith.constant 0 : i32
    %scan3A_45 = arith.constant 0 : i32
    %scan3A_46 = arith.constant 1984 : i32
    %scan3A_47 = arith.addi %scan3A_45, %scan3A_46 : i32
    %scan3A_48 = arith.constant 8 : i32
    %scan3A_49 = scf.for %scan3A_101 = %scan3A_45 to %scan3A_47 step %scan3A_48 iter_args(%scan3A_102 = %scan3A) -> (i32)  : i32 {
      %mul3A_103 = arith.constant 16 : i32
      %mul3A_104 = arith.muli %scan3A_101, %mul3A_103 : i32
      %swap3A = arith.index_cast %mul3A_104 : i32 to index
      %swap3A_105 = tpu.vector_load %arg7[%swap3A] {strides = array<i32>} : memref<31744xi32, #tpu.memory_space<vmem>>, vector<16xi32>,
      tpu.vector_store %arg7[%swap3A], %broadcast_in_dim3A_44 {strides = array<i32>} : memref<31744xi32, #tpu.memory_space<vmem>>, vector<16xi32>,
      %scan3A_106 = arith.constant 0 : i32
      %scan3A_107 = arith.constant 1 : i32
      %scan3A_108 = arith.addi %scan3A_101, %scan3A_107 : i32
      %mul3A_109 = arith.constant 16 : i32
      %mul3A_110 = arith.muli %scan3A_108, %mul3A_109 : i32
      %swap3A_111 = arith.index_cast %mul3A_110 : i32 to index
      %swap3A_112 = tpu.vector_load %arg7[%swap3A_111] {strides = array<i32>} : memref<31744xi32, #tpu.memory_space<vmem>>, vector<16xi32>,
      tpu.vector_store %arg7[%swap3A_111], %broadcast_in_dim3A_44 {strides = array<i32>} : memref<31744xi32, #tpu.memory_space<vmem>>, vector<16xi32>,
      %scan3A_113 = arith.constant 0 : i32
      %scan3A_114 = arith.constant 2 : i32
      %scan3A_115 = arith.addi %scan3A_101, %scan3A_114 : i32
      %mul3A_116 = arith.constant 16 : i32
      %mul3A_117 = arith.muli %scan3A_115, %mul3A_116 : i32
      %swap3A_118 = arith.index_cast %mul3A_117 : i32 to index
      %swap3A_119 = tpu.vector_load %arg7[%swap3A_118] {strides = array<i32>} : memref<31744xi32, #tpu.memory_space<vmem>>, vector<16xi32>,
      tpu.vector_store %arg7[%swap3A_118], %broadcast_in_dim3A_44 {strides = array<i32>} : memref<31744xi32, #tpu.memory_space<vmem>>, vector<16xi32>,
      %scan3A_120 = arith.constant 0 : i32
      %scan3A_121 = arith.constant 3 : i32
      %scan3A_122 = arith.addi %scan3A_101, %scan3A_121 : i32
      %mul3A_123 = arith.constant 16 : i32
      %mul3A_124 = arith.muli %scan3A_122, %mul3A_123 : i32
      %swap3A_125 = arith.index_cast %mul3A_124 : i32 to index
      %swap3A_126 = tpu.vector_load %arg7[%swap3A_125] {strides = array<i32>} : memref<31744xi32, #tpu.memory_space<vmem>>, vector<16xi32>,
      tpu.vector_store %arg7[%swap3A_125], %broadcast_in_dim3A_44 {strides = array<i32>} : memref<31744xi32, #tpu.memory_space<vmem>>, vector<16xi32>,
      %scan3A_127 = arith.constant 0 : i32
      %scan3A_128 = arith.constant 4 : i32
      %scan3A_129 = arith.addi %scan3A_101, %scan3A_128 : i32
      %mul3A_130 = arith.constant 16 : i32
      %mul3A_131 = arith.muli %scan3A_129, %mul3A_130 : i32
      %swap3A_132 = arith.index_cast %mul3A_131 : i32 to index
      %swap3A_133 = tpu.vector_load %arg7[%swap3A_132] {strides = array<i32>} : memref<31744xi32, #tpu.memory_space<vmem>>, vector<16xi32>,
      tpu.vector_store %arg7[%swap3A_132], %broadcast_in_dim3A_44 {strides = array<i32>} : memref<31744xi32, #tpu.memory_space<vmem>>, vector<16xi32>,
      %scan3A_134 = arith.constant 0 : i32
      %scan3A_135 = arith.constant 5 : i32
      %scan3A_136 = arith.addi %scan3A_101, %scan3A_135 : i32
      %mul3A_137 = arith.constant 16 : i32
      %mul3A_138 = arith.muli %scan3A_136, %mul3A_137 : i32
      %swap3A_139 = arith.index_cast %mul3A_138 : i32 to index
      %swap3A_140 = tpu.vector_load %arg7[%swap3A_139] {strides = array<i32>} : memref<31744xi32, #tpu.memory_space<vmem>>, vector<16xi32>,
      tpu.vector_store %arg7[%swap3A_139], %broadcast_in_dim3A_44 {strides = array<i32>} : memref<31744xi32, #tpu.memory_space<vmem>>, vector<16xi32>,
      %scan3A_141 = arith.constant 0 : i32
      %scan3A_142 = arith.constant 6 : i32
      %scan3A_143 = arith.addi %scan3A_101, %scan3A_142 : i32
      %mul3A_144 = arith.constant 16 : i32
      %mul3A_145 = arith.muli %scan3A_143, %mul3A_144 : i32
      %swap3A_146 = arith.index_cast %mul3A_145 : i32 to index
      %swap3A_147 = tpu.vector_load %arg7[%swap3A_146] {strides = array<i32>} : memref<31744xi32, #tpu.memory_space<vmem>>, vector<16xi32>,
      tpu.vector_store %arg7[%swap3A_146], %broadcast_in_dim3A_44 {strides = array<i32>} : memref<31744xi32, #tpu.memory_space<vmem>>, vector<16xi32>,
      %scan3A_148 = arith.constant 0 : i32
      %scan3A_149 = arith.constant 7 : i32
      %scan3A_150 = arith.addi %scan3A_101, %scan3A_149 : i32
      %mul3A_151 = arith.constant 16 : i32
      %mul3A_152 = arith.muli %scan3A_150, %mul3A_151 : i32
      %swap3A_153 = arith.index_cast %mul3A_152 : i32 to index
      %swap3A_154 = tpu.vector_load %arg7[%swap3A_153] {strides = array<i32>} : memref<31744xi32, #tpu.memory_space<vmem>>, vector<16xi32>,
      tpu.vector_store %arg7[%swap3A_153], %broadcast_in_dim3A_44 {strides = array<i32>} : memref<31744xi32, #tpu.memory_space<vmem>>, vector<16xi32>,
      %scan3A_155 = arith.constant 0 : i32
      scf.yield %scan3A_155 : i32
    }
    %scan3A_50 = arith.constant 1984 : i32
    "tpu.region"() ({
      %run_scoped3A = tpu.sem_alloc : memref<!tpu.dma_semaphore, #tpu.memory_space<semaphore_mem>>
      %dma_start3A_101 = arith.constant 0 : i32
      %dma_start3A_102 = tpu.memref_slice %arg4[%dma_start3A_101] : memref<16384xi32, #tpu.memory_space<hbm>> -> memref<8192xi32, #tpu.memory_space<hbm>>
      %dma_start3A_103 = arith.constant 0 : i32
      %dma_start3A_104 = tpu.memref_slice %arg4[%dma_start3A_103] : memref<16384xi32, #tpu.memory_space<hbm>> -> memref<8192xi32, #tpu.memory_space<hbm>>
      tpu.enqueue_dma source(%dma_start3A_104 : memref<8192xi32, #tpu.memory_space<hbm>>) target(%arg6 : memref<8192xi32, #tpu.memory_space<vmem>>) target_semaphore(%run_scoped3A : memref<!tpu.dma_semaphore, #tpu.memory_space<semaphore_mem>>)
      %dma_wait3A = arith.constant 0 : i32
      %dma_wait3A_105 = tpu.memref_slice %arg4[%dma_wait3A] : memref<16384xi32, #tpu.memory_space<hbm>> -> memref<8192xi32, #tpu.memory_space<hbm>>
      %dma_wait3A_106 = arith.constant 0 : i32
      %dma_wait3A_107 = tpu.memref_slice %arg4[%dma_wait3A_106] : memref<16384xi32, #tpu.memory_space<hbm>> -> memref<8192xi32, #tpu.memory_space<hbm>>
      tpu.wait_dma2 semaphore(%run_scoped3A : memref<!tpu.dma_semaphore, #tpu.memory_space<semaphore_mem>>) src(%dma_wait3A_107 : memref<8192xi32, #tpu.memory_space<hbm>>) dst(%arg6 : memref<8192xi32, #tpu.memory_space<vmem>>)
      tpu.yield
    }) : () -> ()
    %scan3A_51 = arith.constant 0 : i32
    %scan3A_52 = arith.constant 0 : i32
    %scan3A_53 = arith.constant 512 : i32
    %scan3A_54 = arith.addi %scan3A_52, %scan3A_53 : i32
    %scan3A_55 = arith.constant 4 : i32
    %scan3A_56 = scf.for %scan3A_101 = %scan3A_52 to %scan3A_54 step %scan3A_55 iter_args(%scan3A_102 = %scan3A_51) -> (i32)  : i32 {
      %mul3A_103 = arith.constant 16 : i32
      %mul3A_104 = arith.muli %scan3A_101, %mul3A_103 : i32
      %get3A = arith.index_cast %mul3A_104 : i32 to index
      %get3A_105 = tpu.vector_load %arg6[%get3A] {strides = array<i32>} : memref<8192xi32, #tpu.memory_space<vmem>>, vector<16xi32>,
      %ge3A = vector.broadcast %multiple_of3A : i32 to vector<16xi32>
      %ge3A_106 = arith.cmpi sge, %get3A_105, %ge3A : vector<16xi32>
      %lt3A_107 = vector.broadcast %add3A_18 : i32 to vector<16xi32>
      %lt3A_108 = arith.cmpi slt, %get3A_105, %lt3A_107 : vector<16xi32>
      %and3A = arith.andi %ge3A_106, %lt3A_108 : vector<16xi1>
      %mul3A_109 = arith.constant 16 : i32
      %mul3A_110 = arith.muli %scan3A_101, %mul3A_109 : i32
      %add3A_111 = arith.constant 0 : i32
      %add3A_112 = arith.addi %add3A_111, %mul3A_110 : i32
      %add3A_113 = vector.broadcast %add3A_112 : i32 to vector<16xi32>
      %add3A_114 = arith.addi %add3A_113, %iota3A : vector<16xi32>
      %sub3A_115 = vector.broadcast %multiple_of3A : i32 to vector<16xi32>
      %sub3A_116 = arith.subi %get3A_105, %sub3A_115 : vector<16xi32>
      tpu.vector_store_idx %arg7[%sub3A_116], %add3A_114 masked %and3A : memref<31744xi32, #tpu.memory_space<vmem>>[vector<16xi32>], vector<16xi32>, vector<16xi1>
      %scan3A_117 = arith.constant 0 : i32
      %scan3A_118 = arith.constant 1 : i32
      %scan3A_119 = arith.addi %scan3A_101, %scan3A_118 : i32
      %mul3A_120 = arith.constant 16 : i32
      %mul3A_121 = arith.muli %scan3A_119, %mul3A_120 : i32
      %get3A_122 = arith.index_cast %mul3A_121 : i32 to index
      %get3A_123 = tpu.vector_load %arg6[%get3A_122] {strides = array<i32>} : memref<8192xi32, #tpu.memory_space<vmem>>, vector<16xi32>,
      %ge3A_124 = vector.broadcast %multiple_of3A : i32 to vector<16xi32>
      %ge3A_125 = arith.cmpi sge, %get3A_123, %ge3A_124 : vector<16xi32>
      %lt3A_126 = vector.broadcast %add3A_18 : i32 to vector<16xi32>
      %lt3A_127 = arith.cmpi slt, %get3A_123, %lt3A_126 : vector<16xi32>
      %and3A_128 = arith.andi %ge3A_125, %lt3A_127 : vector<16xi1>
      %mul3A_129 = arith.constant 16 : i32
      %mul3A_130 = arith.muli %scan3A_119, %mul3A_129 : i32
      %add3A_131 = arith.constant 0 : i32
      %add3A_132 = arith.addi %add3A_131, %mul3A_130 : i32
      %add3A_133 = vector.broadcast %add3A_132 : i32 to vector<16xi32>
      %add3A_134 = arith.addi %add3A_133, %iota3A : vector<16xi32>
      %sub3A_135 = vector.broadcast %multiple_of3A : i32 to vector<16xi32>
      %sub3A_136 = arith.subi %get3A_123, %sub3A_135 : vector<16xi32>
      tpu.vector_store_idx %arg7[%sub3A_136], %add3A_134 masked %and3A_128 : memref<31744xi32, #tpu.memory_space<vmem>>[vector<16xi32>], vector<16xi32>, vector<16xi1>
      %scan3A_137 = arith.constant 0 : i32
      %scan3A_138 = arith.constant 2 : i32
      %scan3A_139 = arith.addi %scan3A_101, %scan3A_138 : i32
      %mul3A_140 = arith.constant 16 : i32
      %mul3A_141 = arith.muli %scan3A_139, %mul3A_140 : i32
      %get3A_142 = arith.index_cast %mul3A_141 : i32 to index
      %get3A_143 = tpu.vector_load %arg6[%get3A_142] {strides = array<i32>} : memref<8192xi32, #tpu.memory_space<vmem>>, vector<16xi32>,
      %ge3A_144 = vector.broadcast %multiple_of3A : i32 to vector<16xi32>
      %ge3A_145 = arith.cmpi sge, %get3A_143, %ge3A_144 : vector<16xi32>
      %lt3A_146 = vector.broadcast %add3A_18 : i32 to vector<16xi32>
      %lt3A_147 = arith.cmpi slt, %get3A_143, %lt3A_146 : vector<16xi32>
      %and3A_148 = arith.andi %ge3A_145, %lt3A_147 : vector<16xi1>
      %mul3A_149 = arith.constant 16 : i32
      %mul3A_150 = arith.muli %scan3A_139, %mul3A_149 : i32
      %add3A_151 = arith.constant 0 : i32
      %add3A_152 = arith.addi %add3A_151, %mul3A_150 : i32
      %add3A_153 = vector.broadcast %add3A_152 : i32 to vector<16xi32>
      %add3A_154 = arith.addi %add3A_153, %iota3A : vector<16xi32>
      %sub3A_155 = vector.broadcast %multiple_of3A : i32 to vector<16xi32>
      %sub3A_156 = arith.subi %get3A_143, %sub3A_155 : vector<16xi32>
      tpu.vector_store_idx %arg7[%sub3A_156], %add3A_154 masked %and3A_148 : memref<31744xi32, #tpu.memory_space<vmem>>[vector<16xi32>], vector<16xi32>, vector<16xi1>
      %scan3A_157 = arith.constant 0 : i32
      %scan3A_158 = arith.constant 3 : i32
      %scan3A_159 = arith.addi %scan3A_101, %scan3A_158 : i32
      %mul3A_160 = arith.constant 16 : i32
      %mul3A_161 = arith.muli %scan3A_159, %mul3A_160 : i32
      %get3A_162 = arith.index_cast %mul3A_161 : i32 to index
      %get3A_163 = tpu.vector_load %arg6[%get3A_162] {strides = array<i32>} : memref<8192xi32, #tpu.memory_space<vmem>>, vector<16xi32>,
      %ge3A_164 = vector.broadcast %multiple_of3A : i32 to vector<16xi32>
      %ge3A_165 = arith.cmpi sge, %get3A_163, %ge3A_164 : vector<16xi32>
      %lt3A_166 = vector.broadcast %add3A_18 : i32 to vector<16xi32>
      %lt3A_167 = arith.cmpi slt, %get3A_163, %lt3A_166 : vector<16xi32>
      %and3A_168 = arith.andi %ge3A_165, %lt3A_167 : vector<16xi1>
      %mul3A_169 = arith.constant 16 : i32
      %mul3A_170 = arith.muli %scan3A_159, %mul3A_169 : i32
      %add3A_171 = arith.constant 0 : i32
      %add3A_172 = arith.addi %add3A_171, %mul3A_170 : i32
      %add3A_173 = vector.broadcast %add3A_172 : i32 to vector<16xi32>
      %add3A_174 = arith.addi %add3A_173, %iota3A : vector<16xi32>
      %sub3A_175 = vector.broadcast %multiple_of3A : i32 to vector<16xi32>
      %sub3A_176 = arith.subi %get3A_163, %sub3A_175 : vector<16xi32>
      tpu.vector_store_idx %arg7[%sub3A_176], %add3A_174 masked %and3A_168 : memref<31744xi32, #tpu.memory_space<vmem>>[vector<16xi32>], vector<16xi32>, vector<16xi1>
      %scan3A_177 = arith.constant 0 : i32
      scf.yield %scan3A_177 : i32
    }
    %scan3A_57 = arith.constant 512 : i32
    "tpu.region"() ({
      %run_scoped3A = tpu.sem_alloc : memref<!tpu.dma_semaphore, #tpu.memory_space<semaphore_mem>>
      %dma_start3A_101 = arith.constant 8192 : i32
      %dma_start3A_102 = tpu.memref_slice %arg4[%dma_start3A_101] : memref<16384xi32, #tpu.memory_space<hbm>> -> memref<8192xi32, #tpu.memory_space<hbm>>
      %dma_start3A_103 = arith.constant 8192 : i32
      %dma_start3A_104 = tpu.memref_slice %arg4[%dma_start3A_103] : memref<16384xi32, #tpu.memory_space<hbm>> -> memref<8192xi32, #tpu.memory_space<hbm>>
      tpu.enqueue_dma source(%dma_start3A_104 : memref<8192xi32, #tpu.memory_space<hbm>>) target(%arg6 : memref<8192xi32, #tpu.memory_space<vmem>>) target_semaphore(%run_scoped3A : memref<!tpu.dma_semaphore, #tpu.memory_space<semaphore_mem>>)
      %dma_wait3A = arith.constant 8192 : i32
      %dma_wait3A_105 = tpu.memref_slice %arg4[%dma_wait3A] : memref<16384xi32, #tpu.memory_space<hbm>> -> memref<8192xi32, #tpu.memory_space<hbm>>
      %dma_wait3A_106 = arith.constant 8192 : i32
      %dma_wait3A_107 = tpu.memref_slice %arg4[%dma_wait3A_106] : memref<16384xi32, #tpu.memory_space<hbm>> -> memref<8192xi32, #tpu.memory_space<hbm>>
      tpu.wait_dma2 semaphore(%run_scoped3A : memref<!tpu.dma_semaphore, #tpu.memory_space<semaphore_mem>>) src(%dma_wait3A_107 : memref<8192xi32, #tpu.memory_space<hbm>>) dst(%arg6 : memref<8192xi32, #tpu.memory_space<vmem>>)
      tpu.yield
    }) : () -> ()
    %scan3A_58 = arith.constant 0 : i32
    %scan3A_59 = arith.constant 0 : i32
    %scan3A_60 = arith.constant 512 : i32
    %scan3A_61 = arith.addi %scan3A_59, %scan3A_60 : i32
    %scan3A_62 = arith.constant 4 : i32
    %scan3A_63 = scf.for %scan3A_101 = %scan3A_59 to %scan3A_61 step %scan3A_62 iter_args(%scan3A_102 = %scan3A_58) -> (i32)  : i32 {
      %mul3A_103 = arith.constant 16 : i32
      %mul3A_104 = arith.muli %scan3A_101, %mul3A_103 : i32
      %get3A = arith.index_cast %mul3A_104 : i32 to index
      %get3A_105 = tpu.vector_load %arg6[%get3A] {strides = array<i32>} : memref<8192xi32, #tpu.memory_space<vmem>>, vector<16xi32>,
      %ge3A = vector.broadcast %multiple_of3A : i32 to vector<16xi32>
      %ge3A_106 = arith.cmpi sge, %get3A_105, %ge3A : vector<16xi32>
      %lt3A_107 = vector.broadcast %add3A_18 : i32 to vector<16xi32>
      %lt3A_108 = arith.cmpi slt, %get3A_105, %lt3A_107 : vector<16xi32>
      %and3A = arith.andi %ge3A_106, %lt3A_108 : vector<16xi1>
      %mul3A_109 = arith.constant 16 : i32
      %mul3A_110 = arith.muli %scan3A_101, %mul3A_109 : i32
      %add3A_111 = arith.constant 8192 : i32
      %add3A_112 = arith.addi %add3A_111, %mul3A_110 : i32
      %add3A_113 = vector.broadcast %add3A_112 : i32 to vector<16xi32>
      %add3A_114 = arith.addi %add3A_113, %iota3A : vector<16xi32>
      %sub3A_115 = vector.broadcast %multiple_of3A : i32 to vector<16xi32>
      %sub3A_116 = arith.subi %get3A_105, %sub3A_115 : vector<16xi32>
      tpu.vector_store_idx %arg7[%sub3A_116], %add3A_114 masked %and3A : memref<31744xi32, #tpu.memory_space<vmem>>[vector<16xi32>], vector<16xi32>, vector<16xi1>
      %scan3A_117 = arith.constant 0 : i32
      %scan3A_118 = arith.constant 1 : i32
      %scan3A_119 = arith.addi %scan3A_101, %scan3A_118 : i32
      %mul3A_120 = arith.constant 16 : i32
      %mul3A_121 = arith.muli %scan3A_119, %mul3A_120 : i32
      %get3A_122 = arith.index_cast %mul3A_121 : i32 to index
      %get3A_123 = tpu.vector_load %arg6[%get3A_122] {strides = array<i32>} : memref<8192xi32, #tpu.memory_space<vmem>>, vector<16xi32>,
      %ge3A_124 = vector.broadcast %multiple_of3A : i32 to vector<16xi32>
      %ge3A_125 = arith.cmpi sge, %get3A_123, %ge3A_124 : vector<16xi32>
      %lt3A_126 = vector.broadcast %add3A_18 : i32 to vector<16xi32>
      %lt3A_127 = arith.cmpi slt, %get3A_123, %lt3A_126 : vector<16xi32>
      %and3A_128 = arith.andi %ge3A_125, %lt3A_127 : vector<16xi1>
      %mul3A_129 = arith.constant 16 : i32
      %mul3A_130 = arith.muli %scan3A_119, %mul3A_129 : i32
      %add3A_131 = arith.constant 8192 : i32
      %add3A_132 = arith.addi %add3A_131, %mul3A_130 : i32
      %add3A_133 = vector.broadcast %add3A_132 : i32 to vector<16xi32>
      %add3A_134 = arith.addi %add3A_133, %iota3A : vector<16xi32>
      %sub3A_135 = vector.broadcast %multiple_of3A : i32 to vector<16xi32>
      %sub3A_136 = arith.subi %get3A_123, %sub3A_135 : vector<16xi32>
      tpu.vector_store_idx %arg7[%sub3A_136], %add3A_134 masked %and3A_128 : memref<31744xi32, #tpu.memory_space<vmem>>[vector<16xi32>], vector<16xi32>, vector<16xi1>
      %scan3A_137 = arith.constant 0 : i32
      %scan3A_138 = arith.constant 2 : i32
      %scan3A_139 = arith.addi %scan3A_101, %scan3A_138 : i32
      %mul3A_140 = arith.constant 16 : i32
      %mul3A_141 = arith.muli %scan3A_139, %mul3A_140 : i32
      %get3A_142 = arith.index_cast %mul3A_141 : i32 to index
      %get3A_143 = tpu.vector_load %arg6[%get3A_142] {strides = array<i32>} : memref<8192xi32, #tpu.memory_space<vmem>>, vector<16xi32>,
      %ge3A_144 = vector.broadcast %multiple_of3A : i32 to vector<16xi32>
      %ge3A_145 = arith.cmpi sge, %get3A_143, %ge3A_144 : vector<16xi32>
      %lt3A_146 = vector.broadcast %add3A_18 : i32 to vector<16xi32>
      %lt3A_147 = arith.cmpi slt, %get3A_143, %lt3A_146 : vector<16xi32>
      %and3A_148 = arith.andi %ge3A_145, %lt3A_147 : vector<16xi1>
      %mul3A_149 = arith.constant 16 : i32
      %mul3A_150 = arith.muli %scan3A_139, %mul3A_149 : i32
      %add3A_151 = arith.constant 8192 : i32
      %add3A_152 = arith.addi %add3A_151, %mul3A_150 : i32
      %add3A_153 = vector.broadcast %add3A_152 : i32 to vector<16xi32>
      %add3A_154 = arith.addi %add3A_153, %iota3A : vector<16xi32>
      %sub3A_155 = vector.broadcast %multiple_of3A : i32 to vector<16xi32>
      %sub3A_156 = arith.subi %get3A_143, %sub3A_155 : vector<16xi32>
      tpu.vector_store_idx %arg7[%sub3A_156], %add3A_154 masked %and3A_148 : memref<31744xi32, #tpu.memory_space<vmem>>[vector<16xi32>], vector<16xi32>, vector<16xi1>
      %scan3A_157 = arith.constant 0 : i32
      %scan3A_158 = arith.constant 3 : i32
      %scan3A_159 = arith.addi %scan3A_101, %scan3A_158 : i32
      %mul3A_160 = arith.constant 16 : i32
      %mul3A_161 = arith.muli %scan3A_159, %mul3A_160 : i32
      %get3A_162 = arith.index_cast %mul3A_161 : i32 to index
      %get3A_163 = tpu.vector_load %arg6[%get3A_162] {strides = array<i32>} : memref<8192xi32, #tpu.memory_space<vmem>>, vector<16xi32>,
      %ge3A_164 = vector.broadcast %multiple_of3A : i32 to vector<16xi32>
      %ge3A_165 = arith.cmpi sge, %get3A_163, %ge3A_164 : vector<16xi32>
      %lt3A_166 = vector.broadcast %add3A_18 : i32 to vector<16xi32>
      %lt3A_167 = arith.cmpi slt, %get3A_163, %lt3A_166 : vector<16xi32>
      %and3A_168 = arith.andi %ge3A_165, %lt3A_167 : vector<16xi1>
      %mul3A_169 = arith.constant 16 : i32
      %mul3A_170 = arith.muli %scan3A_159, %mul3A_169 : i32
      %add3A_171 = arith.constant 8192 : i32
      %add3A_172 = arith.addi %add3A_171, %mul3A_170 : i32
      %add3A_173 = vector.broadcast %add3A_172 : i32 to vector<16xi32>
      %add3A_174 = arith.addi %add3A_173, %iota3A : vector<16xi32>
      %sub3A_175 = vector.broadcast %multiple_of3A : i32 to vector<16xi32>
      %sub3A_176 = arith.subi %get3A_163, %sub3A_175 : vector<16xi32>
      tpu.vector_store_idx %arg7[%sub3A_176], %add3A_174 masked %and3A_168 : memref<31744xi32, #tpu.memory_space<vmem>>[vector<16xi32>], vector<16xi32>, vector<16xi1>
      %scan3A_177 = arith.constant 0 : i32
      scf.yield %scan3A_177 : i32
    }
    %scan3A_64 = arith.constant 512 : i32
    %scan3A_65 = arith.constant 0 : i32
    %scan3A_66 = arith.constant 0 : i32
    %scan3A_67 = arith.constant 64 : i32
    %scan3A_68 = arith.addi %scan3A_66, %scan3A_67 : i32
    %scan3A_69 = arith.constant 4 : i32
    %scan3A_70 = scf.for %scan3A_101 = %scan3A_66 to %scan3A_68 step %scan3A_69 iter_args(%scan3A_102 = %scan3A_65) -> (i32)  : i32 {
      %shift_right_logical3A = arith.constant 3 : i32
      %shift_right_logical3A_103 = arith.shrui %scan3A_101, %shift_right_logical3A : i32
      %broadcast_in_dim3A_104 = vector.broadcast %shift_right_logical3A_103 : i32 to vector<16xi32>
      %and3A = arith.constant 7 : i32
      %and3A_105 = arith.andi %scan3A_101, %and3A : i32
      %mul3A_106 = arith.constant 16 : i32
      %mul3A_107 = arith.muli %and3A_105, %mul3A_106 : i32
      %add3A_108 = vector.broadcast %mul3A_107 : i32 to vector<16xi32>
      %add3A_109 = arith.addi %add3A_108, %iota3A : vector<16xi32>
      %mul3A_110 = arith.constant 1024 : i32
      %mul3A_111 = arith.muli %add3A, %mul3A_110 : i32
      %mul3A_112 = arith.constant 16 : i32
      %mul3A_113 = arith.muli %scan3A_101, %mul3A_112 : i32
      %add3A_114 = arith.addi %mul3A_111, %mul3A_113 : i32
      %add3A_115 = vector.broadcast %add3A_114 : i32 to vector<16xi32>
      %add3A_116 = arith.addi %add3A_115, %iota3A : vector<16xi32>
      %and3A_117 = arith.constant 16383 : i32
      %and3A_118 = vector.broadcast %and3A_117 : i32 to vector<16xi32>
      %and3A_119 = arith.andi %add3A_116, %and3A_118 : vector<16xi32>
      tpu.vector_store_idx %arg10[%broadcast_in_dim3A_104, %add3A_109], %and3A_119 : memref<8x128xi32, #tpu.memory_space<vmem>>[vector<16xi32>, vector<16xi32>], vector<16xi32>,
      tpu.vector_store_idx %arg11[%broadcast_in_dim3A_104, %add3A_109], %and3A_119 : memref<8x128xi32, #tpu.memory_space<vmem>>[vector<16xi32>, vector<16xi32>], vector<16xi32>,
      %scan3A_120 = arith.constant 0 : i32
      %scan3A_121 = arith.constant 1 : i32
      %scan3A_122 = arith.addi %scan3A_101, %scan3A_121 : i32
      %shift_right_logical3A_123 = arith.constant 3 : i32
      %shift_right_logical3A_124 = arith.shrui %scan3A_122, %shift_right_logical3A_123 : i32
      %broadcast_in_dim3A_125 = vector.broadcast %shift_right_logical3A_124 : i32 to vector<16xi32>
      %and3A_126 = arith.constant 7 : i32
      %and3A_127 = arith.andi %scan3A_122, %and3A_126 : i32
      %mul3A_128 = arith.constant 16 : i32
      %mul3A_129 = arith.muli %and3A_127, %mul3A_128 : i32
      %add3A_130 = vector.broadcast %mul3A_129 : i32 to vector<16xi32>
      %add3A_131 = arith.addi %add3A_130, %iota3A : vector<16xi32>
      %mul3A_132 = arith.constant 1024 : i32
      %mul3A_133 = arith.muli %add3A, %mul3A_132 : i32
      %mul3A_134 = arith.constant 16 : i32
      %mul3A_135 = arith.muli %scan3A_122, %mul3A_134 : i32
      %add3A_136 = arith.addi %mul3A_133, %mul3A_135 : i32
      %add3A_137 = vector.broadcast %add3A_136 : i32 to vector<16xi32>
      %add3A_138 = arith.addi %add3A_137, %iota3A : vector<16xi32>
      %and3A_139 = arith.constant 16383 : i32
      %and3A_140 = vector.broadcast %and3A_139 : i32 to vector<16xi32>
      %and3A_141 = arith.andi %add3A_138, %and3A_140 : vector<16xi32>
      tpu.vector_store_idx %arg10[%broadcast_in_dim3A_125, %add3A_131], %and3A_141 : memref<8x128xi32, #tpu.memory_space<vmem>>[vector<16xi32>, vector<16xi32>], vector<16xi32>,
      tpu.vector_store_idx %arg11[%broadcast_in_dim3A_125, %add3A_131], %and3A_141 : memref<8x128xi32, #tpu.memory_space<vmem>>[vector<16xi32>, vector<16xi32>], vector<16xi32>,
      %scan3A_142 = arith.constant 0 : i32
      %scan3A_143 = arith.constant 2 : i32
      %scan3A_144 = arith.addi %scan3A_101, %scan3A_143 : i32
      %shift_right_logical3A_145 = arith.constant 3 : i32
      %shift_right_logical3A_146 = arith.shrui %scan3A_144, %shift_right_logical3A_145 : i32
      %broadcast_in_dim3A_147 = vector.broadcast %shift_right_logical3A_146 : i32 to vector<16xi32>
      %and3A_148 = arith.constant 7 : i32
      %and3A_149 = arith.andi %scan3A_144, %and3A_148 : i32
      %mul3A_150 = arith.constant 16 : i32
      %mul3A_151 = arith.muli %and3A_149, %mul3A_150 : i32
      %add3A_152 = vector.broadcast %mul3A_151 : i32 to vector<16xi32>
      %add3A_153 = arith.addi %add3A_152, %iota3A : vector<16xi32>
      %mul3A_154 = arith.constant 1024 : i32
      %mul3A_155 = arith.muli %add3A, %mul3A_154 : i32
      %mul3A_156 = arith.constant 16 : i32
      %mul3A_157 = arith.muli %scan3A_144, %mul3A_156 : i32
      %add3A_158 = arith.addi %mul3A_155, %mul3A_157 : i32
      %add3A_159 = vector.broadcast %add3A_158 : i32 to vector<16xi32>
      %add3A_160 = arith.addi %add3A_159, %iota3A : vector<16xi32>
      %and3A_161 = arith.constant 16383 : i32
      %and3A_162 = vector.broadcast %and3A_161 : i32 to vector<16xi32>
      %and3A_163 = arith.andi %add3A_160, %and3A_162 : vector<16xi32>
      tpu.vector_store_idx %arg10[%broadcast_in_dim3A_147, %add3A_153], %and3A_163 : memref<8x128xi32, #tpu.memory_space<vmem>>[vector<16xi32>, vector<16xi32>], vector<16xi32>,
      tpu.vector_store_idx %arg11[%broadcast_in_dim3A_147, %add3A_153], %and3A_163 : memref<8x128xi32, #tpu.memory_space<vmem>>[vector<16xi32>, vector<16xi32>], vector<16xi32>,
      %scan3A_164 = arith.constant 0 : i32
      %scan3A_165 = arith.constant 3 : i32
      %scan3A_166 = arith.addi %scan3A_101, %scan3A_165 : i32
      %shift_right_logical3A_167 = arith.constant 3 : i32
      %shift_right_logical3A_168 = arith.shrui %scan3A_166, %shift_right_logical3A_167 : i32
      %broadcast_in_dim3A_169 = vector.broadcast %shift_right_logical3A_168 : i32 to vector<16xi32>
      %and3A_170 = arith.constant 7 : i32
      %and3A_171 = arith.andi %scan3A_166, %and3A_170 : i32
      %mul3A_172 = arith.constant 16 : i32
      %mul3A_173 = arith.muli %and3A_171, %mul3A_172 : i32
      %add3A_174 = vector.broadcast %mul3A_173 : i32 to vector<16xi32>
      %add3A_175 = arith.addi %add3A_174, %iota3A : vector<16xi32>
      %mul3A_176 = arith.constant 1024 : i32
      %mul3A_177 = arith.muli %add3A, %mul3A_176 : i32
      %mul3A_178 = arith.constant 16 : i32
      %mul3A_179 = arith.muli %scan3A_166, %mul3A_178 : i32
      %add3A_180 = arith.addi %mul3A_177, %mul3A_179 : i32
      %add3A_181 = vector.broadcast %add3A_180 : i32 to vector<16xi32>
      %add3A_182 = arith.addi %add3A_181, %iota3A : vector<16xi32>
      %and3A_183 = arith.constant 16383 : i32
      %and3A_184 = vector.broadcast %and3A_183 : i32 to vector<16xi32>
      %and3A_185 = arith.andi %add3A_182, %and3A_184 : vector<16xi32>
      tpu.vector_store_idx %arg10[%broadcast_in_dim3A_169, %add3A_175], %and3A_185 : memref<8x128xi32, #tpu.memory_space<vmem>>[vector<16xi32>, vector<16xi32>], vector<16xi32>,
      tpu.vector_store_idx %arg11[%broadcast_in_dim3A_169, %add3A_175], %and3A_185 : memref<8x128xi32, #tpu.memory_space<vmem>>[vector<16xi32>, vector<16xi32>], vector<16xi32>,
      %scan3A_186 = arith.constant 0 : i32
      scf.yield %scan3A_186 : i32
    }
    %scan3A_71 = arith.constant 64 : i32
    %mul3A_72 = arith.constant 0 : i32
    %mul3A_73 = arith.constant 1024 : i32
    %mul3A_74 = arith.muli %mul3A_72, %mul3A_73 : i32
    %min3A = arith.constant 30720 : i32
    %min3A_75 = arith.minsi %mul3A_74, %min3A : i32
    %scan3A_76 = arith.constant 0 : i32
    %scan3A_77 = arith.constant 0 : i32
    %scan3A_78 = arith.constant 64 : i32
    %scan3A_79 = arith.addi %scan3A_77, %scan3A_78 : i32
    %scan3A_80 = arith.constant 4 : i32
    %scan3A_81 = scf.for %scan3A_101 = %scan3A_77 to %scan3A_79 step %scan3A_80 iter_args(%scan3A_102 = %scan3A_76) -> (i32)  : i32 {
      %mul3A_103 = arith.constant 16 : i32
      %mul3A_104 = arith.muli %scan3A_101, %mul3A_103 : i32
      %add3A_105 = arith.addi %min3A_75, %mul3A_104 : i32
      %get3A = arith.index_cast %add3A_105 : i32 to index
      %get3A_106 = tpu.vector_load %arg7[%get3A] {strides = array<i32>} : memref<31744xi32, #tpu.memory_space<vmem>>, vector<16xi32>,
      %ge3A = arith.constant 0 : i32
      %ge3A_107 = vector.broadcast %ge3A : i32 to vector<16xi32>
      %ge3A_108 = arith.cmpi sge, %get3A_106, %ge3A_107 : vector<16xi32>
      %convert_element_type3A_109 = arith.extui %ge3A_108 : vector<16xi1> to vector<16xi32>
      %broadcast_in_dim3A_110 = arith.constant true
      %broadcast_in_dim3A_111 = vector.broadcast %broadcast_in_dim3A_110 : i1 to vector<16xi1>
      %masked_cumsum3A = tpu.scan <sum>, %convert_element_type3A_109 masked %broadcast_in_dim3A_111 : vector<16xi32>, vector<16xi1> -> vector<16xi32>
      %add3A_112 = vector.broadcast %scan3A_102 : i32 to vector<16xi32>
      %add3A_113 = arith.addi %add3A_112, %masked_cumsum3A : vector<16xi32>
      %sub3A_114 = arith.constant 1 : i32
      %sub3A_115 = vector.broadcast %sub3A_114 : i32 to vector<16xi32>
      %sub3A_116 = arith.subi %add3A_113, %sub3A_115 : vector<16xi32>
      %max3A = arith.constant 0 : i32
      %max3A_117 = vector.broadcast %max3A : i32 to vector<16xi32>
      %max3A_118 = arith.maxsi %sub3A_116, %max3A_117 : vector<16xi32>
      %shift_right_logical3A = arith.constant 7 : i32
      %shift_right_logical3A_119 = vector.broadcast %shift_right_logical3A : i32 to vector<16xi32>
      %shift_right_logical3A_120 = arith.shrui %max3A_118, %shift_right_logical3A_119 : vector<16xi32>
      %and3A = arith.constant 127 : i32
      %and3A_121 = vector.broadcast %and3A : i32 to vector<16xi32>
      %and3A_122 = arith.andi %sub3A_116, %and3A_121 : vector<16xi32>
      tpu.vector_store_idx %arg10[%shift_right_logical3A_120, %and3A_122], %get3A_106 masked %ge3A_108 : memref<8x128xi32, #tpu.memory_space<vmem>>[vector<16xi32>, vector<16xi32>], vector<16xi32>, vector<16xi1>
      %mul3A_123 = arith.constant 16 : i32
      %mul3A_124 = arith.muli %scan3A_101, %mul3A_123 : i32
      %add3A_125 = vector.broadcast %mul3A_124 : i32 to vector<16xi32>
      %add3A_126 = arith.addi %add3A_125, %iota3A : vector<16xi32>
      tpu.vector_store_idx %arg12[%shift_right_logical3A_120, %and3A_122], %add3A_126 masked %ge3A_108 : memref<8x128xi32, #tpu.memory_space<vmem>>[vector<16xi32>, vector<16xi32>], vector<16xi32>, vector<16xi1>
      %all_reduce_population_count3A = tpu.all_reduce %ge3A_108 {dim = 0 : i64, kind = #tpu.reduction_kind<sum>} : vector<16xi1> -> vector<16xi32>
      %slice3A = vector.extract_strided_slice %all_reduce_population_count3A {offsets = [0], sizes = [1], strides = [1]} : vector<16xi32> to vector<1xi32>
      %squeeze3A = vector.extract %slice3A[0] : i32 from vector<1xi32>
      %add3A_127 = arith.addi %scan3A_102, %squeeze3A : i32
      %scan3A_128 = arith.constant 1 : i32
      %scan3A_129 = arith.addi %scan3A_101, %scan3A_128 : i32
      %mul3A_130 = arith.constant 16 : i32
      %mul3A_131 = arith.muli %scan3A_129, %mul3A_130 : i32
      %add3A_132 = arith.addi %min3A_75, %mul3A_131 : i32
      %get3A_133 = arith.index_cast %add3A_132 : i32 to index
      %get3A_134 = tpu.vector_load %arg7[%get3A_133] {strides = array<i32>} : memref<31744xi32, #tpu.memory_space<vmem>>, vector<16xi32>,
      %ge3A_135 = arith.constant 0 : i32
      %ge3A_136 = vector.broadcast %ge3A_135 : i32 to vector<16xi32>
      %ge3A_137 = arith.cmpi sge, %get3A_134, %ge3A_136 : vector<16xi32>
      %convert_element_type3A_138 = arith.extui %ge3A_137 : vector<16xi1> to vector<16xi32>
      %broadcast_in_dim3A_139 = arith.constant true
      %broadcast_in_dim3A_140 = vector.broadcast %broadcast_in_dim3A_139 : i1 to vector<16xi1>
      %masked_cumsum3A_141 = tpu.scan <sum>, %convert_element_type3A_138 masked %broadcast_in_dim3A_140 : vector<16xi32>, vector<16xi1> -> vector<16xi32>
      %add3A_142 = vector.broadcast %add3A_127 : i32 to vector<16xi32>
      %add3A_143 = arith.addi %add3A_142, %masked_cumsum3A_141 : vector<16xi32>
      %sub3A_144 = arith.constant 1 : i32
      %sub3A_145 = vector.broadcast %sub3A_144 : i32 to vector<16xi32>
      %sub3A_146 = arith.subi %add3A_143, %sub3A_145 : vector<16xi32>
      %max3A_147 = arith.constant 0 : i32
      %max3A_148 = vector.broadcast %max3A_147 : i32 to vector<16xi32>
      %max3A_149 = arith.maxsi %sub3A_146, %max3A_148 : vector<16xi32>
      %shift_right_logical3A_150 = arith.constant 7 : i32
      %shift_right_logical3A_151 = vector.broadcast %shift_right_logical3A_150 : i32 to vector<16xi32>
      %shift_right_logical3A_152 = arith.shrui %max3A_149, %shift_right_logical3A_151 : vector<16xi32>
      %and3A_153 = arith.constant 127 : i32
      %and3A_154 = vector.broadcast %and3A_153 : i32 to vector<16xi32>
      %and3A_155 = arith.andi %sub3A_146, %and3A_154 : vector<16xi32>
      tpu.vector_store_idx %arg10[%shift_right_logical3A_152, %and3A_155], %get3A_134 masked %ge3A_137 : memref<8x128xi32, #tpu.memory_space<vmem>>[vector<16xi32>, vector<16xi32>], vector<16xi32>, vector<16xi1>
      %mul3A_156 = arith.constant 16 : i32
      %mul3A_157 = arith.muli %scan3A_129, %mul3A_156 : i32
      %add3A_158 = vector.broadcast %mul3A_157 : i32 to vector<16xi32>
      %add3A_159 = arith.addi %add3A_158, %iota3A : vector<16xi32>
      tpu.vector_store_idx %arg12[%shift_right_logical3A_152, %and3A_155], %add3A_159 masked %ge3A_137 : memref<8x128xi32, #tpu.memory_space<vmem>>[vector<16xi32>, vector<16xi32>], vector<16xi32>, vector<16xi1>
      %all_reduce_population_count3A_160 = tpu.all_reduce %ge3A_137 {dim = 0 : i64, kind = #tpu.reduction_kind<sum>} : vector<16xi1> -> vector<16xi32>
      %slice3A_161 = vector.extract_strided_slice %all_reduce_population_count3A_160 {offsets = [0], sizes = [1], strides = [1]} : vector<16xi32> to vector<1xi32>
      %squeeze3A_162 = vector.extract %slice3A_161[0] : i32 from vector<1xi32>
      %add3A_163 = arith.addi %add3A_127, %squeeze3A_162 : i32
      %scan3A_164 = arith.constant 2 : i32
      %scan3A_165 = arith.addi %scan3A_101, %scan3A_164 : i32
      %mul3A_166 = arith.constant 16 : i32
      %mul3A_167 = arith.muli %scan3A_165, %mul3A_166 : i32
      %add3A_168 = arith.addi %min3A_75, %mul3A_167 : i32
      %get3A_169 = arith.index_cast %add3A_168 : i32 to index
      %get3A_170 = tpu.vector_load %arg7[%get3A_169] {strides = array<i32>} : memref<31744xi32, #tpu.memory_space<vmem>>, vector<16xi32>,
      %ge3A_171 = arith.constant 0 : i32
      %ge3A_172 = vector.broadcast %ge3A_171 : i32 to vector<16xi32>
      %ge3A_173 = arith.cmpi sge, %get3A_170, %ge3A_172 : vector<16xi32>
      %convert_element_type3A_174 = arith.extui %ge3A_173 : vector<16xi1> to vector<16xi32>
      %broadcast_in_dim3A_175 = arith.constant true
      %broadcast_in_dim3A_176 = vector.broadcast %broadcast_in_dim3A_175 : i1 to vector<16xi1>
      %masked_cumsum3A_177 = tpu.scan <sum>, %convert_element_type3A_174 masked %broadcast_in_dim3A_176 : vector<16xi32>, vector<16xi1> -> vector<16xi32>
      %add3A_178 = vector.broadcast %add3A_163 : i32 to vector<16xi32>
      %add3A_179 = arith.addi %add3A_178, %masked_cumsum3A_177 : vector<16xi32>
      %sub3A_180 = arith.constant 1 : i32
      %sub3A_181 = vector.broadcast %sub3A_180 : i32 to vector<16xi32>
      %sub3A_182 = arith.subi %add3A_179, %sub3A_181 : vector<16xi32>
      %max3A_183 = arith.constant 0 : i32
      %max3A_184 = vector.broadcast %max3A_183 : i32 to vector<16xi32>
      %max3A_185 = arith.maxsi %sub3A_182, %max3A_184 : vector<16xi32>
      %shift_right_logical3A_186 = arith.constant 7 : i32
      %shift_right_logical3A_187 = vector.broadcast %shift_right_logical3A_186 : i32 to vector<16xi32>
      %shift_right_logical3A_188 = arith.shrui %max3A_185, %shift_right_logical3A_187 : vector<16xi32>
      %and3A_189 = arith.constant 127 : i32
      %and3A_190 = vector.broadcast %and3A_189 : i32 to vector<16xi32>
      %and3A_191 = arith.andi %sub3A_182, %and3A_190 : vector<16xi32>
      tpu.vector_store_idx %arg10[%shift_right_logical3A_188, %and3A_191], %get3A_170 masked %ge3A_173 : memref<8x128xi32, #tpu.memory_space<vmem>>[vector<16xi32>, vector<16xi32>], vector<16xi32>, vector<16xi1>
      %mul3A_192 = arith.constant 16 : i32
      %mul3A_193 = arith.muli %scan3A_165, %mul3A_192 : i32
      %add3A_194 = vector.broadcast %mul3A_193 : i32 to vector<16xi32>
      %add3A_195 = arith.addi %add3A_194, %iota3A : vector<16xi32>
      tpu.vector_store_idx %arg12[%shift_right_logical3A_188, %and3A_191], %add3A_195 masked %ge3A_173 : memref<8x128xi32, #tpu.memory_space<vmem>>[vector<16xi32>, vector<16xi32>], vector<16xi32>, vector<16xi1>
      %all_reduce_population_count3A_196 = tpu.all_reduce %ge3A_173 {dim = 0 : i64, kind = #tpu.reduction_kind<sum>} : vector<16xi1> -> vector<16xi32>
      %slice3A_197 = vector.extract_strided_slice %all_reduce_population_count3A_196 {offsets = [0], sizes = [1], strides = [1]} : vector<16xi32> to vector<1xi32>
      %squeeze3A_198 = vector.extract %slice3A_197[0] : i32 from vector<1xi32>
      %add3A_199 = arith.addi %add3A_163, %squeeze3A_198 : i32
      %scan3A_200 = arith.constant 3 : i32
      %scan3A_201 = arith.addi %scan3A_101, %scan3A_200 : i32
      %mul3A_202 = arith.constant 16 : i32
      %mul3A_203 = arith.muli %scan3A_201, %mul3A_202 : i32
      %add3A_204 = arith.addi %min3A_75, %mul3A_203 : i32
      %get3A_205 = arith.index_cast %add3A_204 : i32 to index
      %get3A_206 = tpu.vector_load %arg7[%get3A_205] {strides = array<i32>} : memref<31744xi32, #tpu.memory_space<vmem>>, vector<16xi32>,
      %ge3A_207 = arith.constant 0 : i32
      %ge3A_208 = vector.broadcast %ge3A_207 : i32 to vector<16xi32>
      %ge3A_209 = arith.cmpi sge, %get3A_206, %ge3A_208 : vector<16xi32>
      %convert_element_type3A_210 = arith.extui %ge3A_209 : vector<16xi1> to vector<16xi32>
      %broadcast_in_dim3A_211 = arith.constant true
      %broadcast_in_dim3A_212 = vector.broadcast %broadcast_in_dim3A_211 : i1 to vector<16xi1>
      %masked_cumsum3A_213 = tpu.scan <sum>, %convert_element_type3A_210 masked %broadcast_in_dim3A_212 : vector<16xi32>, vector<16xi1> -> vector<16xi32>
      %add3A_214 = vector.broadcast %add3A_199 : i32 to vector<16xi32>
      %add3A_215 = arith.addi %add3A_214, %masked_cumsum3A_213 : vector<16xi32>
      %sub3A_216 = arith.constant 1 : i32
      %sub3A_217 = vector.broadcast %sub3A_216 : i32 to vector<16xi32>
      %sub3A_218 = arith.subi %add3A_215, %sub3A_217 : vector<16xi32>
      %max3A_219 = arith.constant 0 : i32
      %max3A_220 = vector.broadcast %max3A_219 : i32 to vector<16xi32>
      %max3A_221 = arith.maxsi %sub3A_218, %max3A_220 : vector<16xi32>
      %shift_right_logical3A_222 = arith.constant 7 : i32
      %shift_right_logical3A_223 = vector.broadcast %shift_right_logical3A_222 : i32 to vector<16xi32>
      %shift_right_logical3A_224 = arith.shrui %max3A_221, %shift_right_logical3A_223 : vector<16xi32>
      %and3A_225 = arith.constant 127 : i32
      %and3A_226 = vector.broadcast %and3A_225 : i32 to vector<16xi32>
      %and3A_227 = arith.andi %sub3A_218, %and3A_226 : vector<16xi32>
      tpu.vector_store_idx %arg10[%shift_right_logical3A_224, %and3A_227], %get3A_206 masked %ge3A_209 : memref<8x128xi32, #tpu.memory_space<vmem>>[vector<16xi32>, vector<16xi32>], vector<16xi32>, vector<16xi1>
      %mul3A_228 = arith.constant 16 : i32
      %mul3A_229 = arith.muli %scan3A_201, %mul3A_228 : i32
      %add3A_230 = vector.broadcast %mul3A_229 : i32 to vector<16xi32>
      %add3A_231 = arith.addi %add3A_230, %iota3A : vector<16xi32>
      tpu.vector_store_idx %arg12[%shift_right_logical3A_224, %and3A_227], %add3A_231 masked %ge3A_209 : memref<8x128xi32, #tpu.memory_space<vmem>>[vector<16xi32>, vector<16xi32>], vector<16xi32>, vector<16xi1>
      %all_reduce_population_count3A_232 = tpu.all_reduce %ge3A_209 {dim = 0 : i64, kind = #tpu.reduction_kind<sum>} : vector<16xi1> -> vector<16xi32>
      %slice3A_233 = vector.extract_strided_slice %all_reduce_population_count3A_232 {offsets = [0], sizes = [1], strides = [1]} : vector<16xi32> to vector<1xi32>
      %squeeze3A_234 = vector.extract %slice3A_233[0] : i32 from vector<1xi32>
      %add3A_235 = arith.addi %add3A_199, %squeeze3A_234 : i32
      scf.yield %add3A_235 : i32
    }
    %scan3A_82 = arith.constant 64 : i32
    %gt3A = arith.constant 0 : i32
    %gt3A_83 = arith.cmpi sgt, %scan3A_81, %gt3A : i32
    %convert_element_type3A = arith.extui %gt3A_83 : i1 to i32
    %cond3A = arith.constant 0 : i32
    %cond3A_84 = arith.cmpi ne, %convert_element_type3A, %cond3A : i32
    scf.if %cond3A_84 {
      %dma_start3A_101 = arith.constant 0 : i32
      %dma_start3A_102 = arith.constant 0 : i32
      %dma_start3A_103 = tpu.memref_slice %arg10[%dma_start3A_101, %dma_start3A_102] : memref<8x128xi32, #tpu.memory_space<vmem>> -> memref<1x16xi32, #tpu.memory_space<vmem>>
      %dma_start3A_104 = tpu.memref_squeeze %dma_start3A_103 : memref<1x16xi32, #tpu.memory_space<vmem>> -> memref<16xi32, #tpu.memory_space<vmem>>
      %dma_start3A_105 = arith.constant 0 : i32
      %dma_start3A_106 = arith.constant 0 : i32
      %dma_start3A_107 = tpu.memref_slice %arg2[%dma_start3A_105, %dma_start3A_106] : memref<16384x128xf32, #tpu.memory_space<hbm>> -> memref<16384x128xf32, #tpu.memory_space<hbm>>
      tpu.enqueue_indirect_dma source(%dma_start3A_107 : memref<16384x128xf32, #tpu.memory_space<hbm>>) target(%arg14 : memref<16x128xf32, #tpu.memory_space<vmem>>) offsets(%dma_start3A_104 : memref<16xi32, #tpu.memory_space<vmem>>) semaphore(%arg20 : memref<!tpu.dma_semaphore, #tpu.memory_space<semaphore_mem>>)
    } else {
    }
    %scan3A_85 = arith.constant 0 : i32
    %scan3A_86 = arith.constant 16 : i32
    %scan3A_87 = arith.addi %scan3A_85, %scan3A_86 : i32
    %scan3A_88 = arith.constant 1 : i32
    %scan3A_89 = scf.for %scan3A_101 = %scan3A_85 to %scan3A_87 step %scan3A_88 iter_args(%scan3A_102 = %scan3A_81) -> (i32)  : i32 {
      %mul3A_103 = arith.constant 2 : i32
      %mul3A_104 = arith.muli %mul3A_103, %scan3A_101 : i32
      %lt3A_105 = arith.cmpi slt, %mul3A_104, %select_n3A_11 : i32
      %convert_element_type3A_106 = arith.extui %lt3A_105 : i1 to i32
      %cond3A_107 = arith.constant 0 : i32
      %cond3A_108 = arith.cmpi ne, %convert_element_type3A_106, %cond3A_107 : i32
      scf.if %cond3A_108 {
        %mul3A_166 = arith.constant 1024 : i32
        %mul3A_167 = arith.muli %mul3A_104, %mul3A_166 : i32
        %add3A_168 = arith.addi %multiple_of3A, %mul3A_167 : i32
        %multiple_of3A_169 = tpu.assume_multiple %add3A_168, 128 : i32
        %dma_wait3A = arith.constant 0 : i32
        %dma_wait3A_170 = tpu.memref_slice %arg3[%dma_wait3A, %multiple_of3A_169] : memref<32x1000000xf32, #tpu.memory_space<hbm>> -> memref<32x1024xf32, #tpu.memory_space<hbm>>
        %dma_wait3A_171 = arith.constant 0 : i32
        %dma_wait3A_172 = tpu.memref_slice %arg3[%dma_wait3A_171, %multiple_of3A_169] : memref<32x1000000xf32, #tpu.memory_space<hbm>> -> memref<32x1024xf32, #tpu.memory_space<hbm>>
        tpu.wait_dma2 semaphore(%arg16 : memref<!tpu.dma_semaphore, #tpu.memory_space<semaphore_mem>>) src(%dma_wait3A_172 : memref<32x1024xf32, #tpu.memory_space<hbm>>) dst(%arg8 : memref<32x1024xf32, #tpu.memory_space<vmem>>)
        %ge3A = arith.constant 1 : i32
        %ge3A_173 = arith.cmpi sge, %mul3A_104, %ge3A : i32
        %convert_element_type3A_174 = arith.extui %ge3A_173 : i1 to i32
        %cond3A_175 = arith.constant 0 : i32
        %cond3A_176 = arith.cmpi ne, %convert_element_type3A_174, %cond3A_175 : i32
        scf.if %cond3A_176 {
          %mul3A_215 = arith.constant 1024 : i32
          %mul3A_216 = arith.muli %mul3A_104, %mul3A_215 : i32
          %add3A_217 = arith.addi %multiple_of3A, %mul3A_216 : i32
          %multiple_of3A_218 = tpu.assume_multiple %add3A_217, 128 : i32
          %dma_wait3A_219 = arith.constant 0 : i32
          %dma_wait3A_220 = tpu.memref_slice %arg5[%dma_wait3A_219, %multiple_of3A_218] : memref<32x1000000xf32, #tpu.memory_space<hbm>> -> memref<32x1024xf32, #tpu.memory_space<hbm>>
          %dma_wait3A_221 = arith.constant 0 : i32
          %dma_wait3A_222 = tpu.memref_slice %arg5[%dma_wait3A_221, %multiple_of3A_218] : memref<32x1000000xf32, #tpu.memory_space<hbm>> -> memref<32x1024xf32, #tpu.memory_space<hbm>>
          tpu.wait_dma2 semaphore(%arg19 : memref<!tpu.dma_semaphore, #tpu.memory_space<semaphore_mem>>) src(%arg9 : memref<32x1024xf32, #tpu.memory_space<vmem>>) dst(%dma_wait3A_222 : memref<32x1024xf32, #tpu.memory_space<hbm>>)
        } else {
        }
        %add3A_177 = arith.constant 1 : i32
        %add3A_178 = arith.addi %mul3A_104, %add3A_177 : i32
        %lt3A_179 = arith.cmpi slt, %add3A_178, %select_n3A_11 : i32
        %convert_element_type3A_180 = arith.extui %lt3A_179 : i1 to i32
        %cond3A_181 = arith.constant 0 : i32
        %cond3A_182 = arith.cmpi ne, %convert_element_type3A_180, %cond3A_181 : i32
        scf.if %cond3A_182 {
          %add3A_215 = arith.constant 1 : i32
          %add3A_216 = arith.addi %mul3A_104, %add3A_215 : i32
          %mul3A_217 = arith.constant 1024 : i32
          %mul3A_218 = arith.muli %add3A_216, %mul3A_217 : i32
          %add3A_219 = arith.addi %multiple_of3A, %mul3A_218 : i32
          %multiple_of3A_220 = tpu.assume_multiple %add3A_219, 128 : i32
          %dma_start3A_221 = arith.constant 0 : i32
          %dma_start3A_222 = arith.constant 0 : i32
          %dma_start3A_223 = tpu.memref_slice %arg9[%dma_start3A_221, %dma_start3A_222] : memref<32x1024xf32, #tpu.memory_space<vmem>> -> memref<32x512xf32, #tpu.memory_space<vmem>>
          %dma_start3A_224 = arith.constant 0 : i32
          %dma_start3A_225 = tpu.memref_slice %arg3[%dma_start3A_224, %multiple_of3A_220] : memref<32x1000000xf32, #tpu.memory_space<hbm>> -> memref<32x512xf32, #tpu.memory_space<hbm>>
          %dma_start3A_226 = arith.constant 0 : i32
          %dma_start3A_227 = arith.constant 0 : i32
          %dma_start3A_228 = tpu.memref_slice %arg9[%dma_start3A_226, %dma_start3A_227] : memref<32x1024xf32, #tpu.memory_space<vmem>> -> memref<32x512xf32, #tpu.memory_space<vmem>>
          %dma_start3A_229 = arith.constant 0 : i32
          %dma_start3A_230 = tpu.memref_slice %arg3[%dma_start3A_229, %multiple_of3A_220] : memref<32x1000000xf32, #tpu.memory_space<hbm>> -> memref<32x512xf32, #tpu.memory_space<hbm>>
          tpu.enqueue_dma source(%dma_start3A_230 : memref<32x512xf32, #tpu.memory_space<hbm>>) target(%dma_start3A_228 : memref<32x512xf32, #tpu.memory_space<vmem>>) target_semaphore(%arg17 : memref<!tpu.dma_semaphore, #tpu.memory_space<semaphore_mem>>)
          %add3A_231 = arith.constant 512 : i32
          %add3A_232 = arith.addi %multiple_of3A_220, %add3A_231 : i32
          %multiple_of3A_233 = tpu.assume_multiple %add3A_232, 128 : i32
          %dma_start3A_234 = arith.constant 0 : i32
          %dma_start3A_235 = arith.constant 512 : i32
          %dma_start3A_236 = tpu.memref_slice %arg9[%dma_start3A_234, %dma_start3A_235] : memref<32x1024xf32, #tpu.memory_space<vmem>> -> memref<32x512xf32, #tpu.memory_space<vmem>>
          %dma_start3A_237 = arith.constant 0 : i32
          %dma_start3A_238 = tpu.memref_slice %arg3[%dma_start3A_237, %multiple_of3A_233] : memref<32x1000000xf32, #tpu.memory_space<hbm>> -> memref<32x512xf32, #tpu.memory_space<hbm>>
          %dma_start3A_239 = arith.constant 0 : i32
          %dma_start3A_240 = arith.constant 512 : i32
          %dma_start3A_241 = tpu.memref_slice %arg9[%dma_start3A_239, %dma_start3A_240] : memref<32x1024xf32, #tpu.memory_space<vmem>> -> memref<32x512xf32, #tpu.memory_space<vmem>>
          %dma_start3A_242 = arith.constant 0 : i32
          %dma_start3A_243 = tpu.memref_slice %arg3[%dma_start3A_242, %multiple_of3A_233] : memref<32x1000000xf32, #tpu.memory_space<hbm>> -> memref<32x512xf32, #tpu.memory_space<hbm>>
          tpu.enqueue_dma source(%dma_start3A_243 : memref<32x512xf32, #tpu.memory_space<hbm>>) target(%dma_start3A_241 : memref<32x512xf32, #tpu.memory_space<vmem>>) target_semaphore(%arg17 : memref<!tpu.dma_semaphore, #tpu.memory_space<semaphore_mem>>)
        } else {
        }
        %gt3A_183 = arith.constant 0 : i32
        %gt3A_184 = arith.cmpi sgt, %scan3A_102, %gt3A_183 : i32
        %convert_element_type3A_185 = arith.extui %gt3A_184 : i1 to i32
        %cond3A_186 = arith.constant 0 : i32
        %cond3A_187 = arith.cmpi ne, %convert_element_type3A_185, %cond3A_186 : i32
        scf.if %cond3A_187 {
          %dma_wait3A_215 = arith.constant 0 : i32
          %dma_wait3A_216 = arith.constant 0 : i32
          %dma_wait3A_217 = tpu.memref_slice %arg2[%dma_wait3A_215, %dma_wait3A_216] : memref<16384x128xf32, #tpu.memory_space<hbm>> -> memref<16x128xf32, #tpu.memory_space<hbm>>
          %dma_wait3A_218 = arith.constant 0 : i32
          %dma_wait3A_219 = arith.constant 0 : i32
          %dma_wait3A_220 = tpu.memref_slice %arg2[%dma_wait3A_218, %dma_wait3A_219] : memref<16384x128xf32, #tpu.memory_space<hbm>> -> memref<16x128xf32, #tpu.memory_space<hbm>>
          tpu.wait_dma2 semaphore(%arg20 : memref<!tpu.dma_semaphore, #tpu.memory_space<semaphore_mem>>) src(%dma_wait3A_220 : memref<16x128xf32, #tpu.memory_space<hbm>>) dst(%arg14 : memref<16x128xf32, #tpu.memory_space<vmem>>)
          %add3A_221 = arith.constant 16 : i32
          %add3A_222 = arith.addi %scan3A_102, %add3A_221 : i32
          %sub3A_223 = arith.constant 1 : i32
          %sub3A_224 = arith.subi %add3A_222, %sub3A_223 : i32
          %div3A = arith.constant 16 : i32
          %div3A_225 = arith.divsi %sub3A_224, %div3A : i32
          %while3A = arith.constant 0 : i32
          %while3A_226 = arith.constant 0 : i32
          %while3A_227 = arith.subi %div3A_225, %while3A : i32
          %while3A_228 = arith.addi %while3A, %while3A_227 : i32
          %while3A_229 = arith.constant 1 : i32
          %while3A_230 = arith.divsi %while3A_227, %while3A_229 : i32
          %while3A_231 = arith.muli %while3A_230, %while3A_229 : i32
          %while3A_232 = arith.addi %while3A, %while3A_231 : i32
          %while3A_233 = arith.constant 1 : i32
          %while3A_234 = scf.for %while3A_237 = %while3A to %while3A_232 step %while3A_233 iter_args(%while3A_238 = %while3A_226) -> (i32)  : i32 {
            %shift_right_logical3A = arith.constant 3 : i32
            %shift_right_logical3A_239 = arith.shrui %while3A_237, %shift_right_logical3A : i32
            %and3A_240 = arith.constant 7 : i32
            %and3A_241 = arith.andi %while3A_237, %and3A_240 : i32
            %mul3A_242 = arith.constant 16 : i32
            %mul3A_243 = arith.muli %and3A_241, %mul3A_242 : i32
            %gt3A_244 = arith.constant 0 : i32
            %gt3A_245 = arith.cmpi sgt, %while3A_237, %gt3A_244 : i32
            %convert_element_type3A_246 = arith.extui %gt3A_245 : i1 to i32
            %cond3A_247 = arith.constant 0 : i32
            %cond3A_248 = arith.cmpi ne, %convert_element_type3A_246, %cond3A_247 : i32
            scf.if %cond3A_248 {
              %dma_start3A_355 = tpu.memref_slice %arg10[%shift_right_logical3A_239, %mul3A_243] : memref<8x128xi32, #tpu.memory_space<vmem>> -> memref<1x16xi32, #tpu.memory_space<vmem>>
              %dma_start3A_356 = tpu.memref_squeeze %dma_start3A_355 : memref<1x16xi32, #tpu.memory_space<vmem>> -> memref<16xi32, #tpu.memory_space<vmem>>
              %dma_start3A_357 = arith.constant 0 : i32
              %dma_start3A_358 = arith.constant 0 : i32
              %dma_start3A_359 = tpu.memref_slice %arg2[%dma_start3A_357, %dma_start3A_358] : memref<16384x128xf32, #tpu.memory_space<hbm>> -> memref<16384x128xf32, #tpu.memory_space<hbm>>
              tpu.enqueue_indirect_dma source(%dma_start3A_359 : memref<16384x128xf32, #tpu.memory_space<hbm>>) target(%arg14 : memref<16x128xf32, #tpu.memory_space<vmem>>) offsets(%dma_start3A_356 : memref<16xi32, #tpu.memory_space<vmem>>) semaphore(%arg22 : memref<!tpu.dma_semaphore, #tpu.memory_space<semaphore_mem>>)
              %dma_wait3A_360 = tpu.memref_slice %arg10[%shift_right_logical3A_239, %mul3A_243] : memref<8x128xi32, #tpu.memory_space<vmem>> -> memref<1x16xi32, #tpu.memory_space<vmem>>
              %dma_wait3A_361 = tpu.memref_squeeze %dma_wait3A_360 : memref<1x16xi32, #tpu.memory_space<vmem>> -> memref<16xi32, #tpu.memory_space<vmem>>
              %dma_wait3A_362 = arith.constant 0 : i32
              %dma_wait3A_363 = arith.constant 0 : i32
              %dma_wait3A_364 = tpu.memref_slice %arg2[%dma_wait3A_362, %dma_wait3A_363] : memref<16384x128xf32, #tpu.memory_space<hbm>> -> memref<16384x128xf32, #tpu.memory_space<hbm>>
              tpu.wait_indirect_dma semaphore(%arg22 : memref<!tpu.dma_semaphore, #tpu.memory_space<semaphore_mem>>) src(%dma_wait3A_364 : memref<16384x128xf32, #tpu.memory_space<hbm>>) dst(%arg14 : memref<16x128xf32, #tpu.memory_space<vmem>>)
            } else {
            }
            %mul3A_249 = arith.constant 16 : i32
            %mul3A_250 = arith.muli %while3A_237, %mul3A_249 : i32
            %add3A_251 = vector.broadcast %mul3A_250 : i32 to vector<16xi32>
            %add3A_252 = arith.addi %add3A_251, %iota3A : vector<16xi32>
            %lt3A_253 = vector.broadcast %scan3A_102 : i32 to vector<16xi32>
            %lt3A_254 = arith.cmpi slt, %add3A_252, %lt3A_253 : vector<16xi32>
            %broadcast_in_dim3A_255 = vector.broadcast %shift_right_logical3A_239 : i32 to vector<16xi32>
            %add3A_256 = vector.broadcast %mul3A_243 : i32 to vector<16xi32>
            %add3A_257 = arith.addi %add3A_256, %iota3A : vector<16xi32>
            %gather3A = tpu.vector_load_idx %arg12[%broadcast_in_dim3A_255, %add3A_257] masked %lt3A_254 : memref<8x128xi32, #tpu.memory_space<vmem>>[vector<16xi32>, vector<16xi32>], vector<16xi32>, vector<16xi1>
            %broadcast_in_dim3A_258 = arith.constant 0 : i32
            %broadcast_in_dim3A_259 = vector.broadcast %broadcast_in_dim3A_258 : i32 to vector<16xi32>
            %gather3A_260 = tpu.vector_load_idx %arg14[%iota3A, %broadcast_in_dim3A_259] masked %lt3A_254 : memref<16x128xf32, #tpu.memory_space<vmem>>[vector<16xi32>, vector<16xi32>], vector<16xf32>, vector<16xi1>
            tpu.vector_store_idx %arg8[%broadcast_in_dim3A_259, %gather3A], %gather3A_260 masked %lt3A_254 : memref<32x1024xf32, #tpu.memory_space<vmem>>[vector<16xi32>, vector<16xi32>], vector<16xf32>, vector<16xi1>
            %broadcast_in_dim3A_261 = arith.constant 1 : i32
            %broadcast_in_dim3A_262 = vector.broadcast %broadcast_in_dim3A_261 : i32 to vector<16xi32>
            %gather3A_263 = tpu.vector_load_idx %arg14[%iota3A, %broadcast_in_dim3A_262] masked %lt3A_254 : memref<16x128xf32, #tpu.memory_space<vmem>>[vector<16xi32>, vector<16xi32>], vector<16xf32>, vector<16xi1>
            tpu.vector_store_idx %arg8[%broadcast_in_dim3A_262, %gather3A], %gather3A_263 masked %lt3A_254 : memref<32x1024xf32, #tpu.memory_space<vmem>>[vector<16xi32>, vector<16xi32>], vector<16xf32>, vector<16xi1>
            %broadcast_in_dim3A_264 = arith.constant 2 : i32
            %broadcast_in_dim3A_265 = vector.broadcast %broadcast_in_dim3A_264 : i32 to vector<16xi32>
            %gather3A_266 = tpu.vector_load_idx %arg14[%iota3A, %broadcast_in_dim3A_265] masked %lt3A_254 : memref<16x128xf32, #tpu.memory_space<vmem>>[vector<16xi32>, vector<16xi32>], vector<16xf32>, vector<16xi1>
            tpu.vector_store_idx %arg8[%broadcast_in_dim3A_265, %gather3A], %gather3A_266 masked %lt3A_254 : memref<32x1024xf32, #tpu.memory_space<vmem>>[vector<16xi32>, vector<16xi32>], vector<16xf32>, vector<16xi1>
            %broadcast_in_dim3A_267 = arith.constant 3 : i32
            %broadcast_in_dim3A_268 = vector.broadcast %broadcast_in_dim3A_267 : i32 to vector<16xi32>
            %gather3A_269 = tpu.vector_load_idx %arg14[%iota3A, %broadcast_in_dim3A_268] masked %lt3A_254 : memref<16x128xf32, #tpu.memory_space<vmem>>[vector<16xi32>, vector<16xi32>], vector<16xf32>, vector<16xi1>
            tpu.vector_store_idx %arg8[%broadcast_in_dim3A_268, %gather3A], %gather3A_269 masked %lt3A_254 : memref<32x1024xf32, #tpu.memory_space<vmem>>[vector<16xi32>, vector<16xi32>], vector<16xf32>, vector<16xi1>
            %broadcast_in_dim3A_270 = arith.constant 4 : i32
            %broadcast_in_dim3A_271 = vector.broadcast %broadcast_in_dim3A_270 : i32 to vector<16xi32>
            %gather3A_272 = tpu.vector_load_idx %arg14[%iota3A, %broadcast_in_dim3A_271] masked %lt3A_254 : memref<16x128xf32, #tpu.memory_space<vmem>>[vector<16xi32>, vector<16xi32>], vector<16xf32>, vector<16xi1>
            tpu.vector_store_idx %arg8[%broadcast_in_dim3A_271, %gather3A], %gather3A_272 masked %lt3A_254 : memref<32x1024xf32, #tpu.memory_space<vmem>>[vector<16xi32>, vector<16xi32>], vector<16xf32>, vector<16xi1>
            %broadcast_in_dim3A_273 = arith.constant 5 : i32
            %broadcast_in_dim3A_274 = vector.broadcast %broadcast_in_dim3A_273 : i32 to vector<16xi32>
            %gather3A_275 = tpu.vector_load_idx %arg14[%iota3A, %broadcast_in_dim3A_274] masked %lt3A_254 : memref<16x128xf32, #tpu.memory_space<vmem>>[vector<16xi32>, vector<16xi32>], vector<16xf32>, vector<16xi1>
            tpu.vector_store_idx %arg8[%broadcast_in_dim3A_274, %gather3A], %gather3A_275 masked %lt3A_254 : memref<32x1024xf32, #tpu.memory_space<vmem>>[vector<16xi32>, vector<16xi32>], vector<16xf32>, vector<16xi1>
            %broadcast_in_dim3A_276 = arith.constant 6 : i32
            %broadcast_in_dim3A_277 = vector.broadcast %broadcast_in_dim3A_276 : i32 to vector<16xi32>
            %gather3A_278 = tpu.vector_load_idx %arg14[%iota3A, %broadcast_in_dim3A_277] masked %lt3A_254 : memref<16x128xf32, #tpu.memory_space<vmem>>[vector<16xi32>, vector<16xi32>], vector<16xf32>, vector<16xi1>
            tpu.vector_store_idx %arg8[%broadcast_in_dim3A_277, %gather3A], %gather3A_278 masked %lt3A_254 : memref<32x1024xf32, #tpu.memory_space<vmem>>[vector<16xi32>, vector<16xi32>], vector<16xf32>, vector<16xi1>
            %broadcast_in_dim3A_279 = arith.constant 7 : i32
            %broadcast_in_dim3A_280 = vector.broadcast %broadcast_in_dim3A_279 : i32 to vector<16xi32>
            %gather3A_281 = tpu.vector_load_idx %arg14[%iota3A, %broadcast_in_dim3A_280] masked %lt3A_254 : memref<16x128xf32, #tpu.memory_space<vmem>>[vector<16xi32>, vector<16xi32>], vector<16xf32>, vector<16xi1>
            tpu.vector_store_idx %arg8[%broadcast_in_dim3A_280, %gather3A], %gather3A_281 masked %lt3A_254 : memref<32x1024xf32, #tpu.memory_space<vmem>>[vector<16xi32>, vector<16xi32>], vector<16xf32>, vector<16xi1>
            %broadcast_in_dim3A_282 = arith.constant 8 : i32
            %broadcast_in_dim3A_283 = vector.broadcast %broadcast_in_dim3A_282 : i32 to vector<16xi32>
            %gather3A_284 = tpu.vector_load_idx %arg14[%iota3A, %broadcast_in_dim3A_283] masked %lt3A_254 : memref<16x128xf32, #tpu.memory_space<vmem>>[vector<16xi32>, vector<16xi32>], vector<16xf32>, vector<16xi1>
            tpu.vector_store_idx %arg8[%broadcast_in_dim3A_283, %gather3A], %gather3A_284 masked %lt3A_254 : memref<32x1024xf32, #tpu.memory_space<vmem>>[vector<16xi32>, vector<16xi32>], vector<16xf32>, vector<16xi1>
            %broadcast_in_dim3A_285 = arith.constant 9 : i32
            %broadcast_in_dim3A_286 = vector.broadcast %broadcast_in_dim3A_285 : i32 to vector<16xi32>
            %gather3A_287 = tpu.vector_load_idx %arg14[%iota3A, %broadcast_in_dim3A_286] masked %lt3A_254 : memref<16x128xf32, #tpu.memory_space<vmem>>[vector<16xi32>, vector<16xi32>], vector<16xf32>, vector<16xi1>
            tpu.vector_store_idx %arg8[%broadcast_in_dim3A_286, %gather3A], %gather3A_287 masked %lt3A_254 : memref<32x1024xf32, #tpu.memory_space<vmem>>[vector<16xi32>, vector<16xi32>], vector<16xf32>, vector<16xi1>
            %broadcast_in_dim3A_288 = arith.constant 10 : i32
            %broadcast_in_dim3A_289 = vector.broadcast %broadcast_in_dim3A_288 : i32 to vector<16xi32>
            %gather3A_290 = tpu.vector_load_idx %arg14[%iota3A, %broadcast_in_dim3A_289] masked %lt3A_254 : memref<16x128xf32, #tpu.memory_space<vmem>>[vector<16xi32>, vector<16xi32>], vector<16xf32>, vector<16xi1>
            tpu.vector_store_idx %arg8[%broadcast_in_dim3A_289, %gather3A], %gather3A_290 masked %lt3A_254 : memref<32x1024xf32, #tpu.memory_space<vmem>>[vector<16xi32>, vector<16xi32>], vector<16xf32>, vector<16xi1>
            %broadcast_in_dim3A_291 = arith.constant 11 : i32
            %broadcast_in_dim3A_292 = vector.broadcast %broadcast_in_dim3A_291 : i32 to vector<16xi32>
            %gather3A_293 = tpu.vector_load_idx %arg14[%iota3A, %broadcast_in_dim3A_292] masked %lt3A_254 : memref<16x128xf32, #tpu.memory_space<vmem>>[vector<16xi32>, vector<16xi32>], vector<16xf32>, vector<16xi1>
            tpu.vector_store_idx %arg8[%broadcast_in_dim3A_292, %gather3A], %gather3A_293 masked %lt3A_254 : memref<32x1024xf32, #tpu.memory_space<vmem>>[vector<16xi32>, vector<16xi32>], vector<16xf32>, vector<16xi1>
            %broadcast_in_dim3A_294 = arith.constant 12 : i32
            %broadcast_in_dim3A_295 = vector.broadcast %broadcast_in_dim3A_294 : i32 to vector<16xi32>
            %gather3A_296 = tpu.vector_load_idx %arg14[%iota3A, %broadcast_in_dim3A_295] masked %lt3A_254 : memref<16x128xf32, #tpu.memory_space<vmem>>[vector<16xi32>, vector<16xi32>], vector<16xf32>, vector<16xi1>
            tpu.vector_store_idx %arg8[%broadcast_in_dim3A_295, %gather3A], %gather3A_296 masked %lt3A_254 : memref<32x1024xf32, #tpu.memory_space<vmem>>[vector<16xi32>, vector<16xi32>], vector<16xf32>, vector<16xi1>
            %broadcast_in_dim3A_297 = arith.constant 13 : i32
            %broadcast_in_dim3A_298 = vector.broadcast %broadcast_in_dim3A_297 : i32 to vector<16xi32>
            %gather3A_299 = tpu.vector_load_idx %arg14[%iota3A, %broadcast_in_dim3A_298] masked %lt3A_254 : memref<16x128xf32, #tpu.memory_space<vmem>>[vector<16xi32>, vector<16xi32>], vector<16xf32>, vector<16xi1>
            tpu.vector_store_idx %arg8[%broadcast_in_dim3A_298, %gather3A], %gather3A_299 masked %lt3A_254 : memref<32x1024xf32, #tpu.memory_space<vmem>>[vector<16xi32>, vector<16xi32>], vector<16xf32>, vector<16xi1>
            %broadcast_in_dim3A_300 = arith.constant 14 : i32
            %broadcast_in_dim3A_301 = vector.broadcast %broadcast_in_dim3A_300 : i32 to vector<16xi32>
            %gather3A_302 = tpu.vector_load_idx %arg14[%iota3A, %broadcast_in_dim3A_301] masked %lt3A_254 : memref<16x128xf32, #tpu.memory_space<vmem>>[vector<16xi32>, vector<16xi32>], vector<16xf32>, vector<16xi1>
            tpu.vector_store_idx %arg8[%broadcast_in_dim3A_301, %gather3A], %gather3A_302 masked %lt3A_254 : memref<32x1024xf32, #tpu.memory_space<vmem>>[vector<16xi32>, vector<16xi32>], vector<16xf32>, vector<16xi1>
            %broadcast_in_dim3A_303 = arith.constant 15 : i32
            %broadcast_in_dim3A_304 = vector.broadcast %broadcast_in_dim3A_303 : i32 to vector<16xi32>
            %gather3A_305 = tpu.vector_load_idx %arg14[%iota3A, %broadcast_in_dim3A_304] masked %lt3A_254 : memref<16x128xf32, #tpu.memory_space<vmem>>[vector<16xi32>, vector<16xi32>], vector<16xf32>, vector<16xi1>
            tpu.vector_store_idx %arg8[%broadcast_in_dim3A_304, %gather3A], %gather3A_305 masked %lt3A_254 : memref<32x1024xf32, #tpu.memory_space<vmem>>[vector<16xi32>, vector<16xi32>], vector<16xf32>, vector<16xi1>
            %broadcast_in_dim3A_306 = arith.constant 16 : i32
            %broadcast_in_dim3A_307 = vector.broadcast %broadcast_in_dim3A_306 : i32 to vector<16xi32>
            %gather3A_308 = tpu.vector_load_idx %arg14[%iota3A, %broadcast_in_dim3A_307] masked %lt3A_254 : memref<16x128xf32, #tpu.memory_space<vmem>>[vector<16xi32>, vector<16xi32>], vector<16xf32>, vector<16xi1>
            tpu.vector_store_idx %arg8[%broadcast_in_dim3A_307, %gather3A], %gather3A_308 masked %lt3A_254 : memref<32x1024xf32, #tpu.memory_space<vmem>>[vector<16xi32>, vector<16xi32>], vector<16xf32>, vector<16xi1>
            %broadcast_in_dim3A_309 = arith.constant 17 : i32
            %broadcast_in_dim3A_310 = vector.broadcast %broadcast_in_dim3A_309 : i32 to vector<16xi32>
            %gather3A_311 = tpu.vector_load_idx %arg14[%iota3A, %broadcast_in_dim3A_310] masked %lt3A_254 : memref<16x128xf32, #tpu.memory_space<vmem>>[vector<16xi32>, vector<16xi32>], vector<16xf32>, vector<16xi1>
            tpu.vector_store_idx %arg8[%broadcast_in_dim3A_310, %gather3A], %gather3A_311 masked %lt3A_254 : memref<32x1024xf32, #tpu.memory_space<vmem>>[vector<16xi32>, vector<16xi32>], vector<16xf32>, vector<16xi1>
            %broadcast_in_dim3A_312 = arith.constant 18 : i32
            %broadcast_in_dim3A_313 = vector.broadcast %broadcast_in_dim3A_312 : i32 to vector<16xi32>
            %gather3A_314 = tpu.vector_load_idx %arg14[%iota3A, %broadcast_in_dim3A_313] masked %lt3A_254 : memref<16x128xf32, #tpu.memory_space<vmem>>[vector<16xi32>, vector<16xi32>], vector<16xf32>, vector<16xi1>
            tpu.vector_store_idx %arg8[%broadcast_in_dim3A_313, %gather3A], %gather3A_314 masked %lt3A_254 : memref<32x1024xf32, #tpu.memory_space<vmem>>[vector<16xi32>, vector<16xi32>], vector<16xf32>, vector<16xi1>
            %broadcast_in_dim3A_315 = arith.constant 19 : i32
            %broadcast_in_dim3A_316 = vector.broadcast %broadcast_in_dim3A_315 : i32 to vector<16xi32>
            %gather3A_317 = tpu.vector_load_idx %arg14[%iota3A, %broadcast_in_dim3A_316] masked %lt3A_254 : memref<16x128xf32, #tpu.memory_space<vmem>>[vector<16xi32>, vector<16xi32>], vector<16xf32>, vector<16xi1>
            tpu.vector_store_idx %arg8[%broadcast_in_dim3A_316, %gather3A], %gather3A_317 masked %lt3A_254 : memref<32x1024xf32, #tpu.memory_space<vmem>>[vector<16xi32>, vector<16xi32>], vector<16xf32>, vector<16xi1>
            %broadcast_in_dim3A_318 = arith.constant 20 : i32
            %broadcast_in_dim3A_319 = vector.broadcast %broadcast_in_dim3A_318 : i32 to vector<16xi32>
            %gather3A_320 = tpu.vector_load_idx %arg14[%iota3A, %broadcast_in_dim3A_319] masked %lt3A_254 : memref<16x128xf32, #tpu.memory_space<vmem>>[vector<16xi32>, vector<16xi32>], vector<16xf32>, vector<16xi1>
            tpu.vector_store_idx %arg8[%broadcast_in_dim3A_319, %gather3A], %gather3A_320 masked %lt3A_254 : memref<32x1024xf32, #tpu.memory_space<vmem>>[vector<16xi32>, vector<16xi32>], vector<16xf32>, vector<16xi1>
            %broadcast_in_dim3A_321 = arith.constant 21 : i32
            %broadcast_in_dim3A_322 = vector.broadcast %broadcast_in_dim3A_321 : i32 to vector<16xi32>
            %gather3A_323 = tpu.vector_load_idx %arg14[%iota3A, %broadcast_in_dim3A_322] masked %lt3A_254 : memref<16x128xf32, #tpu.memory_space<vmem>>[vector<16xi32>, vector<16xi32>], vector<16xf32>, vector<16xi1>
            tpu.vector_store_idx %arg8[%broadcast_in_dim3A_322, %gather3A], %gather3A_323 masked %lt3A_254 : memref<32x1024xf32, #tpu.memory_space<vmem>>[vector<16xi32>, vector<16xi32>], vector<16xf32>, vector<16xi1>
            %broadcast_in_dim3A_324 = arith.constant 22 : i32
            %broadcast_in_dim3A_325 = vector.broadcast %broadcast_in_dim3A_324 : i32 to vector<16xi32>
            %gather3A_326 = tpu.vector_load_idx %arg14[%iota3A, %broadcast_in_dim3A_325] masked %lt3A_254 : memref<16x128xf32, #tpu.memory_space<vmem>>[vector<16xi32>, vector<16xi32>], vector<16xf32>, vector<16xi1>
            tpu.vector_store_idx %arg8[%broadcast_in_dim3A_325, %gather3A], %gather3A_326 masked %lt3A_254 : memref<32x1024xf32, #tpu.memory_space<vmem>>[vector<16xi32>, vector<16xi32>], vector<16xf32>, vector<16xi1>
            %broadcast_in_dim3A_327 = arith.constant 23 : i32
            %broadcast_in_dim3A_328 = vector.broadcast %broadcast_in_dim3A_327 : i32 to vector<16xi32>
            %gather3A_329 = tpu.vector_load_idx %arg14[%iota3A, %broadcast_in_dim3A_328] masked %lt3A_254 : memref<16x128xf32, #tpu.memory_space<vmem>>[vector<16xi32>, vector<16xi32>], vector<16xf32>, vector<16xi1>
            tpu.vector_store_idx %arg8[%broadcast_in_dim3A_328, %gather3A], %gather3A_329 masked %lt3A_254 : memref<32x1024xf32, #tpu.memory_space<vmem>>[vector<16xi32>, vector<16xi32>], vector<16xf32>, vector<16xi1>
            %broadcast_in_dim3A_330 = arith.constant 24 : i32
            %broadcast_in_dim3A_331 = vector.broadcast %broadcast_in_dim3A_330 : i32 to vector<16xi32>
            %gather3A_332 = tpu.vector_load_idx %arg14[%iota3A, %broadcast_in_dim3A_331] masked %lt3A_254 : memref<16x128xf32, #tpu.memory_space<vmem>>[vector<16xi32>, vector<16xi32>], vector<16xf32>, vector<16xi1>
            tpu.vector_store_idx %arg8[%broadcast_in_dim3A_331, %gather3A], %gather3A_332 masked %lt3A_254 : memref<32x1024xf32, #tpu.memory_space<vmem>>[vector<16xi32>, vector<16xi32>], vector<16xf32>, vector<16xi1>
            %broadcast_in_dim3A_333 = arith.constant 25 : i32
            %broadcast_in_dim3A_334 = vector.broadcast %broadcast_in_dim3A_333 : i32 to vector<16xi32>
            %gather3A_335 = tpu.vector_load_idx %arg14[%iota3A, %broadcast_in_dim3A_334] masked %lt3A_254 : memref<16x128xf32, #tpu.memory_space<vmem>>[vector<16xi32>, vector<16xi32>], vector<16xf32>, vector<16xi1>
            tpu.vector_store_idx %arg8[%broadcast_in_dim3A_334, %gather3A], %gather3A_335 masked %lt3A_254 : memref<32x1024xf32, #tpu.memory_space<vmem>>[vector<16xi32>, vector<16xi32>], vector<16xf32>, vector<16xi1>
            %broadcast_in_dim3A_336 = arith.constant 26 : i32
            %broadcast_in_dim3A_337 = vector.broadcast %broadcast_in_dim3A_336 : i32 to vector<16xi32>
            %gather3A_338 = tpu.vector_load_idx %arg14[%iota3A, %broadcast_in_dim3A_337] masked %lt3A_254 : memref<16x128xf32, #tpu.memory_space<vmem>>[vector<16xi32>, vector<16xi32>], vector<16xf32>, vector<16xi1>
            tpu.vector_store_idx %arg8[%broadcast_in_dim3A_337, %gather3A], %gather3A_338 masked %lt3A_254 : memref<32x1024xf32, #tpu.memory_space<vmem>>[vector<16xi32>, vector<16xi32>], vector<16xf32>, vector<16xi1>
            %broadcast_in_dim3A_339 = arith.constant 27 : i32
            %broadcast_in_dim3A_340 = vector.broadcast %broadcast_in_dim3A_339 : i32 to vector<16xi32>
            %gather3A_341 = tpu.vector_load_idx %arg14[%iota3A, %broadcast_in_dim3A_340] masked %lt3A_254 : memref<16x128xf32, #tpu.memory_space<vmem>>[vector<16xi32>, vector<16xi32>], vector<16xf32>, vector<16xi1>
            tpu.vector_store_idx %arg8[%broadcast_in_dim3A_340, %gather3A], %gather3A_341 masked %lt3A_254 : memref<32x1024xf32, #tpu.memory_space<vmem>>[vector<16xi32>, vector<16xi32>], vector<16xf32>, vector<16xi1>
            %broadcast_in_dim3A_342 = arith.constant 28 : i32
            %broadcast_in_dim3A_343 = vector.broadcast %broadcast_in_dim3A_342 : i32 to vector<16xi32>
            %gather3A_344 = tpu.vector_load_idx %arg14[%iota3A, %broadcast_in_dim3A_343] masked %lt3A_254 : memref<16x128xf32, #tpu.memory_space<vmem>>[vector<16xi32>, vector<16xi32>], vector<16xf32>, vector<16xi1>
            tpu.vector_store_idx %arg8[%broadcast_in_dim3A_343, %gather3A], %gather3A_344 masked %lt3A_254 : memref<32x1024xf32, #tpu.memory_space<vmem>>[vector<16xi32>, vector<16xi32>], vector<16xf32>, vector<16xi1>
            %broadcast_in_dim3A_345 = arith.constant 29 : i32
            %broadcast_in_dim3A_346 = vector.broadcast %broadcast_in_dim3A_345 : i32 to vector<16xi32>
            %gather3A_347 = tpu.vector_load_idx %arg14[%iota3A, %broadcast_in_dim3A_346] masked %lt3A_254 : memref<16x128xf32, #tpu.memory_space<vmem>>[vector<16xi32>, vector<16xi32>], vector<16xf32>, vector<16xi1>
            tpu.vector_store_idx %arg8[%broadcast_in_dim3A_346, %gather3A], %gather3A_347 masked %lt3A_254 : memref<32x1024xf32, #tpu.memory_space<vmem>>[vector<16xi32>, vector<16xi32>], vector<16xf32>, vector<16xi1>
            %broadcast_in_dim3A_348 = arith.constant 30 : i32
            %broadcast_in_dim3A_349 = vector.broadcast %broadcast_in_dim3A_348 : i32 to vector<16xi32>
            %gather3A_350 = tpu.vector_load_idx %arg14[%iota3A, %broadcast_in_dim3A_349] masked %lt3A_254 : memref<16x128xf32, #tpu.memory_space<vmem>>[vector<16xi32>, vector<16xi32>], vector<16xf32>, vector<16xi1>
            tpu.vector_store_idx %arg8[%broadcast_in_dim3A_349, %gather3A], %gather3A_350 masked %lt3A_254 : memref<32x1024xf32, #tpu.memory_space<vmem>>[vector<16xi32>, vector<16xi32>], vector<16xf32>, vector<16xi1>
            %broadcast_in_dim3A_351 = arith.constant 31 : i32
            %broadcast_in_dim3A_352 = vector.broadcast %broadcast_in_dim3A_351 : i32 to vector<16xi32>
            %gather3A_353 = tpu.vector_load_idx %arg14[%iota3A, %broadcast_in_dim3A_352] masked %lt3A_254 : memref<16x128xf32, #tpu.memory_space<vmem>>[vector<16xi32>, vector<16xi32>], vector<16xf32>, vector<16xi1>
            tpu.vector_store_idx %arg8[%broadcast_in_dim3A_352, %gather3A], %gather3A_353 masked %lt3A_254 : memref<32x1024xf32, #tpu.memory_space<vmem>>[vector<16xi32>, vector<16xi32>], vector<16xf32>, vector<16xi1>
            %while3A_354 = arith.constant 0 : i32
            scf.yield %while3A_354 : i32
          }
          %while3A_235 = arith.constant 1 : i32
          %while3A_236 = scf.for %while3A_237 = %while3A_232 to %while3A_228 step %while3A_235 iter_args(%while3A_238 = %while3A_234) -> (i32)  : i32 {
            %shift_right_logical3A = arith.constant 3 : i32
            %shift_right_logical3A_239 = arith.shrui %while3A_237, %shift_right_logical3A : i32
            %and3A_240 = arith.constant 7 : i32
            %and3A_241 = arith.andi %while3A_237, %and3A_240 : i32
            %mul3A_242 = arith.constant 16 : i32
            %mul3A_243 = arith.muli %and3A_241, %mul3A_242 : i32
            %gt3A_244 = arith.constant 0 : i32
            %gt3A_245 = arith.cmpi sgt, %while3A_237, %gt3A_244 : i32
            %convert_element_type3A_246 = arith.extui %gt3A_245 : i1 to i32
            %cond3A_247 = arith.constant 0 : i32
            %cond3A_248 = arith.cmpi ne, %convert_element_type3A_246, %cond3A_247 : i32
            scf.if %cond3A_248 {
              %dma_start3A_355 = tpu.memref_slice %arg10[%shift_right_logical3A_239, %mul3A_243] : memref<8x128xi32, #tpu.memory_space<vmem>> -> memref<1x16xi32, #tpu.memory_space<vmem>>
              %dma_start3A_356 = tpu.memref_squeeze %dma_start3A_355 : memref<1x16xi32, #tpu.memory_space<vmem>> -> memref<16xi32, #tpu.memory_space<vmem>>
              %dma_start3A_357 = arith.constant 0 : i32
              %dma_start3A_358 = arith.constant 0 : i32
              %dma_start3A_359 = tpu.memref_slice %arg2[%dma_start3A_357, %dma_start3A_358] : memref<16384x128xf32, #tpu.memory_space<hbm>> -> memref<16384x128xf32, #tpu.memory_space<hbm>>
              tpu.enqueue_indirect_dma source(%dma_start3A_359 : memref<16384x128xf32, #tpu.memory_space<hbm>>) target(%arg14 : memref<16x128xf32, #tpu.memory_space<vmem>>) offsets(%dma_start3A_356 : memref<16xi32, #tpu.memory_space<vmem>>) semaphore(%arg22 : memref<!tpu.dma_semaphore, #tpu.memory_space<semaphore_mem>>)
              %dma_wait3A_360 = tpu.memref_slice %arg10[%shift_right_logical3A_239, %mul3A_243] : memref<8x128xi32, #tpu.memory_space<vmem>> -> memref<1x16xi32, #tpu.memory_space<vmem>>
              %dma_wait3A_361 = tpu.memref_squeeze %dma_wait3A_360 : memref<1x16xi32, #tpu.memory_space<vmem>> -> memref<16xi32, #tpu.memory_space<vmem>>
              %dma_wait3A_362 = arith.constant 0 : i32
              %dma_wait3A_363 = arith.constant 0 : i32
              %dma_wait3A_364 = tpu.memref_slice %arg2[%dma_wait3A_362, %dma_wait3A_363] : memref<16384x128xf32, #tpu.memory_space<hbm>> -> memref<16384x128xf32, #tpu.memory_space<hbm>>
              tpu.wait_indirect_dma semaphore(%arg22 : memref<!tpu.dma_semaphore, #tpu.memory_space<semaphore_mem>>) src(%dma_wait3A_364 : memref<16384x128xf32, #tpu.memory_space<hbm>>) dst(%arg14 : memref<16x128xf32, #tpu.memory_space<vmem>>)
            } else {
            }
            %mul3A_249 = arith.constant 16 : i32
            %mul3A_250 = arith.muli %while3A_237, %mul3A_249 : i32
            %add3A_251 = vector.broadcast %mul3A_250 : i32 to vector<16xi32>
            %add3A_252 = arith.addi %add3A_251, %iota3A : vector<16xi32>
            %lt3A_253 = vector.broadcast %scan3A_102 : i32 to vector<16xi32>
            %lt3A_254 = arith.cmpi slt, %add3A_252, %lt3A_253 : vector<16xi32>
            %broadcast_in_dim3A_255 = vector.broadcast %shift_right_logical3A_239 : i32 to vector<16xi32>
            %add3A_256 = vector.broadcast %mul3A_243 : i32 to vector<16xi32>
            %add3A_257 = arith.addi %add3A_256, %iota3A : vector<16xi32>
            %gather3A = tpu.vector_load_idx %arg12[%broadcast_in_dim3A_255, %add3A_257] masked %lt3A_254 : memref<8x128xi32, #tpu.memory_space<vmem>>[vector<16xi32>, vector<16xi32>], vector<16xi32>, vector<16xi1>
            %broadcast_in_dim3A_258 = arith.constant 0 : i32
            %broadcast_in_dim3A_259 = vector.broadcast %broadcast_in_dim3A_258 : i32 to vector<16xi32>
            %gather3A_260 = tpu.vector_load_idx %arg14[%iota3A, %broadcast_in_dim3A_259] masked %lt3A_254 : memref<16x128xf32, #tpu.memory_space<vmem>>[vector<16xi32>, vector<16xi32>], vector<16xf32>, vector<16xi1>
            tpu.vector_store_idx %arg8[%broadcast_in_dim3A_259, %gather3A], %gather3A_260 masked %lt3A_254 : memref<32x1024xf32, #tpu.memory_space<vmem>>[vector<16xi32>, vector<16xi32>], vector<16xf32>, vector<16xi1>
            %broadcast_in_dim3A_261 = arith.constant 1 : i32
            %broadcast_in_dim3A_262 = vector.broadcast %broadcast_in_dim3A_261 : i32 to vector<16xi32>
            %gather3A_263 = tpu.vector_load_idx %arg14[%iota3A, %broadcast_in_dim3A_262] masked %lt3A_254 : memref<16x128xf32, #tpu.memory_space<vmem>>[vector<16xi32>, vector<16xi32>], vector<16xf32>, vector<16xi1>
            tpu.vector_store_idx %arg8[%broadcast_in_dim3A_262, %gather3A], %gather3A_263 masked %lt3A_254 : memref<32x1024xf32, #tpu.memory_space<vmem>>[vector<16xi32>, vector<16xi32>], vector<16xf32>, vector<16xi1>
            %broadcast_in_dim3A_264 = arith.constant 2 : i32
            %broadcast_in_dim3A_265 = vector.broadcast %broadcast_in_dim3A_264 : i32 to vector<16xi32>
            %gather3A_266 = tpu.vector_load_idx %arg14[%iota3A, %broadcast_in_dim3A_265] masked %lt3A_254 : memref<16x128xf32, #tpu.memory_space<vmem>>[vector<16xi32>, vector<16xi32>], vector<16xf32>, vector<16xi1>
            tpu.vector_store_idx %arg8[%broadcast_in_dim3A_265, %gather3A], %gather3A_266 masked %lt3A_254 : memref<32x1024xf32, #tpu.memory_space<vmem>>[vector<16xi32>, vector<16xi32>], vector<16xf32>, vector<16xi1>
            %broadcast_in_dim3A_267 = arith.constant 3 : i32
            %broadcast_in_dim3A_268 = vector.broadcast %broadcast_in_dim3A_267 : i32 to vector<16xi32>
            %gather3A_269 = tpu.vector_load_idx %arg14[%iota3A, %broadcast_in_dim3A_268] masked %lt3A_254 : memref<16x128xf32, #tpu.memory_space<vmem>>[vector<16xi32>, vector<16xi32>], vector<16xf32>, vector<16xi1>
            tpu.vector_store_idx %arg8[%broadcast_in_dim3A_268, %gather3A], %gather3A_269 masked %lt3A_254 : memref<32x1024xf32, #tpu.memory_space<vmem>>[vector<16xi32>, vector<16xi32>], vector<16xf32>, vector<16xi1>
            %broadcast_in_dim3A_270 = arith.constant 4 : i32
            %broadcast_in_dim3A_271 = vector.broadcast %broadcast_in_dim3A_270 : i32 to vector<16xi32>
            %gather3A_272 = tpu.vector_load_idx %arg14[%iota3A, %broadcast_in_dim3A_271] masked %lt3A_254 : memref<16x128xf32, #tpu.memory_space<vmem>>[vector<16xi32>, vector<16xi32>], vector<16xf32>, vector<16xi1>
            tpu.vector_store_idx %arg8[%broadcast_in_dim3A_271, %gather3A], %gather3A_272 masked %lt3A_254 : memref<32x1024xf32, #tpu.memory_space<vmem>>[vector<16xi32>, vector<16xi32>], vector<16xf32>, vector<16xi1>
            %broadcast_in_dim3A_273 = arith.constant 5 : i32
            %broadcast_in_dim3A_274 = vector.broadcast %broadcast_in_dim3A_273 : i32 to vector<16xi32>
            %gather3A_275 = tpu.vector_load_idx %arg14[%iota3A, %broadcast_in_dim3A_274] masked %lt3A_254 : memref<16x128xf32, #tpu.memory_space<vmem>>[vector<16xi32>, vector<16xi32>], vector<16xf32>, vector<16xi1>
            tpu.vector_store_idx %arg8[%broadcast_in_dim3A_274, %gather3A], %gather3A_275 masked %lt3A_254 : memref<32x1024xf32, #tpu.memory_space<vmem>>[vector<16xi32>, vector<16xi32>], vector<16xf32>, vector<16xi1>
            %broadcast_in_dim3A_276 = arith.constant 6 : i32
            %broadcast_in_dim3A_277 = vector.broadcast %broadcast_in_dim3A_276 : i32 to vector<16xi32>
            %gather3A_278 = tpu.vector_load_idx %arg14[%iota3A, %broadcast_in_dim3A_277] masked %lt3A_254 : memref<16x128xf32, #tpu.memory_space<vmem>>[vector<16xi32>, vector<16xi32>], vector<16xf32>, vector<16xi1>
            tpu.vector_store_idx %arg8[%broadcast_in_dim3A_277, %gather3A], %gather3A_278 masked %lt3A_254 : memref<32x1024xf32, #tpu.memory_space<vmem>>[vector<16xi32>, vector<16xi32>], vector<16xf32>, vector<16xi1>
            %broadcast_in_dim3A_279 = arith.constant 7 : i32
            %broadcast_in_dim3A_280 = vector.broadcast %broadcast_in_dim3A_279 : i32 to vector<16xi32>
            %gather3A_281 = tpu.vector_load_idx %arg14[%iota3A, %broadcast_in_dim3A_280] masked %lt3A_254 : memref<16x128xf32, #tpu.memory_space<vmem>>[vector<16xi32>, vector<16xi32>], vector<16xf32>, vector<16xi1>
            tpu.vector_store_idx %arg8[%broadcast_in_dim3A_280, %gather3A], %gather3A_281 masked %lt3A_254 : memref<32x1024xf32, #tpu.memory_space<vmem>>[vector<16xi32>, vector<16xi32>], vector<16xf32>, vector<16xi1>
            %broadcast_in_dim3A_282 = arith.constant 8 : i32
            %broadcast_in_dim3A_283 = vector.broadcast %broadcast_in_dim3A_282 : i32 to vector<16xi32>
            %gather3A_284 = tpu.vector_load_idx %arg14[%iota3A, %broadcast_in_dim3A_283] masked %lt3A_254 : memref<16x128xf32, #tpu.memory_space<vmem>>[vector<16xi32>, vector<16xi32>], vector<16xf32>, vector<16xi1>
            tpu.vector_store_idx %arg8[%broadcast_in_dim3A_283, %gather3A], %gather3A_284 masked %lt3A_254 : memref<32x1024xf32, #tpu.memory_space<vmem>>[vector<16xi32>, vector<16xi32>], vector<16xf32>, vector<16xi1>
            %broadcast_in_dim3A_285 = arith.constant 9 : i32
            %broadcast_in_dim3A_286 = vector.broadcast %broadcast_in_dim3A_285 : i32 to vector<16xi32>
            %gather3A_287 = tpu.vector_load_idx %arg14[%iota3A, %broadcast_in_dim3A_286] masked %lt3A_254 : memref<16x128xf32, #tpu.memory_space<vmem>>[vector<16xi32>, vector<16xi32>], vector<16xf32>, vector<16xi1>
            tpu.vector_store_idx %arg8[%broadcast_in_dim3A_286, %gather3A], %gather3A_287 masked %lt3A_254 : memref<32x1024xf32, #tpu.memory_space<vmem>>[vector<16xi32>, vector<16xi32>], vector<16xf32>, vector<16xi1>
            %broadcast_in_dim3A_288 = arith.constant 10 : i32
            %broadcast_in_dim3A_289 = vector.broadcast %broadcast_in_dim3A_288 : i32 to vector<16xi32>
            %gather3A_290 = tpu.vector_load_idx %arg14[%iota3A, %broadcast_in_dim3A_289] masked %lt3A_254 : memref<16x128xf32, #tpu.memory_space<vmem>>[vector<16xi32>, vector<16xi32>], vector<16xf32>, vector<16xi1>
            tpu.vector_store_idx %arg8[%broadcast_in_dim3A_289, %gather3A], %gather3A_290 masked %lt3A_254 : memref<32x1024xf32, #tpu.memory_space<vmem>>[vector<16xi32>, vector<16xi32>], vector<16xf32>, vector<16xi1>
            %broadcast_in_dim3A_291 = arith.constant 11 : i32
            %broadcast_in_dim3A_292 = vector.broadcast %broadcast_in_dim3A_291 : i32 to vector<16xi32>
            %gather3A_293 = tpu.vector_load_idx %arg14[%iota3A, %broadcast_in_dim3A_292] masked %lt3A_254 : memref<16x128xf32, #tpu.memory_space<vmem>>[vector<16xi32>, vector<16xi32>], vector<16xf32>, vector<16xi1>
            tpu.vector_store_idx %arg8[%broadcast_in_dim3A_292, %gather3A], %gather3A_293 masked %lt3A_254 : memref<32x1024xf32, #tpu.memory_space<vmem>>[vector<16xi32>, vector<16xi32>], vector<16xf32>, vector<16xi1>
            %broadcast_in_dim3A_294 = arith.constant 12 : i32
            %broadcast_in_dim3A_295 = vector.broadcast %broadcast_in_dim3A_294 : i32 to vector<16xi32>
            %gather3A_296 = tpu.vector_load_idx %arg14[%iota3A, %broadcast_in_dim3A_295] masked %lt3A_254 : memref<16x128xf32, #tpu.memory_space<vmem>>[vector<16xi32>, vector<16xi32>], vector<16xf32>, vector<16xi1>
            tpu.vector_store_idx %arg8[%broadcast_in_dim3A_295, %gather3A], %gather3A_296 masked %lt3A_254 : memref<32x1024xf32, #tpu.memory_space<vmem>>[vector<16xi32>, vector<16xi32>], vector<16xf32>, vector<16xi1>
            %broadcast_in_dim3A_297 = arith.constant 13 : i32
            %broadcast_in_dim3A_298 = vector.broadcast %broadcast_in_dim3A_297 : i32 to vector<16xi32>
            %gather3A_299 = tpu.vector_load_idx %arg14[%iota3A, %broadcast_in_dim3A_298] masked %lt3A_254 : memref<16x128xf32, #tpu.memory_space<vmem>>[vector<16xi32>, vector<16xi32>], vector<16xf32>, vector<16xi1>
            tpu.vector_store_idx %arg8[%broadcast_in_dim3A_298, %gather3A], %gather3A_299 masked %lt3A_254 : memref<32x1024xf32, #tpu.memory_space<vmem>>[vector<16xi32>, vector<16xi32>], vector<16xf32>, vector<16xi1>
            %broadcast_in_dim3A_300 = arith.constant 14 : i32
            %broadcast_in_dim3A_301 = vector.broadcast %broadcast_in_dim3A_300 : i32 to vector<16xi32>
            %gather3A_302 = tpu.vector_load_idx %arg14[%iota3A, %broadcast_in_dim3A_301] masked %lt3A_254 : memref<16x128xf32, #tpu.memory_space<vmem>>[vector<16xi32>, vector<16xi32>], vector<16xf32>, vector<16xi1>
            tpu.vector_store_idx %arg8[%broadcast_in_dim3A_301, %gather3A], %gather3A_302 masked %lt3A_254 : memref<32x1024xf32, #tpu.memory_space<vmem>>[vector<16xi32>, vector<16xi32>], vector<16xf32>, vector<16xi1>
            %broadcast_in_dim3A_303 = arith.constant 15 : i32
            %broadcast_in_dim3A_304 = vector.broadcast %broadcast_in_dim3A_303 : i32 to vector<16xi32>
            %gather3A_305 = tpu.vector_load_idx %arg14[%iota3A, %broadcast_in_dim3A_304] masked %lt3A_254 : memref<16x128xf32, #tpu.memory_space<vmem>>[vector<16xi32>, vector<16xi32>], vector<16xf32>, vector<16xi1>
            tpu.vector_store_idx %arg8[%broadcast_in_dim3A_304, %gather3A], %gather3A_305 masked %lt3A_254 : memref<32x1024xf32, #tpu.memory_space<vmem>>[vector<16xi32>, vector<16xi32>], vector<16xf32>, vector<16xi1>
            %broadcast_in_dim3A_306 = arith.constant 16 : i32
            %broadcast_in_dim3A_307 = vector.broadcast %broadcast_in_dim3A_306 : i32 to vector<16xi32>
            %gather3A_308 = tpu.vector_load_idx %arg14[%iota3A, %broadcast_in_dim3A_307] masked %lt3A_254 : memref<16x128xf32, #tpu.memory_space<vmem>>[vector<16xi32>, vector<16xi32>], vector<16xf32>, vector<16xi1>
            tpu.vector_store_idx %arg8[%broadcast_in_dim3A_307, %gather3A], %gather3A_308 masked %lt3A_254 : memref<32x1024xf32, #tpu.memory_space<vmem>>[vector<16xi32>, vector<16xi32>], vector<16xf32>, vector<16xi1>
            %broadcast_in_dim3A_309 = arith.constant 17 : i32
            %broadcast_in_dim3A_310 = vector.broadcast %broadcast_in_dim3A_309 : i32 to vector<16xi32>
            %gather3A_311 = tpu.vector_load_idx %arg14[%iota3A, %broadcast_in_dim3A_310] masked %lt3A_254 : memref<16x128xf32, #tpu.memory_space<vmem>>[vector<16xi32>, vector<16xi32>], vector<16xf32>, vector<16xi1>
            tpu.vector_store_idx %arg8[%broadcast_in_dim3A_310, %gather3A], %gather3A_311 masked %lt3A_254 : memref<32x1024xf32, #tpu.memory_space<vmem>>[vector<16xi32>, vector<16xi32>], vector<16xf32>, vector<16xi1>
            %broadcast_in_dim3A_312 = arith.constant 18 : i32
            %broadcast_in_dim3A_313 = vector.broadcast %broadcast_in_dim3A_312 : i32 to vector<16xi32>
            %gather3A_314 = tpu.vector_load_idx %arg14[%iota3A, %broadcast_in_dim3A_313] masked %lt3A_254 : memref<16x128xf32, #tpu.memory_space<vmem>>[vector<16xi32>, vector<16xi32>], vector<16xf32>, vector<16xi1>
            tpu.vector_store_idx %arg8[%broadcast_in_dim3A_313, %gather3A], %gather3A_314 masked %lt3A_254 : memref<32x1024xf32, #tpu.memory_space<vmem>>[vector<16xi32>, vector<16xi32>], vector<16xf32>, vector<16xi1>
            %broadcast_in_dim3A_315 = arith.constant 19 : i32
            %broadcast_in_dim3A_316 = vector.broadcast %broadcast_in_dim3A_315 : i32 to vector<16xi32>
            %gather3A_317 = tpu.vector_load_idx %arg14[%iota3A, %broadcast_in_dim3A_316] masked %lt3A_254 : memref<16x128xf32, #tpu.memory_space<vmem>>[vector<16xi32>, vector<16xi32>], vector<16xf32>, vector<16xi1>
            tpu.vector_store_idx %arg8[%broadcast_in_dim3A_316, %gather3A], %gather3A_317 masked %lt3A_254 : memref<32x1024xf32, #tpu.memory_space<vmem>>[vector<16xi32>, vector<16xi32>], vector<16xf32>, vector<16xi1>
            %broadcast_in_dim3A_318 = arith.constant 20 : i32
            %broadcast_in_dim3A_319 = vector.broadcast %broadcast_in_dim3A_318 : i32 to vector<16xi32>
            %gather3A_320 = tpu.vector_load_idx %arg14[%iota3A, %broadcast_in_dim3A_319] masked %lt3A_254 : memref<16x128xf32, #tpu.memory_space<vmem>>[vector<16xi32>, vector<16xi32>], vector<16xf32>, vector<16xi1>
            tpu.vector_store_idx %arg8[%broadcast_in_dim3A_319, %gather3A], %gather3A_320 masked %lt3A_254 : memref<32x1024xf32, #tpu.memory_space<vmem>>[vector<16xi32>, vector<16xi32>], vector<16xf32>, vector<16xi1>
            %broadcast_in_dim3A_321 = arith.constant 21 : i32
            %broadcast_in_dim3A_322 = vector.broadcast %broadcast_in_dim3A_321 : i32 to vector<16xi32>
            %gather3A_323 = tpu.vector_load_idx %arg14[%iota3A, %broadcast_in_dim3A_322] masked %lt3A_254 : memref<16x128xf32, #tpu.memory_space<vmem>>[vector<16xi32>, vector<16xi32>], vector<16xf32>, vector<16xi1>
            tpu.vector_store_idx %arg8[%broadcast_in_dim3A_322, %gather3A], %gather3A_323 masked %lt3A_254 : memref<32x1024xf32, #tpu.memory_space<vmem>>[vector<16xi32>, vector<16xi32>], vector<16xf32>, vector<16xi1>
            %broadcast_in_dim3A_324 = arith.constant 22 : i32
            %broadcast_in_dim3A_325 = vector.broadcast %broadcast_in_dim3A_324 : i32 to vector<16xi32>
            %gather3A_326 = tpu.vector_load_idx %arg14[%iota3A, %broadcast_in_dim3A_325] masked %lt3A_254 : memref<16x128xf32, #tpu.memory_space<vmem>>[vector<16xi32>, vector<16xi32>], vector<16xf32>, vector<16xi1>
            tpu.vector_store_idx %arg8[%broadcast_in_dim3A_325, %gather3A], %gather3A_326 masked %lt3A_254 : memref<32x1024xf32, #tpu.memory_space<vmem>>[vector<16xi32>, vector<16xi32>], vector<16xf32>, vector<16xi1>
            %broadcast_in_dim3A_327 = arith.constant 23 : i32
            %broadcast_in_dim3A_328 = vector.broadcast %broadcast_in_dim3A_327 : i32 to vector<16xi32>
            %gather3A_329 = tpu.vector_load_idx %arg14[%iota3A, %broadcast_in_dim3A_328] masked %lt3A_254 : memref<16x128xf32, #tpu.memory_space<vmem>>[vector<16xi32>, vector<16xi32>], vector<16xf32>, vector<16xi1>
            tpu.vector_store_idx %arg8[%broadcast_in_dim3A_328, %gather3A], %gather3A_329 masked %lt3A_254 : memref<32x1024xf32, #tpu.memory_space<vmem>>[vector<16xi32>, vector<16xi32>], vector<16xf32>, vector<16xi1>
            %broadcast_in_dim3A_330 = arith.constant 24 : i32
            %broadcast_in_dim3A_331 = vector.broadcast %broadcast_in_dim3A_330 : i32 to vector<16xi32>
            %gather3A_332 = tpu.vector_load_idx %arg14[%iota3A, %broadcast_in_dim3A_331] masked %lt3A_254 : memref<16x128xf32, #tpu.memory_space<vmem>>[vector<16xi32>, vector<16xi32>], vector<16xf32>, vector<16xi1>
            tpu.vector_store_idx %arg8[%broadcast_in_dim3A_331, %gather3A], %gather3A_332 masked %lt3A_254 : memref<32x1024xf32, #tpu.memory_space<vmem>>[vector<16xi32>, vector<16xi32>], vector<16xf32>, vector<16xi1>
            %broadcast_in_dim3A_333 = arith.constant 25 : i32
            %broadcast_in_dim3A_334 = vector.broadcast %broadcast_in_dim3A_333 : i32 to vector<16xi32>
            %gather3A_335 = tpu.vector_load_idx %arg14[%iota3A, %broadcast_in_dim3A_334] masked %lt3A_254 : memref<16x128xf32, #tpu.memory_space<vmem>>[vector<16xi32>, vector<16xi32>], vector<16xf32>, vector<16xi1>
            tpu.vector_store_idx %arg8[%broadcast_in_dim3A_334, %gather3A], %gather3A_335 masked %lt3A_254 : memref<32x1024xf32, #tpu.memory_space<vmem>>[vector<16xi32>, vector<16xi32>], vector<16xf32>, vector<16xi1>
            %broadcast_in_dim3A_336 = arith.constant 26 : i32
            %broadcast_in_dim3A_337 = vector.broadcast %broadcast_in_dim3A_336 : i32 to vector<16xi32>
            %gather3A_338 = tpu.vector_load_idx %arg14[%iota3A, %broadcast_in_dim3A_337] masked %lt3A_254 : memref<16x128xf32, #tpu.memory_space<vmem>>[vector<16xi32>, vector<16xi32>], vector<16xf32>, vector<16xi1>
            tpu.vector_store_idx %arg8[%broadcast_in_dim3A_337, %gather3A], %gather3A_338 masked %lt3A_254 : memref<32x1024xf32, #tpu.memory_space<vmem>>[vector<16xi32>, vector<16xi32>], vector<16xf32>, vector<16xi1>
            %broadcast_in_dim3A_339 = arith.constant 27 : i32
            %broadcast_in_dim3A_340 = vector.broadcast %broadcast_in_dim3A_339 : i32 to vector<16xi32>
            %gather3A_341 = tpu.vector_load_idx %arg14[%iota3A, %broadcast_in_dim3A_340] masked %lt3A_254 : memref<16x128xf32, #tpu.memory_space<vmem>>[vector<16xi32>, vector<16xi32>], vector<16xf32>, vector<16xi1>
            tpu.vector_store_idx %arg8[%broadcast_in_dim3A_340, %gather3A], %gather3A_341 masked %lt3A_254 : memref<32x1024xf32, #tpu.memory_space<vmem>>[vector<16xi32>, vector<16xi32>], vector<16xf32>, vector<16xi1>
            %broadcast_in_dim3A_342 = arith.constant 28 : i32
            %broadcast_in_dim3A_343 = vector.broadcast %broadcast_in_dim3A_342 : i32 to vector<16xi32>
            %gather3A_344 = tpu.vector_load_idx %arg14[%iota3A, %broadcast_in_dim3A_343] masked %lt3A_254 : memref<16x128xf32, #tpu.memory_space<vmem>>[vector<16xi32>, vector<16xi32>], vector<16xf32>, vector<16xi1>
            tpu.vector_store_idx %arg8[%broadcast_in_dim3A_343, %gather3A], %gather3A_344 masked %lt3A_254 : memref<32x1024xf32, #tpu.memory_space<vmem>>[vector<16xi32>, vector<16xi32>], vector<16xf32>, vector<16xi1>
            %broadcast_in_dim3A_345 = arith.constant 29 : i32
            %broadcast_in_dim3A_346 = vector.broadcast %broadcast_in_dim3A_345 : i32 to vector<16xi32>
            %gather3A_347 = tpu.vector_load_idx %arg14[%iota3A, %broadcast_in_dim3A_346] masked %lt3A_254 : memref<16x128xf32, #tpu.memory_space<vmem>>[vector<16xi32>, vector<16xi32>], vector<16xf32>, vector<16xi1>
            tpu.vector_store_idx %arg8[%broadcast_in_dim3A_346, %gather3A], %gather3A_347 masked %lt3A_254 : memref<32x1024xf32, #tpu.memory_space<vmem>>[vector<16xi32>, vector<16xi32>], vector<16xf32>, vector<16xi1>
            %broadcast_in_dim3A_348 = arith.constant 30 : i32
            %broadcast_in_dim3A_349 = vector.broadcast %broadcast_in_dim3A_348 : i32 to vector<16xi32>
            %gather3A_350 = tpu.vector_load_idx %arg14[%iota3A, %broadcast_in_dim3A_349] masked %lt3A_254 : memref<16x128xf32, #tpu.memory_space<vmem>>[vector<16xi32>, vector<16xi32>], vector<16xf32>, vector<16xi1>
            tpu.vector_store_idx %arg8[%broadcast_in_dim3A_349, %gather3A], %gather3A_350 masked %lt3A_254 : memref<32x1024xf32, #tpu.memory_space<vmem>>[vector<16xi32>, vector<16xi32>], vector<16xf32>, vector<16xi1>
            %broadcast_in_dim3A_351 = arith.constant 31 : i32
            %broadcast_in_dim3A_352 = vector.broadcast %broadcast_in_dim3A_351 : i32 to vector<16xi32>
            %gather3A_353 = tpu.vector_load_idx %arg14[%iota3A, %broadcast_in_dim3A_352] masked %lt3A_254 : memref<16x128xf32, #tpu.memory_space<vmem>>[vector<16xi32>, vector<16xi32>], vector<16xf32>, vector<16xi1>
            tpu.vector_store_idx %arg8[%broadcast_in_dim3A_352, %gather3A], %gather3A_353 masked %lt3A_254 : memref<32x1024xf32, #tpu.memory_space<vmem>>[vector<16xi32>, vector<16xi32>], vector<16xf32>, vector<16xi1>
            %while3A_354 = arith.constant 0 : i32
            scf.yield %while3A_354 : i32
          }
        } else {
        }
        %mul3A_188 = arith.constant 1024 : i32
        %mul3A_189 = arith.muli %mul3A_104, %mul3A_188 : i32
        %add3A_190 = arith.addi %multiple_of3A, %mul3A_189 : i32
        %multiple_of3A_191 = tpu.assume_multiple %add3A_190, 128 : i32
        %dma_start3A_192 = arith.constant 0 : i32
        %dma_start3A_193 = arith.constant 0 : i32
        %dma_start3A_194 = tpu.memref_slice %arg8[%dma_start3A_192, %dma_start3A_193] : memref<32x1024xf32, #tpu.memory_space<vmem>> -> memref<32x512xf32, #tpu.memory_space<vmem>>
        %dma_start3A_195 = arith.constant 0 : i32
        %dma_start3A_196 = tpu.memref_slice %arg5[%dma_start3A_195, %multiple_of3A_191] : memref<32x1000000xf32, #tpu.memory_space<hbm>> -> memref<32x512xf32, #tpu.memory_space<hbm>>
        %dma_start3A_197 = arith.constant 0 : i32
        %dma_start3A_198 = tpu.memref_slice %arg5[%dma_start3A_197, %multiple_of3A_191] : memref<32x1000000xf32, #tpu.memory_space<hbm>> -> memref<32x512xf32, #tpu.memory_space<hbm>>
        %dma_start3A_199 = arith.constant 0 : i32
        %dma_start3A_200 = arith.constant 0 : i32
        %dma_start3A_201 = tpu.memref_slice %arg8[%dma_start3A_199, %dma_start3A_200] : memref<32x1024xf32, #tpu.memory_space<vmem>> -> memref<32x512xf32, #tpu.memory_space<vmem>>
        tpu.enqueue_dma source(%dma_start3A_201 : memref<32x512xf32, #tpu.memory_space<vmem>>) target(%dma_start3A_198 : memref<32x512xf32, #tpu.memory_space<hbm>>) target_semaphore(%arg18 : memref<!tpu.dma_semaphore, #tpu.memory_space<semaphore_mem>>)
        %add3A_202 = arith.constant 512 : i32
        %add3A_203 = arith.addi %multiple_of3A_191, %add3A_202 : i32
        %multiple_of3A_204 = tpu.assume_multiple %add3A_203, 128 : i32
        %dma_start3A_205 = arith.constant 0 : i32
        %dma_start3A_206 = arith.constant 512 : i32
        %dma_start3A_207 = tpu.memref_slice %arg8[%dma_start3A_205, %dma_start3A_206] : memref<32x1024xf32, #tpu.memory_space<vmem>> -> memref<32x512xf32, #tpu.memory_space<vmem>>
        %dma_start3A_208 = arith.constant 0 : i32
        %dma_start3A_209 = tpu.memref_slice %arg5[%dma_start3A_208, %multiple_of3A_204] : memref<32x1000000xf32, #tpu.memory_space<hbm>> -> memref<32x512xf32, #tpu.memory_space<hbm>>
        %dma_start3A_210 = arith.constant 0 : i32
        %dma_start3A_211 = tpu.memref_slice %arg5[%dma_start3A_210, %multiple_of3A_204] : memref<32x1000000xf32, #tpu.memory_space<hbm>> -> memref<32x512xf32, #tpu.memory_space<hbm>>
        %dma_start3A_212 = arith.constant 0 : i32
        %dma_start3A_213 = arith.constant 512 : i32
        %dma_start3A_214 = tpu.memref_slice %arg8[%dma_start3A_212, %dma_start3A_213] : memref<32x1024xf32, #tpu.memory_space<vmem>> -> memref<32x512xf32, #tpu.memory_space<vmem>>
        tpu.enqueue_dma source(%dma_start3A_214 : memref<32x512xf32, #tpu.memory_space<vmem>>) target(%dma_start3A_211 : memref<32x512xf32, #tpu.memory_space<hbm>>) target_semaphore(%arg18 : memref<!tpu.dma_semaphore, #tpu.memory_space<semaphore_mem>>)
      } else {
      }
      %add3A_109 = arith.constant 1 : i32
      %add3A_110 = arith.addi %mul3A_104, %add3A_109 : i32
      %min3A_111 = arith.constant 30 : i32
      %min3A_112 = arith.minsi %add3A_110, %min3A_111 : i32
      %mul3A_113 = arith.constant 1024 : i32
      %mul3A_114 = arith.muli %min3A_112, %mul3A_113 : i32
      %min3A_115 = arith.constant 30720 : i32
      %min3A_116 = arith.minsi %mul3A_114, %min3A_115 : i32
      %scan3A_117 = arith.constant 0 : i32
      %scan3A_118 = arith.constant 0 : i32
      %scan3A_119 = arith.constant 64 : i32
      %scan3A_120 = arith.addi %scan3A_118, %scan3A_119 : i32
      %scan3A_121 = arith.constant 4 : i32
      %scan3A_122 = scf.for %scan3A_166 = %scan3A_118 to %scan3A_120 step %scan3A_121 iter_args(%scan3A_167 = %scan3A_117) -> (i32)  : i32 {
        %mul3A_168 = arith.constant 16 : i32
        %mul3A_169 = arith.muli %scan3A_166, %mul3A_168 : i32
        %add3A_170 = arith.addi %min3A_116, %mul3A_169 : i32
        %get3A = arith.index_cast %add3A_170 : i32 to index
        %get3A_171 = tpu.vector_load %arg7[%get3A] {strides = array<i32>} : memref<31744xi32, #tpu.memory_space<vmem>>, vector<16xi32>,
        %ge3A = arith.constant 0 : i32
        %ge3A_172 = vector.broadcast %ge3A : i32 to vector<16xi32>
        %ge3A_173 = arith.cmpi sge, %get3A_171, %ge3A_172 : vector<16xi32>
        %convert_element_type3A_174 = arith.extui %ge3A_173 : vector<16xi1> to vector<16xi32>
        %broadcast_in_dim3A_175 = arith.constant true
        %broadcast_in_dim3A_176 = vector.broadcast %broadcast_in_dim3A_175 : i1 to vector<16xi1>
        %masked_cumsum3A = tpu.scan <sum>, %convert_element_type3A_174 masked %broadcast_in_dim3A_176 : vector<16xi32>, vector<16xi1> -> vector<16xi32>
        %add3A_177 = vector.broadcast %scan3A_167 : i32 to vector<16xi32>
        %add3A_178 = arith.addi %add3A_177, %masked_cumsum3A : vector<16xi32>
        %sub3A_179 = arith.constant 1 : i32
        %sub3A_180 = vector.broadcast %sub3A_179 : i32 to vector<16xi32>
        %sub3A_181 = arith.subi %add3A_178, %sub3A_180 : vector<16xi32>
        %max3A = arith.constant 0 : i32
        %max3A_182 = vector.broadcast %max3A : i32 to vector<16xi32>
        %max3A_183 = arith.maxsi %sub3A_181, %max3A_182 : vector<16xi32>
        %shift_right_logical3A = arith.constant 7 : i32
        %shift_right_logical3A_184 = vector.broadcast %shift_right_logical3A : i32 to vector<16xi32>
        %shift_right_logical3A_185 = arith.shrui %max3A_183, %shift_right_logical3A_184 : vector<16xi32>
        %and3A_186 = arith.constant 127 : i32
        %and3A_187 = vector.broadcast %and3A_186 : i32 to vector<16xi32>
        %and3A_188 = arith.andi %sub3A_181, %and3A_187 : vector<16xi32>
        tpu.vector_store_idx %arg11[%shift_right_logical3A_185, %and3A_188], %get3A_171 masked %ge3A_173 : memref<8x128xi32, #tpu.memory_space<vmem>>[vector<16xi32>, vector<16xi32>], vector<16xi32>, vector<16xi1>
        %mul3A_189 = arith.constant 16 : i32
        %mul3A_190 = arith.muli %scan3A_166, %mul3A_189 : i32
        %add3A_191 = vector.broadcast %mul3A_190 : i32 to vector<16xi32>
        %add3A_192 = arith.addi %add3A_191, %iota3A : vector<16xi32>
        tpu.vector_store_idx %arg13[%shift_right_logical3A_185, %and3A_188], %add3A_192 masked %ge3A_173 : memref<8x128xi32, #tpu.memory_space<vmem>>[vector<16xi32>, vector<16xi32>], vector<16xi32>, vector<16xi1>
        %all_reduce_population_count3A = tpu.all_reduce %ge3A_173 {dim = 0 : i64, kind = #tpu.reduction_kind<sum>} : vector<16xi1> -> vector<16xi32>
        %slice3A = vector.extract_strided_slice %all_reduce_population_count3A {offsets = [0], sizes = [1], strides = [1]} : vector<16xi32> to vector<1xi32>
        %squeeze3A = vector.extract %slice3A[0] : i32 from vector<1xi32>
        %add3A_193 = arith.addi %scan3A_167, %squeeze3A : i32
        %scan3A_194 = arith.constant 1 : i32
        %scan3A_195 = arith.addi %scan3A_166, %scan3A_194 : i32
        %mul3A_196 = arith.constant 16 : i32
        %mul3A_197 = arith.muli %scan3A_195, %mul3A_196 : i32
        %add3A_198 = arith.addi %min3A_116, %mul3A_197 : i32
        %get3A_199 = arith.index_cast %add3A_198 : i32 to index
        %get3A_200 = tpu.vector_load %arg7[%get3A_199] {strides = array<i32>} : memref<31744xi32, #tpu.memory_space<vmem>>, vector<16xi32>,
        %ge3A_201 = arith.constant 0 : i32
        %ge3A_202 = vector.broadcast %ge3A_201 : i32 to vector<16xi32>
        %ge3A_203 = arith.cmpi sge, %get3A_200, %ge3A_202 : vector<16xi32>
        %convert_element_type3A_204 = arith.extui %ge3A_203 : vector<16xi1> to vector<16xi32>
        %broadcast_in_dim3A_205 = arith.constant true
        %broadcast_in_dim3A_206 = vector.broadcast %broadcast_in_dim3A_205 : i1 to vector<16xi1>
        %masked_cumsum3A_207 = tpu.scan <sum>, %convert_element_type3A_204 masked %broadcast_in_dim3A_206 : vector<16xi32>, vector<16xi1> -> vector<16xi32>
        %add3A_208 = vector.broadcast %add3A_193 : i32 to vector<16xi32>
        %add3A_209 = arith.addi %add3A_208, %masked_cumsum3A_207 : vector<16xi32>
        %sub3A_210 = arith.constant 1 : i32
        %sub3A_211 = vector.broadcast %sub3A_210 : i32 to vector<16xi32>
        %sub3A_212 = arith.subi %add3A_209, %sub3A_211 : vector<16xi32>
        %max3A_213 = arith.constant 0 : i32
        %max3A_214 = vector.broadcast %max3A_213 : i32 to vector<16xi32>
        %max3A_215 = arith.maxsi %sub3A_212, %max3A_214 : vector<16xi32>
        %shift_right_logical3A_216 = arith.constant 7 : i32
        %shift_right_logical3A_217 = vector.broadcast %shift_right_logical3A_216 : i32 to vector<16xi32>
        %shift_right_logical3A_218 = arith.shrui %max3A_215, %shift_right_logical3A_217 : vector<16xi32>
        %and3A_219 = arith.constant 127 : i32
        %and3A_220 = vector.broadcast %and3A_219 : i32 to vector<16xi32>
        %and3A_221 = arith.andi %sub3A_212, %and3A_220 : vector<16xi32>
        tpu.vector_store_idx %arg11[%shift_right_logical3A_218, %and3A_221], %get3A_200 masked %ge3A_203 : memref<8x128xi32, #tpu.memory_space<vmem>>[vector<16xi32>, vector<16xi32>], vector<16xi32>, vector<16xi1>
        %mul3A_222 = arith.constant 16 : i32
        %mul3A_223 = arith.muli %scan3A_195, %mul3A_222 : i32
        %add3A_224 = vector.broadcast %mul3A_223 : i32 to vector<16xi32>
        %add3A_225 = arith.addi %add3A_224, %iota3A : vector<16xi32>
        tpu.vector_store_idx %arg13[%shift_right_logical3A_218, %and3A_221], %add3A_225 masked %ge3A_203 : memref<8x128xi32, #tpu.memory_space<vmem>>[vector<16xi32>, vector<16xi32>], vector<16xi32>, vector<16xi1>
        %all_reduce_population_count3A_226 = tpu.all_reduce %ge3A_203 {dim = 0 : i64, kind = #tpu.reduction_kind<sum>} : vector<16xi1> -> vector<16xi32>
        %slice3A_227 = vector.extract_strided_slice %all_reduce_population_count3A_226 {offsets = [0], sizes = [1], strides = [1]} : vector<16xi32> to vector<1xi32>
        %squeeze3A_228 = vector.extract %slice3A_227[0] : i32 from vector<1xi32>
        %add3A_229 = arith.addi %add3A_193, %squeeze3A_228 : i32
        %scan3A_230 = arith.constant 2 : i32
        %scan3A_231 = arith.addi %scan3A_166, %scan3A_230 : i32
        %mul3A_232 = arith.constant 16 : i32
        %mul3A_233 = arith.muli %scan3A_231, %mul3A_232 : i32
        %add3A_234 = arith.addi %min3A_116, %mul3A_233 : i32
        %get3A_235 = arith.index_cast %add3A_234 : i32 to index
        %get3A_236 = tpu.vector_load %arg7[%get3A_235] {strides = array<i32>} : memref<31744xi32, #tpu.memory_space<vmem>>, vector<16xi32>,
        %ge3A_237 = arith.constant 0 : i32
        %ge3A_238 = vector.broadcast %ge3A_237 : i32 to vector<16xi32>
        %ge3A_239 = arith.cmpi sge, %get3A_236, %ge3A_238 : vector<16xi32>
        %convert_element_type3A_240 = arith.extui %ge3A_239 : vector<16xi1> to vector<16xi32>
        %broadcast_in_dim3A_241 = arith.constant true
        %broadcast_in_dim3A_242 = vector.broadcast %broadcast_in_dim3A_241 : i1 to vector<16xi1>
        %masked_cumsum3A_243 = tpu.scan <sum>, %convert_element_type3A_240 masked %broadcast_in_dim3A_242 : vector<16xi32>, vector<16xi1> -> vector<16xi32>
        %add3A_244 = vector.broadcast %add3A_229 : i32 to vector<16xi32>
        %add3A_245 = arith.addi %add3A_244, %masked_cumsum3A_243 : vector<16xi32>
        %sub3A_246 = arith.constant 1 : i32
        %sub3A_247 = vector.broadcast %sub3A_246 : i32 to vector<16xi32>
        %sub3A_248 = arith.subi %add3A_245, %sub3A_247 : vector<16xi32>
        %max3A_249 = arith.constant 0 : i32
        %max3A_250 = vector.broadcast %max3A_249 : i32 to vector<16xi32>
        %max3A_251 = arith.maxsi %sub3A_248, %max3A_250 : vector<16xi32>
        %shift_right_logical3A_252 = arith.constant 7 : i32
        %shift_right_logical3A_253 = vector.broadcast %shift_right_logical3A_252 : i32 to vector<16xi32>
        %shift_right_logical3A_254 = arith.shrui %max3A_251, %shift_right_logical3A_253 : vector<16xi32>
        %and3A_255 = arith.constant 127 : i32
        %and3A_256 = vector.broadcast %and3A_255 : i32 to vector<16xi32>
        %and3A_257 = arith.andi %sub3A_248, %and3A_256 : vector<16xi32>
        tpu.vector_store_idx %arg11[%shift_right_logical3A_254, %and3A_257], %get3A_236 masked %ge3A_239 : memref<8x128xi32, #tpu.memory_space<vmem>>[vector<16xi32>, vector<16xi32>], vector<16xi32>, vector<16xi1>
        %mul3A_258 = arith.constant 16 : i32
        %mul3A_259 = arith.muli %scan3A_231, %mul3A_258 : i32
        %add3A_260 = vector.broadcast %mul3A_259 : i32 to vector<16xi32>
        %add3A_261 = arith.addi %add3A_260, %iota3A : vector<16xi32>
        tpu.vector_store_idx %arg13[%shift_right_logical3A_254, %and3A_257], %add3A_261 masked %ge3A_239 : memref<8x128xi32, #tpu.memory_space<vmem>>[vector<16xi32>, vector<16xi32>], vector<16xi32>, vector<16xi1>
        %all_reduce_population_count3A_262 = tpu.all_reduce %ge3A_239 {dim = 0 : i64, kind = #tpu.reduction_kind<sum>} : vector<16xi1> -> vector<16xi32>
        %slice3A_263 = vector.extract_strided_slice %all_reduce_population_count3A_262 {offsets = [0], sizes = [1], strides = [1]} : vector<16xi32> to vector<1xi32>
        %squeeze3A_264 = vector.extract %slice3A_263[0] : i32 from vector<1xi32>
        %add3A_265 = arith.addi %add3A_229, %squeeze3A_264 : i32
        %scan3A_266 = arith.constant 3 : i32
        %scan3A_267 = arith.addi %scan3A_166, %scan3A_266 : i32
        %mul3A_268 = arith.constant 16 : i32
        %mul3A_269 = arith.muli %scan3A_267, %mul3A_268 : i32
        %add3A_270 = arith.addi %min3A_116, %mul3A_269 : i32
        %get3A_271 = arith.index_cast %add3A_270 : i32 to index
        %get3A_272 = tpu.vector_load %arg7[%get3A_271] {strides = array<i32>} : memref<31744xi32, #tpu.memory_space<vmem>>, vector<16xi32>,
        %ge3A_273 = arith.constant 0 : i32
        %ge3A_274 = vector.broadcast %ge3A_273 : i32 to vector<16xi32>
        %ge3A_275 = arith.cmpi sge, %get3A_272, %ge3A_274 : vector<16xi32>
        %convert_element_type3A_276 = arith.extui %ge3A_275 : vector<16xi1> to vector<16xi32>
        %broadcast_in_dim3A_277 = arith.constant true
        %broadcast_in_dim3A_278 = vector.broadcast %broadcast_in_dim3A_277 : i1 to vector<16xi1>
        %masked_cumsum3A_279 = tpu.scan <sum>, %convert_element_type3A_276 masked %broadcast_in_dim3A_278 : vector<16xi32>, vector<16xi1> -> vector<16xi32>
        %add3A_280 = vector.broadcast %add3A_265 : i32 to vector<16xi32>
        %add3A_281 = arith.addi %add3A_280, %masked_cumsum3A_279 : vector<16xi32>
        %sub3A_282 = arith.constant 1 : i32
        %sub3A_283 = vector.broadcast %sub3A_282 : i32 to vector<16xi32>
        %sub3A_284 = arith.subi %add3A_281, %sub3A_283 : vector<16xi32>
        %max3A_285 = arith.constant 0 : i32
        %max3A_286 = vector.broadcast %max3A_285 : i32 to vector<16xi32>
        %max3A_287 = arith.maxsi %sub3A_284, %max3A_286 : vector<16xi32>
        %shift_right_logical3A_288 = arith.constant 7 : i32
        %shift_right_logical3A_289 = vector.broadcast %shift_right_logical3A_288 : i32 to vector<16xi32>
        %shift_right_logical3A_290 = arith.shrui %max3A_287, %shift_right_logical3A_289 : vector<16xi32>
        %and3A_291 = arith.constant 127 : i32
        %and3A_292 = vector.broadcast %and3A_291 : i32 to vector<16xi32>
        %and3A_293 = arith.andi %sub3A_284, %and3A_292 : vector<16xi32>
        tpu.vector_store_idx %arg11[%shift_right_logical3A_290, %and3A_293], %get3A_272 masked %ge3A_275 : memref<8x128xi32, #tpu.memory_space<vmem>>[vector<16xi32>, vector<16xi32>], vector<16xi32>, vector<16xi1>
        %mul3A_294 = arith.constant 16 : i32
        %mul3A_295 = arith.muli %scan3A_267, %mul3A_294 : i32
        %add3A_296 = vector.broadcast %mul3A_295 : i32 to vector<16xi32>
        %add3A_297 = arith.addi %add3A_296, %iota3A : vector<16xi32>
        tpu.vector_store_idx %arg13[%shift_right_logical3A_290, %and3A_293], %add3A_297 masked %ge3A_275 : memref<8x128xi32, #tpu.memory_space<vmem>>[vector<16xi32>, vector<16xi32>], vector<16xi32>, vector<16xi1>
        %all_reduce_population_count3A_298 = tpu.all_reduce %ge3A_275 {dim = 0 : i64, kind = #tpu.reduction_kind<sum>} : vector<16xi1> -> vector<16xi32>
        %slice3A_299 = vector.extract_strided_slice %all_reduce_population_count3A_298 {offsets = [0], sizes = [1], strides = [1]} : vector<16xi32> to vector<1xi32>
        %squeeze3A_300 = vector.extract %slice3A_299[0] : i32 from vector<1xi32>
        %add3A_301 = arith.addi %add3A_265, %squeeze3A_300 : i32
        scf.yield %add3A_301 : i32
      }
      %scan3A_123 = arith.constant 64 : i32
      %add3A_124 = arith.constant 1 : i32
      %add3A_125 = arith.addi %mul3A_104, %add3A_124 : i32
      %lt3A_126 = arith.cmpi slt, %add3A_125, %select_n3A_11 : i32
      %and3A = arith.andi %lt3A_105, %lt3A_126 : i1
      %gt3A_127 = arith.constant 0 : i32
      %gt3A_128 = arith.cmpi sgt, %scan3A_122, %gt3A_127 : i32
      %and3A_129 = arith.andi %and3A, %gt3A_128 : i1
      %convert_element_type3A_130 = arith.extui %and3A_129 : i1 to i32
      %cond3A_131 = arith.constant 0 : i32
      %cond3A_132 = arith.cmpi ne, %convert_element_type3A_130, %cond3A_131 : i32
      scf.if %cond3A_132 {
        %dma_start3A_166 = arith.constant 0 : i32
        %dma_start3A_167 = arith.constant 0 : i32
        %dma_start3A_168 = tpu.memref_slice %arg11[%dma_start3A_166, %dma_start3A_167] : memref<8x128xi32, #tpu.memory_space<vmem>> -> memref<1x16xi32, #tpu.memory_space<vmem>>
        %dma_start3A_169 = tpu.memref_squeeze %dma_start3A_168 : memref<1x16xi32, #tpu.memory_space<vmem>> -> memref<16xi32, #tpu.memory_space<vmem>>
        %dma_start3A_170 = arith.constant 0 : i32
        %dma_start3A_171 = arith.constant 0 : i32
        %dma_start3A_172 = tpu.memref_slice %arg2[%dma_start3A_170, %dma_start3A_171] : memref<16384x128xf32, #tpu.memory_space<hbm>> -> memref<16384x128xf32, #tpu.memory_space<hbm>>
        tpu.enqueue_indirect_dma source(%dma_start3A_172 : memref<16384x128xf32, #tpu.memory_space<hbm>>) target(%arg15 : memref<16x128xf32, #tpu.memory_space<vmem>>) offsets(%dma_start3A_169 : memref<16xi32, #tpu.memory_space<vmem>>) semaphore(%arg21 : memref<!tpu.dma_semaphore, #tpu.memory_space<semaphore_mem>>)
      } else {
      }
      %mul3A_133 = arith.constant 2 : i32
      %mul3A_134 = arith.muli %mul3A_133, %scan3A_101 : i32
      %add3A_135 = arith.constant 1 : i32
      %add3A_136 = arith.addi %mul3A_134, %add3A_135 : i32
      %lt3A_137 = arith.cmpi slt, %add3A_136, %select_n3A_11 : i32
      %convert_element_type3A_138 = arith.extui %lt3A_137 : i1 to i32
      %cond3A_139 = arith.constant 0 : i32
      %cond3A_140 = arith.cmpi ne, %convert_element_type3A_138, %cond3A_139 : i32
      scf.if %cond3A_140 {
        %mul3A_166 = arith.constant 1024 : i32
        %mul3A_167 = arith.muli %add3A_136, %mul3A_166 : i32
        %add3A_168 = arith.addi %multiple_of3A, %mul3A_167 : i32
        %multiple_of3A_169 = tpu.assume_multiple %add3A_168, 128 : i32
        %dma_wait3A = arith.constant 0 : i32
        %dma_wait3A_170 = tpu.memref_slice %arg3[%dma_wait3A, %multiple_of3A_169] : memref<32x1000000xf32, #tpu.memory_space<hbm>> -> memref<32x1024xf32, #tpu.memory_space<hbm>>
        %dma_wait3A_171 = arith.constant 0 : i32
        %dma_wait3A_172 = tpu.memref_slice %arg3[%dma_wait3A_171, %multiple_of3A_169] : memref<32x1000000xf32, #tpu.memory_space<hbm>> -> memref<32x1024xf32, #tpu.memory_space<hbm>>
        tpu.wait_dma2 semaphore(%arg17 : memref<!tpu.dma_semaphore, #tpu.memory_space<semaphore_mem>>) src(%dma_wait3A_172 : memref<32x1024xf32, #tpu.memory_space<hbm>>) dst(%arg9 : memref<32x1024xf32, #tpu.memory_space<vmem>>)
        %ge3A = arith.constant 1 : i32
        %ge3A_173 = arith.cmpi sge, %add3A_136, %ge3A : i32
        %convert_element_type3A_174 = arith.extui %ge3A_173 : i1 to i32
        %cond3A_175 = arith.constant 0 : i32
        %cond3A_176 = arith.cmpi ne, %convert_element_type3A_174, %cond3A_175 : i32
        scf.if %cond3A_176 {
          %mul3A_215 = arith.constant 1024 : i32
          %mul3A_216 = arith.muli %add3A_136, %mul3A_215 : i32
          %add3A_217 = arith.addi %multiple_of3A, %mul3A_216 : i32
          %multiple_of3A_218 = tpu.assume_multiple %add3A_217, 128 : i32
          %dma_wait3A_219 = arith.constant 0 : i32
          %dma_wait3A_220 = tpu.memref_slice %arg5[%dma_wait3A_219, %multiple_of3A_218] : memref<32x1000000xf32, #tpu.memory_space<hbm>> -> memref<32x1024xf32, #tpu.memory_space<hbm>>
          %dma_wait3A_221 = arith.constant 0 : i32
          %dma_wait3A_222 = tpu.memref_slice %arg5[%dma_wait3A_221, %multiple_of3A_218] : memref<32x1000000xf32, #tpu.memory_space<hbm>> -> memref<32x1024xf32, #tpu.memory_space<hbm>>
          tpu.wait_dma2 semaphore(%arg18 : memref<!tpu.dma_semaphore, #tpu.memory_space<semaphore_mem>>) src(%arg8 : memref<32x1024xf32, #tpu.memory_space<vmem>>) dst(%dma_wait3A_222 : memref<32x1024xf32, #tpu.memory_space<hbm>>)
        } else {
        }
        %add3A_177 = arith.constant 1 : i32
        %add3A_178 = arith.addi %add3A_136, %add3A_177 : i32
        %lt3A_179 = arith.cmpi slt, %add3A_178, %select_n3A_11 : i32
        %convert_element_type3A_180 = arith.extui %lt3A_179 : i1 to i32
        %cond3A_181 = arith.constant 0 : i32
        %cond3A_182 = arith.cmpi ne, %convert_element_type3A_180, %cond3A_181 : i32
        scf.if %cond3A_182 {
          %add3A_215 = arith.constant 1 : i32
          %add3A_216 = arith.addi %add3A_136, %add3A_215 : i32
          %mul3A_217 = arith.constant 1024 : i32
          %mul3A_218 = arith.muli %add3A_216, %mul3A_217 : i32
          %add3A_219 = arith.addi %multiple_of3A, %mul3A_218 : i32
          %multiple_of3A_220 = tpu.assume_multiple %add3A_219, 128 : i32
          %dma_start3A_221 = arith.constant 0 : i32
          %dma_start3A_222 = arith.constant 0 : i32
          %dma_start3A_223 = tpu.memref_slice %arg8[%dma_start3A_221, %dma_start3A_222] : memref<32x1024xf32, #tpu.memory_space<vmem>> -> memref<32x512xf32, #tpu.memory_space<vmem>>
          %dma_start3A_224 = arith.constant 0 : i32
          %dma_start3A_225 = tpu.memref_slice %arg3[%dma_start3A_224, %multiple_of3A_220] : memref<32x1000000xf32, #tpu.memory_space<hbm>> -> memref<32x512xf32, #tpu.memory_space<hbm>>
          %dma_start3A_226 = arith.constant 0 : i32
          %dma_start3A_227 = arith.constant 0 : i32
          %dma_start3A_228 = tpu.memref_slice %arg8[%dma_start3A_226, %dma_start3A_227] : memref<32x1024xf32, #tpu.memory_space<vmem>> -> memref<32x512xf32, #tpu.memory_space<vmem>>
          %dma_start3A_229 = arith.constant 0 : i32
          %dma_start3A_230 = tpu.memref_slice %arg3[%dma_start3A_229, %multiple_of3A_220] : memref<32x1000000xf32, #tpu.memory_space<hbm>> -> memref<32x512xf32, #tpu.memory_space<hbm>>
          tpu.enqueue_dma source(%dma_start3A_230 : memref<32x512xf32, #tpu.memory_space<hbm>>) target(%dma_start3A_228 : memref<32x512xf32, #tpu.memory_space<vmem>>) target_semaphore(%arg16 : memref<!tpu.dma_semaphore, #tpu.memory_space<semaphore_mem>>)
          %add3A_231 = arith.constant 512 : i32
          %add3A_232 = arith.addi %multiple_of3A_220, %add3A_231 : i32
          %multiple_of3A_233 = tpu.assume_multiple %add3A_232, 128 : i32
          %dma_start3A_234 = arith.constant 0 : i32
          %dma_start3A_235 = arith.constant 512 : i32
          %dma_start3A_236 = tpu.memref_slice %arg8[%dma_start3A_234, %dma_start3A_235] : memref<32x1024xf32, #tpu.memory_space<vmem>> -> memref<32x512xf32, #tpu.memory_space<vmem>>
          %dma_start3A_237 = arith.constant 0 : i32
          %dma_start3A_238 = tpu.memref_slice %arg3[%dma_start3A_237, %multiple_of3A_233] : memref<32x1000000xf32, #tpu.memory_space<hbm>> -> memref<32x512xf32, #tpu.memory_space<hbm>>
          %dma_start3A_239 = arith.constant 0 : i32
          %dma_start3A_240 = arith.constant 512 : i32
          %dma_start3A_241 = tpu.memref_slice %arg8[%dma_start3A_239, %dma_start3A_240] : memref<32x1024xf32, #tpu.memory_space<vmem>> -> memref<32x512xf32, #tpu.memory_space<vmem>>
          %dma_start3A_242 = arith.constant 0 : i32
          %dma_start3A_243 = tpu.memref_slice %arg3[%dma_start3A_242, %multiple_of3A_233] : memref<32x1000000xf32, #tpu.memory_space<hbm>> -> memref<32x512xf32, #tpu.memory_space<hbm>>
          tpu.enqueue_dma source(%dma_start3A_243 : memref<32x512xf32, #tpu.memory_space<hbm>>) target(%dma_start3A_241 : memref<32x512xf32, #tpu.memory_space<vmem>>) target_semaphore(%arg16 : memref<!tpu.dma_semaphore, #tpu.memory_space<semaphore_mem>>)
        } else {
        }
        %gt3A_183 = arith.constant 0 : i32
        %gt3A_184 = arith.cmpi sgt, %scan3A_122, %gt3A_183 : i32
        %convert_element_type3A_185 = arith.extui %gt3A_184 : i1 to i32
        %cond3A_186 = arith.constant 0 : i32
        %cond3A_187 = arith.cmpi ne, %convert_element_type3A_185, %cond3A_186 : i32
        scf.if %cond3A_187 {
          %dma_wait3A_215 = arith.constant 0 : i32
          %dma_wait3A_216 = arith.constant 0 : i32
          %dma_wait3A_217 = tpu.memref_slice %arg2[%dma_wait3A_215, %dma_wait3A_216] : memref<16384x128xf32, #tpu.memory_space<hbm>> -> memref<16x128xf32, #tpu.memory_space<hbm>>
          %dma_wait3A_218 = arith.constant 0 : i32
          %dma_wait3A_219 = arith.constant 0 : i32
          %dma_wait3A_220 = tpu.memref_slice %arg2[%dma_wait3A_218, %dma_wait3A_219] : memref<16384x128xf32, #tpu.memory_space<hbm>> -> memref<16x128xf32, #tpu.memory_space<hbm>>
          tpu.wait_dma2 semaphore(%arg21 : memref<!tpu.dma_semaphore, #tpu.memory_space<semaphore_mem>>) src(%dma_wait3A_220 : memref<16x128xf32, #tpu.memory_space<hbm>>) dst(%arg15 : memref<16x128xf32, #tpu.memory_space<vmem>>)
          %add3A_221 = arith.constant 16 : i32
          %add3A_222 = arith.addi %scan3A_122, %add3A_221 : i32
          %sub3A_223 = arith.constant 1 : i32
          %sub3A_224 = arith.subi %add3A_222, %sub3A_223 : i32
          %div3A = arith.constant 16 : i32
          %div3A_225 = arith.divsi %sub3A_224, %div3A : i32
          %while3A = arith.constant 0 : i32
          %while3A_226 = arith.constant 0 : i32
          %while3A_227 = arith.subi %div3A_225, %while3A : i32
          %while3A_228 = arith.addi %while3A, %while3A_227 : i32
          %while3A_229 = arith.constant 1 : i32
          %while3A_230 = arith.divsi %while3A_227, %while3A_229 : i32
          %while3A_231 = arith.muli %while3A_230, %while3A_229 : i32
          %while3A_232 = arith.addi %while3A, %while3A_231 : i32
          %while3A_233 = arith.constant 1 : i32
          %while3A_234 = scf.for %while3A_237 = %while3A to %while3A_232 step %while3A_233 iter_args(%while3A_238 = %while3A_226) -> (i32)  : i32 {
            %shift_right_logical3A = arith.constant 3 : i32
            %shift_right_logical3A_239 = arith.shrui %while3A_237, %shift_right_logical3A : i32
            %and3A_240 = arith.constant 7 : i32
            %and3A_241 = arith.andi %while3A_237, %and3A_240 : i32
            %mul3A_242 = arith.constant 16 : i32
            %mul3A_243 = arith.muli %and3A_241, %mul3A_242 : i32
            %gt3A_244 = arith.constant 0 : i32
            %gt3A_245 = arith.cmpi sgt, %while3A_237, %gt3A_244 : i32
            %convert_element_type3A_246 = arith.extui %gt3A_245 : i1 to i32
            %cond3A_247 = arith.constant 0 : i32
            %cond3A_248 = arith.cmpi ne, %convert_element_type3A_246, %cond3A_247 : i32
            scf.if %cond3A_248 {
              %dma_start3A_355 = tpu.memref_slice %arg11[%shift_right_logical3A_239, %mul3A_243] : memref<8x128xi32, #tpu.memory_space<vmem>> -> memref<1x16xi32, #tpu.memory_space<vmem>>
              %dma_start3A_356 = tpu.memref_squeeze %dma_start3A_355 : memref<1x16xi32, #tpu.memory_space<vmem>> -> memref<16xi32, #tpu.memory_space<vmem>>
              %dma_start3A_357 = arith.constant 0 : i32
              %dma_start3A_358 = arith.constant 0 : i32
              %dma_start3A_359 = tpu.memref_slice %arg2[%dma_start3A_357, %dma_start3A_358] : memref<16384x128xf32, #tpu.memory_space<hbm>> -> memref<16384x128xf32, #tpu.memory_space<hbm>>
              tpu.enqueue_indirect_dma source(%dma_start3A_359 : memref<16384x128xf32, #tpu.memory_space<hbm>>) target(%arg15 : memref<16x128xf32, #tpu.memory_space<vmem>>) offsets(%dma_start3A_356 : memref<16xi32, #tpu.memory_space<vmem>>) semaphore(%arg22 : memref<!tpu.dma_semaphore, #tpu.memory_space<semaphore_mem>>)
              %dma_wait3A_360 = tpu.memref_slice %arg11[%shift_right_logical3A_239, %mul3A_243] : memref<8x128xi32, #tpu.memory_space<vmem>> -> memref<1x16xi32, #tpu.memory_space<vmem>>
              %dma_wait3A_361 = tpu.memref_squeeze %dma_wait3A_360 : memref<1x16xi32, #tpu.memory_space<vmem>> -> memref<16xi32, #tpu.memory_space<vmem>>
              %dma_wait3A_362 = arith.constant 0 : i32
              %dma_wait3A_363 = arith.constant 0 : i32
              %dma_wait3A_364 = tpu.memref_slice %arg2[%dma_wait3A_362, %dma_wait3A_363] : memref<16384x128xf32, #tpu.memory_space<hbm>> -> memref<16384x128xf32, #tpu.memory_space<hbm>>
              tpu.wait_indirect_dma semaphore(%arg22 : memref<!tpu.dma_semaphore, #tpu.memory_space<semaphore_mem>>) src(%dma_wait3A_364 : memref<16384x128xf32, #tpu.memory_space<hbm>>) dst(%arg15 : memref<16x128xf32, #tpu.memory_space<vmem>>)
            } else {
            }
            %mul3A_249 = arith.constant 16 : i32
            %mul3A_250 = arith.muli %while3A_237, %mul3A_249 : i32
            %add3A_251 = vector.broadcast %mul3A_250 : i32 to vector<16xi32>
            %add3A_252 = arith.addi %add3A_251, %iota3A : vector<16xi32>
            %lt3A_253 = vector.broadcast %scan3A_122 : i32 to vector<16xi32>
            %lt3A_254 = arith.cmpi slt, %add3A_252, %lt3A_253 : vector<16xi32>
            %broadcast_in_dim3A_255 = vector.broadcast %shift_right_logical3A_239 : i32 to vector<16xi32>
            %add3A_256 = vector.broadcast %mul3A_243 : i32 to vector<16xi32>
            %add3A_257 = arith.addi %add3A_256, %iota3A : vector<16xi32>
            %gather3A = tpu.vector_load_idx %arg13[%broadcast_in_dim3A_255, %add3A_257] masked %lt3A_254 : memref<8x128xi32, #tpu.memory_space<vmem>>[vector<16xi32>, vector<16xi32>], vector<16xi32>, vector<16xi1>
            %broadcast_in_dim3A_258 = arith.constant 0 : i32
            %broadcast_in_dim3A_259 = vector.broadcast %broadcast_in_dim3A_258 : i32 to vector<16xi32>
            %gather3A_260 = tpu.vector_load_idx %arg15[%iota3A, %broadcast_in_dim3A_259] masked %lt3A_254 : memref<16x128xf32, #tpu.memory_space<vmem>>[vector<16xi32>, vector<16xi32>], vector<16xf32>, vector<16xi1>
            tpu.vector_store_idx %arg9[%broadcast_in_dim3A_259, %gather3A], %gather3A_260 masked %lt3A_254 : memref<32x1024xf32, #tpu.memory_space<vmem>>[vector<16xi32>, vector<16xi32>], vector<16xf32>, vector<16xi1>
            %broadcast_in_dim3A_261 = arith.constant 1 : i32
            %broadcast_in_dim3A_262 = vector.broadcast %broadcast_in_dim3A_261 : i32 to vector<16xi32>
            %gather3A_263 = tpu.vector_load_idx %arg15[%iota3A, %broadcast_in_dim3A_262] masked %lt3A_254 : memref<16x128xf32, #tpu.memory_space<vmem>>[vector<16xi32>, vector<16xi32>], vector<16xf32>, vector<16xi1>
            tpu.vector_store_idx %arg9[%broadcast_in_dim3A_262, %gather3A], %gather3A_263 masked %lt3A_254 : memref<32x1024xf32, #tpu.memory_space<vmem>>[vector<16xi32>, vector<16xi32>], vector<16xf32>, vector<16xi1>
            %broadcast_in_dim3A_264 = arith.constant 2 : i32
            %broadcast_in_dim3A_265 = vector.broadcast %broadcast_in_dim3A_264 : i32 to vector<16xi32>
            %gather3A_266 = tpu.vector_load_idx %arg15[%iota3A, %broadcast_in_dim3A_265] masked %lt3A_254 : memref<16x128xf32, #tpu.memory_space<vmem>>[vector<16xi32>, vector<16xi32>], vector<16xf32>, vector<16xi1>
            tpu.vector_store_idx %arg9[%broadcast_in_dim3A_265, %gather3A], %gather3A_266 masked %lt3A_254 : memref<32x1024xf32, #tpu.memory_space<vmem>>[vector<16xi32>, vector<16xi32>], vector<16xf32>, vector<16xi1>
            %broadcast_in_dim3A_267 = arith.constant 3 : i32
            %broadcast_in_dim3A_268 = vector.broadcast %broadcast_in_dim3A_267 : i32 to vector<16xi32>
            %gather3A_269 = tpu.vector_load_idx %arg15[%iota3A, %broadcast_in_dim3A_268] masked %lt3A_254 : memref<16x128xf32, #tpu.memory_space<vmem>>[vector<16xi32>, vector<16xi32>], vector<16xf32>, vector<16xi1>
            tpu.vector_store_idx %arg9[%broadcast_in_dim3A_268, %gather3A], %gather3A_269 masked %lt3A_254 : memref<32x1024xf32, #tpu.memory_space<vmem>>[vector<16xi32>, vector<16xi32>], vector<16xf32>, vector<16xi1>
            %broadcast_in_dim3A_270 = arith.constant 4 : i32
            %broadcast_in_dim3A_271 = vector.broadcast %broadcast_in_dim3A_270 : i32 to vector<16xi32>
            %gather3A_272 = tpu.vector_load_idx %arg15[%iota3A, %broadcast_in_dim3A_271] masked %lt3A_254 : memref<16x128xf32, #tpu.memory_space<vmem>>[vector<16xi32>, vector<16xi32>], vector<16xf32>, vector<16xi1>
            tpu.vector_store_idx %arg9[%broadcast_in_dim3A_271, %gather3A], %gather3A_272 masked %lt3A_254 : memref<32x1024xf32, #tpu.memory_space<vmem>>[vector<16xi32>, vector<16xi32>], vector<16xf32>, vector<16xi1>
            %broadcast_in_dim3A_273 = arith.constant 5 : i32
            %broadcast_in_dim3A_274 = vector.broadcast %broadcast_in_dim3A_273 : i32 to vector<16xi32>
            %gather3A_275 = tpu.vector_load_idx %arg15[%iota3A, %broadcast_in_dim3A_274] masked %lt3A_254 : memref<16x128xf32, #tpu.memory_space<vmem>>[vector<16xi32>, vector<16xi32>], vector<16xf32>, vector<16xi1>
            tpu.vector_store_idx %arg9[%broadcast_in_dim3A_274, %gather3A], %gather3A_275 masked %lt3A_254 : memref<32x1024xf32, #tpu.memory_space<vmem>>[vector<16xi32>, vector<16xi32>], vector<16xf32>, vector<16xi1>
            %broadcast_in_dim3A_276 = arith.constant 6 : i32
            %broadcast_in_dim3A_277 = vector.broadcast %broadcast_in_dim3A_276 : i32 to vector<16xi32>
            %gather3A_278 = tpu.vector_load_idx %arg15[%iota3A, %broadcast_in_dim3A_277] masked %lt3A_254 : memref<16x128xf32, #tpu.memory_space<vmem>>[vector<16xi32>, vector<16xi32>], vector<16xf32>, vector<16xi1>
            tpu.vector_store_idx %arg9[%broadcast_in_dim3A_277, %gather3A], %gather3A_278 masked %lt3A_254 : memref<32x1024xf32, #tpu.memory_space<vmem>>[vector<16xi32>, vector<16xi32>], vector<16xf32>, vector<16xi1>
            %broadcast_in_dim3A_279 = arith.constant 7 : i32
            %broadcast_in_dim3A_280 = vector.broadcast %broadcast_in_dim3A_279 : i32 to vector<16xi32>
            %gather3A_281 = tpu.vector_load_idx %arg15[%iota3A, %broadcast_in_dim3A_280] masked %lt3A_254 : memref<16x128xf32, #tpu.memory_space<vmem>>[vector<16xi32>, vector<16xi32>], vector<16xf32>, vector<16xi1>
            tpu.vector_store_idx %arg9[%broadcast_in_dim3A_280, %gather3A], %gather3A_281 masked %lt3A_254 : memref<32x1024xf32, #tpu.memory_space<vmem>>[vector<16xi32>, vector<16xi32>], vector<16xf32>, vector<16xi1>
            %broadcast_in_dim3A_282 = arith.constant 8 : i32
            %broadcast_in_dim3A_283 = vector.broadcast %broadcast_in_dim3A_282 : i32 to vector<16xi32>
            %gather3A_284 = tpu.vector_load_idx %arg15[%iota3A, %broadcast_in_dim3A_283] masked %lt3A_254 : memref<16x128xf32, #tpu.memory_space<vmem>>[vector<16xi32>, vector<16xi32>], vector<16xf32>, vector<16xi1>
            tpu.vector_store_idx %arg9[%broadcast_in_dim3A_283, %gather3A], %gather3A_284 masked %lt3A_254 : memref<32x1024xf32, #tpu.memory_space<vmem>>[vector<16xi32>, vector<16xi32>], vector<16xf32>, vector<16xi1>
            %broadcast_in_dim3A_285 = arith.constant 9 : i32
            %broadcast_in_dim3A_286 = vector.broadcast %broadcast_in_dim3A_285 : i32 to vector<16xi32>
            %gather3A_287 = tpu.vector_load_idx %arg15[%iota3A, %broadcast_in_dim3A_286] masked %lt3A_254 : memref<16x128xf32, #tpu.memory_space<vmem>>[vector<16xi32>, vector<16xi32>], vector<16xf32>, vector<16xi1>
            tpu.vector_store_idx %arg9[%broadcast_in_dim3A_286, %gather3A], %gather3A_287 masked %lt3A_254 : memref<32x1024xf32, #tpu.memory_space<vmem>>[vector<16xi32>, vector<16xi32>], vector<16xf32>, vector<16xi1>
            %broadcast_in_dim3A_288 = arith.constant 10 : i32
            %broadcast_in_dim3A_289 = vector.broadcast %broadcast_in_dim3A_288 : i32 to vector<16xi32>
            %gather3A_290 = tpu.vector_load_idx %arg15[%iota3A, %broadcast_in_dim3A_289] masked %lt3A_254 : memref<16x128xf32, #tpu.memory_space<vmem>>[vector<16xi32>, vector<16xi32>], vector<16xf32>, vector<16xi1>
            tpu.vector_store_idx %arg9[%broadcast_in_dim3A_289, %gather3A], %gather3A_290 masked %lt3A_254 : memref<32x1024xf32, #tpu.memory_space<vmem>>[vector<16xi32>, vector<16xi32>], vector<16xf32>, vector<16xi1>
            %broadcast_in_dim3A_291 = arith.constant 11 : i32
            %broadcast_in_dim3A_292 = vector.broadcast %broadcast_in_dim3A_291 : i32 to vector<16xi32>
            %gather3A_293 = tpu.vector_load_idx %arg15[%iota3A, %broadcast_in_dim3A_292] masked %lt3A_254 : memref<16x128xf32, #tpu.memory_space<vmem>>[vector<16xi32>, vector<16xi32>], vector<16xf32>, vector<16xi1>
            tpu.vector_store_idx %arg9[%broadcast_in_dim3A_292, %gather3A], %gather3A_293 masked %lt3A_254 : memref<32x1024xf32, #tpu.memory_space<vmem>>[vector<16xi32>, vector<16xi32>], vector<16xf32>, vector<16xi1>
            %broadcast_in_dim3A_294 = arith.constant 12 : i32
            %broadcast_in_dim3A_295 = vector.broadcast %broadcast_in_dim3A_294 : i32 to vector<16xi32>
            %gather3A_296 = tpu.vector_load_idx %arg15[%iota3A, %broadcast_in_dim3A_295] masked %lt3A_254 : memref<16x128xf32, #tpu.memory_space<vmem>>[vector<16xi32>, vector<16xi32>], vector<16xf32>, vector<16xi1>
            tpu.vector_store_idx %arg9[%broadcast_in_dim3A_295, %gather3A], %gather3A_296 masked %lt3A_254 : memref<32x1024xf32, #tpu.memory_space<vmem>>[vector<16xi32>, vector<16xi32>], vector<16xf32>, vector<16xi1>
            %broadcast_in_dim3A_297 = arith.constant 13 : i32
            %broadcast_in_dim3A_298 = vector.broadcast %broadcast_in_dim3A_297 : i32 to vector<16xi32>
            %gather3A_299 = tpu.vector_load_idx %arg15[%iota3A, %broadcast_in_dim3A_298] masked %lt3A_254 : memref<16x128xf32, #tpu.memory_space<vmem>>[vector<16xi32>, vector<16xi32>], vector<16xf32>, vector<16xi1>
            tpu.vector_store_idx %arg9[%broadcast_in_dim3A_298, %gather3A], %gather3A_299 masked %lt3A_254 : memref<32x1024xf32, #tpu.memory_space<vmem>>[vector<16xi32>, vector<16xi32>], vector<16xf32>, vector<16xi1>
            %broadcast_in_dim3A_300 = arith.constant 14 : i32
            %broadcast_in_dim3A_301 = vector.broadcast %broadcast_in_dim3A_300 : i32 to vector<16xi32>
            %gather3A_302 = tpu.vector_load_idx %arg15[%iota3A, %broadcast_in_dim3A_301] masked %lt3A_254 : memref<16x128xf32, #tpu.memory_space<vmem>>[vector<16xi32>, vector<16xi32>], vector<16xf32>, vector<16xi1>
            tpu.vector_store_idx %arg9[%broadcast_in_dim3A_301, %gather3A], %gather3A_302 masked %lt3A_254 : memref<32x1024xf32, #tpu.memory_space<vmem>>[vector<16xi32>, vector<16xi32>], vector<16xf32>, vector<16xi1>
            %broadcast_in_dim3A_303 = arith.constant 15 : i32
            %broadcast_in_dim3A_304 = vector.broadcast %broadcast_in_dim3A_303 : i32 to vector<16xi32>
            %gather3A_305 = tpu.vector_load_idx %arg15[%iota3A, %broadcast_in_dim3A_304] masked %lt3A_254 : memref<16x128xf32, #tpu.memory_space<vmem>>[vector<16xi32>, vector<16xi32>], vector<16xf32>, vector<16xi1>
            tpu.vector_store_idx %arg9[%broadcast_in_dim3A_304, %gather3A], %gather3A_305 masked %lt3A_254 : memref<32x1024xf32, #tpu.memory_space<vmem>>[vector<16xi32>, vector<16xi32>], vector<16xf32>, vector<16xi1>
            %broadcast_in_dim3A_306 = arith.constant 16 : i32
            %broadcast_in_dim3A_307 = vector.broadcast %broadcast_in_dim3A_306 : i32 to vector<16xi32>
            %gather3A_308 = tpu.vector_load_idx %arg15[%iota3A, %broadcast_in_dim3A_307] masked %lt3A_254 : memref<16x128xf32, #tpu.memory_space<vmem>>[vector<16xi32>, vector<16xi32>], vector<16xf32>, vector<16xi1>
            tpu.vector_store_idx %arg9[%broadcast_in_dim3A_307, %gather3A], %gather3A_308 masked %lt3A_254 : memref<32x1024xf32, #tpu.memory_space<vmem>>[vector<16xi32>, vector<16xi32>], vector<16xf32>, vector<16xi1>
            %broadcast_in_dim3A_309 = arith.constant 17 : i32
            %broadcast_in_dim3A_310 = vector.broadcast %broadcast_in_dim3A_309 : i32 to vector<16xi32>
            %gather3A_311 = tpu.vector_load_idx %arg15[%iota3A, %broadcast_in_dim3A_310] masked %lt3A_254 : memref<16x128xf32, #tpu.memory_space<vmem>>[vector<16xi32>, vector<16xi32>], vector<16xf32>, vector<16xi1>
            tpu.vector_store_idx %arg9[%broadcast_in_dim3A_310, %gather3A], %gather3A_311 masked %lt3A_254 : memref<32x1024xf32, #tpu.memory_space<vmem>>[vector<16xi32>, vector<16xi32>], vector<16xf32>, vector<16xi1>
            %broadcast_in_dim3A_312 = arith.constant 18 : i32
            %broadcast_in_dim3A_313 = vector.broadcast %broadcast_in_dim3A_312 : i32 to vector<16xi32>
            %gather3A_314 = tpu.vector_load_idx %arg15[%iota3A, %broadcast_in_dim3A_313] masked %lt3A_254 : memref<16x128xf32, #tpu.memory_space<vmem>>[vector<16xi32>, vector<16xi32>], vector<16xf32>, vector<16xi1>
            tpu.vector_store_idx %arg9[%broadcast_in_dim3A_313, %gather3A], %gather3A_314 masked %lt3A_254 : memref<32x1024xf32, #tpu.memory_space<vmem>>[vector<16xi32>, vector<16xi32>], vector<16xf32>, vector<16xi1>
            %broadcast_in_dim3A_315 = arith.constant 19 : i32
            %broadcast_in_dim3A_316 = vector.broadcast %broadcast_in_dim3A_315 : i32 to vector<16xi32>
            %gather3A_317 = tpu.vector_load_idx %arg15[%iota3A, %broadcast_in_dim3A_316] masked %lt3A_254 : memref<16x128xf32, #tpu.memory_space<vmem>>[vector<16xi32>, vector<16xi32>], vector<16xf32>, vector<16xi1>
            tpu.vector_store_idx %arg9[%broadcast_in_dim3A_316, %gather3A], %gather3A_317 masked %lt3A_254 : memref<32x1024xf32, #tpu.memory_space<vmem>>[vector<16xi32>, vector<16xi32>], vector<16xf32>, vector<16xi1>
            %broadcast_in_dim3A_318 = arith.constant 20 : i32
            %broadcast_in_dim3A_319 = vector.broadcast %broadcast_in_dim3A_318 : i32 to vector<16xi32>
            %gather3A_320 = tpu.vector_load_idx %arg15[%iota3A, %broadcast_in_dim3A_319] masked %lt3A_254 : memref<16x128xf32, #tpu.memory_space<vmem>>[vector<16xi32>, vector<16xi32>], vector<16xf32>, vector<16xi1>
            tpu.vector_store_idx %arg9[%broadcast_in_dim3A_319, %gather3A], %gather3A_320 masked %lt3A_254 : memref<32x1024xf32, #tpu.memory_space<vmem>>[vector<16xi32>, vector<16xi32>], vector<16xf32>, vector<16xi1>
            %broadcast_in_dim3A_321 = arith.constant 21 : i32
            %broadcast_in_dim3A_322 = vector.broadcast %broadcast_in_dim3A_321 : i32 to vector<16xi32>
            %gather3A_323 = tpu.vector_load_idx %arg15[%iota3A, %broadcast_in_dim3A_322] masked %lt3A_254 : memref<16x128xf32, #tpu.memory_space<vmem>>[vector<16xi32>, vector<16xi32>], vector<16xf32>, vector<16xi1>
            tpu.vector_store_idx %arg9[%broadcast_in_dim3A_322, %gather3A], %gather3A_323 masked %lt3A_254 : memref<32x1024xf32, #tpu.memory_space<vmem>>[vector<16xi32>, vector<16xi32>], vector<16xf32>, vector<16xi1>
            %broadcast_in_dim3A_324 = arith.constant 22 : i32
            %broadcast_in_dim3A_325 = vector.broadcast %broadcast_in_dim3A_324 : i32 to vector<16xi32>
            %gather3A_326 = tpu.vector_load_idx %arg15[%iota3A, %broadcast_in_dim3A_325] masked %lt3A_254 : memref<16x128xf32, #tpu.memory_space<vmem>>[vector<16xi32>, vector<16xi32>], vector<16xf32>, vector<16xi1>
            tpu.vector_store_idx %arg9[%broadcast_in_dim3A_325, %gather3A], %gather3A_326 masked %lt3A_254 : memref<32x1024xf32, #tpu.memory_space<vmem>>[vector<16xi32>, vector<16xi32>], vector<16xf32>, vector<16xi1>
            %broadcast_in_dim3A_327 = arith.constant 23 : i32
            %broadcast_in_dim3A_328 = vector.broadcast %broadcast_in_dim3A_327 : i32 to vector<16xi32>
            %gather3A_329 = tpu.vector_load_idx %arg15[%iota3A, %broadcast_in_dim3A_328] masked %lt3A_254 : memref<16x128xf32, #tpu.memory_space<vmem>>[vector<16xi32>, vector<16xi32>], vector<16xf32>, vector<16xi1>
            tpu.vector_store_idx %arg9[%broadcast_in_dim3A_328, %gather3A], %gather3A_329 masked %lt3A_254 : memref<32x1024xf32, #tpu.memory_space<vmem>>[vector<16xi32>, vector<16xi32>], vector<16xf32>, vector<16xi1>
            %broadcast_in_dim3A_330 = arith.constant 24 : i32
            %broadcast_in_dim3A_331 = vector.broadcast %broadcast_in_dim3A_330 : i32 to vector<16xi32>
            %gather3A_332 = tpu.vector_load_idx %arg15[%iota3A, %broadcast_in_dim3A_331] masked %lt3A_254 : memref<16x128xf32, #tpu.memory_space<vmem>>[vector<16xi32>, vector<16xi32>], vector<16xf32>, vector<16xi1>
            tpu.vector_store_idx %arg9[%broadcast_in_dim3A_331, %gather3A], %gather3A_332 masked %lt3A_254 : memref<32x1024xf32, #tpu.memory_space<vmem>>[vector<16xi32>, vector<16xi32>], vector<16xf32>, vector<16xi1>
            %broadcast_in_dim3A_333 = arith.constant 25 : i32
            %broadcast_in_dim3A_334 = vector.broadcast %broadcast_in_dim3A_333 : i32 to vector<16xi32>
            %gather3A_335 = tpu.vector_load_idx %arg15[%iota3A, %broadcast_in_dim3A_334] masked %lt3A_254 : memref<16x128xf32, #tpu.memory_space<vmem>>[vector<16xi32>, vector<16xi32>], vector<16xf32>, vector<16xi1>
            tpu.vector_store_idx %arg9[%broadcast_in_dim3A_334, %gather3A], %gather3A_335 masked %lt3A_254 : memref<32x1024xf32, #tpu.memory_space<vmem>>[vector<16xi32>, vector<16xi32>], vector<16xf32>, vector<16xi1>
            %broadcast_in_dim3A_336 = arith.constant 26 : i32
            %broadcast_in_dim3A_337 = vector.broadcast %broadcast_in_dim3A_336 : i32 to vector<16xi32>
            %gather3A_338 = tpu.vector_load_idx %arg15[%iota3A, %broadcast_in_dim3A_337] masked %lt3A_254 : memref<16x128xf32, #tpu.memory_space<vmem>>[vector<16xi32>, vector<16xi32>], vector<16xf32>, vector<16xi1>
            tpu.vector_store_idx %arg9[%broadcast_in_dim3A_337, %gather3A], %gather3A_338 masked %lt3A_254 : memref<32x1024xf32, #tpu.memory_space<vmem>>[vector<16xi32>, vector<16xi32>], vector<16xf32>, vector<16xi1>
            %broadcast_in_dim3A_339 = arith.constant 27 : i32
            %broadcast_in_dim3A_340 = vector.broadcast %broadcast_in_dim3A_339 : i32 to vector<16xi32>
            %gather3A_341 = tpu.vector_load_idx %arg15[%iota3A, %broadcast_in_dim3A_340] masked %lt3A_254 : memref<16x128xf32, #tpu.memory_space<vmem>>[vector<16xi32>, vector<16xi32>], vector<16xf32>, vector<16xi1>
            tpu.vector_store_idx %arg9[%broadcast_in_dim3A_340, %gather3A], %gather3A_341 masked %lt3A_254 : memref<32x1024xf32, #tpu.memory_space<vmem>>[vector<16xi32>, vector<16xi32>], vector<16xf32>, vector<16xi1>
            %broadcast_in_dim3A_342 = arith.constant 28 : i32
            %broadcast_in_dim3A_343 = vector.broadcast %broadcast_in_dim3A_342 : i32 to vector<16xi32>
            %gather3A_344 = tpu.vector_load_idx %arg15[%iota3A, %broadcast_in_dim3A_343] masked %lt3A_254 : memref<16x128xf32, #tpu.memory_space<vmem>>[vector<16xi32>, vector<16xi32>], vector<16xf32>, vector<16xi1>
            tpu.vector_store_idx %arg9[%broadcast_in_dim3A_343, %gather3A], %gather3A_344 masked %lt3A_254 : memref<32x1024xf32, #tpu.memory_space<vmem>>[vector<16xi32>, vector<16xi32>], vector<16xf32>, vector<16xi1>
            %broadcast_in_dim3A_345 = arith.constant 29 : i32
            %broadcast_in_dim3A_346 = vector.broadcast %broadcast_in_dim3A_345 : i32 to vector<16xi32>
            %gather3A_347 = tpu.vector_load_idx %arg15[%iota3A, %broadcast_in_dim3A_346] masked %lt3A_254 : memref<16x128xf32, #tpu.memory_space<vmem>>[vector<16xi32>, vector<16xi32>], vector<16xf32>, vector<16xi1>
            tpu.vector_store_idx %arg9[%broadcast_in_dim3A_346, %gather3A], %gather3A_347 masked %lt3A_254 : memref<32x1024xf32, #tpu.memory_space<vmem>>[vector<16xi32>, vector<16xi32>], vector<16xf32>, vector<16xi1>
            %broadcast_in_dim3A_348 = arith.constant 30 : i32
            %broadcast_in_dim3A_349 = vector.broadcast %broadcast_in_dim3A_348 : i32 to vector<16xi32>
            %gather3A_350 = tpu.vector_load_idx %arg15[%iota3A, %broadcast_in_dim3A_349] masked %lt3A_254 : memref<16x128xf32, #tpu.memory_space<vmem>>[vector<16xi32>, vector<16xi32>], vector<16xf32>, vector<16xi1>
            tpu.vector_store_idx %arg9[%broadcast_in_dim3A_349, %gather3A], %gather3A_350 masked %lt3A_254 : memref<32x1024xf32, #tpu.memory_space<vmem>>[vector<16xi32>, vector<16xi32>], vector<16xf32>, vector<16xi1>
            %broadcast_in_dim3A_351 = arith.constant 31 : i32
            %broadcast_in_dim3A_352 = vector.broadcast %broadcast_in_dim3A_351 : i32 to vector<16xi32>
            %gather3A_353 = tpu.vector_load_idx %arg15[%iota3A, %broadcast_in_dim3A_352] masked %lt3A_254 : memref<16x128xf32, #tpu.memory_space<vmem>>[vector<16xi32>, vector<16xi32>], vector<16xf32>, vector<16xi1>
            tpu.vector_store_idx %arg9[%broadcast_in_dim3A_352, %gather3A], %gather3A_353 masked %lt3A_254 : memref<32x1024xf32, #tpu.memory_space<vmem>>[vector<16xi32>, vector<16xi32>], vector<16xf32>, vector<16xi1>
            %while3A_354 = arith.constant 0 : i32
            scf.yield %while3A_354 : i32
          }
          %while3A_235 = arith.constant 1 : i32
          %while3A_236 = scf.for %while3A_237 = %while3A_232 to %while3A_228 step %while3A_235 iter_args(%while3A_238 = %while3A_234) -> (i32)  : i32 {
            %shift_right_logical3A = arith.constant 3 : i32
            %shift_right_logical3A_239 = arith.shrui %while3A_237, %shift_right_logical3A : i32
            %and3A_240 = arith.constant 7 : i32
            %and3A_241 = arith.andi %while3A_237, %and3A_240 : i32
            %mul3A_242 = arith.constant 16 : i32
            %mul3A_243 = arith.muli %and3A_241, %mul3A_242 : i32
            %gt3A_244 = arith.constant 0 : i32
            %gt3A_245 = arith.cmpi sgt, %while3A_237, %gt3A_244 : i32
            %convert_element_type3A_246 = arith.extui %gt3A_245 : i1 to i32
            %cond3A_247 = arith.constant 0 : i32
            %cond3A_248 = arith.cmpi ne, %convert_element_type3A_246, %cond3A_247 : i32
            scf.if %cond3A_248 {
              %dma_start3A_355 = tpu.memref_slice %arg11[%shift_right_logical3A_239, %mul3A_243] : memref<8x128xi32, #tpu.memory_space<vmem>> -> memref<1x16xi32, #tpu.memory_space<vmem>>
              %dma_start3A_356 = tpu.memref_squeeze %dma_start3A_355 : memref<1x16xi32, #tpu.memory_space<vmem>> -> memref<16xi32, #tpu.memory_space<vmem>>
              %dma_start3A_357 = arith.constant 0 : i32
              %dma_start3A_358 = arith.constant 0 : i32
              %dma_start3A_359 = tpu.memref_slice %arg2[%dma_start3A_357, %dma_start3A_358] : memref<16384x128xf32, #tpu.memory_space<hbm>> -> memref<16384x128xf32, #tpu.memory_space<hbm>>
              tpu.enqueue_indirect_dma source(%dma_start3A_359 : memref<16384x128xf32, #tpu.memory_space<hbm>>) target(%arg15 : memref<16x128xf32, #tpu.memory_space<vmem>>) offsets(%dma_start3A_356 : memref<16xi32, #tpu.memory_space<vmem>>) semaphore(%arg22 : memref<!tpu.dma_semaphore, #tpu.memory_space<semaphore_mem>>)
              %dma_wait3A_360 = tpu.memref_slice %arg11[%shift_right_logical3A_239, %mul3A_243] : memref<8x128xi32, #tpu.memory_space<vmem>> -> memref<1x16xi32, #tpu.memory_space<vmem>>
              %dma_wait3A_361 = tpu.memref_squeeze %dma_wait3A_360 : memref<1x16xi32, #tpu.memory_space<vmem>> -> memref<16xi32, #tpu.memory_space<vmem>>
              %dma_wait3A_362 = arith.constant 0 : i32
              %dma_wait3A_363 = arith.constant 0 : i32
              %dma_wait3A_364 = tpu.memref_slice %arg2[%dma_wait3A_362, %dma_wait3A_363] : memref<16384x128xf32, #tpu.memory_space<hbm>> -> memref<16384x128xf32, #tpu.memory_space<hbm>>
              tpu.wait_indirect_dma semaphore(%arg22 : memref<!tpu.dma_semaphore, #tpu.memory_space<semaphore_mem>>) src(%dma_wait3A_364 : memref<16384x128xf32, #tpu.memory_space<hbm>>) dst(%arg15 : memref<16x128xf32, #tpu.memory_space<vmem>>)
            } else {
            }
            %mul3A_249 = arith.constant 16 : i32
            %mul3A_250 = arith.muli %while3A_237, %mul3A_249 : i32
            %add3A_251 = vector.broadcast %mul3A_250 : i32 to vector<16xi32>
            %add3A_252 = arith.addi %add3A_251, %iota3A : vector<16xi32>
            %lt3A_253 = vector.broadcast %scan3A_122 : i32 to vector<16xi32>
            %lt3A_254 = arith.cmpi slt, %add3A_252, %lt3A_253 : vector<16xi32>
            %broadcast_in_dim3A_255 = vector.broadcast %shift_right_logical3A_239 : i32 to vector<16xi32>
            %add3A_256 = vector.broadcast %mul3A_243 : i32 to vector<16xi32>
            %add3A_257 = arith.addi %add3A_256, %iota3A : vector<16xi32>
            %gather3A = tpu.vector_load_idx %arg13[%broadcast_in_dim3A_255, %add3A_257] masked %lt3A_254 : memref<8x128xi32, #tpu.memory_space<vmem>>[vector<16xi32>, vector<16xi32>], vector<16xi32>, vector<16xi1>
            %broadcast_in_dim3A_258 = arith.constant 0 : i32
            %broadcast_in_dim3A_259 = vector.broadcast %broadcast_in_dim3A_258 : i32 to vector<16xi32>
            %gather3A_260 = tpu.vector_load_idx %arg15[%iota3A, %broadcast_in_dim3A_259] masked %lt3A_254 : memref<16x128xf32, #tpu.memory_space<vmem>>[vector<16xi32>, vector<16xi32>], vector<16xf32>, vector<16xi1>
            tpu.vector_store_idx %arg9[%broadcast_in_dim3A_259, %gather3A], %gather3A_260 masked %lt3A_254 : memref<32x1024xf32, #tpu.memory_space<vmem>>[vector<16xi32>, vector<16xi32>], vector<16xf32>, vector<16xi1>
            %broadcast_in_dim3A_261 = arith.constant 1 : i32
            %broadcast_in_dim3A_262 = vector.broadcast %broadcast_in_dim3A_261 : i32 to vector<16xi32>
            %gather3A_263 = tpu.vector_load_idx %arg15[%iota3A, %broadcast_in_dim3A_262] masked %lt3A_254 : memref<16x128xf32, #tpu.memory_space<vmem>>[vector<16xi32>, vector<16xi32>], vector<16xf32>, vector<16xi1>
            tpu.vector_store_idx %arg9[%broadcast_in_dim3A_262, %gather3A], %gather3A_263 masked %lt3A_254 : memref<32x1024xf32, #tpu.memory_space<vmem>>[vector<16xi32>, vector<16xi32>], vector<16xf32>, vector<16xi1>
            %broadcast_in_dim3A_264 = arith.constant 2 : i32
            %broadcast_in_dim3A_265 = vector.broadcast %broadcast_in_dim3A_264 : i32 to vector<16xi32>
            %gather3A_266 = tpu.vector_load_idx %arg15[%iota3A, %broadcast_in_dim3A_265] masked %lt3A_254 : memref<16x128xf32, #tpu.memory_space<vmem>>[vector<16xi32>, vector<16xi32>], vector<16xf32>, vector<16xi1>
            tpu.vector_store_idx %arg9[%broadcast_in_dim3A_265, %gather3A], %gather3A_266 masked %lt3A_254 : memref<32x1024xf32, #tpu.memory_space<vmem>>[vector<16xi32>, vector<16xi32>], vector<16xf32>, vector<16xi1>
            %broadcast_in_dim3A_267 = arith.constant 3 : i32
            %broadcast_in_dim3A_268 = vector.broadcast %broadcast_in_dim3A_267 : i32 to vector<16xi32>
            %gather3A_269 = tpu.vector_load_idx %arg15[%iota3A, %broadcast_in_dim3A_268] masked %lt3A_254 : memref<16x128xf32, #tpu.memory_space<vmem>>[vector<16xi32>, vector<16xi32>], vector<16xf32>, vector<16xi1>
            tpu.vector_store_idx %arg9[%broadcast_in_dim3A_268, %gather3A], %gather3A_269 masked %lt3A_254 : memref<32x1024xf32, #tpu.memory_space<vmem>>[vector<16xi32>, vector<16xi32>], vector<16xf32>, vector<16xi1>
            %broadcast_in_dim3A_270 = arith.constant 4 : i32
            %broadcast_in_dim3A_271 = vector.broadcast %broadcast_in_dim3A_270 : i32 to vector<16xi32>
            %gather3A_272 = tpu.vector_load_idx %arg15[%iota3A, %broadcast_in_dim3A_271] masked %lt3A_254 : memref<16x128xf32, #tpu.memory_space<vmem>>[vector<16xi32>, vector<16xi32>], vector<16xf32>, vector<16xi1>
            tpu.vector_store_idx %arg9[%broadcast_in_dim3A_271, %gather3A], %gather3A_272 masked %lt3A_254 : memref<32x1024xf32, #tpu.memory_space<vmem>>[vector<16xi32>, vector<16xi32>], vector<16xf32>, vector<16xi1>
            %broadcast_in_dim3A_273 = arith.constant 5 : i32
            %broadcast_in_dim3A_274 = vector.broadcast %broadcast_in_dim3A_273 : i32 to vector<16xi32>
            %gather3A_275 = tpu.vector_load_idx %arg15[%iota3A, %broadcast_in_dim3A_274] masked %lt3A_254 : memref<16x128xf32, #tpu.memory_space<vmem>>[vector<16xi32>, vector<16xi32>], vector<16xf32>, vector<16xi1>
            tpu.vector_store_idx %arg9[%broadcast_in_dim3A_274, %gather3A], %gather3A_275 masked %lt3A_254 : memref<32x1024xf32, #tpu.memory_space<vmem>>[vector<16xi32>, vector<16xi32>], vector<16xf32>, vector<16xi1>
            %broadcast_in_dim3A_276 = arith.constant 6 : i32
            %broadcast_in_dim3A_277 = vector.broadcast %broadcast_in_dim3A_276 : i32 to vector<16xi32>
            %gather3A_278 = tpu.vector_load_idx %arg15[%iota3A, %broadcast_in_dim3A_277] masked %lt3A_254 : memref<16x128xf32, #tpu.memory_space<vmem>>[vector<16xi32>, vector<16xi32>], vector<16xf32>, vector<16xi1>
            tpu.vector_store_idx %arg9[%broadcast_in_dim3A_277, %gather3A], %gather3A_278 masked %lt3A_254 : memref<32x1024xf32, #tpu.memory_space<vmem>>[vector<16xi32>, vector<16xi32>], vector<16xf32>, vector<16xi1>
            %broadcast_in_dim3A_279 = arith.constant 7 : i32
            %broadcast_in_dim3A_280 = vector.broadcast %broadcast_in_dim3A_279 : i32 to vector<16xi32>
            %gather3A_281 = tpu.vector_load_idx %arg15[%iota3A, %broadcast_in_dim3A_280] masked %lt3A_254 : memref<16x128xf32, #tpu.memory_space<vmem>>[vector<16xi32>, vector<16xi32>], vector<16xf32>, vector<16xi1>
            tpu.vector_store_idx %arg9[%broadcast_in_dim3A_280, %gather3A], %gather3A_281 masked %lt3A_254 : memref<32x1024xf32, #tpu.memory_space<vmem>>[vector<16xi32>, vector<16xi32>], vector<16xf32>, vector<16xi1>
            %broadcast_in_dim3A_282 = arith.constant 8 : i32
            %broadcast_in_dim3A_283 = vector.broadcast %broadcast_in_dim3A_282 : i32 to vector<16xi32>
            %gather3A_284 = tpu.vector_load_idx %arg15[%iota3A, %broadcast_in_dim3A_283] masked %lt3A_254 : memref<16x128xf32, #tpu.memory_space<vmem>>[vector<16xi32>, vector<16xi32>], vector<16xf32>, vector<16xi1>
            tpu.vector_store_idx %arg9[%broadcast_in_dim3A_283, %gather3A], %gather3A_284 masked %lt3A_254 : memref<32x1024xf32, #tpu.memory_space<vmem>>[vector<16xi32>, vector<16xi32>], vector<16xf32>, vector<16xi1>
            %broadcast_in_dim3A_285 = arith.constant 9 : i32
            %broadcast_in_dim3A_286 = vector.broadcast %broadcast_in_dim3A_285 : i32 to vector<16xi32>
            %gather3A_287 = tpu.vector_load_idx %arg15[%iota3A, %broadcast_in_dim3A_286] masked %lt3A_254 : memref<16x128xf32, #tpu.memory_space<vmem>>[vector<16xi32>, vector<16xi32>], vector<16xf32>, vector<16xi1>
            tpu.vector_store_idx %arg9[%broadcast_in_dim3A_286, %gather3A], %gather3A_287 masked %lt3A_254 : memref<32x1024xf32, #tpu.memory_space<vmem>>[vector<16xi32>, vector<16xi32>], vector<16xf32>, vector<16xi1>
            %broadcast_in_dim3A_288 = arith.constant 10 : i32
            %broadcast_in_dim3A_289 = vector.broadcast %broadcast_in_dim3A_288 : i32 to vector<16xi32>
            %gather3A_290 = tpu.vector_load_idx %arg15[%iota3A, %broadcast_in_dim3A_289] masked %lt3A_254 : memref<16x128xf32, #tpu.memory_space<vmem>>[vector<16xi32>, vector<16xi32>], vector<16xf32>, vector<16xi1>
            tpu.vector_store_idx %arg9[%broadcast_in_dim3A_289, %gather3A], %gather3A_290 masked %lt3A_254 : memref<32x1024xf32, #tpu.memory_space<vmem>>[vector<16xi32>, vector<16xi32>], vector<16xf32>, vector<16xi1>
            %broadcast_in_dim3A_291 = arith.constant 11 : i32
            %broadcast_in_dim3A_292 = vector.broadcast %broadcast_in_dim3A_291 : i32 to vector<16xi32>
            %gather3A_293 = tpu.vector_load_idx %arg15[%iota3A, %broadcast_in_dim3A_292] masked %lt3A_254 : memref<16x128xf32, #tpu.memory_space<vmem>>[vector<16xi32>, vector<16xi32>], vector<16xf32>, vector<16xi1>
            tpu.vector_store_idx %arg9[%broadcast_in_dim3A_292, %gather3A], %gather3A_293 masked %lt3A_254 : memref<32x1024xf32, #tpu.memory_space<vmem>>[vector<16xi32>, vector<16xi32>], vector<16xf32>, vector<16xi1>
            %broadcast_in_dim3A_294 = arith.constant 12 : i32
            %broadcast_in_dim3A_295 = vector.broadcast %broadcast_in_dim3A_294 : i32 to vector<16xi32>
            %gather3A_296 = tpu.vector_load_idx %arg15[%iota3A, %broadcast_in_dim3A_295] masked %lt3A_254 : memref<16x128xf32, #tpu.memory_space<vmem>>[vector<16xi32>, vector<16xi32>], vector<16xf32>, vector<16xi1>
            tpu.vector_store_idx %arg9[%broadcast_in_dim3A_295, %gather3A], %gather3A_296 masked %lt3A_254 : memref<32x1024xf32, #tpu.memory_space<vmem>>[vector<16xi32>, vector<16xi32>], vector<16xf32>, vector<16xi1>
            %broadcast_in_dim3A_297 = arith.constant 13 : i32
            %broadcast_in_dim3A_298 = vector.broadcast %broadcast_in_dim3A_297 : i32 to vector<16xi32>
            %gather3A_299 = tpu.vector_load_idx %arg15[%iota3A, %broadcast_in_dim3A_298] masked %lt3A_254 : memref<16x128xf32, #tpu.memory_space<vmem>>[vector<16xi32>, vector<16xi32>], vector<16xf32>, vector<16xi1>
            tpu.vector_store_idx %arg9[%broadcast_in_dim3A_298, %gather3A], %gather3A_299 masked %lt3A_254 : memref<32x1024xf32, #tpu.memory_space<vmem>>[vector<16xi32>, vector<16xi32>], vector<16xf32>, vector<16xi1>
            %broadcast_in_dim3A_300 = arith.constant 14 : i32
            %broadcast_in_dim3A_301 = vector.broadcast %broadcast_in_dim3A_300 : i32 to vector<16xi32>
            %gather3A_302 = tpu.vector_load_idx %arg15[%iota3A, %broadcast_in_dim3A_301] masked %lt3A_254 : memref<16x128xf32, #tpu.memory_space<vmem>>[vector<16xi32>, vector<16xi32>], vector<16xf32>, vector<16xi1>
            tpu.vector_store_idx %arg9[%broadcast_in_dim3A_301, %gather3A], %gather3A_302 masked %lt3A_254 : memref<32x1024xf32, #tpu.memory_space<vmem>>[vector<16xi32>, vector<16xi32>], vector<16xf32>, vector<16xi1>
            %broadcast_in_dim3A_303 = arith.constant 15 : i32
            %broadcast_in_dim3A_304 = vector.broadcast %broadcast_in_dim3A_303 : i32 to vector<16xi32>
            %gather3A_305 = tpu.vector_load_idx %arg15[%iota3A, %broadcast_in_dim3A_304] masked %lt3A_254 : memref<16x128xf32, #tpu.memory_space<vmem>>[vector<16xi32>, vector<16xi32>], vector<16xf32>, vector<16xi1>
            tpu.vector_store_idx %arg9[%broadcast_in_dim3A_304, %gather3A], %gather3A_305 masked %lt3A_254 : memref<32x1024xf32, #tpu.memory_space<vmem>>[vector<16xi32>, vector<16xi32>], vector<16xf32>, vector<16xi1>
            %broadcast_in_dim3A_306 = arith.constant 16 : i32
            %broadcast_in_dim3A_307 = vector.broadcast %broadcast_in_dim3A_306 : i32 to vector<16xi32>
            %gather3A_308 = tpu.vector_load_idx %arg15[%iota3A, %broadcast_in_dim3A_307] masked %lt3A_254 : memref<16x128xf32, #tpu.memory_space<vmem>>[vector<16xi32>, vector<16xi32>], vector<16xf32>, vector<16xi1>
            tpu.vector_store_idx %arg9[%broadcast_in_dim3A_307, %gather3A], %gather3A_308 masked %lt3A_254 : memref<32x1024xf32, #tpu.memory_space<vmem>>[vector<16xi32>, vector<16xi32>], vector<16xf32>, vector<16xi1>
            %broadcast_in_dim3A_309 = arith.constant 17 : i32
            %broadcast_in_dim3A_310 = vector.broadcast %broadcast_in_dim3A_309 : i32 to vector<16xi32>
            %gather3A_311 = tpu.vector_load_idx %arg15[%iota3A, %broadcast_in_dim3A_310] masked %lt3A_254 : memref<16x128xf32, #tpu.memory_space<vmem>>[vector<16xi32>, vector<16xi32>], vector<16xf32>, vector<16xi1>
            tpu.vector_store_idx %arg9[%broadcast_in_dim3A_310, %gather3A], %gather3A_311 masked %lt3A_254 : memref<32x1024xf32, #tpu.memory_space<vmem>>[vector<16xi32>, vector<16xi32>], vector<16xf32>, vector<16xi1>
            %broadcast_in_dim3A_312 = arith.constant 18 : i32
            %broadcast_in_dim3A_313 = vector.broadcast %broadcast_in_dim3A_312 : i32 to vector<16xi32>
            %gather3A_314 = tpu.vector_load_idx %arg15[%iota3A, %broadcast_in_dim3A_313] masked %lt3A_254 : memref<16x128xf32, #tpu.memory_space<vmem>>[vector<16xi32>, vector<16xi32>], vector<16xf32>, vector<16xi1>
            tpu.vector_store_idx %arg9[%broadcast_in_dim3A_313, %gather3A], %gather3A_314 masked %lt3A_254 : memref<32x1024xf32, #tpu.memory_space<vmem>>[vector<16xi32>, vector<16xi32>], vector<16xf32>, vector<16xi1>
            %broadcast_in_dim3A_315 = arith.constant 19 : i32
            %broadcast_in_dim3A_316 = vector.broadcast %broadcast_in_dim3A_315 : i32 to vector<16xi32>
            %gather3A_317 = tpu.vector_load_idx %arg15[%iota3A, %broadcast_in_dim3A_316] masked %lt3A_254 : memref<16x128xf32, #tpu.memory_space<vmem>>[vector<16xi32>, vector<16xi32>], vector<16xf32>, vector<16xi1>
            tpu.vector_store_idx %arg9[%broadcast_in_dim3A_316, %gather3A], %gather3A_317 masked %lt3A_254 : memref<32x1024xf32, #tpu.memory_space<vmem>>[vector<16xi32>, vector<16xi32>], vector<16xf32>, vector<16xi1>
            %broadcast_in_dim3A_318 = arith.constant 20 : i32
            %broadcast_in_dim3A_319 = vector.broadcast %broadcast_in_dim3A_318 : i32 to vector<16xi32>
            %gather3A_320 = tpu.vector_load_idx %arg15[%iota3A, %broadcast_in_dim3A_319] masked %lt3A_254 : memref<16x128xf32, #tpu.memory_space<vmem>>[vector<16xi32>, vector<16xi32>], vector<16xf32>, vector<16xi1>
            tpu.vector_store_idx %arg9[%broadcast_in_dim3A_319, %gather3A], %gather3A_320 masked %lt3A_254 : memref<32x1024xf32, #tpu.memory_space<vmem>>[vector<16xi32>, vector<16xi32>], vector<16xf32>, vector<16xi1>
            %broadcast_in_dim3A_321 = arith.constant 21 : i32
            %broadcast_in_dim3A_322 = vector.broadcast %broadcast_in_dim3A_321 : i32 to vector<16xi32>
            %gather3A_323 = tpu.vector_load_idx %arg15[%iota3A, %broadcast_in_dim3A_322] masked %lt3A_254 : memref<16x128xf32, #tpu.memory_space<vmem>>[vector<16xi32>, vector<16xi32>], vector<16xf32>, vector<16xi1>
            tpu.vector_store_idx %arg9[%broadcast_in_dim3A_322, %gather3A], %gather3A_323 masked %lt3A_254 : memref<32x1024xf32, #tpu.memory_space<vmem>>[vector<16xi32>, vector<16xi32>], vector<16xf32>, vector<16xi1>
            %broadcast_in_dim3A_324 = arith.constant 22 : i32
            %broadcast_in_dim3A_325 = vector.broadcast %broadcast_in_dim3A_324 : i32 to vector<16xi32>
            %gather3A_326 = tpu.vector_load_idx %arg15[%iota3A, %broadcast_in_dim3A_325] masked %lt3A_254 : memref<16x128xf32, #tpu.memory_space<vmem>>[vector<16xi32>, vector<16xi32>], vector<16xf32>, vector<16xi1>
            tpu.vector_store_idx %arg9[%broadcast_in_dim3A_325, %gather3A], %gather3A_326 masked %lt3A_254 : memref<32x1024xf32, #tpu.memory_space<vmem>>[vector<16xi32>, vector<16xi32>], vector<16xf32>, vector<16xi1>
            %broadcast_in_dim3A_327 = arith.constant 23 : i32
            %broadcast_in_dim3A_328 = vector.broadcast %broadcast_in_dim3A_327 : i32 to vector<16xi32>
            %gather3A_329 = tpu.vector_load_idx %arg15[%iota3A, %broadcast_in_dim3A_328] masked %lt3A_254 : memref<16x128xf32, #tpu.memory_space<vmem>>[vector<16xi32>, vector<16xi32>], vector<16xf32>, vector<16xi1>
            tpu.vector_store_idx %arg9[%broadcast_in_dim3A_328, %gather3A], %gather3A_329 masked %lt3A_254 : memref<32x1024xf32, #tpu.memory_space<vmem>>[vector<16xi32>, vector<16xi32>], vector<16xf32>, vector<16xi1>
            %broadcast_in_dim3A_330 = arith.constant 24 : i32
            %broadcast_in_dim3A_331 = vector.broadcast %broadcast_in_dim3A_330 : i32 to vector<16xi32>
            %gather3A_332 = tpu.vector_load_idx %arg15[%iota3A, %broadcast_in_dim3A_331] masked %lt3A_254 : memref<16x128xf32, #tpu.memory_space<vmem>>[vector<16xi32>, vector<16xi32>], vector<16xf32>, vector<16xi1>
            tpu.vector_store_idx %arg9[%broadcast_in_dim3A_331, %gather3A], %gather3A_332 masked %lt3A_254 : memref<32x1024xf32, #tpu.memory_space<vmem>>[vector<16xi32>, vector<16xi32>], vector<16xf32>, vector<16xi1>
            %broadcast_in_dim3A_333 = arith.constant 25 : i32
            %broadcast_in_dim3A_334 = vector.broadcast %broadcast_in_dim3A_333 : i32 to vector<16xi32>
            %gather3A_335 = tpu.vector_load_idx %arg15[%iota3A, %broadcast_in_dim3A_334] masked %lt3A_254 : memref<16x128xf32, #tpu.memory_space<vmem>>[vector<16xi32>, vector<16xi32>], vector<16xf32>, vector<16xi1>
            tpu.vector_store_idx %arg9[%broadcast_in_dim3A_334, %gather3A], %gather3A_335 masked %lt3A_254 : memref<32x1024xf32, #tpu.memory_space<vmem>>[vector<16xi32>, vector<16xi32>], vector<16xf32>, vector<16xi1>
            %broadcast_in_dim3A_336 = arith.constant 26 : i32
            %broadcast_in_dim3A_337 = vector.broadcast %broadcast_in_dim3A_336 : i32 to vector<16xi32>
            %gather3A_338 = tpu.vector_load_idx %arg15[%iota3A, %broadcast_in_dim3A_337] masked %lt3A_254 : memref<16x128xf32, #tpu.memory_space<vmem>>[vector<16xi32>, vector<16xi32>], vector<16xf32>, vector<16xi1>
            tpu.vector_store_idx %arg9[%broadcast_in_dim3A_337, %gather3A], %gather3A_338 masked %lt3A_254 : memref<32x1024xf32, #tpu.memory_space<vmem>>[vector<16xi32>, vector<16xi32>], vector<16xf32>, vector<16xi1>
            %broadcast_in_dim3A_339 = arith.constant 27 : i32
            %broadcast_in_dim3A_340 = vector.broadcast %broadcast_in_dim3A_339 : i32 to vector<16xi32>
            %gather3A_341 = tpu.vector_load_idx %arg15[%iota3A, %broadcast_in_dim3A_340] masked %lt3A_254 : memref<16x128xf32, #tpu.memory_space<vmem>>[vector<16xi32>, vector<16xi32>], vector<16xf32>, vector<16xi1>
            tpu.vector_store_idx %arg9[%broadcast_in_dim3A_340, %gather3A], %gather3A_341 masked %lt3A_254 : memref<32x1024xf32, #tpu.memory_space<vmem>>[vector<16xi32>, vector<16xi32>], vector<16xf32>, vector<16xi1>
            %broadcast_in_dim3A_342 = arith.constant 28 : i32
            %broadcast_in_dim3A_343 = vector.broadcast %broadcast_in_dim3A_342 : i32 to vector<16xi32>
            %gather3A_344 = tpu.vector_load_idx %arg15[%iota3A, %broadcast_in_dim3A_343] masked %lt3A_254 : memref<16x128xf32, #tpu.memory_space<vmem>>[vector<16xi32>, vector<16xi32>], vector<16xf32>, vector<16xi1>
            tpu.vector_store_idx %arg9[%broadcast_in_dim3A_343, %gather3A], %gather3A_344 masked %lt3A_254 : memref<32x1024xf32, #tpu.memory_space<vmem>>[vector<16xi32>, vector<16xi32>], vector<16xf32>, vector<16xi1>
            %broadcast_in_dim3A_345 = arith.constant 29 : i32
            %broadcast_in_dim3A_346 = vector.broadcast %broadcast_in_dim3A_345 : i32 to vector<16xi32>
            %gather3A_347 = tpu.vector_load_idx %arg15[%iota3A, %broadcast_in_dim3A_346] masked %lt3A_254 : memref<16x128xf32, #tpu.memory_space<vmem>>[vector<16xi32>, vector<16xi32>], vector<16xf32>, vector<16xi1>
            tpu.vector_store_idx %arg9[%broadcast_in_dim3A_346, %gather3A], %gather3A_347 masked %lt3A_254 : memref<32x1024xf32, #tpu.memory_space<vmem>>[vector<16xi32>, vector<16xi32>], vector<16xf32>, vector<16xi1>
            %broadcast_in_dim3A_348 = arith.constant 30 : i32
            %broadcast_in_dim3A_349 = vector.broadcast %broadcast_in_dim3A_348 : i32 to vector<16xi32>
            %gather3A_350 = tpu.vector_load_idx %arg15[%iota3A, %broadcast_in_dim3A_349] masked %lt3A_254 : memref<16x128xf32, #tpu.memory_space<vmem>>[vector<16xi32>, vector<16xi32>], vector<16xf32>, vector<16xi1>
            tpu.vector_store_idx %arg9[%broadcast_in_dim3A_349, %gather3A], %gather3A_350 masked %lt3A_254 : memref<32x1024xf32, #tpu.memory_space<vmem>>[vector<16xi32>, vector<16xi32>], vector<16xf32>, vector<16xi1>
            %broadcast_in_dim3A_351 = arith.constant 31 : i32
            %broadcast_in_dim3A_352 = vector.broadcast %broadcast_in_dim3A_351 : i32 to vector<16xi32>
            %gather3A_353 = tpu.vector_load_idx %arg15[%iota3A, %broadcast_in_dim3A_352] masked %lt3A_254 : memref<16x128xf32, #tpu.memory_space<vmem>>[vector<16xi32>, vector<16xi32>], vector<16xf32>, vector<16xi1>
            tpu.vector_store_idx %arg9[%broadcast_in_dim3A_352, %gather3A], %gather3A_353 masked %lt3A_254 : memref<32x1024xf32, #tpu.memory_space<vmem>>[vector<16xi32>, vector<16xi32>], vector<16xf32>, vector<16xi1>
            %while3A_354 = arith.constant 0 : i32
            scf.yield %while3A_354 : i32
          }
        } else {
        }
        %mul3A_188 = arith.constant 1024 : i32
        %mul3A_189 = arith.muli %add3A_136, %mul3A_188 : i32
        %add3A_190 = arith.addi %multiple_of3A, %mul3A_189 : i32
        %multiple_of3A_191 = tpu.assume_multiple %add3A_190, 128 : i32
        %dma_start3A_192 = arith.constant 0 : i32
        %dma_start3A_193 = arith.constant 0 : i32
        %dma_start3A_194 = tpu.memref_slice %arg9[%dma_start3A_192, %dma_start3A_193] : memref<32x1024xf32, #tpu.memory_space<vmem>> -> memref<32x512xf32, #tpu.memory_space<vmem>>
        %dma_start3A_195 = arith.constant 0 : i32
        %dma_start3A_196 = tpu.memref_slice %arg5[%dma_start3A_195, %multiple_of3A_191] : memref<32x1000000xf32, #tpu.memory_space<hbm>> -> memref<32x512xf32, #tpu.memory_space<hbm>>
        %dma_start3A_197 = arith.constant 0 : i32
        %dma_start3A_198 = tpu.memref_slice %arg5[%dma_start3A_197, %multiple_of3A_191] : memref<32x1000000xf32, #tpu.memory_space<hbm>> -> memref<32x512xf32, #tpu.memory_space<hbm>>
        %dma_start3A_199 = arith.constant 0 : i32
        %dma_start3A_200 = arith.constant 0 : i32
        %dma_start3A_201 = tpu.memref_slice %arg9[%dma_start3A_199, %dma_start3A_200] : memref<32x1024xf32, #tpu.memory_space<vmem>> -> memref<32x512xf32, #tpu.memory_space<vmem>>
        tpu.enqueue_dma source(%dma_start3A_201 : memref<32x512xf32, #tpu.memory_space<vmem>>) target(%dma_start3A_198 : memref<32x512xf32, #tpu.memory_space<hbm>>) target_semaphore(%arg19 : memref<!tpu.dma_semaphore, #tpu.memory_space<semaphore_mem>>)
        %add3A_202 = arith.constant 512 : i32
        %add3A_203 = arith.addi %multiple_of3A_191, %add3A_202 : i32
        %multiple_of3A_204 = tpu.assume_multiple %add3A_203, 128 : i32
        %dma_start3A_205 = arith.constant 0 : i32
        %dma_start3A_206 = arith.constant 512 : i32
        %dma_start3A_207 = tpu.memref_slice %arg9[%dma_start3A_205, %dma_start3A_206] : memref<32x1024xf32, #tpu.memory_space<vmem>> -> memref<32x512xf32, #tpu.memory_space<vmem>>
        %dma_start3A_208 = arith.constant 0 : i32
        %dma_start3A_209 = tpu.memref_slice %arg5[%dma_start3A_208, %multiple_of3A_204] : memref<32x1000000xf32, #tpu.memory_space<hbm>> -> memref<32x512xf32, #tpu.memory_space<hbm>>
        %dma_start3A_210 = arith.constant 0 : i32
        %dma_start3A_211 = tpu.memref_slice %arg5[%dma_start3A_210, %multiple_of3A_204] : memref<32x1000000xf32, #tpu.memory_space<hbm>> -> memref<32x512xf32, #tpu.memory_space<hbm>>
        %dma_start3A_212 = arith.constant 0 : i32
        %dma_start3A_213 = arith.constant 512 : i32
        %dma_start3A_214 = tpu.memref_slice %arg9[%dma_start3A_212, %dma_start3A_213] : memref<32x1024xf32, #tpu.memory_space<vmem>> -> memref<32x512xf32, #tpu.memory_space<vmem>>
        tpu.enqueue_dma source(%dma_start3A_214 : memref<32x512xf32, #tpu.memory_space<vmem>>) target(%dma_start3A_211 : memref<32x512xf32, #tpu.memory_space<hbm>>) target_semaphore(%arg19 : memref<!tpu.dma_semaphore, #tpu.memory_space<semaphore_mem>>)
      } else {
      }
      %add3A_141 = arith.constant 1 : i32
      %add3A_142 = arith.addi %add3A_136, %add3A_141 : i32
      %min3A_143 = arith.constant 30 : i32
      %min3A_144 = arith.minsi %add3A_142, %min3A_143 : i32
      %mul3A_145 = arith.constant 1024 : i32
      %mul3A_146 = arith.muli %min3A_144, %mul3A_145 : i32
      %min3A_147 = arith.constant 30720 : i32
      %min3A_148 = arith.minsi %mul3A_146, %min3A_147 : i32
      %scan3A_149 = arith.constant 0 : i32
      %scan3A_150 = arith.constant 0 : i32
      %scan3A_151 = arith.constant 64 : i32
      %scan3A_152 = arith.addi %scan3A_150, %scan3A_151 : i32
      %scan3A_153 = arith.constant 4 : i32
      %scan3A_154 = scf.for %scan3A_166 = %scan3A_150 to %scan3A_152 step %scan3A_153 iter_args(%scan3A_167 = %scan3A_149) -> (i32)  : i32 {
        %mul3A_168 = arith.constant 16 : i32
        %mul3A_169 = arith.muli %scan3A_166, %mul3A_168 : i32
        %add3A_170 = arith.addi %min3A_148, %mul3A_169 : i32
        %get3A = arith.index_cast %add3A_170 : i32 to index
        %get3A_171 = tpu.vector_load %arg7[%get3A] {strides = array<i32>} : memref<31744xi32, #tpu.memory_space<vmem>>, vector<16xi32>,
        %ge3A = arith.constant 0 : i32
        %ge3A_172 = vector.broadcast %ge3A : i32 to vector<16xi32>
        %ge3A_173 = arith.cmpi sge, %get3A_171, %ge3A_172 : vector<16xi32>
        %convert_element_type3A_174 = arith.extui %ge3A_173 : vector<16xi1> to vector<16xi32>
        %broadcast_in_dim3A_175 = arith.constant true
        %broadcast_in_dim3A_176 = vector.broadcast %broadcast_in_dim3A_175 : i1 to vector<16xi1>
        %masked_cumsum3A = tpu.scan <sum>, %convert_element_type3A_174 masked %broadcast_in_dim3A_176 : vector<16xi32>, vector<16xi1> -> vector<16xi32>
        %add3A_177 = vector.broadcast %scan3A_167 : i32 to vector<16xi32>
        %add3A_178 = arith.addi %add3A_177, %masked_cumsum3A : vector<16xi32>
        %sub3A_179 = arith.constant 1 : i32
        %sub3A_180 = vector.broadcast %sub3A_179 : i32 to vector<16xi32>
        %sub3A_181 = arith.subi %add3A_178, %sub3A_180 : vector<16xi32>
        %max3A = arith.constant 0 : i32
        %max3A_182 = vector.broadcast %max3A : i32 to vector<16xi32>
        %max3A_183 = arith.maxsi %sub3A_181, %max3A_182 : vector<16xi32>
        %shift_right_logical3A = arith.constant 7 : i32
        %shift_right_logical3A_184 = vector.broadcast %shift_right_logical3A : i32 to vector<16xi32>
        %shift_right_logical3A_185 = arith.shrui %max3A_183, %shift_right_logical3A_184 : vector<16xi32>
        %and3A_186 = arith.constant 127 : i32
        %and3A_187 = vector.broadcast %and3A_186 : i32 to vector<16xi32>
        %and3A_188 = arith.andi %sub3A_181, %and3A_187 : vector<16xi32>
        tpu.vector_store_idx %arg10[%shift_right_logical3A_185, %and3A_188], %get3A_171 masked %ge3A_173 : memref<8x128xi32, #tpu.memory_space<vmem>>[vector<16xi32>, vector<16xi32>], vector<16xi32>, vector<16xi1>
        %mul3A_189 = arith.constant 16 : i32
        %mul3A_190 = arith.muli %scan3A_166, %mul3A_189 : i32
        %add3A_191 = vector.broadcast %mul3A_190 : i32 to vector<16xi32>
        %add3A_192 = arith.addi %add3A_191, %iota3A : vector<16xi32>
        tpu.vector_store_idx %arg12[%shift_right_logical3A_185, %and3A_188], %add3A_192 masked %ge3A_173 : memref<8x128xi32, #tpu.memory_space<vmem>>[vector<16xi32>, vector<16xi32>], vector<16xi32>, vector<16xi1>
        %all_reduce_population_count3A = tpu.all_reduce %ge3A_173 {dim = 0 : i64, kind = #tpu.reduction_kind<sum>} : vector<16xi1> -> vector<16xi32>
        %slice3A = vector.extract_strided_slice %all_reduce_population_count3A {offsets = [0], sizes = [1], strides = [1]} : vector<16xi32> to vector<1xi32>
        %squeeze3A = vector.extract %slice3A[0] : i32 from vector<1xi32>
        %add3A_193 = arith.addi %scan3A_167, %squeeze3A : i32
        %scan3A_194 = arith.constant 1 : i32
        %scan3A_195 = arith.addi %scan3A_166, %scan3A_194 : i32
        %mul3A_196 = arith.constant 16 : i32
        %mul3A_197 = arith.muli %scan3A_195, %mul3A_196 : i32
        %add3A_198 = arith.addi %min3A_148, %mul3A_197 : i32
        %get3A_199 = arith.index_cast %add3A_198 : i32 to index
        %get3A_200 = tpu.vector_load %arg7[%get3A_199] {strides = array<i32>} : memref<31744xi32, #tpu.memory_space<vmem>>, vector<16xi32>,
        %ge3A_201 = arith.constant 0 : i32
        %ge3A_202 = vector.broadcast %ge3A_201 : i32 to vector<16xi32>
        %ge3A_203 = arith.cmpi sge, %get3A_200, %ge3A_202 : vector<16xi32>
        %convert_element_type3A_204 = arith.extui %ge3A_203 : vector<16xi1> to vector<16xi32>
        %broadcast_in_dim3A_205 = arith.constant true
        %broadcast_in_dim3A_206 = vector.broadcast %broadcast_in_dim3A_205 : i1 to vector<16xi1>
        %masked_cumsum3A_207 = tpu.scan <sum>, %convert_element_type3A_204 masked %broadcast_in_dim3A_206 : vector<16xi32>, vector<16xi1> -> vector<16xi32>
        %add3A_208 = vector.broadcast %add3A_193 : i32 to vector<16xi32>
        %add3A_209 = arith.addi %add3A_208, %masked_cumsum3A_207 : vector<16xi32>
        %sub3A_210 = arith.constant 1 : i32
        %sub3A_211 = vector.broadcast %sub3A_210 : i32 to vector<16xi32>
        %sub3A_212 = arith.subi %add3A_209, %sub3A_211 : vector<16xi32>
        %max3A_213 = arith.constant 0 : i32
        %max3A_214 = vector.broadcast %max3A_213 : i32 to vector<16xi32>
        %max3A_215 = arith.maxsi %sub3A_212, %max3A_214 : vector<16xi32>
        %shift_right_logical3A_216 = arith.constant 7 : i32
        %shift_right_logical3A_217 = vector.broadcast %shift_right_logical3A_216 : i32 to vector<16xi32>
        %shift_right_logical3A_218 = arith.shrui %max3A_215, %shift_right_logical3A_217 : vector<16xi32>
        %and3A_219 = arith.constant 127 : i32
        %and3A_220 = vector.broadcast %and3A_219 : i32 to vector<16xi32>
        %and3A_221 = arith.andi %sub3A_212, %and3A_220 : vector<16xi32>
        tpu.vector_store_idx %arg10[%shift_right_logical3A_218, %and3A_221], %get3A_200 masked %ge3A_203 : memref<8x128xi32, #tpu.memory_space<vmem>>[vector<16xi32>, vector<16xi32>], vector<16xi32>, vector<16xi1>
        %mul3A_222 = arith.constant 16 : i32
        %mul3A_223 = arith.muli %scan3A_195, %mul3A_222 : i32
        %add3A_224 = vector.broadcast %mul3A_223 : i32 to vector<16xi32>
        %add3A_225 = arith.addi %add3A_224, %iota3A : vector<16xi32>
        tpu.vector_store_idx %arg12[%shift_right_logical3A_218, %and3A_221], %add3A_225 masked %ge3A_203 : memref<8x128xi32, #tpu.memory_space<vmem>>[vector<16xi32>, vector<16xi32>], vector<16xi32>, vector<16xi1>
        %all_reduce_population_count3A_226 = tpu.all_reduce %ge3A_203 {dim = 0 : i64, kind = #tpu.reduction_kind<sum>} : vector<16xi1> -> vector<16xi32>
        %slice3A_227 = vector.extract_strided_slice %all_reduce_population_count3A_226 {offsets = [0], sizes = [1], strides = [1]} : vector<16xi32> to vector<1xi32>
        %squeeze3A_228 = vector.extract %slice3A_227[0] : i32 from vector<1xi32>
        %add3A_229 = arith.addi %add3A_193, %squeeze3A_228 : i32
        %scan3A_230 = arith.constant 2 : i32
        %scan3A_231 = arith.addi %scan3A_166, %scan3A_230 : i32
        %mul3A_232 = arith.constant 16 : i32
        %mul3A_233 = arith.muli %scan3A_231, %mul3A_232 : i32
        %add3A_234 = arith.addi %min3A_148, %mul3A_233 : i32
        %get3A_235 = arith.index_cast %add3A_234 : i32 to index
        %get3A_236 = tpu.vector_load %arg7[%get3A_235] {strides = array<i32>} : memref<31744xi32, #tpu.memory_space<vmem>>, vector<16xi32>,
        %ge3A_237 = arith.constant 0 : i32
        %ge3A_238 = vector.broadcast %ge3A_237 : i32 to vector<16xi32>
        %ge3A_239 = arith.cmpi sge, %get3A_236, %ge3A_238 : vector<16xi32>
        %convert_element_type3A_240 = arith.extui %ge3A_239 : vector<16xi1> to vector<16xi32>
        %broadcast_in_dim3A_241 = arith.constant true
        %broadcast_in_dim3A_242 = vector.broadcast %broadcast_in_dim3A_241 : i1 to vector<16xi1>
        %masked_cumsum3A_243 = tpu.scan <sum>, %convert_element_type3A_240 masked %broadcast_in_dim3A_242 : vector<16xi32>, vector<16xi1> -> vector<16xi32>
        %add3A_244 = vector.broadcast %add3A_229 : i32 to vector<16xi32>
        %add3A_245 = arith.addi %add3A_244, %masked_cumsum3A_243 : vector<16xi32>
        %sub3A_246 = arith.constant 1 : i32
        %sub3A_247 = vector.broadcast %sub3A_246 : i32 to vector<16xi32>
        %sub3A_248 = arith.subi %add3A_245, %sub3A_247 : vector<16xi32>
        %max3A_249 = arith.constant 0 : i32
        %max3A_250 = vector.broadcast %max3A_249 : i32 to vector<16xi32>
        %max3A_251 = arith.maxsi %sub3A_248, %max3A_250 : vector<16xi32>
        %shift_right_logical3A_252 = arith.constant 7 : i32
        %shift_right_logical3A_253 = vector.broadcast %shift_right_logical3A_252 : i32 to vector<16xi32>
        %shift_right_logical3A_254 = arith.shrui %max3A_251, %shift_right_logical3A_253 : vector<16xi32>
        %and3A_255 = arith.constant 127 : i32
        %and3A_256 = vector.broadcast %and3A_255 : i32 to vector<16xi32>
        %and3A_257 = arith.andi %sub3A_248, %and3A_256 : vector<16xi32>
        tpu.vector_store_idx %arg10[%shift_right_logical3A_254, %and3A_257], %get3A_236 masked %ge3A_239 : memref<8x128xi32, #tpu.memory_space<vmem>>[vector<16xi32>, vector<16xi32>], vector<16xi32>, vector<16xi1>
        %mul3A_258 = arith.constant 16 : i32
        %mul3A_259 = arith.muli %scan3A_231, %mul3A_258 : i32
        %add3A_260 = vector.broadcast %mul3A_259 : i32 to vector<16xi32>
        %add3A_261 = arith.addi %add3A_260, %iota3A : vector<16xi32>
        tpu.vector_store_idx %arg12[%shift_right_logical3A_254, %and3A_257], %add3A_261 masked %ge3A_239 : memref<8x128xi32, #tpu.memory_space<vmem>>[vector<16xi32>, vector<16xi32>], vector<16xi32>, vector<16xi1>
        %all_reduce_population_count3A_262 = tpu.all_reduce %ge3A_239 {dim = 0 : i64, kind = #tpu.reduction_kind<sum>} : vector<16xi1> -> vector<16xi32>
        %slice3A_263 = vector.extract_strided_slice %all_reduce_population_count3A_262 {offsets = [0], sizes = [1], strides = [1]} : vector<16xi32> to vector<1xi32>
        %squeeze3A_264 = vector.extract %slice3A_263[0] : i32 from vector<1xi32>
        %add3A_265 = arith.addi %add3A_229, %squeeze3A_264 : i32
        %scan3A_266 = arith.constant 3 : i32
        %scan3A_267 = arith.addi %scan3A_166, %scan3A_266 : i32
        %mul3A_268 = arith.constant 16 : i32
        %mul3A_269 = arith.muli %scan3A_267, %mul3A_268 : i32
        %add3A_270 = arith.addi %min3A_148, %mul3A_269 : i32
        %get3A_271 = arith.index_cast %add3A_270 : i32 to index
        %get3A_272 = tpu.vector_load %arg7[%get3A_271] {strides = array<i32>} : memref<31744xi32, #tpu.memory_space<vmem>>, vector<16xi32>,
        %ge3A_273 = arith.constant 0 : i32
        %ge3A_274 = vector.broadcast %ge3A_273 : i32 to vector<16xi32>
        %ge3A_275 = arith.cmpi sge, %get3A_272, %ge3A_274 : vector<16xi32>
        %convert_element_type3A_276 = arith.extui %ge3A_275 : vector<16xi1> to vector<16xi32>
        %broadcast_in_dim3A_277 = arith.constant true
        %broadcast_in_dim3A_278 = vector.broadcast %broadcast_in_dim3A_277 : i1 to vector<16xi1>
        %masked_cumsum3A_279 = tpu.scan <sum>, %convert_element_type3A_276 masked %broadcast_in_dim3A_278 : vector<16xi32>, vector<16xi1> -> vector<16xi32>
        %add3A_280 = vector.broadcast %add3A_265 : i32 to vector<16xi32>
        %add3A_281 = arith.addi %add3A_280, %masked_cumsum3A_279 : vector<16xi32>
        %sub3A_282 = arith.constant 1 : i32
        %sub3A_283 = vector.broadcast %sub3A_282 : i32 to vector<16xi32>
        %sub3A_284 = arith.subi %add3A_281, %sub3A_283 : vector<16xi32>
        %max3A_285 = arith.constant 0 : i32
        %max3A_286 = vector.broadcast %max3A_285 : i32 to vector<16xi32>
        %max3A_287 = arith.maxsi %sub3A_284, %max3A_286 : vector<16xi32>
        %shift_right_logical3A_288 = arith.constant 7 : i32
        %shift_right_logical3A_289 = vector.broadcast %shift_right_logical3A_288 : i32 to vector<16xi32>
        %shift_right_logical3A_290 = arith.shrui %max3A_287, %shift_right_logical3A_289 : vector<16xi32>
        %and3A_291 = arith.constant 127 : i32
        %and3A_292 = vector.broadcast %and3A_291 : i32 to vector<16xi32>
        %and3A_293 = arith.andi %sub3A_284, %and3A_292 : vector<16xi32>
        tpu.vector_store_idx %arg10[%shift_right_logical3A_290, %and3A_293], %get3A_272 masked %ge3A_275 : memref<8x128xi32, #tpu.memory_space<vmem>>[vector<16xi32>, vector<16xi32>], vector<16xi32>, vector<16xi1>
        %mul3A_294 = arith.constant 16 : i32
        %mul3A_295 = arith.muli %scan3A_267, %mul3A_294 : i32
        %add3A_296 = vector.broadcast %mul3A_295 : i32 to vector<16xi32>
        %add3A_297 = arith.addi %add3A_296, %iota3A : vector<16xi32>
        tpu.vector_store_idx %arg12[%shift_right_logical3A_290, %and3A_293], %add3A_297 masked %ge3A_275 : memref<8x128xi32, #tpu.memory_space<vmem>>[vector<16xi32>, vector<16xi32>], vector<16xi32>, vector<16xi1>
        %all_reduce_population_count3A_298 = tpu.all_reduce %ge3A_275 {dim = 0 : i64, kind = #tpu.reduction_kind<sum>} : vector<16xi1> -> vector<16xi32>
        %slice3A_299 = vector.extract_strided_slice %all_reduce_population_count3A_298 {offsets = [0], sizes = [1], strides = [1]} : vector<16xi32> to vector<1xi32>
        %squeeze3A_300 = vector.extract %slice3A_299[0] : i32 from vector<1xi32>
        %add3A_301 = arith.addi %add3A_265, %squeeze3A_300 : i32
        scf.yield %add3A_301 : i32
      }
      %scan3A_155 = arith.constant 64 : i32
      %add3A_156 = arith.constant 1 : i32
      %add3A_157 = arith.addi %add3A_136, %add3A_156 : i32
      %lt3A_158 = arith.cmpi slt, %add3A_157, %select_n3A_11 : i32
      %and3A_159 = arith.andi %lt3A_137, %lt3A_158 : i1
      %gt3A_160 = arith.constant 0 : i32
      %gt3A_161 = arith.cmpi sgt, %scan3A_154, %gt3A_160 : i32
      %and3A_162 = arith.andi %and3A_159, %gt3A_161 : i1
      %convert_element_type3A_163 = arith.extui %and3A_162 : i1 to i32
      %cond3A_164 = arith.constant 0 : i32
      %cond3A_165 = arith.cmpi ne, %convert_element_type3A_163, %cond3A_164 : i32
      scf.if %cond3A_165 {
        %dma_start3A_166 = arith.constant 0 : i32
        %dma_start3A_167 = arith.constant 0 : i32
        %dma_start3A_168 = tpu.memref_slice %arg10[%dma_start3A_166, %dma_start3A_167] : memref<8x128xi32, #tpu.memory_space<vmem>> -> memref<1x16xi32, #tpu.memory_space<vmem>>
        %dma_start3A_169 = tpu.memref_squeeze %dma_start3A_168 : memref<1x16xi32, #tpu.memory_space<vmem>> -> memref<16xi32, #tpu.memory_space<vmem>>
        %dma_start3A_170 = arith.constant 0 : i32
        %dma_start3A_171 = arith.constant 0 : i32
        %dma_start3A_172 = tpu.memref_slice %arg2[%dma_start3A_170, %dma_start3A_171] : memref<16384x128xf32, #tpu.memory_space<hbm>> -> memref<16384x128xf32, #tpu.memory_space<hbm>>
        tpu.enqueue_indirect_dma source(%dma_start3A_172 : memref<16384x128xf32, #tpu.memory_space<hbm>>) target(%arg14 : memref<16x128xf32, #tpu.memory_space<vmem>>) offsets(%dma_start3A_169 : memref<16xi32, #tpu.memory_space<vmem>>) semaphore(%arg20 : memref<!tpu.dma_semaphore, #tpu.memory_space<semaphore_mem>>)
      } else {
      }
      scf.yield %scan3A_154 : i32
    }
    %scan3A_90 = arith.constant 16 : i32
    %convert_element_type3A_91 = arith.extui %lt3A_1 : i1 to i32
    %cond3A_92 = arith.constant 0 : i32
    %cond3A_93 = arith.cmpi ne, %convert_element_type3A_91, %cond3A_92 : i32
    scf.if %cond3A_93 {
      %add3A_101 = arith.constant 0 : i32
      %add3A_102 = arith.addi %multiple_of3A, %add3A_101 : i32
      %multiple_of3A_103 = tpu.assume_multiple %add3A_102, 128 : i32
      %dma_wait3A = arith.constant 0 : i32
      %dma_wait3A_104 = tpu.memref_slice %arg5[%dma_wait3A, %multiple_of3A_103] : memref<32x1000000xf32, #tpu.memory_space<hbm>> -> memref<32x1024xf32, #tpu.memory_space<hbm>>
      %dma_wait3A_105 = arith.constant 0 : i32
      %dma_wait3A_106 = tpu.memref_slice %arg5[%dma_wait3A_105, %multiple_of3A_103] : memref<32x1000000xf32, #tpu.memory_space<hbm>> -> memref<32x1024xf32, #tpu.memory_space<hbm>>
      tpu.wait_dma2 semaphore(%arg18 : memref<!tpu.dma_semaphore, #tpu.memory_space<semaphore_mem>>) src(%arg8 : memref<32x1024xf32, #tpu.memory_space<vmem>>) dst(%dma_wait3A_106 : memref<32x1024xf32, #tpu.memory_space<hbm>>)
    } else {
    }
    %not3A = arith.constant true
    %not3A_94 = arith.xori %lt3A_1, %not3A : i1
    %convert_element_type3A_95 = arith.extui %not3A_94 : i1 to i32
    %cond3A_96 = arith.constant 0 : i32
    %cond3A_97 = arith.cmpi ne, %convert_element_type3A_95, %cond3A_96 : i32
    scf.if %cond3A_97 {
      %add3A_101 = arith.constant 0 : i32
      %add3A_102 = arith.addi %multiple_of3A, %add3A_101 : i32
      %multiple_of3A_103 = tpu.assume_multiple %add3A_102, 128 : i32
      %dma_wait3A = arith.constant 0 : i32
      %dma_wait3A_104 = tpu.memref_slice %arg5[%dma_wait3A, %multiple_of3A_103] : memref<32x1000000xf32, #tpu.memory_space<hbm>> -> memref<32x1024xf32, #tpu.memory_space<hbm>>
      %dma_wait3A_105 = arith.constant 0 : i32
      %dma_wait3A_106 = tpu.memref_slice %arg5[%dma_wait3A_105, %multiple_of3A_103] : memref<32x1000000xf32, #tpu.memory_space<hbm>> -> memref<32x1024xf32, #tpu.memory_space<hbm>>
      tpu.wait_dma2 semaphore(%arg19 : memref<!tpu.dma_semaphore, #tpu.memory_space<semaphore_mem>>) src(%arg9 : memref<32x1024xf32, #tpu.memory_space<vmem>>) dst(%dma_wait3A_106 : memref<32x1024xf32, #tpu.memory_space<hbm>>)
    } else {
    }
    %convert_element_type3A_98 = arith.extui %eq3A_2 : i1 to i32
    %cond3A_99 = arith.constant 0 : i32
    %cond3A_100 = arith.cmpi ne, %convert_element_type3A_98, %cond3A_99 : i32
    scf.if %cond3A_100 {
      %add3A_101 = arith.constant 30720 : i32
      %add3A_102 = arith.addi %multiple_of3A, %add3A_101 : i32
      %multiple_of3A_103 = tpu.assume_multiple %add3A_102, 128 : i32
      "tpu.region"() ({
        %run_scoped3A = tpu.sem_alloc : memref<!tpu.dma_semaphore, #tpu.memory_space<semaphore_mem>>
        %dma_start3A_126 = arith.constant 0 : i32
        %dma_start3A_127 = arith.constant 0 : i32
        %dma_start3A_128 = tpu.memref_slice %arg8[%dma_start3A_126, %dma_start3A_127] : memref<32x1024xf32, #tpu.memory_space<vmem>> -> memref<32x512xf32, #tpu.memory_space<vmem>>
        %dma_start3A_129 = arith.constant 0 : i32
        %dma_start3A_130 = tpu.memref_slice %arg3[%dma_start3A_129, %multiple_of3A_103] : memref<32x1000000xf32, #tpu.memory_space<hbm>> -> memref<32x512xf32, #tpu.memory_space<hbm>>
        %dma_start3A_131 = arith.constant 0 : i32
        %dma_start3A_132 = arith.constant 0 : i32
        %dma_start3A_133 = tpu.memref_slice %arg8[%dma_start3A_131, %dma_start3A_132] : memref<32x1024xf32, #tpu.memory_space<vmem>> -> memref<32x512xf32, #tpu.memory_space<vmem>>
        %dma_start3A_134 = arith.constant 0 : i32
        %dma_start3A_135 = tpu.memref_slice %arg3[%dma_start3A_134, %multiple_of3A_103] : memref<32x1000000xf32, #tpu.memory_space<hbm>> -> memref<32x512xf32, #tpu.memory_space<hbm>>
        tpu.enqueue_dma source(%dma_start3A_135 : memref<32x512xf32, #tpu.memory_space<hbm>>) target(%dma_start3A_133 : memref<32x512xf32, #tpu.memory_space<vmem>>) target_semaphore(%run_scoped3A : memref<!tpu.dma_semaphore, #tpu.memory_space<semaphore_mem>>)
        %dma_wait3A = arith.constant 0 : i32
        %dma_wait3A_136 = arith.constant 0 : i32
        %dma_wait3A_137 = tpu.memref_slice %arg8[%dma_wait3A, %dma_wait3A_136] : memref<32x1024xf32, #tpu.memory_space<vmem>> -> memref<32x512xf32, #tpu.memory_space<vmem>>
        %dma_wait3A_138 = arith.constant 0 : i32
        %dma_wait3A_139 = tpu.memref_slice %arg3[%dma_wait3A_138, %multiple_of3A_103] : memref<32x1000000xf32, #tpu.memory_space<hbm>> -> memref<32x512xf32, #tpu.memory_space<hbm>>
        %dma_wait3A_140 = arith.constant 0 : i32
        %dma_wait3A_141 = arith.constant 0 : i32
        %dma_wait3A_142 = tpu.memref_slice %arg8[%dma_wait3A_140, %dma_wait3A_141] : memref<32x1024xf32, #tpu.memory_space<vmem>> -> memref<32x512xf32, #tpu.memory_space<vmem>>
        %dma_wait3A_143 = arith.constant 0 : i32
        %dma_wait3A_144 = tpu.memref_slice %arg3[%dma_wait3A_143, %multiple_of3A_103] : memref<32x1000000xf32, #tpu.memory_space<hbm>> -> memref<32x512xf32, #tpu.memory_space<hbm>>
        tpu.wait_dma2 semaphore(%run_scoped3A : memref<!tpu.dma_semaphore, #tpu.memory_space<semaphore_mem>>) src(%dma_wait3A_144 : memref<32x512xf32, #tpu.memory_space<hbm>>) dst(%dma_wait3A_142 : memref<32x512xf32, #tpu.memory_space<vmem>>)
        tpu.yield
      }) : () -> ()
      %mul3A_104 = arith.constant 30 : i32
      %mul3A_105 = arith.constant 1024 : i32
      %mul3A_106 = arith.muli %mul3A_104, %mul3A_105 : i32
      %min3A_107 = arith.constant 30720 : i32
      %min3A_108 = arith.minsi %mul3A_106, %min3A_107 : i32
      %scan3A_109 = arith.constant 0 : i32
      %scan3A_110 = arith.constant 0 : i32
      %scan3A_111 = arith.constant 64 : i32
      %scan3A_112 = arith.addi %scan3A_110, %scan3A_111 : i32
      %scan3A_113 = arith.constant 4 : i32
      %scan3A_114 = scf.for %scan3A_126 = %scan3A_110 to %scan3A_112 step %scan3A_113 iter_args(%scan3A_127 = %scan3A_109) -> (i32)  : i32 {
        %mul3A_128 = arith.constant 16 : i32
        %mul3A_129 = arith.muli %scan3A_126, %mul3A_128 : i32
        %add3A_130 = arith.addi %min3A_108, %mul3A_129 : i32
        %get3A = arith.index_cast %add3A_130 : i32 to index
        %get3A_131 = tpu.vector_load %arg7[%get3A] {strides = array<i32>} : memref<31744xi32, #tpu.memory_space<vmem>>, vector<16xi32>,
        %ge3A = arith.constant 0 : i32
        %ge3A_132 = vector.broadcast %ge3A : i32 to vector<16xi32>
        %ge3A_133 = arith.cmpi sge, %get3A_131, %ge3A_132 : vector<16xi32>
        %convert_element_type3A_134 = arith.extui %ge3A_133 : vector<16xi1> to vector<16xi32>
        %broadcast_in_dim3A_135 = arith.constant true
        %broadcast_in_dim3A_136 = vector.broadcast %broadcast_in_dim3A_135 : i1 to vector<16xi1>
        %masked_cumsum3A = tpu.scan <sum>, %convert_element_type3A_134 masked %broadcast_in_dim3A_136 : vector<16xi32>, vector<16xi1> -> vector<16xi32>
        %add3A_137 = vector.broadcast %scan3A_127 : i32 to vector<16xi32>
        %add3A_138 = arith.addi %add3A_137, %masked_cumsum3A : vector<16xi32>
        %sub3A_139 = arith.constant 1 : i32
        %sub3A_140 = vector.broadcast %sub3A_139 : i32 to vector<16xi32>
        %sub3A_141 = arith.subi %add3A_138, %sub3A_140 : vector<16xi32>
        %max3A = arith.constant 0 : i32
        %max3A_142 = vector.broadcast %max3A : i32 to vector<16xi32>
        %max3A_143 = arith.maxsi %sub3A_141, %max3A_142 : vector<16xi32>
        %shift_right_logical3A = arith.constant 7 : i32
        %shift_right_logical3A_144 = vector.broadcast %shift_right_logical3A : i32 to vector<16xi32>
        %shift_right_logical3A_145 = arith.shrui %max3A_143, %shift_right_logical3A_144 : vector<16xi32>
        %and3A = arith.constant 127 : i32
        %and3A_146 = vector.broadcast %and3A : i32 to vector<16xi32>
        %and3A_147 = arith.andi %sub3A_141, %and3A_146 : vector<16xi32>
        tpu.vector_store_idx %arg10[%shift_right_logical3A_145, %and3A_147], %get3A_131 masked %ge3A_133 : memref<8x128xi32, #tpu.memory_space<vmem>>[vector<16xi32>, vector<16xi32>], vector<16xi32>, vector<16xi1>
        %mul3A_148 = arith.constant 16 : i32
        %mul3A_149 = arith.muli %scan3A_126, %mul3A_148 : i32
        %add3A_150 = vector.broadcast %mul3A_149 : i32 to vector<16xi32>
        %add3A_151 = arith.addi %add3A_150, %iota3A : vector<16xi32>
        tpu.vector_store_idx %arg12[%shift_right_logical3A_145, %and3A_147], %add3A_151 masked %ge3A_133 : memref<8x128xi32, #tpu.memory_space<vmem>>[vector<16xi32>, vector<16xi32>], vector<16xi32>, vector<16xi1>
        %all_reduce_population_count3A = tpu.all_reduce %ge3A_133 {dim = 0 : i64, kind = #tpu.reduction_kind<sum>} : vector<16xi1> -> vector<16xi32>
        %slice3A = vector.extract_strided_slice %all_reduce_population_count3A {offsets = [0], sizes = [1], strides = [1]} : vector<16xi32> to vector<1xi32>
        %squeeze3A = vector.extract %slice3A[0] : i32 from vector<1xi32>
        %add3A_152 = arith.addi %scan3A_127, %squeeze3A : i32
        %scan3A_153 = arith.constant 1 : i32
        %scan3A_154 = arith.addi %scan3A_126, %scan3A_153 : i32
        %mul3A_155 = arith.constant 16 : i32
        %mul3A_156 = arith.muli %scan3A_154, %mul3A_155 : i32
        %add3A_157 = arith.addi %min3A_108, %mul3A_156 : i32
        %get3A_158 = arith.index_cast %add3A_157 : i32 to index
        %get3A_159 = tpu.vector_load %arg7[%get3A_158] {strides = array<i32>} : memref<31744xi32, #tpu.memory_space<vmem>>, vector<16xi32>,
        %ge3A_160 = arith.constant 0 : i32
        %ge3A_161 = vector.broadcast %ge3A_160 : i32 to vector<16xi32>
        %ge3A_162 = arith.cmpi sge, %get3A_159, %ge3A_161 : vector<16xi32>
        %convert_element_type3A_163 = arith.extui %ge3A_162 : vector<16xi1> to vector<16xi32>
        %broadcast_in_dim3A_164 = arith.constant true
        %broadcast_in_dim3A_165 = vector.broadcast %broadcast_in_dim3A_164 : i1 to vector<16xi1>
        %masked_cumsum3A_166 = tpu.scan <sum>, %convert_element_type3A_163 masked %broadcast_in_dim3A_165 : vector<16xi32>, vector<16xi1> -> vector<16xi32>
        %add3A_167 = vector.broadcast %add3A_152 : i32 to vector<16xi32>
        %add3A_168 = arith.addi %add3A_167, %masked_cumsum3A_166 : vector<16xi32>
        %sub3A_169 = arith.constant 1 : i32
        %sub3A_170 = vector.broadcast %sub3A_169 : i32 to vector<16xi32>
        %sub3A_171 = arith.subi %add3A_168, %sub3A_170 : vector<16xi32>
        %max3A_172 = arith.constant 0 : i32
        %max3A_173 = vector.broadcast %max3A_172 : i32 to vector<16xi32>
        %max3A_174 = arith.maxsi %sub3A_171, %max3A_173 : vector<16xi32>
        %shift_right_logical3A_175 = arith.constant 7 : i32
        %shift_right_logical3A_176 = vector.broadcast %shift_right_logical3A_175 : i32 to vector<16xi32>
        %shift_right_logical3A_177 = arith.shrui %max3A_174, %shift_right_logical3A_176 : vector<16xi32>
        %and3A_178 = arith.constant 127 : i32
        %and3A_179 = vector.broadcast %and3A_178 : i32 to vector<16xi32>
        %and3A_180 = arith.andi %sub3A_171, %and3A_179 : vector<16xi32>
        tpu.vector_store_idx %arg10[%shift_right_logical3A_177, %and3A_180], %get3A_159 masked %ge3A_162 : memref<8x128xi32, #tpu.memory_space<vmem>>[vector<16xi32>, vector<16xi32>], vector<16xi32>, vector<16xi1>
        %mul3A_181 = arith.constant 16 : i32
        %mul3A_182 = arith.muli %scan3A_154, %mul3A_181 : i32
        %add3A_183 = vector.broadcast %mul3A_182 : i32 to vector<16xi32>
        %add3A_184 = arith.addi %add3A_183, %iota3A : vector<16xi32>
        tpu.vector_store_idx %arg12[%shift_right_logical3A_177, %and3A_180], %add3A_184 masked %ge3A_162 : memref<8x128xi32, #tpu.memory_space<vmem>>[vector<16xi32>, vector<16xi32>], vector<16xi32>, vector<16xi1>
        %all_reduce_population_count3A_185 = tpu.all_reduce %ge3A_162 {dim = 0 : i64, kind = #tpu.reduction_kind<sum>} : vector<16xi1> -> vector<16xi32>
        %slice3A_186 = vector.extract_strided_slice %all_reduce_population_count3A_185 {offsets = [0], sizes = [1], strides = [1]} : vector<16xi32> to vector<1xi32>
        %squeeze3A_187 = vector.extract %slice3A_186[0] : i32 from vector<1xi32>
        %add3A_188 = arith.addi %add3A_152, %squeeze3A_187 : i32
        %scan3A_189 = arith.constant 2 : i32
        %scan3A_190 = arith.addi %scan3A_126, %scan3A_189 : i32
        %mul3A_191 = arith.constant 16 : i32
        %mul3A_192 = arith.muli %scan3A_190, %mul3A_191 : i32
        %add3A_193 = arith.addi %min3A_108, %mul3A_192 : i32
        %get3A_194 = arith.index_cast %add3A_193 : i32 to index
        %get3A_195 = tpu.vector_load %arg7[%get3A_194] {strides = array<i32>} : memref<31744xi32, #tpu.memory_space<vmem>>, vector<16xi32>,
        %ge3A_196 = arith.constant 0 : i32
        %ge3A_197 = vector.broadcast %ge3A_196 : i32 to vector<16xi32>
        %ge3A_198 = arith.cmpi sge, %get3A_195, %ge3A_197 : vector<16xi32>
        %convert_element_type3A_199 = arith.extui %ge3A_198 : vector<16xi1> to vector<16xi32>
        %broadcast_in_dim3A_200 = arith.constant true
        %broadcast_in_dim3A_201 = vector.broadcast %broadcast_in_dim3A_200 : i1 to vector<16xi1>
        %masked_cumsum3A_202 = tpu.scan <sum>, %convert_element_type3A_199 masked %broadcast_in_dim3A_201 : vector<16xi32>, vector<16xi1> -> vector<16xi32>
        %add3A_203 = vector.broadcast %add3A_188 : i32 to vector<16xi32>
        %add3A_204 = arith.addi %add3A_203, %masked_cumsum3A_202 : vector<16xi32>
        %sub3A_205 = arith.constant 1 : i32
        %sub3A_206 = vector.broadcast %sub3A_205 : i32 to vector<16xi32>
        %sub3A_207 = arith.subi %add3A_204, %sub3A_206 : vector<16xi32>
        %max3A_208 = arith.constant 0 : i32
        %max3A_209 = vector.broadcast %max3A_208 : i32 to vector<16xi32>
        %max3A_210 = arith.maxsi %sub3A_207, %max3A_209 : vector<16xi32>
        %shift_right_logical3A_211 = arith.constant 7 : i32
        %shift_right_logical3A_212 = vector.broadcast %shift_right_logical3A_211 : i32 to vector<16xi32>
        %shift_right_logical3A_213 = arith.shrui %max3A_210, %shift_right_logical3A_212 : vector<16xi32>
        %and3A_214 = arith.constant 127 : i32
        %and3A_215 = vector.broadcast %and3A_214 : i32 to vector<16xi32>
        %and3A_216 = arith.andi %sub3A_207, %and3A_215 : vector<16xi32>
        tpu.vector_store_idx %arg10[%shift_right_logical3A_213, %and3A_216], %get3A_195 masked %ge3A_198 : memref<8x128xi32, #tpu.memory_space<vmem>>[vector<16xi32>, vector<16xi32>], vector<16xi32>, vector<16xi1>
        %mul3A_217 = arith.constant 16 : i32
        %mul3A_218 = arith.muli %scan3A_190, %mul3A_217 : i32
        %add3A_219 = vector.broadcast %mul3A_218 : i32 to vector<16xi32>
        %add3A_220 = arith.addi %add3A_219, %iota3A : vector<16xi32>
        tpu.vector_store_idx %arg12[%shift_right_logical3A_213, %and3A_216], %add3A_220 masked %ge3A_198 : memref<8x128xi32, #tpu.memory_space<vmem>>[vector<16xi32>, vector<16xi32>], vector<16xi32>, vector<16xi1>
        %all_reduce_population_count3A_221 = tpu.all_reduce %ge3A_198 {dim = 0 : i64, kind = #tpu.reduction_kind<sum>} : vector<16xi1> -> vector<16xi32>
        %slice3A_222 = vector.extract_strided_slice %all_reduce_population_count3A_221 {offsets = [0], sizes = [1], strides = [1]} : vector<16xi32> to vector<1xi32>
        %squeeze3A_223 = vector.extract %slice3A_222[0] : i32 from vector<1xi32>
        %add3A_224 = arith.addi %add3A_188, %squeeze3A_223 : i32
        %scan3A_225 = arith.constant 3 : i32
        %scan3A_226 = arith.addi %scan3A_126, %scan3A_225 : i32
        %mul3A_227 = arith.constant 16 : i32
        %mul3A_228 = arith.muli %scan3A_226, %mul3A_227 : i32
        %add3A_229 = arith.addi %min3A_108, %mul3A_228 : i32
        %get3A_230 = arith.index_cast %add3A_229 : i32 to index
        %get3A_231 = tpu.vector_load %arg7[%get3A_230] {strides = array<i32>} : memref<31744xi32, #tpu.memory_space<vmem>>, vector<16xi32>,
        %ge3A_232 = arith.constant 0 : i32
        %ge3A_233 = vector.broadcast %ge3A_232 : i32 to vector<16xi32>
        %ge3A_234 = arith.cmpi sge, %get3A_231, %ge3A_233 : vector<16xi32>
        %convert_element_type3A_235 = arith.extui %ge3A_234 : vector<16xi1> to vector<16xi32>
        %broadcast_in_dim3A_236 = arith.constant true
        %broadcast_in_dim3A_237 = vector.broadcast %broadcast_in_dim3A_236 : i1 to vector<16xi1>
        %masked_cumsum3A_238 = tpu.scan <sum>, %convert_element_type3A_235 masked %broadcast_in_dim3A_237 : vector<16xi32>, vector<16xi1> -> vector<16xi32>
        %add3A_239 = vector.broadcast %add3A_224 : i32 to vector<16xi32>
        %add3A_240 = arith.addi %add3A_239, %masked_cumsum3A_238 : vector<16xi32>
        %sub3A_241 = arith.constant 1 : i32
        %sub3A_242 = vector.broadcast %sub3A_241 : i32 to vector<16xi32>
        %sub3A_243 = arith.subi %add3A_240, %sub3A_242 : vector<16xi32>
        %max3A_244 = arith.constant 0 : i32
        %max3A_245 = vector.broadcast %max3A_244 : i32 to vector<16xi32>
        %max3A_246 = arith.maxsi %sub3A_243, %max3A_245 : vector<16xi32>
        %shift_right_logical3A_247 = arith.constant 7 : i32
        %shift_right_logical3A_248 = vector.broadcast %shift_right_logical3A_247 : i32 to vector<16xi32>
        %shift_right_logical3A_249 = arith.shrui %max3A_246, %shift_right_logical3A_248 : vector<16xi32>
        %and3A_250 = arith.constant 127 : i32
        %and3A_251 = vector.broadcast %and3A_250 : i32 to vector<16xi32>
        %and3A_252 = arith.andi %sub3A_243, %and3A_251 : vector<16xi32>
        tpu.vector_store_idx %arg10[%shift_right_logical3A_249, %and3A_252], %get3A_231 masked %ge3A_234 : memref<8x128xi32, #tpu.memory_space<vmem>>[vector<16xi32>, vector<16xi32>], vector<16xi32>, vector<16xi1>
        %mul3A_253 = arith.constant 16 : i32
        %mul3A_254 = arith.muli %scan3A_226, %mul3A_253 : i32
        %add3A_255 = vector.broadcast %mul3A_254 : i32 to vector<16xi32>
        %add3A_256 = arith.addi %add3A_255, %iota3A : vector<16xi32>
        tpu.vector_store_idx %arg12[%shift_right_logical3A_249, %and3A_252], %add3A_256 masked %ge3A_234 : memref<8x128xi32, #tpu.memory_space<vmem>>[vector<16xi32>, vector<16xi32>], vector<16xi32>, vector<16xi1>
        %all_reduce_population_count3A_257 = tpu.all_reduce %ge3A_234 {dim = 0 : i64, kind = #tpu.reduction_kind<sum>} : vector<16xi1> -> vector<16xi32>
        %slice3A_258 = vector.extract_strided_slice %all_reduce_population_count3A_257 {offsets = [0], sizes = [1], strides = [1]} : vector<16xi32> to vector<1xi32>
        %squeeze3A_259 = vector.extract %slice3A_258[0] : i32 from vector<1xi32>
        %add3A_260 = arith.addi %add3A_224, %squeeze3A_259 : i32
        scf.yield %add3A_260 : i32
      }
      %scan3A_115 = arith.constant 64 : i32
      %gt3A_116 = arith.constant 0 : i32
      %gt3A_117 = arith.cmpi sgt, %scan3A_114, %gt3A_116 : i32
      %convert_element_type3A_118 = arith.extui %gt3A_117 : i1 to i32
      %cond3A_119 = arith.constant 0 : i32
      %cond3A_120 = arith.cmpi ne, %convert_element_type3A_118, %cond3A_119 : i32
      scf.if %cond3A_120 {
        %dma_start3A_126 = arith.constant 0 : i32
        %dma_start3A_127 = arith.constant 0 : i32
        %dma_start3A_128 = tpu.memref_slice %arg10[%dma_start3A_126, %dma_start3A_127] : memref<8x128xi32, #tpu.memory_space<vmem>> -> memref<1x16xi32, #tpu.memory_space<vmem>>
        %dma_start3A_129 = tpu.memref_squeeze %dma_start3A_128 : memref<1x16xi32, #tpu.memory_space<vmem>> -> memref<16xi32, #tpu.memory_space<vmem>>
        %dma_start3A_130 = arith.constant 0 : i32
        %dma_start3A_131 = arith.constant 0 : i32
        %dma_start3A_132 = tpu.memref_slice %arg2[%dma_start3A_130, %dma_start3A_131] : memref<16384x128xf32, #tpu.memory_space<hbm>> -> memref<16384x128xf32, #tpu.memory_space<hbm>>
        tpu.enqueue_indirect_dma source(%dma_start3A_132 : memref<16384x128xf32, #tpu.memory_space<hbm>>) target(%arg14 : memref<16x128xf32, #tpu.memory_space<vmem>>) offsets(%dma_start3A_129 : memref<16xi32, #tpu.memory_space<vmem>>) semaphore(%arg20 : memref<!tpu.dma_semaphore, #tpu.memory_space<semaphore_mem>>)
      } else {
      }
      %gt3A_121 = arith.constant 0 : i32
      %gt3A_122 = arith.cmpi sgt, %scan3A_114, %gt3A_121 : i32
      %convert_element_type3A_123 = arith.extui %gt3A_122 : i1 to i32
      %cond3A_124 = arith.constant 0 : i32
      %cond3A_125 = arith.cmpi ne, %convert_element_type3A_123, %cond3A_124 : i32
      scf.if %cond3A_125 {
        %dma_wait3A = arith.constant 0 : i32
        %dma_wait3A_126 = arith.constant 0 : i32
        %dma_wait3A_127 = tpu.memref_slice %arg2[%dma_wait3A, %dma_wait3A_126] : memref<16384x128xf32, #tpu.memory_space<hbm>> -> memref<16x128xf32, #tpu.memory_space<hbm>>
        %dma_wait3A_128 = arith.constant 0 : i32
        %dma_wait3A_129 = arith.constant 0 : i32
        %dma_wait3A_130 = tpu.memref_slice %arg2[%dma_wait3A_128, %dma_wait3A_129] : memref<16384x128xf32, #tpu.memory_space<hbm>> -> memref<16x128xf32, #tpu.memory_space<hbm>>
        tpu.wait_dma2 semaphore(%arg20 : memref<!tpu.dma_semaphore, #tpu.memory_space<semaphore_mem>>) src(%dma_wait3A_130 : memref<16x128xf32, #tpu.memory_space<hbm>>) dst(%arg14 : memref<16x128xf32, #tpu.memory_space<vmem>>)
        %add3A_131 = arith.constant 16 : i32
        %add3A_132 = arith.addi %scan3A_114, %add3A_131 : i32
        %sub3A_133 = arith.constant 1 : i32
        %sub3A_134 = arith.subi %add3A_132, %sub3A_133 : i32
        %div3A = arith.constant 16 : i32
        %div3A_135 = arith.divsi %sub3A_134, %div3A : i32
        %while3A = arith.constant 0 : i32
        %while3A_136 = arith.constant 0 : i32
        %while3A_137 = arith.subi %div3A_135, %while3A : i32
        %while3A_138 = arith.addi %while3A, %while3A_137 : i32
        %while3A_139 = arith.constant 1 : i32
        %while3A_140 = arith.divsi %while3A_137, %while3A_139 : i32
        %while3A_141 = arith.muli %while3A_140, %while3A_139 : i32
        %while3A_142 = arith.addi %while3A, %while3A_141 : i32
        %while3A_143 = arith.constant 1 : i32
        %while3A_144 = scf.for %while3A_147 = %while3A to %while3A_142 step %while3A_143 iter_args(%while3A_148 = %while3A_136) -> (i32)  : i32 {
          %shift_right_logical3A = arith.constant 3 : i32
          %shift_right_logical3A_149 = arith.shrui %while3A_147, %shift_right_logical3A : i32
          %and3A = arith.constant 7 : i32
          %and3A_150 = arith.andi %while3A_147, %and3A : i32
          %mul3A_151 = arith.constant 16 : i32
          %mul3A_152 = arith.muli %and3A_150, %mul3A_151 : i32
          %gt3A_153 = arith.constant 0 : i32
          %gt3A_154 = arith.cmpi sgt, %while3A_147, %gt3A_153 : i32
          %convert_element_type3A_155 = arith.extui %gt3A_154 : i1 to i32
          %cond3A_156 = arith.constant 0 : i32
          %cond3A_157 = arith.cmpi ne, %convert_element_type3A_155, %cond3A_156 : i32
          scf.if %cond3A_157 {
            %dma_start3A_264 = tpu.memref_slice %arg10[%shift_right_logical3A_149, %mul3A_152] : memref<8x128xi32, #tpu.memory_space<vmem>> -> memref<1x16xi32, #tpu.memory_space<vmem>>
            %dma_start3A_265 = tpu.memref_squeeze %dma_start3A_264 : memref<1x16xi32, #tpu.memory_space<vmem>> -> memref<16xi32, #tpu.memory_space<vmem>>
            %dma_start3A_266 = arith.constant 0 : i32
            %dma_start3A_267 = arith.constant 0 : i32
            %dma_start3A_268 = tpu.memref_slice %arg2[%dma_start3A_266, %dma_start3A_267] : memref<16384x128xf32, #tpu.memory_space<hbm>> -> memref<16384x128xf32, #tpu.memory_space<hbm>>
            tpu.enqueue_indirect_dma source(%dma_start3A_268 : memref<16384x128xf32, #tpu.memory_space<hbm>>) target(%arg14 : memref<16x128xf32, #tpu.memory_space<vmem>>) offsets(%dma_start3A_265 : memref<16xi32, #tpu.memory_space<vmem>>) semaphore(%arg22 : memref<!tpu.dma_semaphore, #tpu.memory_space<semaphore_mem>>)
            %dma_wait3A_269 = tpu.memref_slice %arg10[%shift_right_logical3A_149, %mul3A_152] : memref<8x128xi32, #tpu.memory_space<vmem>> -> memref<1x16xi32, #tpu.memory_space<vmem>>
            %dma_wait3A_270 = tpu.memref_squeeze %dma_wait3A_269 : memref<1x16xi32, #tpu.memory_space<vmem>> -> memref<16xi32, #tpu.memory_space<vmem>>
            %dma_wait3A_271 = arith.constant 0 : i32
            %dma_wait3A_272 = arith.constant 0 : i32
            %dma_wait3A_273 = tpu.memref_slice %arg2[%dma_wait3A_271, %dma_wait3A_272] : memref<16384x128xf32, #tpu.memory_space<hbm>> -> memref<16384x128xf32, #tpu.memory_space<hbm>>
            tpu.wait_indirect_dma semaphore(%arg22 : memref<!tpu.dma_semaphore, #tpu.memory_space<semaphore_mem>>) src(%dma_wait3A_273 : memref<16384x128xf32, #tpu.memory_space<hbm>>) dst(%arg14 : memref<16x128xf32, #tpu.memory_space<vmem>>)
          } else {
          }
          %mul3A_158 = arith.constant 16 : i32
          %mul3A_159 = arith.muli %while3A_147, %mul3A_158 : i32
          %add3A_160 = vector.broadcast %mul3A_159 : i32 to vector<16xi32>
          %add3A_161 = arith.addi %add3A_160, %iota3A : vector<16xi32>
          %lt3A_162 = vector.broadcast %scan3A_114 : i32 to vector<16xi32>
          %lt3A_163 = arith.cmpi slt, %add3A_161, %lt3A_162 : vector<16xi32>
          %broadcast_in_dim3A_164 = vector.broadcast %shift_right_logical3A_149 : i32 to vector<16xi32>
          %add3A_165 = vector.broadcast %mul3A_152 : i32 to vector<16xi32>
          %add3A_166 = arith.addi %add3A_165, %iota3A : vector<16xi32>
          %gather3A = tpu.vector_load_idx %arg12[%broadcast_in_dim3A_164, %add3A_166] masked %lt3A_163 : memref<8x128xi32, #tpu.memory_space<vmem>>[vector<16xi32>, vector<16xi32>], vector<16xi32>, vector<16xi1>
          %broadcast_in_dim3A_167 = arith.constant 0 : i32
          %broadcast_in_dim3A_168 = vector.broadcast %broadcast_in_dim3A_167 : i32 to vector<16xi32>
          %gather3A_169 = tpu.vector_load_idx %arg14[%iota3A, %broadcast_in_dim3A_168] masked %lt3A_163 : memref<16x128xf32, #tpu.memory_space<vmem>>[vector<16xi32>, vector<16xi32>], vector<16xf32>, vector<16xi1>
          tpu.vector_store_idx %arg8[%broadcast_in_dim3A_168, %gather3A], %gather3A_169 masked %lt3A_163 : memref<32x1024xf32, #tpu.memory_space<vmem>>[vector<16xi32>, vector<16xi32>], vector<16xf32>, vector<16xi1>
          %broadcast_in_dim3A_170 = arith.constant 1 : i32
          %broadcast_in_dim3A_171 = vector.broadcast %broadcast_in_dim3A_170 : i32 to vector<16xi32>
          %gather3A_172 = tpu.vector_load_idx %arg14[%iota3A, %broadcast_in_dim3A_171] masked %lt3A_163 : memref<16x128xf32, #tpu.memory_space<vmem>>[vector<16xi32>, vector<16xi32>], vector<16xf32>, vector<16xi1>
          tpu.vector_store_idx %arg8[%broadcast_in_dim3A_171, %gather3A], %gather3A_172 masked %lt3A_163 : memref<32x1024xf32, #tpu.memory_space<vmem>>[vector<16xi32>, vector<16xi32>], vector<16xf32>, vector<16xi1>
          %broadcast_in_dim3A_173 = arith.constant 2 : i32
          %broadcast_in_dim3A_174 = vector.broadcast %broadcast_in_dim3A_173 : i32 to vector<16xi32>
          %gather3A_175 = tpu.vector_load_idx %arg14[%iota3A, %broadcast_in_dim3A_174] masked %lt3A_163 : memref<16x128xf32, #tpu.memory_space<vmem>>[vector<16xi32>, vector<16xi32>], vector<16xf32>, vector<16xi1>
          tpu.vector_store_idx %arg8[%broadcast_in_dim3A_174, %gather3A], %gather3A_175 masked %lt3A_163 : memref<32x1024xf32, #tpu.memory_space<vmem>>[vector<16xi32>, vector<16xi32>], vector<16xf32>, vector<16xi1>
          %broadcast_in_dim3A_176 = arith.constant 3 : i32
          %broadcast_in_dim3A_177 = vector.broadcast %broadcast_in_dim3A_176 : i32 to vector<16xi32>
          %gather3A_178 = tpu.vector_load_idx %arg14[%iota3A, %broadcast_in_dim3A_177] masked %lt3A_163 : memref<16x128xf32, #tpu.memory_space<vmem>>[vector<16xi32>, vector<16xi32>], vector<16xf32>, vector<16xi1>
          tpu.vector_store_idx %arg8[%broadcast_in_dim3A_177, %gather3A], %gather3A_178 masked %lt3A_163 : memref<32x1024xf32, #tpu.memory_space<vmem>>[vector<16xi32>, vector<16xi32>], vector<16xf32>, vector<16xi1>
          %broadcast_in_dim3A_179 = arith.constant 4 : i32
          %broadcast_in_dim3A_180 = vector.broadcast %broadcast_in_dim3A_179 : i32 to vector<16xi32>
          %gather3A_181 = tpu.vector_load_idx %arg14[%iota3A, %broadcast_in_dim3A_180] masked %lt3A_163 : memref<16x128xf32, #tpu.memory_space<vmem>>[vector<16xi32>, vector<16xi32>], vector<16xf32>, vector<16xi1>
          tpu.vector_store_idx %arg8[%broadcast_in_dim3A_180, %gather3A], %gather3A_181 masked %lt3A_163 : memref<32x1024xf32, #tpu.memory_space<vmem>>[vector<16xi32>, vector<16xi32>], vector<16xf32>, vector<16xi1>
          %broadcast_in_dim3A_182 = arith.constant 5 : i32
          %broadcast_in_dim3A_183 = vector.broadcast %broadcast_in_dim3A_182 : i32 to vector<16xi32>
          %gather3A_184 = tpu.vector_load_idx %arg14[%iota3A, %broadcast_in_dim3A_183] masked %lt3A_163 : memref<16x128xf32, #tpu.memory_space<vmem>>[vector<16xi32>, vector<16xi32>], vector<16xf32>, vector<16xi1>
          tpu.vector_store_idx %arg8[%broadcast_in_dim3A_183, %gather3A], %gather3A_184 masked %lt3A_163 : memref<32x1024xf32, #tpu.memory_space<vmem>>[vector<16xi32>, vector<16xi32>], vector<16xf32>, vector<16xi1>
          %broadcast_in_dim3A_185 = arith.constant 6 : i32
          %broadcast_in_dim3A_186 = vector.broadcast %broadcast_in_dim3A_185 : i32 to vector<16xi32>
          %gather3A_187 = tpu.vector_load_idx %arg14[%iota3A, %broadcast_in_dim3A_186] masked %lt3A_163 : memref<16x128xf32, #tpu.memory_space<vmem>>[vector<16xi32>, vector<16xi32>], vector<16xf32>, vector<16xi1>
          tpu.vector_store_idx %arg8[%broadcast_in_dim3A_186, %gather3A], %gather3A_187 masked %lt3A_163 : memref<32x1024xf32, #tpu.memory_space<vmem>>[vector<16xi32>, vector<16xi32>], vector<16xf32>, vector<16xi1>
          %broadcast_in_dim3A_188 = arith.constant 7 : i32
          %broadcast_in_dim3A_189 = vector.broadcast %broadcast_in_dim3A_188 : i32 to vector<16xi32>
          %gather3A_190 = tpu.vector_load_idx %arg14[%iota3A, %broadcast_in_dim3A_189] masked %lt3A_163 : memref<16x128xf32, #tpu.memory_space<vmem>>[vector<16xi32>, vector<16xi32>], vector<16xf32>, vector<16xi1>
          tpu.vector_store_idx %arg8[%broadcast_in_dim3A_189, %gather3A], %gather3A_190 masked %lt3A_163 : memref<32x1024xf32, #tpu.memory_space<vmem>>[vector<16xi32>, vector<16xi32>], vector<16xf32>, vector<16xi1>
          %broadcast_in_dim3A_191 = arith.constant 8 : i32
          %broadcast_in_dim3A_192 = vector.broadcast %broadcast_in_dim3A_191 : i32 to vector<16xi32>
          %gather3A_193 = tpu.vector_load_idx %arg14[%iota3A, %broadcast_in_dim3A_192] masked %lt3A_163 : memref<16x128xf32, #tpu.memory_space<vmem>>[vector<16xi32>, vector<16xi32>], vector<16xf32>, vector<16xi1>
          tpu.vector_store_idx %arg8[%broadcast_in_dim3A_192, %gather3A], %gather3A_193 masked %lt3A_163 : memref<32x1024xf32, #tpu.memory_space<vmem>>[vector<16xi32>, vector<16xi32>], vector<16xf32>, vector<16xi1>
          %broadcast_in_dim3A_194 = arith.constant 9 : i32
          %broadcast_in_dim3A_195 = vector.broadcast %broadcast_in_dim3A_194 : i32 to vector<16xi32>
          %gather3A_196 = tpu.vector_load_idx %arg14[%iota3A, %broadcast_in_dim3A_195] masked %lt3A_163 : memref<16x128xf32, #tpu.memory_space<vmem>>[vector<16xi32>, vector<16xi32>], vector<16xf32>, vector<16xi1>
          tpu.vector_store_idx %arg8[%broadcast_in_dim3A_195, %gather3A], %gather3A_196 masked %lt3A_163 : memref<32x1024xf32, #tpu.memory_space<vmem>>[vector<16xi32>, vector<16xi32>], vector<16xf32>, vector<16xi1>
          %broadcast_in_dim3A_197 = arith.constant 10 : i32
          %broadcast_in_dim3A_198 = vector.broadcast %broadcast_in_dim3A_197 : i32 to vector<16xi32>
          %gather3A_199 = tpu.vector_load_idx %arg14[%iota3A, %broadcast_in_dim3A_198] masked %lt3A_163 : memref<16x128xf32, #tpu.memory_space<vmem>>[vector<16xi32>, vector<16xi32>], vector<16xf32>, vector<16xi1>
          tpu.vector_store_idx %arg8[%broadcast_in_dim3A_198, %gather3A], %gather3A_199 masked %lt3A_163 : memref<32x1024xf32, #tpu.memory_space<vmem>>[vector<16xi32>, vector<16xi32>], vector<16xf32>, vector<16xi1>
          %broadcast_in_dim3A_200 = arith.constant 11 : i32
          %broadcast_in_dim3A_201 = vector.broadcast %broadcast_in_dim3A_200 : i32 to vector<16xi32>
          %gather3A_202 = tpu.vector_load_idx %arg14[%iota3A, %broadcast_in_dim3A_201] masked %lt3A_163 : memref<16x128xf32, #tpu.memory_space<vmem>>[vector<16xi32>, vector<16xi32>], vector<16xf32>, vector<16xi1>
          tpu.vector_store_idx %arg8[%broadcast_in_dim3A_201, %gather3A], %gather3A_202 masked %lt3A_163 : memref<32x1024xf32, #tpu.memory_space<vmem>>[vector<16xi32>, vector<16xi32>], vector<16xf32>, vector<16xi1>
          %broadcast_in_dim3A_203 = arith.constant 12 : i32
          %broadcast_in_dim3A_204 = vector.broadcast %broadcast_in_dim3A_203 : i32 to vector<16xi32>
          %gather3A_205 = tpu.vector_load_idx %arg14[%iota3A, %broadcast_in_dim3A_204] masked %lt3A_163 : memref<16x128xf32, #tpu.memory_space<vmem>>[vector<16xi32>, vector<16xi32>], vector<16xf32>, vector<16xi1>
          tpu.vector_store_idx %arg8[%broadcast_in_dim3A_204, %gather3A], %gather3A_205 masked %lt3A_163 : memref<32x1024xf32, #tpu.memory_space<vmem>>[vector<16xi32>, vector<16xi32>], vector<16xf32>, vector<16xi1>
          %broadcast_in_dim3A_206 = arith.constant 13 : i32
          %broadcast_in_dim3A_207 = vector.broadcast %broadcast_in_dim3A_206 : i32 to vector<16xi32>
          %gather3A_208 = tpu.vector_load_idx %arg14[%iota3A, %broadcast_in_dim3A_207] masked %lt3A_163 : memref<16x128xf32, #tpu.memory_space<vmem>>[vector<16xi32>, vector<16xi32>], vector<16xf32>, vector<16xi1>
          tpu.vector_store_idx %arg8[%broadcast_in_dim3A_207, %gather3A], %gather3A_208 masked %lt3A_163 : memref<32x1024xf32, #tpu.memory_space<vmem>>[vector<16xi32>, vector<16xi32>], vector<16xf32>, vector<16xi1>
          %broadcast_in_dim3A_209 = arith.constant 14 : i32
          %broadcast_in_dim3A_210 = vector.broadcast %broadcast_in_dim3A_209 : i32 to vector<16xi32>
          %gather3A_211 = tpu.vector_load_idx %arg14[%iota3A, %broadcast_in_dim3A_210] masked %lt3A_163 : memref<16x128xf32, #tpu.memory_space<vmem>>[vector<16xi32>, vector<16xi32>], vector<16xf32>, vector<16xi1>
          tpu.vector_store_idx %arg8[%broadcast_in_dim3A_210, %gather3A], %gather3A_211 masked %lt3A_163 : memref<32x1024xf32, #tpu.memory_space<vmem>>[vector<16xi32>, vector<16xi32>], vector<16xf32>, vector<16xi1>
          %broadcast_in_dim3A_212 = arith.constant 15 : i32
          %broadcast_in_dim3A_213 = vector.broadcast %broadcast_in_dim3A_212 : i32 to vector<16xi32>
          %gather3A_214 = tpu.vector_load_idx %arg14[%iota3A, %broadcast_in_dim3A_213] masked %lt3A_163 : memref<16x128xf32, #tpu.memory_space<vmem>>[vector<16xi32>, vector<16xi32>], vector<16xf32>, vector<16xi1>
          tpu.vector_store_idx %arg8[%broadcast_in_dim3A_213, %gather3A], %gather3A_214 masked %lt3A_163 : memref<32x1024xf32, #tpu.memory_space<vmem>>[vector<16xi32>, vector<16xi32>], vector<16xf32>, vector<16xi1>
          %broadcast_in_dim3A_215 = arith.constant 16 : i32
          %broadcast_in_dim3A_216 = vector.broadcast %broadcast_in_dim3A_215 : i32 to vector<16xi32>
          %gather3A_217 = tpu.vector_load_idx %arg14[%iota3A, %broadcast_in_dim3A_216] masked %lt3A_163 : memref<16x128xf32, #tpu.memory_space<vmem>>[vector<16xi32>, vector<16xi32>], vector<16xf32>, vector<16xi1>
          tpu.vector_store_idx %arg8[%broadcast_in_dim3A_216, %gather3A], %gather3A_217 masked %lt3A_163 : memref<32x1024xf32, #tpu.memory_space<vmem>>[vector<16xi32>, vector<16xi32>], vector<16xf32>, vector<16xi1>
          %broadcast_in_dim3A_218 = arith.constant 17 : i32
          %broadcast_in_dim3A_219 = vector.broadcast %broadcast_in_dim3A_218 : i32 to vector<16xi32>
          %gather3A_220 = tpu.vector_load_idx %arg14[%iota3A, %broadcast_in_dim3A_219] masked %lt3A_163 : memref<16x128xf32, #tpu.memory_space<vmem>>[vector<16xi32>, vector<16xi32>], vector<16xf32>, vector<16xi1>
          tpu.vector_store_idx %arg8[%broadcast_in_dim3A_219, %gather3A], %gather3A_220 masked %lt3A_163 : memref<32x1024xf32, #tpu.memory_space<vmem>>[vector<16xi32>, vector<16xi32>], vector<16xf32>, vector<16xi1>
          %broadcast_in_dim3A_221 = arith.constant 18 : i32
          %broadcast_in_dim3A_222 = vector.broadcast %broadcast_in_dim3A_221 : i32 to vector<16xi32>
          %gather3A_223 = tpu.vector_load_idx %arg14[%iota3A, %broadcast_in_dim3A_222] masked %lt3A_163 : memref<16x128xf32, #tpu.memory_space<vmem>>[vector<16xi32>, vector<16xi32>], vector<16xf32>, vector<16xi1>
          tpu.vector_store_idx %arg8[%broadcast_in_dim3A_222, %gather3A], %gather3A_223 masked %lt3A_163 : memref<32x1024xf32, #tpu.memory_space<vmem>>[vector<16xi32>, vector<16xi32>], vector<16xf32>, vector<16xi1>
          %broadcast_in_dim3A_224 = arith.constant 19 : i32
          %broadcast_in_dim3A_225 = vector.broadcast %broadcast_in_dim3A_224 : i32 to vector<16xi32>
          %gather3A_226 = tpu.vector_load_idx %arg14[%iota3A, %broadcast_in_dim3A_225] masked %lt3A_163 : memref<16x128xf32, #tpu.memory_space<vmem>>[vector<16xi32>, vector<16xi32>], vector<16xf32>, vector<16xi1>
          tpu.vector_store_idx %arg8[%broadcast_in_dim3A_225, %gather3A], %gather3A_226 masked %lt3A_163 : memref<32x1024xf32, #tpu.memory_space<vmem>>[vector<16xi32>, vector<16xi32>], vector<16xf32>, vector<16xi1>
          %broadcast_in_dim3A_227 = arith.constant 20 : i32
          %broadcast_in_dim3A_228 = vector.broadcast %broadcast_in_dim3A_227 : i32 to vector<16xi32>
          %gather3A_229 = tpu.vector_load_idx %arg14[%iota3A, %broadcast_in_dim3A_228] masked %lt3A_163 : memref<16x128xf32, #tpu.memory_space<vmem>>[vector<16xi32>, vector<16xi32>], vector<16xf32>, vector<16xi1>
          tpu.vector_store_idx %arg8[%broadcast_in_dim3A_228, %gather3A], %gather3A_229 masked %lt3A_163 : memref<32x1024xf32, #tpu.memory_space<vmem>>[vector<16xi32>, vector<16xi32>], vector<16xf32>, vector<16xi1>
          %broadcast_in_dim3A_230 = arith.constant 21 : i32
          %broadcast_in_dim3A_231 = vector.broadcast %broadcast_in_dim3A_230 : i32 to vector<16xi32>
          %gather3A_232 = tpu.vector_load_idx %arg14[%iota3A, %broadcast_in_dim3A_231] masked %lt3A_163 : memref<16x128xf32, #tpu.memory_space<vmem>>[vector<16xi32>, vector<16xi32>], vector<16xf32>, vector<16xi1>
          tpu.vector_store_idx %arg8[%broadcast_in_dim3A_231, %gather3A], %gather3A_232 masked %lt3A_163 : memref<32x1024xf32, #tpu.memory_space<vmem>>[vector<16xi32>, vector<16xi32>], vector<16xf32>, vector<16xi1>
          %broadcast_in_dim3A_233 = arith.constant 22 : i32
          %broadcast_in_dim3A_234 = vector.broadcast %broadcast_in_dim3A_233 : i32 to vector<16xi32>
          %gather3A_235 = tpu.vector_load_idx %arg14[%iota3A, %broadcast_in_dim3A_234] masked %lt3A_163 : memref<16x128xf32, #tpu.memory_space<vmem>>[vector<16xi32>, vector<16xi32>], vector<16xf32>, vector<16xi1>
          tpu.vector_store_idx %arg8[%broadcast_in_dim3A_234, %gather3A], %gather3A_235 masked %lt3A_163 : memref<32x1024xf32, #tpu.memory_space<vmem>>[vector<16xi32>, vector<16xi32>], vector<16xf32>, vector<16xi1>
          %broadcast_in_dim3A_236 = arith.constant 23 : i32
          %broadcast_in_dim3A_237 = vector.broadcast %broadcast_in_dim3A_236 : i32 to vector<16xi32>
          %gather3A_238 = tpu.vector_load_idx %arg14[%iota3A, %broadcast_in_dim3A_237] masked %lt3A_163 : memref<16x128xf32, #tpu.memory_space<vmem>>[vector<16xi32>, vector<16xi32>], vector<16xf32>, vector<16xi1>
          tpu.vector_store_idx %arg8[%broadcast_in_dim3A_237, %gather3A], %gather3A_238 masked %lt3A_163 : memref<32x1024xf32, #tpu.memory_space<vmem>>[vector<16xi32>, vector<16xi32>], vector<16xf32>, vector<16xi1>
          %broadcast_in_dim3A_239 = arith.constant 24 : i32
          %broadcast_in_dim3A_240 = vector.broadcast %broadcast_in_dim3A_239 : i32 to vector<16xi32>
          %gather3A_241 = tpu.vector_load_idx %arg14[%iota3A, %broadcast_in_dim3A_240] masked %lt3A_163 : memref<16x128xf32, #tpu.memory_space<vmem>>[vector<16xi32>, vector<16xi32>], vector<16xf32>, vector<16xi1>
          tpu.vector_store_idx %arg8[%broadcast_in_dim3A_240, %gather3A], %gather3A_241 masked %lt3A_163 : memref<32x1024xf32, #tpu.memory_space<vmem>>[vector<16xi32>, vector<16xi32>], vector<16xf32>, vector<16xi1>
          %broadcast_in_dim3A_242 = arith.constant 25 : i32
          %broadcast_in_dim3A_243 = vector.broadcast %broadcast_in_dim3A_242 : i32 to vector<16xi32>
          %gather3A_244 = tpu.vector_load_idx %arg14[%iota3A, %broadcast_in_dim3A_243] masked %lt3A_163 : memref<16x128xf32, #tpu.memory_space<vmem>>[vector<16xi32>, vector<16xi32>], vector<16xf32>, vector<16xi1>
          tpu.vector_store_idx %arg8[%broadcast_in_dim3A_243, %gather3A], %gather3A_244 masked %lt3A_163 : memref<32x1024xf32, #tpu.memory_space<vmem>>[vector<16xi32>, vector<16xi32>], vector<16xf32>, vector<16xi1>
          %broadcast_in_dim3A_245 = arith.constant 26 : i32
          %broadcast_in_dim3A_246 = vector.broadcast %broadcast_in_dim3A_245 : i32 to vector<16xi32>
          %gather3A_247 = tpu.vector_load_idx %arg14[%iota3A, %broadcast_in_dim3A_246] masked %lt3A_163 : memref<16x128xf32, #tpu.memory_space<vmem>>[vector<16xi32>, vector<16xi32>], vector<16xf32>, vector<16xi1>
          tpu.vector_store_idx %arg8[%broadcast_in_dim3A_246, %gather3A], %gather3A_247 masked %lt3A_163 : memref<32x1024xf32, #tpu.memory_space<vmem>>[vector<16xi32>, vector<16xi32>], vector<16xf32>, vector<16xi1>
          %broadcast_in_dim3A_248 = arith.constant 27 : i32
          %broadcast_in_dim3A_249 = vector.broadcast %broadcast_in_dim3A_248 : i32 to vector<16xi32>
          %gather3A_250 = tpu.vector_load_idx %arg14[%iota3A, %broadcast_in_dim3A_249] masked %lt3A_163 : memref<16x128xf32, #tpu.memory_space<vmem>>[vector<16xi32>, vector<16xi32>], vector<16xf32>, vector<16xi1>
          tpu.vector_store_idx %arg8[%broadcast_in_dim3A_249, %gather3A], %gather3A_250 masked %lt3A_163 : memref<32x1024xf32, #tpu.memory_space<vmem>>[vector<16xi32>, vector<16xi32>], vector<16xf32>, vector<16xi1>
          %broadcast_in_dim3A_251 = arith.constant 28 : i32
          %broadcast_in_dim3A_252 = vector.broadcast %broadcast_in_dim3A_251 : i32 to vector<16xi32>
          %gather3A_253 = tpu.vector_load_idx %arg14[%iota3A, %broadcast_in_dim3A_252] masked %lt3A_163 : memref<16x128xf32, #tpu.memory_space<vmem>>[vector<16xi32>, vector<16xi32>], vector<16xf32>, vector<16xi1>
          tpu.vector_store_idx %arg8[%broadcast_in_dim3A_252, %gather3A], %gather3A_253 masked %lt3A_163 : memref<32x1024xf32, #tpu.memory_space<vmem>>[vector<16xi32>, vector<16xi32>], vector<16xf32>, vector<16xi1>
          %broadcast_in_dim3A_254 = arith.constant 29 : i32
          %broadcast_in_dim3A_255 = vector.broadcast %broadcast_in_dim3A_254 : i32 to vector<16xi32>
          %gather3A_256 = tpu.vector_load_idx %arg14[%iota3A, %broadcast_in_dim3A_255] masked %lt3A_163 : memref<16x128xf32, #tpu.memory_space<vmem>>[vector<16xi32>, vector<16xi32>], vector<16xf32>, vector<16xi1>
          tpu.vector_store_idx %arg8[%broadcast_in_dim3A_255, %gather3A], %gather3A_256 masked %lt3A_163 : memref<32x1024xf32, #tpu.memory_space<vmem>>[vector<16xi32>, vector<16xi32>], vector<16xf32>, vector<16xi1>
          %broadcast_in_dim3A_257 = arith.constant 30 : i32
          %broadcast_in_dim3A_258 = vector.broadcast %broadcast_in_dim3A_257 : i32 to vector<16xi32>
          %gather3A_259 = tpu.vector_load_idx %arg14[%iota3A, %broadcast_in_dim3A_258] masked %lt3A_163 : memref<16x128xf32, #tpu.memory_space<vmem>>[vector<16xi32>, vector<16xi32>], vector<16xf32>, vector<16xi1>
          tpu.vector_store_idx %arg8[%broadcast_in_dim3A_258, %gather3A], %gather3A_259 masked %lt3A_163 : memref<32x1024xf32, #tpu.memory_space<vmem>>[vector<16xi32>, vector<16xi32>], vector<16xf32>, vector<16xi1>
          %broadcast_in_dim3A_260 = arith.constant 31 : i32
          %broadcast_in_dim3A_261 = vector.broadcast %broadcast_in_dim3A_260 : i32 to vector<16xi32>
          %gather3A_262 = tpu.vector_load_idx %arg14[%iota3A, %broadcast_in_dim3A_261] masked %lt3A_163 : memref<16x128xf32, #tpu.memory_space<vmem>>[vector<16xi32>, vector<16xi32>], vector<16xf32>, vector<16xi1>
          tpu.vector_store_idx %arg8[%broadcast_in_dim3A_261, %gather3A], %gather3A_262 masked %lt3A_163 : memref<32x1024xf32, #tpu.memory_space<vmem>>[vector<16xi32>, vector<16xi32>], vector<16xf32>, vector<16xi1>
          %while3A_263 = arith.constant 0 : i32
          scf.yield %while3A_263 : i32
        }
        %while3A_145 = arith.constant 1 : i32
        %while3A_146 = scf.for %while3A_147 = %while3A_142 to %while3A_138 step %while3A_145 iter_args(%while3A_148 = %while3A_144) -> (i32)  : i32 {
          %shift_right_logical3A = arith.constant 3 : i32
          %shift_right_logical3A_149 = arith.shrui %while3A_147, %shift_right_logical3A : i32
          %and3A = arith.constant 7 : i32
          %and3A_150 = arith.andi %while3A_147, %and3A : i32
          %mul3A_151 = arith.constant 16 : i32
          %mul3A_152 = arith.muli %and3A_150, %mul3A_151 : i32
          %gt3A_153 = arith.constant 0 : i32
          %gt3A_154 = arith.cmpi sgt, %while3A_147, %gt3A_153 : i32
          %convert_element_type3A_155 = arith.extui %gt3A_154 : i1 to i32
          %cond3A_156 = arith.constant 0 : i32
          %cond3A_157 = arith.cmpi ne, %convert_element_type3A_155, %cond3A_156 : i32
          scf.if %cond3A_157 {
            %dma_start3A_264 = tpu.memref_slice %arg10[%shift_right_logical3A_149, %mul3A_152] : memref<8x128xi32, #tpu.memory_space<vmem>> -> memref<1x16xi32, #tpu.memory_space<vmem>>
            %dma_start3A_265 = tpu.memref_squeeze %dma_start3A_264 : memref<1x16xi32, #tpu.memory_space<vmem>> -> memref<16xi32, #tpu.memory_space<vmem>>
            %dma_start3A_266 = arith.constant 0 : i32
            %dma_start3A_267 = arith.constant 0 : i32
            %dma_start3A_268 = tpu.memref_slice %arg2[%dma_start3A_266, %dma_start3A_267] : memref<16384x128xf32, #tpu.memory_space<hbm>> -> memref<16384x128xf32, #tpu.memory_space<hbm>>
            tpu.enqueue_indirect_dma source(%dma_start3A_268 : memref<16384x128xf32, #tpu.memory_space<hbm>>) target(%arg14 : memref<16x128xf32, #tpu.memory_space<vmem>>) offsets(%dma_start3A_265 : memref<16xi32, #tpu.memory_space<vmem>>) semaphore(%arg22 : memref<!tpu.dma_semaphore, #tpu.memory_space<semaphore_mem>>)
            %dma_wait3A_269 = tpu.memref_slice %arg10[%shift_right_logical3A_149, %mul3A_152] : memref<8x128xi32, #tpu.memory_space<vmem>> -> memref<1x16xi32, #tpu.memory_space<vmem>>
            %dma_wait3A_270 = tpu.memref_squeeze %dma_wait3A_269 : memref<1x16xi32, #tpu.memory_space<vmem>> -> memref<16xi32, #tpu.memory_space<vmem>>
            %dma_wait3A_271 = arith.constant 0 : i32
            %dma_wait3A_272 = arith.constant 0 : i32
            %dma_wait3A_273 = tpu.memref_slice %arg2[%dma_wait3A_271, %dma_wait3A_272] : memref<16384x128xf32, #tpu.memory_space<hbm>> -> memref<16384x128xf32, #tpu.memory_space<hbm>>
            tpu.wait_indirect_dma semaphore(%arg22 : memref<!tpu.dma_semaphore, #tpu.memory_space<semaphore_mem>>) src(%dma_wait3A_273 : memref<16384x128xf32, #tpu.memory_space<hbm>>) dst(%arg14 : memref<16x128xf32, #tpu.memory_space<vmem>>)
          } else {
          }
          %mul3A_158 = arith.constant 16 : i32
          %mul3A_159 = arith.muli %while3A_147, %mul3A_158 : i32
          %add3A_160 = vector.broadcast %mul3A_159 : i32 to vector<16xi32>
          %add3A_161 = arith.addi %add3A_160, %iota3A : vector<16xi32>
          %lt3A_162 = vector.broadcast %scan3A_114 : i32 to vector<16xi32>
          %lt3A_163 = arith.cmpi slt, %add3A_161, %lt3A_162 : vector<16xi32>
          %broadcast_in_dim3A_164 = vector.broadcast %shift_right_logical3A_149 : i32 to vector<16xi32>
          %add3A_165 = vector.broadcast %mul3A_152 : i32 to vector<16xi32>
          %add3A_166 = arith.addi %add3A_165, %iota3A : vector<16xi32>
          %gather3A = tpu.vector_load_idx %arg12[%broadcast_in_dim3A_164, %add3A_166] masked %lt3A_163 : memref<8x128xi32, #tpu.memory_space<vmem>>[vector<16xi32>, vector<16xi32>], vector<16xi32>, vector<16xi1>
          %broadcast_in_dim3A_167 = arith.constant 0 : i32
          %broadcast_in_dim3A_168 = vector.broadcast %broadcast_in_dim3A_167 : i32 to vector<16xi32>
          %gather3A_169 = tpu.vector_load_idx %arg14[%iota3A, %broadcast_in_dim3A_168] masked %lt3A_163 : memref<16x128xf32, #tpu.memory_space<vmem>>[vector<16xi32>, vector<16xi32>], vector<16xf32>, vector<16xi1>
          tpu.vector_store_idx %arg8[%broadcast_in_dim3A_168, %gather3A], %gather3A_169 masked %lt3A_163 : memref<32x1024xf32, #tpu.memory_space<vmem>>[vector<16xi32>, vector<16xi32>], vector<16xf32>, vector<16xi1>
          %broadcast_in_dim3A_170 = arith.constant 1 : i32
          %broadcast_in_dim3A_171 = vector.broadcast %broadcast_in_dim3A_170 : i32 to vector<16xi32>
          %gather3A_172 = tpu.vector_load_idx %arg14[%iota3A, %broadcast_in_dim3A_171] masked %lt3A_163 : memref<16x128xf32, #tpu.memory_space<vmem>>[vector<16xi32>, vector<16xi32>], vector<16xf32>, vector<16xi1>
          tpu.vector_store_idx %arg8[%broadcast_in_dim3A_171, %gather3A], %gather3A_172 masked %lt3A_163 : memref<32x1024xf32, #tpu.memory_space<vmem>>[vector<16xi32>, vector<16xi32>], vector<16xf32>, vector<16xi1>
          %broadcast_in_dim3A_173 = arith.constant 2 : i32
          %broadcast_in_dim3A_174 = vector.broadcast %broadcast_in_dim3A_173 : i32 to vector<16xi32>
          %gather3A_175 = tpu.vector_load_idx %arg14[%iota3A, %broadcast_in_dim3A_174] masked %lt3A_163 : memref<16x128xf32, #tpu.memory_space<vmem>>[vector<16xi32>, vector<16xi32>], vector<16xf32>, vector<16xi1>
          tpu.vector_store_idx %arg8[%broadcast_in_dim3A_174, %gather3A], %gather3A_175 masked %lt3A_163 : memref<32x1024xf32, #tpu.memory_space<vmem>>[vector<16xi32>, vector<16xi32>], vector<16xf32>, vector<16xi1>
          %broadcast_in_dim3A_176 = arith.constant 3 : i32
          %broadcast_in_dim3A_177 = vector.broadcast %broadcast_in_dim3A_176 : i32 to vector<16xi32>
          %gather3A_178 = tpu.vector_load_idx %arg14[%iota3A, %broadcast_in_dim3A_177] masked %lt3A_163 : memref<16x128xf32, #tpu.memory_space<vmem>>[vector<16xi32>, vector<16xi32>], vector<16xf32>, vector<16xi1>
          tpu.vector_store_idx %arg8[%broadcast_in_dim3A_177, %gather3A], %gather3A_178 masked %lt3A_163 : memref<32x1024xf32, #tpu.memory_space<vmem>>[vector<16xi32>, vector<16xi32>], vector<16xf32>, vector<16xi1>
          %broadcast_in_dim3A_179 = arith.constant 4 : i32
          %broadcast_in_dim3A_180 = vector.broadcast %broadcast_in_dim3A_179 : i32 to vector<16xi32>
          %gather3A_181 = tpu.vector_load_idx %arg14[%iota3A, %broadcast_in_dim3A_180] masked %lt3A_163 : memref<16x128xf32, #tpu.memory_space<vmem>>[vector<16xi32>, vector<16xi32>], vector<16xf32>, vector<16xi1>
          tpu.vector_store_idx %arg8[%broadcast_in_dim3A_180, %gather3A], %gather3A_181 masked %lt3A_163 : memref<32x1024xf32, #tpu.memory_space<vmem>>[vector<16xi32>, vector<16xi32>], vector<16xf32>, vector<16xi1>
          %broadcast_in_dim3A_182 = arith.constant 5 : i32
          %broadcast_in_dim3A_183 = vector.broadcast %broadcast_in_dim3A_182 : i32 to vector<16xi32>
          %gather3A_184 = tpu.vector_load_idx %arg14[%iota3A, %broadcast_in_dim3A_183] masked %lt3A_163 : memref<16x128xf32, #tpu.memory_space<vmem>>[vector<16xi32>, vector<16xi32>], vector<16xf32>, vector<16xi1>
          tpu.vector_store_idx %arg8[%broadcast_in_dim3A_183, %gather3A], %gather3A_184 masked %lt3A_163 : memref<32x1024xf32, #tpu.memory_space<vmem>>[vector<16xi32>, vector<16xi32>], vector<16xf32>, vector<16xi1>
          %broadcast_in_dim3A_185 = arith.constant 6 : i32
          %broadcast_in_dim3A_186 = vector.broadcast %broadcast_in_dim3A_185 : i32 to vector<16xi32>
          %gather3A_187 = tpu.vector_load_idx %arg14[%iota3A, %broadcast_in_dim3A_186] masked %lt3A_163 : memref<16x128xf32, #tpu.memory_space<vmem>>[vector<16xi32>, vector<16xi32>], vector<16xf32>, vector<16xi1>
          tpu.vector_store_idx %arg8[%broadcast_in_dim3A_186, %gather3A], %gather3A_187 masked %lt3A_163 : memref<32x1024xf32, #tpu.memory_space<vmem>>[vector<16xi32>, vector<16xi32>], vector<16xf32>, vector<16xi1>
          %broadcast_in_dim3A_188 = arith.constant 7 : i32
          %broadcast_in_dim3A_189 = vector.broadcast %broadcast_in_dim3A_188 : i32 to vector<16xi32>
          %gather3A_190 = tpu.vector_load_idx %arg14[%iota3A, %broadcast_in_dim3A_189] masked %lt3A_163 : memref<16x128xf32, #tpu.memory_space<vmem>>[vector<16xi32>, vector<16xi32>], vector<16xf32>, vector<16xi1>
          tpu.vector_store_idx %arg8[%broadcast_in_dim3A_189, %gather3A], %gather3A_190 masked %lt3A_163 : memref<32x1024xf32, #tpu.memory_space<vmem>>[vector<16xi32>, vector<16xi32>], vector<16xf32>, vector<16xi1>
          %broadcast_in_dim3A_191 = arith.constant 8 : i32
          %broadcast_in_dim3A_192 = vector.broadcast %broadcast_in_dim3A_191 : i32 to vector<16xi32>
          %gather3A_193 = tpu.vector_load_idx %arg14[%iota3A, %broadcast_in_dim3A_192] masked %lt3A_163 : memref<16x128xf32, #tpu.memory_space<vmem>>[vector<16xi32>, vector<16xi32>], vector<16xf32>, vector<16xi1>
          tpu.vector_store_idx %arg8[%broadcast_in_dim3A_192, %gather3A], %gather3A_193 masked %lt3A_163 : memref<32x1024xf32, #tpu.memory_space<vmem>>[vector<16xi32>, vector<16xi32>], vector<16xf32>, vector<16xi1>
          %broadcast_in_dim3A_194 = arith.constant 9 : i32
          %broadcast_in_dim3A_195 = vector.broadcast %broadcast_in_dim3A_194 : i32 to vector<16xi32>
          %gather3A_196 = tpu.vector_load_idx %arg14[%iota3A, %broadcast_in_dim3A_195] masked %lt3A_163 : memref<16x128xf32, #tpu.memory_space<vmem>>[vector<16xi32>, vector<16xi32>], vector<16xf32>, vector<16xi1>
          tpu.vector_store_idx %arg8[%broadcast_in_dim3A_195, %gather3A], %gather3A_196 masked %lt3A_163 : memref<32x1024xf32, #tpu.memory_space<vmem>>[vector<16xi32>, vector<16xi32>], vector<16xf32>, vector<16xi1>
          %broadcast_in_dim3A_197 = arith.constant 10 : i32
          %broadcast_in_dim3A_198 = vector.broadcast %broadcast_in_dim3A_197 : i32 to vector<16xi32>
          %gather3A_199 = tpu.vector_load_idx %arg14[%iota3A, %broadcast_in_dim3A_198] masked %lt3A_163 : memref<16x128xf32, #tpu.memory_space<vmem>>[vector<16xi32>, vector<16xi32>], vector<16xf32>, vector<16xi1>
          tpu.vector_store_idx %arg8[%broadcast_in_dim3A_198, %gather3A], %gather3A_199 masked %lt3A_163 : memref<32x1024xf32, #tpu.memory_space<vmem>>[vector<16xi32>, vector<16xi32>], vector<16xf32>, vector<16xi1>
          %broadcast_in_dim3A_200 = arith.constant 11 : i32
          %broadcast_in_dim3A_201 = vector.broadcast %broadcast_in_dim3A_200 : i32 to vector<16xi32>
          %gather3A_202 = tpu.vector_load_idx %arg14[%iota3A, %broadcast_in_dim3A_201] masked %lt3A_163 : memref<16x128xf32, #tpu.memory_space<vmem>>[vector<16xi32>, vector<16xi32>], vector<16xf32>, vector<16xi1>
          tpu.vector_store_idx %arg8[%broadcast_in_dim3A_201, %gather3A], %gather3A_202 masked %lt3A_163 : memref<32x1024xf32, #tpu.memory_space<vmem>>[vector<16xi32>, vector<16xi32>], vector<16xf32>, vector<16xi1>
          %broadcast_in_dim3A_203 = arith.constant 12 : i32
          %broadcast_in_dim3A_204 = vector.broadcast %broadcast_in_dim3A_203 : i32 to vector<16xi32>
          %gather3A_205 = tpu.vector_load_idx %arg14[%iota3A, %broadcast_in_dim3A_204] masked %lt3A_163 : memref<16x128xf32, #tpu.memory_space<vmem>>[vector<16xi32>, vector<16xi32>], vector<16xf32>, vector<16xi1>
          tpu.vector_store_idx %arg8[%broadcast_in_dim3A_204, %gather3A], %gather3A_205 masked %lt3A_163 : memref<32x1024xf32, #tpu.memory_space<vmem>>[vector<16xi32>, vector<16xi32>], vector<16xf32>, vector<16xi1>
          %broadcast_in_dim3A_206 = arith.constant 13 : i32
          %broadcast_in_dim3A_207 = vector.broadcast %broadcast_in_dim3A_206 : i32 to vector<16xi32>
          %gather3A_208 = tpu.vector_load_idx %arg14[%iota3A, %broadcast_in_dim3A_207] masked %lt3A_163 : memref<16x128xf32, #tpu.memory_space<vmem>>[vector<16xi32>, vector<16xi32>], vector<16xf32>, vector<16xi1>
          tpu.vector_store_idx %arg8[%broadcast_in_dim3A_207, %gather3A], %gather3A_208 masked %lt3A_163 : memref<32x1024xf32, #tpu.memory_space<vmem>>[vector<16xi32>, vector<16xi32>], vector<16xf32>, vector<16xi1>
          %broadcast_in_dim3A_209 = arith.constant 14 : i32
          %broadcast_in_dim3A_210 = vector.broadcast %broadcast_in_dim3A_209 : i32 to vector<16xi32>
          %gather3A_211 = tpu.vector_load_idx %arg14[%iota3A, %broadcast_in_dim3A_210] masked %lt3A_163 : memref<16x128xf32, #tpu.memory_space<vmem>>[vector<16xi32>, vector<16xi32>], vector<16xf32>, vector<16xi1>
          tpu.vector_store_idx %arg8[%broadcast_in_dim3A_210, %gather3A], %gather3A_211 masked %lt3A_163 : memref<32x1024xf32, #tpu.memory_space<vmem>>[vector<16xi32>, vector<16xi32>], vector<16xf32>, vector<16xi1>
          %broadcast_in_dim3A_212 = arith.constant 15 : i32
          %broadcast_in_dim3A_213 = vector.broadcast %broadcast_in_dim3A_212 : i32 to vector<16xi32>
          %gather3A_214 = tpu.vector_load_idx %arg14[%iota3A, %broadcast_in_dim3A_213] masked %lt3A_163 : memref<16x128xf32, #tpu.memory_space<vmem>>[vector<16xi32>, vector<16xi32>], vector<16xf32>, vector<16xi1>
          tpu.vector_store_idx %arg8[%broadcast_in_dim3A_213, %gather3A], %gather3A_214 masked %lt3A_163 : memref<32x1024xf32, #tpu.memory_space<vmem>>[vector<16xi32>, vector<16xi32>], vector<16xf32>, vector<16xi1>
          %broadcast_in_dim3A_215 = arith.constant 16 : i32
          %broadcast_in_dim3A_216 = vector.broadcast %broadcast_in_dim3A_215 : i32 to vector<16xi32>
          %gather3A_217 = tpu.vector_load_idx %arg14[%iota3A, %broadcast_in_dim3A_216] masked %lt3A_163 : memref<16x128xf32, #tpu.memory_space<vmem>>[vector<16xi32>, vector<16xi32>], vector<16xf32>, vector<16xi1>
          tpu.vector_store_idx %arg8[%broadcast_in_dim3A_216, %gather3A], %gather3A_217 masked %lt3A_163 : memref<32x1024xf32, #tpu.memory_space<vmem>>[vector<16xi32>, vector<16xi32>], vector<16xf32>, vector<16xi1>
          %broadcast_in_dim3A_218 = arith.constant 17 : i32
          %broadcast_in_dim3A_219 = vector.broadcast %broadcast_in_dim3A_218 : i32 to vector<16xi32>
          %gather3A_220 = tpu.vector_load_idx %arg14[%iota3A, %broadcast_in_dim3A_219] masked %lt3A_163 : memref<16x128xf32, #tpu.memory_space<vmem>>[vector<16xi32>, vector<16xi32>], vector<16xf32>, vector<16xi1>
          tpu.vector_store_idx %arg8[%broadcast_in_dim3A_219, %gather3A], %gather3A_220 masked %lt3A_163 : memref<32x1024xf32, #tpu.memory_space<vmem>>[vector<16xi32>, vector<16xi32>], vector<16xf32>, vector<16xi1>
          %broadcast_in_dim3A_221 = arith.constant 18 : i32
          %broadcast_in_dim3A_222 = vector.broadcast %broadcast_in_dim3A_221 : i32 to vector<16xi32>
          %gather3A_223 = tpu.vector_load_idx %arg14[%iota3A, %broadcast_in_dim3A_222] masked %lt3A_163 : memref<16x128xf32, #tpu.memory_space<vmem>>[vector<16xi32>, vector<16xi32>], vector<16xf32>, vector<16xi1>
          tpu.vector_store_idx %arg8[%broadcast_in_dim3A_222, %gather3A], %gather3A_223 masked %lt3A_163 : memref<32x1024xf32, #tpu.memory_space<vmem>>[vector<16xi32>, vector<16xi32>], vector<16xf32>, vector<16xi1>
          %broadcast_in_dim3A_224 = arith.constant 19 : i32
          %broadcast_in_dim3A_225 = vector.broadcast %broadcast_in_dim3A_224 : i32 to vector<16xi32>
          %gather3A_226 = tpu.vector_load_idx %arg14[%iota3A, %broadcast_in_dim3A_225] masked %lt3A_163 : memref<16x128xf32, #tpu.memory_space<vmem>>[vector<16xi32>, vector<16xi32>], vector<16xf32>, vector<16xi1>
          tpu.vector_store_idx %arg8[%broadcast_in_dim3A_225, %gather3A], %gather3A_226 masked %lt3A_163 : memref<32x1024xf32, #tpu.memory_space<vmem>>[vector<16xi32>, vector<16xi32>], vector<16xf32>, vector<16xi1>
          %broadcast_in_dim3A_227 = arith.constant 20 : i32
          %broadcast_in_dim3A_228 = vector.broadcast %broadcast_in_dim3A_227 : i32 to vector<16xi32>
          %gather3A_229 = tpu.vector_load_idx %arg14[%iota3A, %broadcast_in_dim3A_228] masked %lt3A_163 : memref<16x128xf32, #tpu.memory_space<vmem>>[vector<16xi32>, vector<16xi32>], vector<16xf32>, vector<16xi1>
          tpu.vector_store_idx %arg8[%broadcast_in_dim3A_228, %gather3A], %gather3A_229 masked %lt3A_163 : memref<32x1024xf32, #tpu.memory_space<vmem>>[vector<16xi32>, vector<16xi32>], vector<16xf32>, vector<16xi1>
          %broadcast_in_dim3A_230 = arith.constant 21 : i32
          %broadcast_in_dim3A_231 = vector.broadcast %broadcast_in_dim3A_230 : i32 to vector<16xi32>
          %gather3A_232 = tpu.vector_load_idx %arg14[%iota3A, %broadcast_in_dim3A_231] masked %lt3A_163 : memref<16x128xf32, #tpu.memory_space<vmem>>[vector<16xi32>, vector<16xi32>], vector<16xf32>, vector<16xi1>
          tpu.vector_store_idx %arg8[%broadcast_in_dim3A_231, %gather3A], %gather3A_232 masked %lt3A_163 : memref<32x1024xf32, #tpu.memory_space<vmem>>[vector<16xi32>, vector<16xi32>], vector<16xf32>, vector<16xi1>
          %broadcast_in_dim3A_233 = arith.constant 22 : i32
          %broadcast_in_dim3A_234 = vector.broadcast %broadcast_in_dim3A_233 : i32 to vector<16xi32>
          %gather3A_235 = tpu.vector_load_idx %arg14[%iota3A, %broadcast_in_dim3A_234] masked %lt3A_163 : memref<16x128xf32, #tpu.memory_space<vmem>>[vector<16xi32>, vector<16xi32>], vector<16xf32>, vector<16xi1>
          tpu.vector_store_idx %arg8[%broadcast_in_dim3A_234, %gather3A], %gather3A_235 masked %lt3A_163 : memref<32x1024xf32, #tpu.memory_space<vmem>>[vector<16xi32>, vector<16xi32>], vector<16xf32>, vector<16xi1>
          %broadcast_in_dim3A_236 = arith.constant 23 : i32
          %broadcast_in_dim3A_237 = vector.broadcast %broadcast_in_dim3A_236 : i32 to vector<16xi32>
          %gather3A_238 = tpu.vector_load_idx %arg14[%iota3A, %broadcast_in_dim3A_237] masked %lt3A_163 : memref<16x128xf32, #tpu.memory_space<vmem>>[vector<16xi32>, vector<16xi32>], vector<16xf32>, vector<16xi1>
          tpu.vector_store_idx %arg8[%broadcast_in_dim3A_237, %gather3A], %gather3A_238 masked %lt3A_163 : memref<32x1024xf32, #tpu.memory_space<vmem>>[vector<16xi32>, vector<16xi32>], vector<16xf32>, vector<16xi1>
          %broadcast_in_dim3A_239 = arith.constant 24 : i32
          %broadcast_in_dim3A_240 = vector.broadcast %broadcast_in_dim3A_239 : i32 to vector<16xi32>
          %gather3A_241 = tpu.vector_load_idx %arg14[%iota3A, %broadcast_in_dim3A_240] masked %lt3A_163 : memref<16x128xf32, #tpu.memory_space<vmem>>[vector<16xi32>, vector<16xi32>], vector<16xf32>, vector<16xi1>
          tpu.vector_store_idx %arg8[%broadcast_in_dim3A_240, %gather3A], %gather3A_241 masked %lt3A_163 : memref<32x1024xf32, #tpu.memory_space<vmem>>[vector<16xi32>, vector<16xi32>], vector<16xf32>, vector<16xi1>
          %broadcast_in_dim3A_242 = arith.constant 25 : i32
          %broadcast_in_dim3A_243 = vector.broadcast %broadcast_in_dim3A_242 : i32 to vector<16xi32>
          %gather3A_244 = tpu.vector_load_idx %arg14[%iota3A, %broadcast_in_dim3A_243] masked %lt3A_163 : memref<16x128xf32, #tpu.memory_space<vmem>>[vector<16xi32>, vector<16xi32>], vector<16xf32>, vector<16xi1>
          tpu.vector_store_idx %arg8[%broadcast_in_dim3A_243, %gather3A], %gather3A_244 masked %lt3A_163 : memref<32x1024xf32, #tpu.memory_space<vmem>>[vector<16xi32>, vector<16xi32>], vector<16xf32>, vector<16xi1>
          %broadcast_in_dim3A_245 = arith.constant 26 : i32
          %broadcast_in_dim3A_246 = vector.broadcast %broadcast_in_dim3A_245 : i32 to vector<16xi32>
          %gather3A_247 = tpu.vector_load_idx %arg14[%iota3A, %broadcast_in_dim3A_246] masked %lt3A_163 : memref<16x128xf32, #tpu.memory_space<vmem>>[vector<16xi32>, vector<16xi32>], vector<16xf32>, vector<16xi1>
          tpu.vector_store_idx %arg8[%broadcast_in_dim3A_246, %gather3A], %gather3A_247 masked %lt3A_163 : memref<32x1024xf32, #tpu.memory_space<vmem>>[vector<16xi32>, vector<16xi32>], vector<16xf32>, vector<16xi1>
          %broadcast_in_dim3A_248 = arith.constant 27 : i32
          %broadcast_in_dim3A_249 = vector.broadcast %broadcast_in_dim3A_248 : i32 to vector<16xi32>
          %gather3A_250 = tpu.vector_load_idx %arg14[%iota3A, %broadcast_in_dim3A_249] masked %lt3A_163 : memref<16x128xf32, #tpu.memory_space<vmem>>[vector<16xi32>, vector<16xi32>], vector<16xf32>, vector<16xi1>
          tpu.vector_store_idx %arg8[%broadcast_in_dim3A_249, %gather3A], %gather3A_250 masked %lt3A_163 : memref<32x1024xf32, #tpu.memory_space<vmem>>[vector<16xi32>, vector<16xi32>], vector<16xf32>, vector<16xi1>
          %broadcast_in_dim3A_251 = arith.constant 28 : i32
          %broadcast_in_dim3A_252 = vector.broadcast %broadcast_in_dim3A_251 : i32 to vector<16xi32>
          %gather3A_253 = tpu.vector_load_idx %arg14[%iota3A, %broadcast_in_dim3A_252] masked %lt3A_163 : memref<16x128xf32, #tpu.memory_space<vmem>>[vector<16xi32>, vector<16xi32>], vector<16xf32>, vector<16xi1>
          tpu.vector_store_idx %arg8[%broadcast_in_dim3A_252, %gather3A], %gather3A_253 masked %lt3A_163 : memref<32x1024xf32, #tpu.memory_space<vmem>>[vector<16xi32>, vector<16xi32>], vector<16xf32>, vector<16xi1>
          %broadcast_in_dim3A_254 = arith.constant 29 : i32
          %broadcast_in_dim3A_255 = vector.broadcast %broadcast_in_dim3A_254 : i32 to vector<16xi32>
          %gather3A_256 = tpu.vector_load_idx %arg14[%iota3A, %broadcast_in_dim3A_255] masked %lt3A_163 : memref<16x128xf32, #tpu.memory_space<vmem>>[vector<16xi32>, vector<16xi32>], vector<16xf32>, vector<16xi1>
          tpu.vector_store_idx %arg8[%broadcast_in_dim3A_255, %gather3A], %gather3A_256 masked %lt3A_163 : memref<32x1024xf32, #tpu.memory_space<vmem>>[vector<16xi32>, vector<16xi32>], vector<16xf32>, vector<16xi1>
          %broadcast_in_dim3A_257 = arith.constant 30 : i32
          %broadcast_in_dim3A_258 = vector.broadcast %broadcast_in_dim3A_257 : i32 to vector<16xi32>
          %gather3A_259 = tpu.vector_load_idx %arg14[%iota3A, %broadcast_in_dim3A_258] masked %lt3A_163 : memref<16x128xf32, #tpu.memory_space<vmem>>[vector<16xi32>, vector<16xi32>], vector<16xf32>, vector<16xi1>
          tpu.vector_store_idx %arg8[%broadcast_in_dim3A_258, %gather3A], %gather3A_259 masked %lt3A_163 : memref<32x1024xf32, #tpu.memory_space<vmem>>[vector<16xi32>, vector<16xi32>], vector<16xf32>, vector<16xi1>
          %broadcast_in_dim3A_260 = arith.constant 31 : i32
          %broadcast_in_dim3A_261 = vector.broadcast %broadcast_in_dim3A_260 : i32 to vector<16xi32>
          %gather3A_262 = tpu.vector_load_idx %arg14[%iota3A, %broadcast_in_dim3A_261] masked %lt3A_163 : memref<16x128xf32, #tpu.memory_space<vmem>>[vector<16xi32>, vector<16xi32>], vector<16xf32>, vector<16xi1>
          tpu.vector_store_idx %arg8[%broadcast_in_dim3A_261, %gather3A], %gather3A_262 masked %lt3A_163 : memref<32x1024xf32, #tpu.memory_space<vmem>>[vector<16xi32>, vector<16xi32>], vector<16xf32>, vector<16xi1>
          %while3A_263 = arith.constant 0 : i32
          scf.yield %while3A_263 : i32
        }
      } else {
      }
      "tpu.region"() ({
        %run_scoped3A = tpu.sem_alloc : memref<!tpu.dma_semaphore, #tpu.memory_space<semaphore_mem>>
        %dma_start3A_126 = arith.constant 0 : i32
        %dma_start3A_127 = arith.constant 0 : i32
        %dma_start3A_128 = tpu.memref_slice %arg8[%dma_start3A_126, %dma_start3A_127] : memref<32x1024xf32, #tpu.memory_space<vmem>> -> memref<32x512xf32, #tpu.memory_space<vmem>>
        %dma_start3A_129 = arith.constant 0 : i32
        %dma_start3A_130 = tpu.memref_slice %arg5[%dma_start3A_129, %multiple_of3A_103] : memref<32x1000000xf32, #tpu.memory_space<hbm>> -> memref<32x512xf32, #tpu.memory_space<hbm>>
        %dma_start3A_131 = arith.constant 0 : i32
        %dma_start3A_132 = tpu.memref_slice %arg5[%dma_start3A_131, %multiple_of3A_103] : memref<32x1000000xf32, #tpu.memory_space<hbm>> -> memref<32x512xf32, #tpu.memory_space<hbm>>
        %dma_start3A_133 = arith.constant 0 : i32
        %dma_start3A_134 = arith.constant 0 : i32
        %dma_start3A_135 = tpu.memref_slice %arg8[%dma_start3A_133, %dma_start3A_134] : memref<32x1024xf32, #tpu.memory_space<vmem>> -> memref<32x512xf32, #tpu.memory_space<vmem>>
        tpu.enqueue_dma source(%dma_start3A_135 : memref<32x512xf32, #tpu.memory_space<vmem>>) target(%dma_start3A_132 : memref<32x512xf32, #tpu.memory_space<hbm>>) target_semaphore(%run_scoped3A : memref<!tpu.dma_semaphore, #tpu.memory_space<semaphore_mem>>)
        %dma_wait3A = arith.constant 0 : i32
        %dma_wait3A_136 = arith.constant 0 : i32
        %dma_wait3A_137 = tpu.memref_slice %arg8[%dma_wait3A, %dma_wait3A_136] : memref<32x1024xf32, #tpu.memory_space<vmem>> -> memref<32x512xf32, #tpu.memory_space<vmem>>
        %dma_wait3A_138 = arith.constant 0 : i32
        %dma_wait3A_139 = tpu.memref_slice %arg5[%dma_wait3A_138, %multiple_of3A_103] : memref<32x1000000xf32, #tpu.memory_space<hbm>> -> memref<32x512xf32, #tpu.memory_space<hbm>>
        %dma_wait3A_140 = arith.constant 0 : i32
        %dma_wait3A_141 = tpu.memref_slice %arg5[%dma_wait3A_140, %multiple_of3A_103] : memref<32x1000000xf32, #tpu.memory_space<hbm>> -> memref<32x512xf32, #tpu.memory_space<hbm>>
        %dma_wait3A_142 = arith.constant 0 : i32
        %dma_wait3A_143 = arith.constant 0 : i32
        %dma_wait3A_144 = tpu.memref_slice %arg8[%dma_wait3A_142, %dma_wait3A_143] : memref<32x1024xf32, #tpu.memory_space<vmem>> -> memref<32x512xf32, #tpu.memory_space<vmem>>
        tpu.wait_dma2 semaphore(%run_scoped3A : memref<!tpu.dma_semaphore, #tpu.memory_space<semaphore_mem>>) src(%dma_wait3A_144 : memref<32x512xf32, #tpu.memory_space<vmem>>) dst(%dma_wait3A_141 : memref<32x512xf32, #tpu.memory_space<hbm>>)
        tpu.yield
      }) : () -> ()
    } else {
    }
    return
  }
}

module attributes {stable_mosaic.version = 14 : i64} {
  func.func @_tail_patch_body(%arg0: i32, %arg1: memref<32x1000000xf32, #tpu.memory_space<any>>, %arg2: memref<32x128xf32, #tpu.memory_space<vmem>>, %arg3: memref<32x16384xf32, #tpu.memory_space<vmem>>, %arg4: memref<128x128xi32, #tpu.memory_space<vmem>>, %arg5: memref<32x128xf32, #tpu.memory_space<vmem>>) attributes {dimension_semantics = [#tpu.dimension_semantics<arbitrary>], iteration_bounds = array<i64: 1>, scalar_prefetch = 0 : i64, scratch_operands = 0 : i64, tpu.core_type = #tpu.core_type<tc>, window_params = [{}, {transform_indices = @transform_1, window_bounds = array<i64: 32, 128>}, {pipeline_mode = #tpu.pipeline_mode<synchronous>, transform_indices = @transform_2, window_bounds = array<i64: 32, 16384>}, {pipeline_mode = #tpu.pipeline_mode<synchronous>, transform_indices = @transform_3, window_bounds = array<i64: 128, 128>}, {transform_indices = @transform_4, window_bounds = array<i64: 32, 128>}]} {
    %get3A = arith.constant 0 : index
    %get3A_0 = arith.constant 0 : index
    %get3A_1 = vector.load %arg2[%get3A, %get3A_0] : memref<32x128xf32, #tpu.memory_space<vmem>>, vector<32x128xf32>
    %get3A_2 = arith.constant 0 : index
    %get3A_3 = arith.constant 0 : index
    %get3A_4 = vector.load %arg4[%get3A_2, %get3A_3] : memref<128x128xi32, #tpu.memory_space<vmem>>, vector<128x128xi32>
    %iota3A = tpu.iota {dimensions = array<i32: 0>} : vector<128x128xi32>
    %mul3A = arith.constant 128 : i32
    %mul3A_5 = vector.broadcast %mul3A : i32 to vector<128x128xi32>
    %mul3A_6 = arith.muli %iota3A, %mul3A_5 : vector<128x128xi32>
    %iota3A_7 = tpu.iota {dimensions = array<i32: 1>} : vector<128x128xi32>
    %add3A = arith.addi %mul3A_6, %iota3A_7 : vector<128x128xi32>
    %iota3A_8 = tpu.iota {dimensions = array<i32: 1>} : vector<1x128xi32>
    %broadcast_in_dim3A = arith.constant -1 : i32
    %broadcast_in_dim3A_9 = vector.broadcast %broadcast_in_dim3A : i32 to vector<1x128xi32>
    %eq3A = arith.constant 999936 : i32
    %eq3A_10 = vector.broadcast %eq3A : i32 to vector<128x128xi32>
    %eq3A_11 = arith.cmpi eq, %get3A_4, %eq3A_10 : vector<128x128xi32>
    %jit3A = arith.constant -1 : i32
    %broadcast_in_dim3A_12 = vector.broadcast %jit3A : i32 to vector<128x128xi32>
    %select_n3A = arith.select %eq3A_11, %add3A, %broadcast_in_dim3A_12 : vector<128x128xi1>, vector<128x128xi32>
    %reduce_max3A = vector.shape_cast %select_n3A : vector<128x128xi32> to vector<1x128x128xi32>
    %reduce_max3A_13 = arith.constant dense<-2147483648> : vector<1xi32>
    %reduce_max3A_14 = vector.multi_reduction <maxsi>, %reduce_max3A, %reduce_max3A_13 [1, 2] : vector<1x128x128xi32> to vector<1xi32>
    %reduce_max3A_15 = vector.shape_cast %reduce_max3A_14 : vector<1xi32> to vector<1x1x1xi32>
    %reduce_max3A_16 = vector.extract %reduce_max3A_15[0, 0, 0] : i32 from vector<1x1x1xi32>
    %eq3A_17 = arith.constant 0 : i32
    %eq3A_18 = vector.broadcast %eq3A_17 : i32 to vector<1x128xi32>
    %eq3A_19 = arith.cmpi eq, %iota3A_8, %eq3A_18 : vector<1x128xi32>
    %broadcast_in_dim3A_20 = vector.broadcast %reduce_max3A_16 : i32 to vector<1x128xi32>
    %select_n3A_21 = arith.select %eq3A_19, %broadcast_in_dim3A_20, %broadcast_in_dim3A_9 : vector<1x128xi1>, vector<1x128xi32>
    %eq3A_22 = arith.constant 999937 : i32
    %eq3A_23 = vector.broadcast %eq3A_22 : i32 to vector<128x128xi32>
    %eq3A_24 = arith.cmpi eq, %get3A_4, %eq3A_23 : vector<128x128xi32>
    %jit3A_25 = arith.constant -1 : i32
    %broadcast_in_dim3A_26 = vector.broadcast %jit3A_25 : i32 to vector<128x128xi32>
    %select_n3A_27 = arith.select %eq3A_24, %add3A, %broadcast_in_dim3A_26 : vector<128x128xi1>, vector<128x128xi32>
    %reduce_max3A_28 = vector.shape_cast %select_n3A_27 : vector<128x128xi32> to vector<1x128x128xi32>
    %reduce_max3A_29 = arith.constant dense<-2147483648> : vector<1xi32>
    %reduce_max3A_30 = vector.multi_reduction <maxsi>, %reduce_max3A_28, %reduce_max3A_29 [1, 2] : vector<1x128x128xi32> to vector<1xi32>
    %reduce_max3A_31 = vector.shape_cast %reduce_max3A_30 : vector<1xi32> to vector<1x1x1xi32>
    %reduce_max3A_32 = vector.extract %reduce_max3A_31[0, 0, 0] : i32 from vector<1x1x1xi32>
    %eq3A_33 = arith.constant 1 : i32
    %eq3A_34 = vector.broadcast %eq3A_33 : i32 to vector<1x128xi32>
    %eq3A_35 = arith.cmpi eq, %iota3A_8, %eq3A_34 : vector<1x128xi32>
    %broadcast_in_dim3A_36 = vector.broadcast %reduce_max3A_32 : i32 to vector<1x128xi32>
    %select_n3A_37 = arith.select %eq3A_35, %broadcast_in_dim3A_36, %select_n3A_21 : vector<1x128xi1>, vector<1x128xi32>
    %eq3A_38 = arith.constant 999938 : i32
    %eq3A_39 = vector.broadcast %eq3A_38 : i32 to vector<128x128xi32>
    %eq3A_40 = arith.cmpi eq, %get3A_4, %eq3A_39 : vector<128x128xi32>
    %jit3A_41 = arith.constant -1 : i32
    %broadcast_in_dim3A_42 = vector.broadcast %jit3A_41 : i32 to vector<128x128xi32>
    %select_n3A_43 = arith.select %eq3A_40, %add3A, %broadcast_in_dim3A_42 : vector<128x128xi1>, vector<128x128xi32>
    %reduce_max3A_44 = vector.shape_cast %select_n3A_43 : vector<128x128xi32> to vector<1x128x128xi32>
    %reduce_max3A_45 = arith.constant dense<-2147483648> : vector<1xi32>
    %reduce_max3A_46 = vector.multi_reduction <maxsi>, %reduce_max3A_44, %reduce_max3A_45 [1, 2] : vector<1x128x128xi32> to vector<1xi32>
    %reduce_max3A_47 = vector.shape_cast %reduce_max3A_46 : vector<1xi32> to vector<1x1x1xi32>
    %reduce_max3A_48 = vector.extract %reduce_max3A_47[0, 0, 0] : i32 from vector<1x1x1xi32>
    %eq3A_49 = arith.constant 2 : i32
    %eq3A_50 = vector.broadcast %eq3A_49 : i32 to vector<1x128xi32>
    %eq3A_51 = arith.cmpi eq, %iota3A_8, %eq3A_50 : vector<1x128xi32>
    %broadcast_in_dim3A_52 = vector.broadcast %reduce_max3A_48 : i32 to vector<1x128xi32>
    %select_n3A_53 = arith.select %eq3A_51, %broadcast_in_dim3A_52, %select_n3A_37 : vector<1x128xi1>, vector<1x128xi32>
    %eq3A_54 = arith.constant 999939 : i32
    %eq3A_55 = vector.broadcast %eq3A_54 : i32 to vector<128x128xi32>
    %eq3A_56 = arith.cmpi eq, %get3A_4, %eq3A_55 : vector<128x128xi32>
    %jit3A_57 = arith.constant -1 : i32
    %broadcast_in_dim3A_58 = vector.broadcast %jit3A_57 : i32 to vector<128x128xi32>
    %select_n3A_59 = arith.select %eq3A_56, %add3A, %broadcast_in_dim3A_58 : vector<128x128xi1>, vector<128x128xi32>
    %reduce_max3A_60 = vector.shape_cast %select_n3A_59 : vector<128x128xi32> to vector<1x128x128xi32>
    %reduce_max3A_61 = arith.constant dense<-2147483648> : vector<1xi32>
    %reduce_max3A_62 = vector.multi_reduction <maxsi>, %reduce_max3A_60, %reduce_max3A_61 [1, 2] : vector<1x128x128xi32> to vector<1xi32>
    %reduce_max3A_63 = vector.shape_cast %reduce_max3A_62 : vector<1xi32> to vector<1x1x1xi32>
    %reduce_max3A_64 = vector.extract %reduce_max3A_63[0, 0, 0] : i32 from vector<1x1x1xi32>
    %eq3A_65 = arith.constant 3 : i32
    %eq3A_66 = vector.broadcast %eq3A_65 : i32 to vector<1x128xi32>
    %eq3A_67 = arith.cmpi eq, %iota3A_8, %eq3A_66 : vector<1x128xi32>
    %broadcast_in_dim3A_68 = vector.broadcast %reduce_max3A_64 : i32 to vector<1x128xi32>
    %select_n3A_69 = arith.select %eq3A_67, %broadcast_in_dim3A_68, %select_n3A_53 : vector<1x128xi1>, vector<1x128xi32>
    %eq3A_70 = arith.constant 999940 : i32
    %eq3A_71 = vector.broadcast %eq3A_70 : i32 to vector<128x128xi32>
    %eq3A_72 = arith.cmpi eq, %get3A_4, %eq3A_71 : vector<128x128xi32>
    %jit3A_73 = arith.constant -1 : i32
    %broadcast_in_dim3A_74 = vector.broadcast %jit3A_73 : i32 to vector<128x128xi32>
    %select_n3A_75 = arith.select %eq3A_72, %add3A, %broadcast_in_dim3A_74 : vector<128x128xi1>, vector<128x128xi32>
    %reduce_max3A_76 = vector.shape_cast %select_n3A_75 : vector<128x128xi32> to vector<1x128x128xi32>
    %reduce_max3A_77 = arith.constant dense<-2147483648> : vector<1xi32>
    %reduce_max3A_78 = vector.multi_reduction <maxsi>, %reduce_max3A_76, %reduce_max3A_77 [1, 2] : vector<1x128x128xi32> to vector<1xi32>
    %reduce_max3A_79 = vector.shape_cast %reduce_max3A_78 : vector<1xi32> to vector<1x1x1xi32>
    %reduce_max3A_80 = vector.extract %reduce_max3A_79[0, 0, 0] : i32 from vector<1x1x1xi32>
    %eq3A_81 = arith.constant 4 : i32
    %eq3A_82 = vector.broadcast %eq3A_81 : i32 to vector<1x128xi32>
    %eq3A_83 = arith.cmpi eq, %iota3A_8, %eq3A_82 : vector<1x128xi32>
    %broadcast_in_dim3A_84 = vector.broadcast %reduce_max3A_80 : i32 to vector<1x128xi32>
    %select_n3A_85 = arith.select %eq3A_83, %broadcast_in_dim3A_84, %select_n3A_69 : vector<1x128xi1>, vector<1x128xi32>
    %eq3A_86 = arith.constant 999941 : i32
    %eq3A_87 = vector.broadcast %eq3A_86 : i32 to vector<128x128xi32>
    %eq3A_88 = arith.cmpi eq, %get3A_4, %eq3A_87 : vector<128x128xi32>
    %jit3A_89 = arith.constant -1 : i32
    %broadcast_in_dim3A_90 = vector.broadcast %jit3A_89 : i32 to vector<128x128xi32>
    %select_n3A_91 = arith.select %eq3A_88, %add3A, %broadcast_in_dim3A_90 : vector<128x128xi1>, vector<128x128xi32>
    %reduce_max3A_92 = vector.shape_cast %select_n3A_91 : vector<128x128xi32> to vector<1x128x128xi32>
    %reduce_max3A_93 = arith.constant dense<-2147483648> : vector<1xi32>
    %reduce_max3A_94 = vector.multi_reduction <maxsi>, %reduce_max3A_92, %reduce_max3A_93 [1, 2] : vector<1x128x128xi32> to vector<1xi32>
    %reduce_max3A_95 = vector.shape_cast %reduce_max3A_94 : vector<1xi32> to vector<1x1x1xi32>
    %reduce_max3A_96 = vector.extract %reduce_max3A_95[0, 0, 0] : i32 from vector<1x1x1xi32>
    %eq3A_97 = arith.constant 5 : i32
    %eq3A_98 = vector.broadcast %eq3A_97 : i32 to vector<1x128xi32>
    %eq3A_99 = arith.cmpi eq, %iota3A_8, %eq3A_98 : vector<1x128xi32>
    %broadcast_in_dim3A_100 = vector.broadcast %reduce_max3A_96 : i32 to vector<1x128xi32>
    %select_n3A_101 = arith.select %eq3A_99, %broadcast_in_dim3A_100, %select_n3A_85 : vector<1x128xi1>, vector<1x128xi32>
    %eq3A_102 = arith.constant 999942 : i32
    %eq3A_103 = vector.broadcast %eq3A_102 : i32 to vector<128x128xi32>
    %eq3A_104 = arith.cmpi eq, %get3A_4, %eq3A_103 : vector<128x128xi32>
    %jit3A_105 = arith.constant -1 : i32
    %broadcast_in_dim3A_106 = vector.broadcast %jit3A_105 : i32 to vector<128x128xi32>
    %select_n3A_107 = arith.select %eq3A_104, %add3A, %broadcast_in_dim3A_106 : vector<128x128xi1>, vector<128x128xi32>
    %reduce_max3A_108 = vector.shape_cast %select_n3A_107 : vector<128x128xi32> to vector<1x128x128xi32>
    %reduce_max3A_109 = arith.constant dense<-2147483648> : vector<1xi32>
    %reduce_max3A_110 = vector.multi_reduction <maxsi>, %reduce_max3A_108, %reduce_max3A_109 [1, 2] : vector<1x128x128xi32> to vector<1xi32>
    %reduce_max3A_111 = vector.shape_cast %reduce_max3A_110 : vector<1xi32> to vector<1x1x1xi32>
    %reduce_max3A_112 = vector.extract %reduce_max3A_111[0, 0, 0] : i32 from vector<1x1x1xi32>
    %eq3A_113 = arith.constant 6 : i32
    %eq3A_114 = vector.broadcast %eq3A_113 : i32 to vector<1x128xi32>
    %eq3A_115 = arith.cmpi eq, %iota3A_8, %eq3A_114 : vector<1x128xi32>
    %broadcast_in_dim3A_116 = vector.broadcast %reduce_max3A_112 : i32 to vector<1x128xi32>
    %select_n3A_117 = arith.select %eq3A_115, %broadcast_in_dim3A_116, %select_n3A_101 : vector<1x128xi1>, vector<1x128xi32>
    %eq3A_118 = arith.constant 999943 : i32
    %eq3A_119 = vector.broadcast %eq3A_118 : i32 to vector<128x128xi32>
    %eq3A_120 = arith.cmpi eq, %get3A_4, %eq3A_119 : vector<128x128xi32>
    %jit3A_121 = arith.constant -1 : i32
    %broadcast_in_dim3A_122 = vector.broadcast %jit3A_121 : i32 to vector<128x128xi32>
    %select_n3A_123 = arith.select %eq3A_120, %add3A, %broadcast_in_dim3A_122 : vector<128x128xi1>, vector<128x128xi32>
    %reduce_max3A_124 = vector.shape_cast %select_n3A_123 : vector<128x128xi32> to vector<1x128x128xi32>
    %reduce_max3A_125 = arith.constant dense<-2147483648> : vector<1xi32>
    %reduce_max3A_126 = vector.multi_reduction <maxsi>, %reduce_max3A_124, %reduce_max3A_125 [1, 2] : vector<1x128x128xi32> to vector<1xi32>
    %reduce_max3A_127 = vector.shape_cast %reduce_max3A_126 : vector<1xi32> to vector<1x1x1xi32>
    %reduce_max3A_128 = vector.extract %reduce_max3A_127[0, 0, 0] : i32 from vector<1x1x1xi32>
    %eq3A_129 = arith.constant 7 : i32
    %eq3A_130 = vector.broadcast %eq3A_129 : i32 to vector<1x128xi32>
    %eq3A_131 = arith.cmpi eq, %iota3A_8, %eq3A_130 : vector<1x128xi32>
    %broadcast_in_dim3A_132 = vector.broadcast %reduce_max3A_128 : i32 to vector<1x128xi32>
    %select_n3A_133 = arith.select %eq3A_131, %broadcast_in_dim3A_132, %select_n3A_117 : vector<1x128xi1>, vector<1x128xi32>
    %eq3A_134 = arith.constant 999944 : i32
    %eq3A_135 = vector.broadcast %eq3A_134 : i32 to vector<128x128xi32>
    %eq3A_136 = arith.cmpi eq, %get3A_4, %eq3A_135 : vector<128x128xi32>
    %jit3A_137 = arith.constant -1 : i32
    %broadcast_in_dim3A_138 = vector.broadcast %jit3A_137 : i32 to vector<128x128xi32>
    %select_n3A_139 = arith.select %eq3A_136, %add3A, %broadcast_in_dim3A_138 : vector<128x128xi1>, vector<128x128xi32>
    %reduce_max3A_140 = vector.shape_cast %select_n3A_139 : vector<128x128xi32> to vector<1x128x128xi32>
    %reduce_max3A_141 = arith.constant dense<-2147483648> : vector<1xi32>
    %reduce_max3A_142 = vector.multi_reduction <maxsi>, %reduce_max3A_140, %reduce_max3A_141 [1, 2] : vector<1x128x128xi32> to vector<1xi32>
    %reduce_max3A_143 = vector.shape_cast %reduce_max3A_142 : vector<1xi32> to vector<1x1x1xi32>
    %reduce_max3A_144 = vector.extract %reduce_max3A_143[0, 0, 0] : i32 from vector<1x1x1xi32>
    %eq3A_145 = arith.constant 8 : i32
    %eq3A_146 = vector.broadcast %eq3A_145 : i32 to vector<1x128xi32>
    %eq3A_147 = arith.cmpi eq, %iota3A_8, %eq3A_146 : vector<1x128xi32>
    %broadcast_in_dim3A_148 = vector.broadcast %reduce_max3A_144 : i32 to vector<1x128xi32>
    %select_n3A_149 = arith.select %eq3A_147, %broadcast_in_dim3A_148, %select_n3A_133 : vector<1x128xi1>, vector<1x128xi32>
    %eq3A_150 = arith.constant 999945 : i32
    %eq3A_151 = vector.broadcast %eq3A_150 : i32 to vector<128x128xi32>
    %eq3A_152 = arith.cmpi eq, %get3A_4, %eq3A_151 : vector<128x128xi32>
    %jit3A_153 = arith.constant -1 : i32
    %broadcast_in_dim3A_154 = vector.broadcast %jit3A_153 : i32 to vector<128x128xi32>
    %select_n3A_155 = arith.select %eq3A_152, %add3A, %broadcast_in_dim3A_154 : vector<128x128xi1>, vector<128x128xi32>
    %reduce_max3A_156 = vector.shape_cast %select_n3A_155 : vector<128x128xi32> to vector<1x128x128xi32>
    %reduce_max3A_157 = arith.constant dense<-2147483648> : vector<1xi32>
    %reduce_max3A_158 = vector.multi_reduction <maxsi>, %reduce_max3A_156, %reduce_max3A_157 [1, 2] : vector<1x128x128xi32> to vector<1xi32>
    %reduce_max3A_159 = vector.shape_cast %reduce_max3A_158 : vector<1xi32> to vector<1x1x1xi32>
    %reduce_max3A_160 = vector.extract %reduce_max3A_159[0, 0, 0] : i32 from vector<1x1x1xi32>
    %eq3A_161 = arith.constant 9 : i32
    %eq3A_162 = vector.broadcast %eq3A_161 : i32 to vector<1x128xi32>
    %eq3A_163 = arith.cmpi eq, %iota3A_8, %eq3A_162 : vector<1x128xi32>
    %broadcast_in_dim3A_164 = vector.broadcast %reduce_max3A_160 : i32 to vector<1x128xi32>
    %select_n3A_165 = arith.select %eq3A_163, %broadcast_in_dim3A_164, %select_n3A_149 : vector<1x128xi1>, vector<1x128xi32>
    %eq3A_166 = arith.constant 999946 : i32
    %eq3A_167 = vector.broadcast %eq3A_166 : i32 to vector<128x128xi32>
    %eq3A_168 = arith.cmpi eq, %get3A_4, %eq3A_167 : vector<128x128xi32>
    %jit3A_169 = arith.constant -1 : i32
    %broadcast_in_dim3A_170 = vector.broadcast %jit3A_169 : i32 to vector<128x128xi32>
    %select_n3A_171 = arith.select %eq3A_168, %add3A, %broadcast_in_dim3A_170 : vector<128x128xi1>, vector<128x128xi32>
    %reduce_max3A_172 = vector.shape_cast %select_n3A_171 : vector<128x128xi32> to vector<1x128x128xi32>
    %reduce_max3A_173 = arith.constant dense<-2147483648> : vector<1xi32>
    %reduce_max3A_174 = vector.multi_reduction <maxsi>, %reduce_max3A_172, %reduce_max3A_173 [1, 2] : vector<1x128x128xi32> to vector<1xi32>
    %reduce_max3A_175 = vector.shape_cast %reduce_max3A_174 : vector<1xi32> to vector<1x1x1xi32>
    %reduce_max3A_176 = vector.extract %reduce_max3A_175[0, 0, 0] : i32 from vector<1x1x1xi32>
    %eq3A_177 = arith.constant 10 : i32
    %eq3A_178 = vector.broadcast %eq3A_177 : i32 to vector<1x128xi32>
    %eq3A_179 = arith.cmpi eq, %iota3A_8, %eq3A_178 : vector<1x128xi32>
    %broadcast_in_dim3A_180 = vector.broadcast %reduce_max3A_176 : i32 to vector<1x128xi32>
    %select_n3A_181 = arith.select %eq3A_179, %broadcast_in_dim3A_180, %select_n3A_165 : vector<1x128xi1>, vector<1x128xi32>
    %eq3A_182 = arith.constant 999947 : i32
    %eq3A_183 = vector.broadcast %eq3A_182 : i32 to vector<128x128xi32>
    %eq3A_184 = arith.cmpi eq, %get3A_4, %eq3A_183 : vector<128x128xi32>
    %jit3A_185 = arith.constant -1 : i32
    %broadcast_in_dim3A_186 = vector.broadcast %jit3A_185 : i32 to vector<128x128xi32>
    %select_n3A_187 = arith.select %eq3A_184, %add3A, %broadcast_in_dim3A_186 : vector<128x128xi1>, vector<128x128xi32>
    %reduce_max3A_188 = vector.shape_cast %select_n3A_187 : vector<128x128xi32> to vector<1x128x128xi32>
    %reduce_max3A_189 = arith.constant dense<-2147483648> : vector<1xi32>
    %reduce_max3A_190 = vector.multi_reduction <maxsi>, %reduce_max3A_188, %reduce_max3A_189 [1, 2] : vector<1x128x128xi32> to vector<1xi32>
    %reduce_max3A_191 = vector.shape_cast %reduce_max3A_190 : vector<1xi32> to vector<1x1x1xi32>
    %reduce_max3A_192 = vector.extract %reduce_max3A_191[0, 0, 0] : i32 from vector<1x1x1xi32>
    %eq3A_193 = arith.constant 11 : i32
    %eq3A_194 = vector.broadcast %eq3A_193 : i32 to vector<1x128xi32>
    %eq3A_195 = arith.cmpi eq, %iota3A_8, %eq3A_194 : vector<1x128xi32>
    %broadcast_in_dim3A_196 = vector.broadcast %reduce_max3A_192 : i32 to vector<1x128xi32>
    %select_n3A_197 = arith.select %eq3A_195, %broadcast_in_dim3A_196, %select_n3A_181 : vector<1x128xi1>, vector<1x128xi32>
    %eq3A_198 = arith.constant 999948 : i32
    %eq3A_199 = vector.broadcast %eq3A_198 : i32 to vector<128x128xi32>
    %eq3A_200 = arith.cmpi eq, %get3A_4, %eq3A_199 : vector<128x128xi32>
    %jit3A_201 = arith.constant -1 : i32
    %broadcast_in_dim3A_202 = vector.broadcast %jit3A_201 : i32 to vector<128x128xi32>
    %select_n3A_203 = arith.select %eq3A_200, %add3A, %broadcast_in_dim3A_202 : vector<128x128xi1>, vector<128x128xi32>
    %reduce_max3A_204 = vector.shape_cast %select_n3A_203 : vector<128x128xi32> to vector<1x128x128xi32>
    %reduce_max3A_205 = arith.constant dense<-2147483648> : vector<1xi32>
    %reduce_max3A_206 = vector.multi_reduction <maxsi>, %reduce_max3A_204, %reduce_max3A_205 [1, 2] : vector<1x128x128xi32> to vector<1xi32>
    %reduce_max3A_207 = vector.shape_cast %reduce_max3A_206 : vector<1xi32> to vector<1x1x1xi32>
    %reduce_max3A_208 = vector.extract %reduce_max3A_207[0, 0, 0] : i32 from vector<1x1x1xi32>
    %eq3A_209 = arith.constant 12 : i32
    %eq3A_210 = vector.broadcast %eq3A_209 : i32 to vector<1x128xi32>
    %eq3A_211 = arith.cmpi eq, %iota3A_8, %eq3A_210 : vector<1x128xi32>
    %broadcast_in_dim3A_212 = vector.broadcast %reduce_max3A_208 : i32 to vector<1x128xi32>
    %select_n3A_213 = arith.select %eq3A_211, %broadcast_in_dim3A_212, %select_n3A_197 : vector<1x128xi1>, vector<1x128xi32>
    %eq3A_214 = arith.constant 999949 : i32
    %eq3A_215 = vector.broadcast %eq3A_214 : i32 to vector<128x128xi32>
    %eq3A_216 = arith.cmpi eq, %get3A_4, %eq3A_215 : vector<128x128xi32>
    %jit3A_217 = arith.constant -1 : i32
    %broadcast_in_dim3A_218 = vector.broadcast %jit3A_217 : i32 to vector<128x128xi32>
    %select_n3A_219 = arith.select %eq3A_216, %add3A, %broadcast_in_dim3A_218 : vector<128x128xi1>, vector<128x128xi32>
    %reduce_max3A_220 = vector.shape_cast %select_n3A_219 : vector<128x128xi32> to vector<1x128x128xi32>
    %reduce_max3A_221 = arith.constant dense<-2147483648> : vector<1xi32>
    %reduce_max3A_222 = vector.multi_reduction <maxsi>, %reduce_max3A_220, %reduce_max3A_221 [1, 2] : vector<1x128x128xi32> to vector<1xi32>
    %reduce_max3A_223 = vector.shape_cast %reduce_max3A_222 : vector<1xi32> to vector<1x1x1xi32>
    %reduce_max3A_224 = vector.extract %reduce_max3A_223[0, 0, 0] : i32 from vector<1x1x1xi32>
    %eq3A_225 = arith.constant 13 : i32
    %eq3A_226 = vector.broadcast %eq3A_225 : i32 to vector<1x128xi32>
    %eq3A_227 = arith.cmpi eq, %iota3A_8, %eq3A_226 : vector<1x128xi32>
    %broadcast_in_dim3A_228 = vector.broadcast %reduce_max3A_224 : i32 to vector<1x128xi32>
    %select_n3A_229 = arith.select %eq3A_227, %broadcast_in_dim3A_228, %select_n3A_213 : vector<1x128xi1>, vector<1x128xi32>
    %eq3A_230 = arith.constant 999950 : i32
    %eq3A_231 = vector.broadcast %eq3A_230 : i32 to vector<128x128xi32>
    %eq3A_232 = arith.cmpi eq, %get3A_4, %eq3A_231 : vector<128x128xi32>
    %jit3A_233 = arith.constant -1 : i32
    %broadcast_in_dim3A_234 = vector.broadcast %jit3A_233 : i32 to vector<128x128xi32>
    %select_n3A_235 = arith.select %eq3A_232, %add3A, %broadcast_in_dim3A_234 : vector<128x128xi1>, vector<128x128xi32>
    %reduce_max3A_236 = vector.shape_cast %select_n3A_235 : vector<128x128xi32> to vector<1x128x128xi32>
    %reduce_max3A_237 = arith.constant dense<-2147483648> : vector<1xi32>
    %reduce_max3A_238 = vector.multi_reduction <maxsi>, %reduce_max3A_236, %reduce_max3A_237 [1, 2] : vector<1x128x128xi32> to vector<1xi32>
    %reduce_max3A_239 = vector.shape_cast %reduce_max3A_238 : vector<1xi32> to vector<1x1x1xi32>
    %reduce_max3A_240 = vector.extract %reduce_max3A_239[0, 0, 0] : i32 from vector<1x1x1xi32>
    %eq3A_241 = arith.constant 14 : i32
    %eq3A_242 = vector.broadcast %eq3A_241 : i32 to vector<1x128xi32>
    %eq3A_243 = arith.cmpi eq, %iota3A_8, %eq3A_242 : vector<1x128xi32>
    %broadcast_in_dim3A_244 = vector.broadcast %reduce_max3A_240 : i32 to vector<1x128xi32>
    %select_n3A_245 = arith.select %eq3A_243, %broadcast_in_dim3A_244, %select_n3A_229 : vector<1x128xi1>, vector<1x128xi32>
    %eq3A_246 = arith.constant 999951 : i32
    %eq3A_247 = vector.broadcast %eq3A_246 : i32 to vector<128x128xi32>
    %eq3A_248 = arith.cmpi eq, %get3A_4, %eq3A_247 : vector<128x128xi32>
    %jit3A_249 = arith.constant -1 : i32
    %broadcast_in_dim3A_250 = vector.broadcast %jit3A_249 : i32 to vector<128x128xi32>
    %select_n3A_251 = arith.select %eq3A_248, %add3A, %broadcast_in_dim3A_250 : vector<128x128xi1>, vector<128x128xi32>
    %reduce_max3A_252 = vector.shape_cast %select_n3A_251 : vector<128x128xi32> to vector<1x128x128xi32>
    %reduce_max3A_253 = arith.constant dense<-2147483648> : vector<1xi32>
    %reduce_max3A_254 = vector.multi_reduction <maxsi>, %reduce_max3A_252, %reduce_max3A_253 [1, 2] : vector<1x128x128xi32> to vector<1xi32>
    %reduce_max3A_255 = vector.shape_cast %reduce_max3A_254 : vector<1xi32> to vector<1x1x1xi32>
    %reduce_max3A_256 = vector.extract %reduce_max3A_255[0, 0, 0] : i32 from vector<1x1x1xi32>
    %eq3A_257 = arith.constant 15 : i32
    %eq3A_258 = vector.broadcast %eq3A_257 : i32 to vector<1x128xi32>
    %eq3A_259 = arith.cmpi eq, %iota3A_8, %eq3A_258 : vector<1x128xi32>
    %broadcast_in_dim3A_260 = vector.broadcast %reduce_max3A_256 : i32 to vector<1x128xi32>
    %select_n3A_261 = arith.select %eq3A_259, %broadcast_in_dim3A_260, %select_n3A_245 : vector<1x128xi1>, vector<1x128xi32>
    %eq3A_262 = arith.constant 999952 : i32
    %eq3A_263 = vector.broadcast %eq3A_262 : i32 to vector<128x128xi32>
    %eq3A_264 = arith.cmpi eq, %get3A_4, %eq3A_263 : vector<128x128xi32>
    %jit3A_265 = arith.constant -1 : i32
    %broadcast_in_dim3A_266 = vector.broadcast %jit3A_265 : i32 to vector<128x128xi32>
    %select_n3A_267 = arith.select %eq3A_264, %add3A, %broadcast_in_dim3A_266 : vector<128x128xi1>, vector<128x128xi32>
    %reduce_max3A_268 = vector.shape_cast %select_n3A_267 : vector<128x128xi32> to vector<1x128x128xi32>
    %reduce_max3A_269 = arith.constant dense<-2147483648> : vector<1xi32>
    %reduce_max3A_270 = vector.multi_reduction <maxsi>, %reduce_max3A_268, %reduce_max3A_269 [1, 2] : vector<1x128x128xi32> to vector<1xi32>
    %reduce_max3A_271 = vector.shape_cast %reduce_max3A_270 : vector<1xi32> to vector<1x1x1xi32>
    %reduce_max3A_272 = vector.extract %reduce_max3A_271[0, 0, 0] : i32 from vector<1x1x1xi32>
    %eq3A_273 = arith.constant 16 : i32
    %eq3A_274 = vector.broadcast %eq3A_273 : i32 to vector<1x128xi32>
    %eq3A_275 = arith.cmpi eq, %iota3A_8, %eq3A_274 : vector<1x128xi32>
    %broadcast_in_dim3A_276 = vector.broadcast %reduce_max3A_272 : i32 to vector<1x128xi32>
    %select_n3A_277 = arith.select %eq3A_275, %broadcast_in_dim3A_276, %select_n3A_261 : vector<1x128xi1>, vector<1x128xi32>
    %eq3A_278 = arith.constant 999953 : i32
    %eq3A_279 = vector.broadcast %eq3A_278 : i32 to vector<128x128xi32>
    %eq3A_280 = arith.cmpi eq, %get3A_4, %eq3A_279 : vector<128x128xi32>
    %jit3A_281 = arith.constant -1 : i32
    %broadcast_in_dim3A_282 = vector.broadcast %jit3A_281 : i32 to vector<128x128xi32>
    %select_n3A_283 = arith.select %eq3A_280, %add3A, %broadcast_in_dim3A_282 : vector<128x128xi1>, vector<128x128xi32>
    %reduce_max3A_284 = vector.shape_cast %select_n3A_283 : vector<128x128xi32> to vector<1x128x128xi32>
    %reduce_max3A_285 = arith.constant dense<-2147483648> : vector<1xi32>
    %reduce_max3A_286 = vector.multi_reduction <maxsi>, %reduce_max3A_284, %reduce_max3A_285 [1, 2] : vector<1x128x128xi32> to vector<1xi32>
    %reduce_max3A_287 = vector.shape_cast %reduce_max3A_286 : vector<1xi32> to vector<1x1x1xi32>
    %reduce_max3A_288 = vector.extract %reduce_max3A_287[0, 0, 0] : i32 from vector<1x1x1xi32>
    %eq3A_289 = arith.constant 17 : i32
    %eq3A_290 = vector.broadcast %eq3A_289 : i32 to vector<1x128xi32>
    %eq3A_291 = arith.cmpi eq, %iota3A_8, %eq3A_290 : vector<1x128xi32>
    %broadcast_in_dim3A_292 = vector.broadcast %reduce_max3A_288 : i32 to vector<1x128xi32>
    %select_n3A_293 = arith.select %eq3A_291, %broadcast_in_dim3A_292, %select_n3A_277 : vector<1x128xi1>, vector<1x128xi32>
    %eq3A_294 = arith.constant 999954 : i32
    %eq3A_295 = vector.broadcast %eq3A_294 : i32 to vector<128x128xi32>
    %eq3A_296 = arith.cmpi eq, %get3A_4, %eq3A_295 : vector<128x128xi32>
    %jit3A_297 = arith.constant -1 : i32
    %broadcast_in_dim3A_298 = vector.broadcast %jit3A_297 : i32 to vector<128x128xi32>
    %select_n3A_299 = arith.select %eq3A_296, %add3A, %broadcast_in_dim3A_298 : vector<128x128xi1>, vector<128x128xi32>
    %reduce_max3A_300 = vector.shape_cast %select_n3A_299 : vector<128x128xi32> to vector<1x128x128xi32>
    %reduce_max3A_301 = arith.constant dense<-2147483648> : vector<1xi32>
    %reduce_max3A_302 = vector.multi_reduction <maxsi>, %reduce_max3A_300, %reduce_max3A_301 [1, 2] : vector<1x128x128xi32> to vector<1xi32>
    %reduce_max3A_303 = vector.shape_cast %reduce_max3A_302 : vector<1xi32> to vector<1x1x1xi32>
    %reduce_max3A_304 = vector.extract %reduce_max3A_303[0, 0, 0] : i32 from vector<1x1x1xi32>
    %eq3A_305 = arith.constant 18 : i32
    %eq3A_306 = vector.broadcast %eq3A_305 : i32 to vector<1x128xi32>
    %eq3A_307 = arith.cmpi eq, %iota3A_8, %eq3A_306 : vector<1x128xi32>
    %broadcast_in_dim3A_308 = vector.broadcast %reduce_max3A_304 : i32 to vector<1x128xi32>
    %select_n3A_309 = arith.select %eq3A_307, %broadcast_in_dim3A_308, %select_n3A_293 : vector<1x128xi1>, vector<1x128xi32>
    %eq3A_310 = arith.constant 999955 : i32
    %eq3A_311 = vector.broadcast %eq3A_310 : i32 to vector<128x128xi32>
    %eq3A_312 = arith.cmpi eq, %get3A_4, %eq3A_311 : vector<128x128xi32>
    %jit3A_313 = arith.constant -1 : i32
    %broadcast_in_dim3A_314 = vector.broadcast %jit3A_313 : i32 to vector<128x128xi32>
    %select_n3A_315 = arith.select %eq3A_312, %add3A, %broadcast_in_dim3A_314 : vector<128x128xi1>, vector<128x128xi32>
    %reduce_max3A_316 = vector.shape_cast %select_n3A_315 : vector<128x128xi32> to vector<1x128x128xi32>
    %reduce_max3A_317 = arith.constant dense<-2147483648> : vector<1xi32>
    %reduce_max3A_318 = vector.multi_reduction <maxsi>, %reduce_max3A_316, %reduce_max3A_317 [1, 2] : vector<1x128x128xi32> to vector<1xi32>
    %reduce_max3A_319 = vector.shape_cast %reduce_max3A_318 : vector<1xi32> to vector<1x1x1xi32>
    %reduce_max3A_320 = vector.extract %reduce_max3A_319[0, 0, 0] : i32 from vector<1x1x1xi32>
    %eq3A_321 = arith.constant 19 : i32
    %eq3A_322 = vector.broadcast %eq3A_321 : i32 to vector<1x128xi32>
    %eq3A_323 = arith.cmpi eq, %iota3A_8, %eq3A_322 : vector<1x128xi32>
    %broadcast_in_dim3A_324 = vector.broadcast %reduce_max3A_320 : i32 to vector<1x128xi32>
    %select_n3A_325 = arith.select %eq3A_323, %broadcast_in_dim3A_324, %select_n3A_309 : vector<1x128xi1>, vector<1x128xi32>
    %eq3A_326 = arith.constant 999956 : i32
    %eq3A_327 = vector.broadcast %eq3A_326 : i32 to vector<128x128xi32>
    %eq3A_328 = arith.cmpi eq, %get3A_4, %eq3A_327 : vector<128x128xi32>
    %jit3A_329 = arith.constant -1 : i32
    %broadcast_in_dim3A_330 = vector.broadcast %jit3A_329 : i32 to vector<128x128xi32>
    %select_n3A_331 = arith.select %eq3A_328, %add3A, %broadcast_in_dim3A_330 : vector<128x128xi1>, vector<128x128xi32>
    %reduce_max3A_332 = vector.shape_cast %select_n3A_331 : vector<128x128xi32> to vector<1x128x128xi32>
    %reduce_max3A_333 = arith.constant dense<-2147483648> : vector<1xi32>
    %reduce_max3A_334 = vector.multi_reduction <maxsi>, %reduce_max3A_332, %reduce_max3A_333 [1, 2] : vector<1x128x128xi32> to vector<1xi32>
    %reduce_max3A_335 = vector.shape_cast %reduce_max3A_334 : vector<1xi32> to vector<1x1x1xi32>
    %reduce_max3A_336 = vector.extract %reduce_max3A_335[0, 0, 0] : i32 from vector<1x1x1xi32>
    %eq3A_337 = arith.constant 20 : i32
    %eq3A_338 = vector.broadcast %eq3A_337 : i32 to vector<1x128xi32>
    %eq3A_339 = arith.cmpi eq, %iota3A_8, %eq3A_338 : vector<1x128xi32>
    %broadcast_in_dim3A_340 = vector.broadcast %reduce_max3A_336 : i32 to vector<1x128xi32>
    %select_n3A_341 = arith.select %eq3A_339, %broadcast_in_dim3A_340, %select_n3A_325 : vector<1x128xi1>, vector<1x128xi32>
    %eq3A_342 = arith.constant 999957 : i32
    %eq3A_343 = vector.broadcast %eq3A_342 : i32 to vector<128x128xi32>
    %eq3A_344 = arith.cmpi eq, %get3A_4, %eq3A_343 : vector<128x128xi32>
    %jit3A_345 = arith.constant -1 : i32
    %broadcast_in_dim3A_346 = vector.broadcast %jit3A_345 : i32 to vector<128x128xi32>
    %select_n3A_347 = arith.select %eq3A_344, %add3A, %broadcast_in_dim3A_346 : vector<128x128xi1>, vector<128x128xi32>
    %reduce_max3A_348 = vector.shape_cast %select_n3A_347 : vector<128x128xi32> to vector<1x128x128xi32>
    %reduce_max3A_349 = arith.constant dense<-2147483648> : vector<1xi32>
    %reduce_max3A_350 = vector.multi_reduction <maxsi>, %reduce_max3A_348, %reduce_max3A_349 [1, 2] : vector<1x128x128xi32> to vector<1xi32>
    %reduce_max3A_351 = vector.shape_cast %reduce_max3A_350 : vector<1xi32> to vector<1x1x1xi32>
    %reduce_max3A_352 = vector.extract %reduce_max3A_351[0, 0, 0] : i32 from vector<1x1x1xi32>
    %eq3A_353 = arith.constant 21 : i32
    %eq3A_354 = vector.broadcast %eq3A_353 : i32 to vector<1x128xi32>
    %eq3A_355 = arith.cmpi eq, %iota3A_8, %eq3A_354 : vector<1x128xi32>
    %broadcast_in_dim3A_356 = vector.broadcast %reduce_max3A_352 : i32 to vector<1x128xi32>
    %select_n3A_357 = arith.select %eq3A_355, %broadcast_in_dim3A_356, %select_n3A_341 : vector<1x128xi1>, vector<1x128xi32>
    %eq3A_358 = arith.constant 999958 : i32
    %eq3A_359 = vector.broadcast %eq3A_358 : i32 to vector<128x128xi32>
    %eq3A_360 = arith.cmpi eq, %get3A_4, %eq3A_359 : vector<128x128xi32>
    %jit3A_361 = arith.constant -1 : i32
    %broadcast_in_dim3A_362 = vector.broadcast %jit3A_361 : i32 to vector<128x128xi32>
    %select_n3A_363 = arith.select %eq3A_360, %add3A, %broadcast_in_dim3A_362 : vector<128x128xi1>, vector<128x128xi32>
    %reduce_max3A_364 = vector.shape_cast %select_n3A_363 : vector<128x128xi32> to vector<1x128x128xi32>
    %reduce_max3A_365 = arith.constant dense<-2147483648> : vector<1xi32>
    %reduce_max3A_366 = vector.multi_reduction <maxsi>, %reduce_max3A_364, %reduce_max3A_365 [1, 2] : vector<1x128x128xi32> to vector<1xi32>
    %reduce_max3A_367 = vector.shape_cast %reduce_max3A_366 : vector<1xi32> to vector<1x1x1xi32>
    %reduce_max3A_368 = vector.extract %reduce_max3A_367[0, 0, 0] : i32 from vector<1x1x1xi32>
    %eq3A_369 = arith.constant 22 : i32
    %eq3A_370 = vector.broadcast %eq3A_369 : i32 to vector<1x128xi32>
    %eq3A_371 = arith.cmpi eq, %iota3A_8, %eq3A_370 : vector<1x128xi32>
    %broadcast_in_dim3A_372 = vector.broadcast %reduce_max3A_368 : i32 to vector<1x128xi32>
    %select_n3A_373 = arith.select %eq3A_371, %broadcast_in_dim3A_372, %select_n3A_357 : vector<1x128xi1>, vector<1x128xi32>
    %eq3A_374 = arith.constant 999959 : i32
    %eq3A_375 = vector.broadcast %eq3A_374 : i32 to vector<128x128xi32>
    %eq3A_376 = arith.cmpi eq, %get3A_4, %eq3A_375 : vector<128x128xi32>
    %jit3A_377 = arith.constant -1 : i32
    %broadcast_in_dim3A_378 = vector.broadcast %jit3A_377 : i32 to vector<128x128xi32>
    %select_n3A_379 = arith.select %eq3A_376, %add3A, %broadcast_in_dim3A_378 : vector<128x128xi1>, vector<128x128xi32>
    %reduce_max3A_380 = vector.shape_cast %select_n3A_379 : vector<128x128xi32> to vector<1x128x128xi32>
    %reduce_max3A_381 = arith.constant dense<-2147483648> : vector<1xi32>
    %reduce_max3A_382 = vector.multi_reduction <maxsi>, %reduce_max3A_380, %reduce_max3A_381 [1, 2] : vector<1x128x128xi32> to vector<1xi32>
    %reduce_max3A_383 = vector.shape_cast %reduce_max3A_382 : vector<1xi32> to vector<1x1x1xi32>
    %reduce_max3A_384 = vector.extract %reduce_max3A_383[0, 0, 0] : i32 from vector<1x1x1xi32>
    %eq3A_385 = arith.constant 23 : i32
    %eq3A_386 = vector.broadcast %eq3A_385 : i32 to vector<1x128xi32>
    %eq3A_387 = arith.cmpi eq, %iota3A_8, %eq3A_386 : vector<1x128xi32>
    %broadcast_in_dim3A_388 = vector.broadcast %reduce_max3A_384 : i32 to vector<1x128xi32>
    %select_n3A_389 = arith.select %eq3A_387, %broadcast_in_dim3A_388, %select_n3A_373 : vector<1x128xi1>, vector<1x128xi32>
    %eq3A_390 = arith.constant 999960 : i32
    %eq3A_391 = vector.broadcast %eq3A_390 : i32 to vector<128x128xi32>
    %eq3A_392 = arith.cmpi eq, %get3A_4, %eq3A_391 : vector<128x128xi32>
    %jit3A_393 = arith.constant -1 : i32
    %broadcast_in_dim3A_394 = vector.broadcast %jit3A_393 : i32 to vector<128x128xi32>
    %select_n3A_395 = arith.select %eq3A_392, %add3A, %broadcast_in_dim3A_394 : vector<128x128xi1>, vector<128x128xi32>
    %reduce_max3A_396 = vector.shape_cast %select_n3A_395 : vector<128x128xi32> to vector<1x128x128xi32>
    %reduce_max3A_397 = arith.constant dense<-2147483648> : vector<1xi32>
    %reduce_max3A_398 = vector.multi_reduction <maxsi>, %reduce_max3A_396, %reduce_max3A_397 [1, 2] : vector<1x128x128xi32> to vector<1xi32>
    %reduce_max3A_399 = vector.shape_cast %reduce_max3A_398 : vector<1xi32> to vector<1x1x1xi32>
    %reduce_max3A_400 = vector.extract %reduce_max3A_399[0, 0, 0] : i32 from vector<1x1x1xi32>
    %eq3A_401 = arith.constant 24 : i32
    %eq3A_402 = vector.broadcast %eq3A_401 : i32 to vector<1x128xi32>
    %eq3A_403 = arith.cmpi eq, %iota3A_8, %eq3A_402 : vector<1x128xi32>
    %broadcast_in_dim3A_404 = vector.broadcast %reduce_max3A_400 : i32 to vector<1x128xi32>
    %select_n3A_405 = arith.select %eq3A_403, %broadcast_in_dim3A_404, %select_n3A_389 : vector<1x128xi1>, vector<1x128xi32>
    %eq3A_406 = arith.constant 999961 : i32
    %eq3A_407 = vector.broadcast %eq3A_406 : i32 to vector<128x128xi32>
    %eq3A_408 = arith.cmpi eq, %get3A_4, %eq3A_407 : vector<128x128xi32>
    %jit3A_409 = arith.constant -1 : i32
    %broadcast_in_dim3A_410 = vector.broadcast %jit3A_409 : i32 to vector<128x128xi32>
    %select_n3A_411 = arith.select %eq3A_408, %add3A, %broadcast_in_dim3A_410 : vector<128x128xi1>, vector<128x128xi32>
    %reduce_max3A_412 = vector.shape_cast %select_n3A_411 : vector<128x128xi32> to vector<1x128x128xi32>
    %reduce_max3A_413 = arith.constant dense<-2147483648> : vector<1xi32>
    %reduce_max3A_414 = vector.multi_reduction <maxsi>, %reduce_max3A_412, %reduce_max3A_413 [1, 2] : vector<1x128x128xi32> to vector<1xi32>
    %reduce_max3A_415 = vector.shape_cast %reduce_max3A_414 : vector<1xi32> to vector<1x1x1xi32>
    %reduce_max3A_416 = vector.extract %reduce_max3A_415[0, 0, 0] : i32 from vector<1x1x1xi32>
    %eq3A_417 = arith.constant 25 : i32
    %eq3A_418 = vector.broadcast %eq3A_417 : i32 to vector<1x128xi32>
    %eq3A_419 = arith.cmpi eq, %iota3A_8, %eq3A_418 : vector<1x128xi32>
    %broadcast_in_dim3A_420 = vector.broadcast %reduce_max3A_416 : i32 to vector<1x128xi32>
    %select_n3A_421 = arith.select %eq3A_419, %broadcast_in_dim3A_420, %select_n3A_405 : vector<1x128xi1>, vector<1x128xi32>
    %eq3A_422 = arith.constant 999962 : i32
    %eq3A_423 = vector.broadcast %eq3A_422 : i32 to vector<128x128xi32>
    %eq3A_424 = arith.cmpi eq, %get3A_4, %eq3A_423 : vector<128x128xi32>
    %jit3A_425 = arith.constant -1 : i32
    %broadcast_in_dim3A_426 = vector.broadcast %jit3A_425 : i32 to vector<128x128xi32>
    %select_n3A_427 = arith.select %eq3A_424, %add3A, %broadcast_in_dim3A_426 : vector<128x128xi1>, vector<128x128xi32>
    %reduce_max3A_428 = vector.shape_cast %select_n3A_427 : vector<128x128xi32> to vector<1x128x128xi32>
    %reduce_max3A_429 = arith.constant dense<-2147483648> : vector<1xi32>
    %reduce_max3A_430 = vector.multi_reduction <maxsi>, %reduce_max3A_428, %reduce_max3A_429 [1, 2] : vector<1x128x128xi32> to vector<1xi32>
    %reduce_max3A_431 = vector.shape_cast %reduce_max3A_430 : vector<1xi32> to vector<1x1x1xi32>
    %reduce_max3A_432 = vector.extract %reduce_max3A_431[0, 0, 0] : i32 from vector<1x1x1xi32>
    %eq3A_433 = arith.constant 26 : i32
    %eq3A_434 = vector.broadcast %eq3A_433 : i32 to vector<1x128xi32>
    %eq3A_435 = arith.cmpi eq, %iota3A_8, %eq3A_434 : vector<1x128xi32>
    %broadcast_in_dim3A_436 = vector.broadcast %reduce_max3A_432 : i32 to vector<1x128xi32>
    %select_n3A_437 = arith.select %eq3A_435, %broadcast_in_dim3A_436, %select_n3A_421 : vector<1x128xi1>, vector<1x128xi32>
    %eq3A_438 = arith.constant 999963 : i32
    %eq3A_439 = vector.broadcast %eq3A_438 : i32 to vector<128x128xi32>
    %eq3A_440 = arith.cmpi eq, %get3A_4, %eq3A_439 : vector<128x128xi32>
    %jit3A_441 = arith.constant -1 : i32
    %broadcast_in_dim3A_442 = vector.broadcast %jit3A_441 : i32 to vector<128x128xi32>
    %select_n3A_443 = arith.select %eq3A_440, %add3A, %broadcast_in_dim3A_442 : vector<128x128xi1>, vector<128x128xi32>
    %reduce_max3A_444 = vector.shape_cast %select_n3A_443 : vector<128x128xi32> to vector<1x128x128xi32>
    %reduce_max3A_445 = arith.constant dense<-2147483648> : vector<1xi32>
    %reduce_max3A_446 = vector.multi_reduction <maxsi>, %reduce_max3A_444, %reduce_max3A_445 [1, 2] : vector<1x128x128xi32> to vector<1xi32>
    %reduce_max3A_447 = vector.shape_cast %reduce_max3A_446 : vector<1xi32> to vector<1x1x1xi32>
    %reduce_max3A_448 = vector.extract %reduce_max3A_447[0, 0, 0] : i32 from vector<1x1x1xi32>
    %eq3A_449 = arith.constant 27 : i32
    %eq3A_450 = vector.broadcast %eq3A_449 : i32 to vector<1x128xi32>
    %eq3A_451 = arith.cmpi eq, %iota3A_8, %eq3A_450 : vector<1x128xi32>
    %broadcast_in_dim3A_452 = vector.broadcast %reduce_max3A_448 : i32 to vector<1x128xi32>
    %select_n3A_453 = arith.select %eq3A_451, %broadcast_in_dim3A_452, %select_n3A_437 : vector<1x128xi1>, vector<1x128xi32>
    %eq3A_454 = arith.constant 999964 : i32
    %eq3A_455 = vector.broadcast %eq3A_454 : i32 to vector<128x128xi32>
    %eq3A_456 = arith.cmpi eq, %get3A_4, %eq3A_455 : vector<128x128xi32>
    %jit3A_457 = arith.constant -1 : i32
    %broadcast_in_dim3A_458 = vector.broadcast %jit3A_457 : i32 to vector<128x128xi32>
    %select_n3A_459 = arith.select %eq3A_456, %add3A, %broadcast_in_dim3A_458 : vector<128x128xi1>, vector<128x128xi32>
    %reduce_max3A_460 = vector.shape_cast %select_n3A_459 : vector<128x128xi32> to vector<1x128x128xi32>
    %reduce_max3A_461 = arith.constant dense<-2147483648> : vector<1xi32>
    %reduce_max3A_462 = vector.multi_reduction <maxsi>, %reduce_max3A_460, %reduce_max3A_461 [1, 2] : vector<1x128x128xi32> to vector<1xi32>
    %reduce_max3A_463 = vector.shape_cast %reduce_max3A_462 : vector<1xi32> to vector<1x1x1xi32>
    %reduce_max3A_464 = vector.extract %reduce_max3A_463[0, 0, 0] : i32 from vector<1x1x1xi32>
    %eq3A_465 = arith.constant 28 : i32
    %eq3A_466 = vector.broadcast %eq3A_465 : i32 to vector<1x128xi32>
    %eq3A_467 = arith.cmpi eq, %iota3A_8, %eq3A_466 : vector<1x128xi32>
    %broadcast_in_dim3A_468 = vector.broadcast %reduce_max3A_464 : i32 to vector<1x128xi32>
    %select_n3A_469 = arith.select %eq3A_467, %broadcast_in_dim3A_468, %select_n3A_453 : vector<1x128xi1>, vector<1x128xi32>
    %eq3A_470 = arith.constant 999965 : i32
    %eq3A_471 = vector.broadcast %eq3A_470 : i32 to vector<128x128xi32>
    %eq3A_472 = arith.cmpi eq, %get3A_4, %eq3A_471 : vector<128x128xi32>
    %jit3A_473 = arith.constant -1 : i32
    %broadcast_in_dim3A_474 = vector.broadcast %jit3A_473 : i32 to vector<128x128xi32>
    %select_n3A_475 = arith.select %eq3A_472, %add3A, %broadcast_in_dim3A_474 : vector<128x128xi1>, vector<128x128xi32>
    %reduce_max3A_476 = vector.shape_cast %select_n3A_475 : vector<128x128xi32> to vector<1x128x128xi32>
    %reduce_max3A_477 = arith.constant dense<-2147483648> : vector<1xi32>
    %reduce_max3A_478 = vector.multi_reduction <maxsi>, %reduce_max3A_476, %reduce_max3A_477 [1, 2] : vector<1x128x128xi32> to vector<1xi32>
    %reduce_max3A_479 = vector.shape_cast %reduce_max3A_478 : vector<1xi32> to vector<1x1x1xi32>
    %reduce_max3A_480 = vector.extract %reduce_max3A_479[0, 0, 0] : i32 from vector<1x1x1xi32>
    %eq3A_481 = arith.constant 29 : i32
    %eq3A_482 = vector.broadcast %eq3A_481 : i32 to vector<1x128xi32>
    %eq3A_483 = arith.cmpi eq, %iota3A_8, %eq3A_482 : vector<1x128xi32>
    %broadcast_in_dim3A_484 = vector.broadcast %reduce_max3A_480 : i32 to vector<1x128xi32>
    %select_n3A_485 = arith.select %eq3A_483, %broadcast_in_dim3A_484, %select_n3A_469 : vector<1x128xi1>, vector<1x128xi32>
    %eq3A_486 = arith.constant 999966 : i32
    %eq3A_487 = vector.broadcast %eq3A_486 : i32 to vector<128x128xi32>
    %eq3A_488 = arith.cmpi eq, %get3A_4, %eq3A_487 : vector<128x128xi32>
    %jit3A_489 = arith.constant -1 : i32
    %broadcast_in_dim3A_490 = vector.broadcast %jit3A_489 : i32 to vector<128x128xi32>
    %select_n3A_491 = arith.select %eq3A_488, %add3A, %broadcast_in_dim3A_490 : vector<128x128xi1>, vector<128x128xi32>
    %reduce_max3A_492 = vector.shape_cast %select_n3A_491 : vector<128x128xi32> to vector<1x128x128xi32>
    %reduce_max3A_493 = arith.constant dense<-2147483648> : vector<1xi32>
    %reduce_max3A_494 = vector.multi_reduction <maxsi>, %reduce_max3A_492, %reduce_max3A_493 [1, 2] : vector<1x128x128xi32> to vector<1xi32>
    %reduce_max3A_495 = vector.shape_cast %reduce_max3A_494 : vector<1xi32> to vector<1x1x1xi32>
    %reduce_max3A_496 = vector.extract %reduce_max3A_495[0, 0, 0] : i32 from vector<1x1x1xi32>
    %eq3A_497 = arith.constant 30 : i32
    %eq3A_498 = vector.broadcast %eq3A_497 : i32 to vector<1x128xi32>
    %eq3A_499 = arith.cmpi eq, %iota3A_8, %eq3A_498 : vector<1x128xi32>
    %broadcast_in_dim3A_500 = vector.broadcast %reduce_max3A_496 : i32 to vector<1x128xi32>
    %select_n3A_501 = arith.select %eq3A_499, %broadcast_in_dim3A_500, %select_n3A_485 : vector<1x128xi1>, vector<1x128xi32>
    %eq3A_502 = arith.constant 999967 : i32
    %eq3A_503 = vector.broadcast %eq3A_502 : i32 to vector<128x128xi32>
    %eq3A_504 = arith.cmpi eq, %get3A_4, %eq3A_503 : vector<128x128xi32>
    %jit3A_505 = arith.constant -1 : i32
    %broadcast_in_dim3A_506 = vector.broadcast %jit3A_505 : i32 to vector<128x128xi32>
    %select_n3A_507 = arith.select %eq3A_504, %add3A, %broadcast_in_dim3A_506 : vector<128x128xi1>, vector<128x128xi32>
    %reduce_max3A_508 = vector.shape_cast %select_n3A_507 : vector<128x128xi32> to vector<1x128x128xi32>
    %reduce_max3A_509 = arith.constant dense<-2147483648> : vector<1xi32>
    %reduce_max3A_510 = vector.multi_reduction <maxsi>, %reduce_max3A_508, %reduce_max3A_509 [1, 2] : vector<1x128x128xi32> to vector<1xi32>
    %reduce_max3A_511 = vector.shape_cast %reduce_max3A_510 : vector<1xi32> to vector<1x1x1xi32>
    %reduce_max3A_512 = vector.extract %reduce_max3A_511[0, 0, 0] : i32 from vector<1x1x1xi32>
    %eq3A_513 = arith.constant 31 : i32
    %eq3A_514 = vector.broadcast %eq3A_513 : i32 to vector<1x128xi32>
    %eq3A_515 = arith.cmpi eq, %iota3A_8, %eq3A_514 : vector<1x128xi32>
    %broadcast_in_dim3A_516 = vector.broadcast %reduce_max3A_512 : i32 to vector<1x128xi32>
    %select_n3A_517 = arith.select %eq3A_515, %broadcast_in_dim3A_516, %select_n3A_501 : vector<1x128xi1>, vector<1x128xi32>
    %eq3A_518 = arith.constant 999968 : i32
    %eq3A_519 = vector.broadcast %eq3A_518 : i32 to vector<128x128xi32>
    %eq3A_520 = arith.cmpi eq, %get3A_4, %eq3A_519 : vector<128x128xi32>
    %jit3A_521 = arith.constant -1 : i32
    %broadcast_in_dim3A_522 = vector.broadcast %jit3A_521 : i32 to vector<128x128xi32>
    %select_n3A_523 = arith.select %eq3A_520, %add3A, %broadcast_in_dim3A_522 : vector<128x128xi1>, vector<128x128xi32>
    %reduce_max3A_524 = vector.shape_cast %select_n3A_523 : vector<128x128xi32> to vector<1x128x128xi32>
    %reduce_max3A_525 = arith.constant dense<-2147483648> : vector<1xi32>
    %reduce_max3A_526 = vector.multi_reduction <maxsi>, %reduce_max3A_524, %reduce_max3A_525 [1, 2] : vector<1x128x128xi32> to vector<1xi32>
    %reduce_max3A_527 = vector.shape_cast %reduce_max3A_526 : vector<1xi32> to vector<1x1x1xi32>
    %reduce_max3A_528 = vector.extract %reduce_max3A_527[0, 0, 0] : i32 from vector<1x1x1xi32>
    %eq3A_529 = arith.constant 32 : i32
    %eq3A_530 = vector.broadcast %eq3A_529 : i32 to vector<1x128xi32>
    %eq3A_531 = arith.cmpi eq, %iota3A_8, %eq3A_530 : vector<1x128xi32>
    %broadcast_in_dim3A_532 = vector.broadcast %reduce_max3A_528 : i32 to vector<1x128xi32>
    %select_n3A_533 = arith.select %eq3A_531, %broadcast_in_dim3A_532, %select_n3A_517 : vector<1x128xi1>, vector<1x128xi32>
    %eq3A_534 = arith.constant 999969 : i32
    %eq3A_535 = vector.broadcast %eq3A_534 : i32 to vector<128x128xi32>
    %eq3A_536 = arith.cmpi eq, %get3A_4, %eq3A_535 : vector<128x128xi32>
    %jit3A_537 = arith.constant -1 : i32
    %broadcast_in_dim3A_538 = vector.broadcast %jit3A_537 : i32 to vector<128x128xi32>
    %select_n3A_539 = arith.select %eq3A_536, %add3A, %broadcast_in_dim3A_538 : vector<128x128xi1>, vector<128x128xi32>
    %reduce_max3A_540 = vector.shape_cast %select_n3A_539 : vector<128x128xi32> to vector<1x128x128xi32>
    %reduce_max3A_541 = arith.constant dense<-2147483648> : vector<1xi32>
    %reduce_max3A_542 = vector.multi_reduction <maxsi>, %reduce_max3A_540, %reduce_max3A_541 [1, 2] : vector<1x128x128xi32> to vector<1xi32>
    %reduce_max3A_543 = vector.shape_cast %reduce_max3A_542 : vector<1xi32> to vector<1x1x1xi32>
    %reduce_max3A_544 = vector.extract %reduce_max3A_543[0, 0, 0] : i32 from vector<1x1x1xi32>
    %eq3A_545 = arith.constant 33 : i32
    %eq3A_546 = vector.broadcast %eq3A_545 : i32 to vector<1x128xi32>
    %eq3A_547 = arith.cmpi eq, %iota3A_8, %eq3A_546 : vector<1x128xi32>
    %broadcast_in_dim3A_548 = vector.broadcast %reduce_max3A_544 : i32 to vector<1x128xi32>
    %select_n3A_549 = arith.select %eq3A_547, %broadcast_in_dim3A_548, %select_n3A_533 : vector<1x128xi1>, vector<1x128xi32>
    %eq3A_550 = arith.constant 999970 : i32
    %eq3A_551 = vector.broadcast %eq3A_550 : i32 to vector<128x128xi32>
    %eq3A_552 = arith.cmpi eq, %get3A_4, %eq3A_551 : vector<128x128xi32>
    %jit3A_553 = arith.constant -1 : i32
    %broadcast_in_dim3A_554 = vector.broadcast %jit3A_553 : i32 to vector<128x128xi32>
    %select_n3A_555 = arith.select %eq3A_552, %add3A, %broadcast_in_dim3A_554 : vector<128x128xi1>, vector<128x128xi32>
    %reduce_max3A_556 = vector.shape_cast %select_n3A_555 : vector<128x128xi32> to vector<1x128x128xi32>
    %reduce_max3A_557 = arith.constant dense<-2147483648> : vector<1xi32>
    %reduce_max3A_558 = vector.multi_reduction <maxsi>, %reduce_max3A_556, %reduce_max3A_557 [1, 2] : vector<1x128x128xi32> to vector<1xi32>
    %reduce_max3A_559 = vector.shape_cast %reduce_max3A_558 : vector<1xi32> to vector<1x1x1xi32>
    %reduce_max3A_560 = vector.extract %reduce_max3A_559[0, 0, 0] : i32 from vector<1x1x1xi32>
    %eq3A_561 = arith.constant 34 : i32
    %eq3A_562 = vector.broadcast %eq3A_561 : i32 to vector<1x128xi32>
    %eq3A_563 = arith.cmpi eq, %iota3A_8, %eq3A_562 : vector<1x128xi32>
    %broadcast_in_dim3A_564 = vector.broadcast %reduce_max3A_560 : i32 to vector<1x128xi32>
    %select_n3A_565 = arith.select %eq3A_563, %broadcast_in_dim3A_564, %select_n3A_549 : vector<1x128xi1>, vector<1x128xi32>
    %eq3A_566 = arith.constant 999971 : i32
    %eq3A_567 = vector.broadcast %eq3A_566 : i32 to vector<128x128xi32>
    %eq3A_568 = arith.cmpi eq, %get3A_4, %eq3A_567 : vector<128x128xi32>
    %jit3A_569 = arith.constant -1 : i32
    %broadcast_in_dim3A_570 = vector.broadcast %jit3A_569 : i32 to vector<128x128xi32>
    %select_n3A_571 = arith.select %eq3A_568, %add3A, %broadcast_in_dim3A_570 : vector<128x128xi1>, vector<128x128xi32>
    %reduce_max3A_572 = vector.shape_cast %select_n3A_571 : vector<128x128xi32> to vector<1x128x128xi32>
    %reduce_max3A_573 = arith.constant dense<-2147483648> : vector<1xi32>
    %reduce_max3A_574 = vector.multi_reduction <maxsi>, %reduce_max3A_572, %reduce_max3A_573 [1, 2] : vector<1x128x128xi32> to vector<1xi32>
    %reduce_max3A_575 = vector.shape_cast %reduce_max3A_574 : vector<1xi32> to vector<1x1x1xi32>
    %reduce_max3A_576 = vector.extract %reduce_max3A_575[0, 0, 0] : i32 from vector<1x1x1xi32>
    %eq3A_577 = arith.constant 35 : i32
    %eq3A_578 = vector.broadcast %eq3A_577 : i32 to vector<1x128xi32>
    %eq3A_579 = arith.cmpi eq, %iota3A_8, %eq3A_578 : vector<1x128xi32>
    %broadcast_in_dim3A_580 = vector.broadcast %reduce_max3A_576 : i32 to vector<1x128xi32>
    %select_n3A_581 = arith.select %eq3A_579, %broadcast_in_dim3A_580, %select_n3A_565 : vector<1x128xi1>, vector<1x128xi32>
    %eq3A_582 = arith.constant 999972 : i32
    %eq3A_583 = vector.broadcast %eq3A_582 : i32 to vector<128x128xi32>
    %eq3A_584 = arith.cmpi eq, %get3A_4, %eq3A_583 : vector<128x128xi32>
    %jit3A_585 = arith.constant -1 : i32
    %broadcast_in_dim3A_586 = vector.broadcast %jit3A_585 : i32 to vector<128x128xi32>
    %select_n3A_587 = arith.select %eq3A_584, %add3A, %broadcast_in_dim3A_586 : vector<128x128xi1>, vector<128x128xi32>
    %reduce_max3A_588 = vector.shape_cast %select_n3A_587 : vector<128x128xi32> to vector<1x128x128xi32>
    %reduce_max3A_589 = arith.constant dense<-2147483648> : vector<1xi32>
    %reduce_max3A_590 = vector.multi_reduction <maxsi>, %reduce_max3A_588, %reduce_max3A_589 [1, 2] : vector<1x128x128xi32> to vector<1xi32>
    %reduce_max3A_591 = vector.shape_cast %reduce_max3A_590 : vector<1xi32> to vector<1x1x1xi32>
    %reduce_max3A_592 = vector.extract %reduce_max3A_591[0, 0, 0] : i32 from vector<1x1x1xi32>
    %eq3A_593 = arith.constant 36 : i32
    %eq3A_594 = vector.broadcast %eq3A_593 : i32 to vector<1x128xi32>
    %eq3A_595 = arith.cmpi eq, %iota3A_8, %eq3A_594 : vector<1x128xi32>
    %broadcast_in_dim3A_596 = vector.broadcast %reduce_max3A_592 : i32 to vector<1x128xi32>
    %select_n3A_597 = arith.select %eq3A_595, %broadcast_in_dim3A_596, %select_n3A_581 : vector<1x128xi1>, vector<1x128xi32>
    %eq3A_598 = arith.constant 999973 : i32
    %eq3A_599 = vector.broadcast %eq3A_598 : i32 to vector<128x128xi32>
    %eq3A_600 = arith.cmpi eq, %get3A_4, %eq3A_599 : vector<128x128xi32>
    %jit3A_601 = arith.constant -1 : i32
    %broadcast_in_dim3A_602 = vector.broadcast %jit3A_601 : i32 to vector<128x128xi32>
    %select_n3A_603 = arith.select %eq3A_600, %add3A, %broadcast_in_dim3A_602 : vector<128x128xi1>, vector<128x128xi32>
    %reduce_max3A_604 = vector.shape_cast %select_n3A_603 : vector<128x128xi32> to vector<1x128x128xi32>
    %reduce_max3A_605 = arith.constant dense<-2147483648> : vector<1xi32>
    %reduce_max3A_606 = vector.multi_reduction <maxsi>, %reduce_max3A_604, %reduce_max3A_605 [1, 2] : vector<1x128x128xi32> to vector<1xi32>
    %reduce_max3A_607 = vector.shape_cast %reduce_max3A_606 : vector<1xi32> to vector<1x1x1xi32>
    %reduce_max3A_608 = vector.extract %reduce_max3A_607[0, 0, 0] : i32 from vector<1x1x1xi32>
    %eq3A_609 = arith.constant 37 : i32
    %eq3A_610 = vector.broadcast %eq3A_609 : i32 to vector<1x128xi32>
    %eq3A_611 = arith.cmpi eq, %iota3A_8, %eq3A_610 : vector<1x128xi32>
    %broadcast_in_dim3A_612 = vector.broadcast %reduce_max3A_608 : i32 to vector<1x128xi32>
    %select_n3A_613 = arith.select %eq3A_611, %broadcast_in_dim3A_612, %select_n3A_597 : vector<1x128xi1>, vector<1x128xi32>
    %eq3A_614 = arith.constant 999974 : i32
    %eq3A_615 = vector.broadcast %eq3A_614 : i32 to vector<128x128xi32>
    %eq3A_616 = arith.cmpi eq, %get3A_4, %eq3A_615 : vector<128x128xi32>
    %jit3A_617 = arith.constant -1 : i32
    %broadcast_in_dim3A_618 = vector.broadcast %jit3A_617 : i32 to vector<128x128xi32>
    %select_n3A_619 = arith.select %eq3A_616, %add3A, %broadcast_in_dim3A_618 : vector<128x128xi1>, vector<128x128xi32>
    %reduce_max3A_620 = vector.shape_cast %select_n3A_619 : vector<128x128xi32> to vector<1x128x128xi32>
    %reduce_max3A_621 = arith.constant dense<-2147483648> : vector<1xi32>
    %reduce_max3A_622 = vector.multi_reduction <maxsi>, %reduce_max3A_620, %reduce_max3A_621 [1, 2] : vector<1x128x128xi32> to vector<1xi32>
    %reduce_max3A_623 = vector.shape_cast %reduce_max3A_622 : vector<1xi32> to vector<1x1x1xi32>
    %reduce_max3A_624 = vector.extract %reduce_max3A_623[0, 0, 0] : i32 from vector<1x1x1xi32>
    %eq3A_625 = arith.constant 38 : i32
    %eq3A_626 = vector.broadcast %eq3A_625 : i32 to vector<1x128xi32>
    %eq3A_627 = arith.cmpi eq, %iota3A_8, %eq3A_626 : vector<1x128xi32>
    %broadcast_in_dim3A_628 = vector.broadcast %reduce_max3A_624 : i32 to vector<1x128xi32>
    %select_n3A_629 = arith.select %eq3A_627, %broadcast_in_dim3A_628, %select_n3A_613 : vector<1x128xi1>, vector<1x128xi32>
    %eq3A_630 = arith.constant 999975 : i32
    %eq3A_631 = vector.broadcast %eq3A_630 : i32 to vector<128x128xi32>
    %eq3A_632 = arith.cmpi eq, %get3A_4, %eq3A_631 : vector<128x128xi32>
    %jit3A_633 = arith.constant -1 : i32
    %broadcast_in_dim3A_634 = vector.broadcast %jit3A_633 : i32 to vector<128x128xi32>
    %select_n3A_635 = arith.select %eq3A_632, %add3A, %broadcast_in_dim3A_634 : vector<128x128xi1>, vector<128x128xi32>
    %reduce_max3A_636 = vector.shape_cast %select_n3A_635 : vector<128x128xi32> to vector<1x128x128xi32>
    %reduce_max3A_637 = arith.constant dense<-2147483648> : vector<1xi32>
    %reduce_max3A_638 = vector.multi_reduction <maxsi>, %reduce_max3A_636, %reduce_max3A_637 [1, 2] : vector<1x128x128xi32> to vector<1xi32>
    %reduce_max3A_639 = vector.shape_cast %reduce_max3A_638 : vector<1xi32> to vector<1x1x1xi32>
    %reduce_max3A_640 = vector.extract %reduce_max3A_639[0, 0, 0] : i32 from vector<1x1x1xi32>
    %eq3A_641 = arith.constant 39 : i32
    %eq3A_642 = vector.broadcast %eq3A_641 : i32 to vector<1x128xi32>
    %eq3A_643 = arith.cmpi eq, %iota3A_8, %eq3A_642 : vector<1x128xi32>
    %broadcast_in_dim3A_644 = vector.broadcast %reduce_max3A_640 : i32 to vector<1x128xi32>
    %select_n3A_645 = arith.select %eq3A_643, %broadcast_in_dim3A_644, %select_n3A_629 : vector<1x128xi1>, vector<1x128xi32>
    %eq3A_646 = arith.constant 999976 : i32
    %eq3A_647 = vector.broadcast %eq3A_646 : i32 to vector<128x128xi32>
    %eq3A_648 = arith.cmpi eq, %get3A_4, %eq3A_647 : vector<128x128xi32>
    %jit3A_649 = arith.constant -1 : i32
    %broadcast_in_dim3A_650 = vector.broadcast %jit3A_649 : i32 to vector<128x128xi32>
    %select_n3A_651 = arith.select %eq3A_648, %add3A, %broadcast_in_dim3A_650 : vector<128x128xi1>, vector<128x128xi32>
    %reduce_max3A_652 = vector.shape_cast %select_n3A_651 : vector<128x128xi32> to vector<1x128x128xi32>
    %reduce_max3A_653 = arith.constant dense<-2147483648> : vector<1xi32>
    %reduce_max3A_654 = vector.multi_reduction <maxsi>, %reduce_max3A_652, %reduce_max3A_653 [1, 2] : vector<1x128x128xi32> to vector<1xi32>
    %reduce_max3A_655 = vector.shape_cast %reduce_max3A_654 : vector<1xi32> to vector<1x1x1xi32>
    %reduce_max3A_656 = vector.extract %reduce_max3A_655[0, 0, 0] : i32 from vector<1x1x1xi32>
    %eq3A_657 = arith.constant 40 : i32
    %eq3A_658 = vector.broadcast %eq3A_657 : i32 to vector<1x128xi32>
    %eq3A_659 = arith.cmpi eq, %iota3A_8, %eq3A_658 : vector<1x128xi32>
    %broadcast_in_dim3A_660 = vector.broadcast %reduce_max3A_656 : i32 to vector<1x128xi32>
    %select_n3A_661 = arith.select %eq3A_659, %broadcast_in_dim3A_660, %select_n3A_645 : vector<1x128xi1>, vector<1x128xi32>
    %eq3A_662 = arith.constant 999977 : i32
    %eq3A_663 = vector.broadcast %eq3A_662 : i32 to vector<128x128xi32>
    %eq3A_664 = arith.cmpi eq, %get3A_4, %eq3A_663 : vector<128x128xi32>
    %jit3A_665 = arith.constant -1 : i32
    %broadcast_in_dim3A_666 = vector.broadcast %jit3A_665 : i32 to vector<128x128xi32>
    %select_n3A_667 = arith.select %eq3A_664, %add3A, %broadcast_in_dim3A_666 : vector<128x128xi1>, vector<128x128xi32>
    %reduce_max3A_668 = vector.shape_cast %select_n3A_667 : vector<128x128xi32> to vector<1x128x128xi32>
    %reduce_max3A_669 = arith.constant dense<-2147483648> : vector<1xi32>
    %reduce_max3A_670 = vector.multi_reduction <maxsi>, %reduce_max3A_668, %reduce_max3A_669 [1, 2] : vector<1x128x128xi32> to vector<1xi32>
    %reduce_max3A_671 = vector.shape_cast %reduce_max3A_670 : vector<1xi32> to vector<1x1x1xi32>
    %reduce_max3A_672 = vector.extract %reduce_max3A_671[0, 0, 0] : i32 from vector<1x1x1xi32>
    %eq3A_673 = arith.constant 41 : i32
    %eq3A_674 = vector.broadcast %eq3A_673 : i32 to vector<1x128xi32>
    %eq3A_675 = arith.cmpi eq, %iota3A_8, %eq3A_674 : vector<1x128xi32>
    %broadcast_in_dim3A_676 = vector.broadcast %reduce_max3A_672 : i32 to vector<1x128xi32>
    %select_n3A_677 = arith.select %eq3A_675, %broadcast_in_dim3A_676, %select_n3A_661 : vector<1x128xi1>, vector<1x128xi32>
    %eq3A_678 = arith.constant 999978 : i32
    %eq3A_679 = vector.broadcast %eq3A_678 : i32 to vector<128x128xi32>
    %eq3A_680 = arith.cmpi eq, %get3A_4, %eq3A_679 : vector<128x128xi32>
    %jit3A_681 = arith.constant -1 : i32
    %broadcast_in_dim3A_682 = vector.broadcast %jit3A_681 : i32 to vector<128x128xi32>
    %select_n3A_683 = arith.select %eq3A_680, %add3A, %broadcast_in_dim3A_682 : vector<128x128xi1>, vector<128x128xi32>
    %reduce_max3A_684 = vector.shape_cast %select_n3A_683 : vector<128x128xi32> to vector<1x128x128xi32>
    %reduce_max3A_685 = arith.constant dense<-2147483648> : vector<1xi32>
    %reduce_max3A_686 = vector.multi_reduction <maxsi>, %reduce_max3A_684, %reduce_max3A_685 [1, 2] : vector<1x128x128xi32> to vector<1xi32>
    %reduce_max3A_687 = vector.shape_cast %reduce_max3A_686 : vector<1xi32> to vector<1x1x1xi32>
    %reduce_max3A_688 = vector.extract %reduce_max3A_687[0, 0, 0] : i32 from vector<1x1x1xi32>
    %eq3A_689 = arith.constant 42 : i32
    %eq3A_690 = vector.broadcast %eq3A_689 : i32 to vector<1x128xi32>
    %eq3A_691 = arith.cmpi eq, %iota3A_8, %eq3A_690 : vector<1x128xi32>
    %broadcast_in_dim3A_692 = vector.broadcast %reduce_max3A_688 : i32 to vector<1x128xi32>
    %select_n3A_693 = arith.select %eq3A_691, %broadcast_in_dim3A_692, %select_n3A_677 : vector<1x128xi1>, vector<1x128xi32>
    %eq3A_694 = arith.constant 999979 : i32
    %eq3A_695 = vector.broadcast %eq3A_694 : i32 to vector<128x128xi32>
    %eq3A_696 = arith.cmpi eq, %get3A_4, %eq3A_695 : vector<128x128xi32>
    %jit3A_697 = arith.constant -1 : i32
    %broadcast_in_dim3A_698 = vector.broadcast %jit3A_697 : i32 to vector<128x128xi32>
    %select_n3A_699 = arith.select %eq3A_696, %add3A, %broadcast_in_dim3A_698 : vector<128x128xi1>, vector<128x128xi32>
    %reduce_max3A_700 = vector.shape_cast %select_n3A_699 : vector<128x128xi32> to vector<1x128x128xi32>
    %reduce_max3A_701 = arith.constant dense<-2147483648> : vector<1xi32>
    %reduce_max3A_702 = vector.multi_reduction <maxsi>, %reduce_max3A_700, %reduce_max3A_701 [1, 2] : vector<1x128x128xi32> to vector<1xi32>
    %reduce_max3A_703 = vector.shape_cast %reduce_max3A_702 : vector<1xi32> to vector<1x1x1xi32>
    %reduce_max3A_704 = vector.extract %reduce_max3A_703[0, 0, 0] : i32 from vector<1x1x1xi32>
    %eq3A_705 = arith.constant 43 : i32
    %eq3A_706 = vector.broadcast %eq3A_705 : i32 to vector<1x128xi32>
    %eq3A_707 = arith.cmpi eq, %iota3A_8, %eq3A_706 : vector<1x128xi32>
    %broadcast_in_dim3A_708 = vector.broadcast %reduce_max3A_704 : i32 to vector<1x128xi32>
    %select_n3A_709 = arith.select %eq3A_707, %broadcast_in_dim3A_708, %select_n3A_693 : vector<1x128xi1>, vector<1x128xi32>
    %eq3A_710 = arith.constant 999980 : i32
    %eq3A_711 = vector.broadcast %eq3A_710 : i32 to vector<128x128xi32>
    %eq3A_712 = arith.cmpi eq, %get3A_4, %eq3A_711 : vector<128x128xi32>
    %jit3A_713 = arith.constant -1 : i32
    %broadcast_in_dim3A_714 = vector.broadcast %jit3A_713 : i32 to vector<128x128xi32>
    %select_n3A_715 = arith.select %eq3A_712, %add3A, %broadcast_in_dim3A_714 : vector<128x128xi1>, vector<128x128xi32>
    %reduce_max3A_716 = vector.shape_cast %select_n3A_715 : vector<128x128xi32> to vector<1x128x128xi32>
    %reduce_max3A_717 = arith.constant dense<-2147483648> : vector<1xi32>
    %reduce_max3A_718 = vector.multi_reduction <maxsi>, %reduce_max3A_716, %reduce_max3A_717 [1, 2] : vector<1x128x128xi32> to vector<1xi32>
    %reduce_max3A_719 = vector.shape_cast %reduce_max3A_718 : vector<1xi32> to vector<1x1x1xi32>
    %reduce_max3A_720 = vector.extract %reduce_max3A_719[0, 0, 0] : i32 from vector<1x1x1xi32>
    %eq3A_721 = arith.constant 44 : i32
    %eq3A_722 = vector.broadcast %eq3A_721 : i32 to vector<1x128xi32>
    %eq3A_723 = arith.cmpi eq, %iota3A_8, %eq3A_722 : vector<1x128xi32>
    %broadcast_in_dim3A_724 = vector.broadcast %reduce_max3A_720 : i32 to vector<1x128xi32>
    %select_n3A_725 = arith.select %eq3A_723, %broadcast_in_dim3A_724, %select_n3A_709 : vector<1x128xi1>, vector<1x128xi32>
    %eq3A_726 = arith.constant 999981 : i32
    %eq3A_727 = vector.broadcast %eq3A_726 : i32 to vector<128x128xi32>
    %eq3A_728 = arith.cmpi eq, %get3A_4, %eq3A_727 : vector<128x128xi32>
    %jit3A_729 = arith.constant -1 : i32
    %broadcast_in_dim3A_730 = vector.broadcast %jit3A_729 : i32 to vector<128x128xi32>
    %select_n3A_731 = arith.select %eq3A_728, %add3A, %broadcast_in_dim3A_730 : vector<128x128xi1>, vector<128x128xi32>
    %reduce_max3A_732 = vector.shape_cast %select_n3A_731 : vector<128x128xi32> to vector<1x128x128xi32>
    %reduce_max3A_733 = arith.constant dense<-2147483648> : vector<1xi32>
    %reduce_max3A_734 = vector.multi_reduction <maxsi>, %reduce_max3A_732, %reduce_max3A_733 [1, 2] : vector<1x128x128xi32> to vector<1xi32>
    %reduce_max3A_735 = vector.shape_cast %reduce_max3A_734 : vector<1xi32> to vector<1x1x1xi32>
    %reduce_max3A_736 = vector.extract %reduce_max3A_735[0, 0, 0] : i32 from vector<1x1x1xi32>
    %eq3A_737 = arith.constant 45 : i32
    %eq3A_738 = vector.broadcast %eq3A_737 : i32 to vector<1x128xi32>
    %eq3A_739 = arith.cmpi eq, %iota3A_8, %eq3A_738 : vector<1x128xi32>
    %broadcast_in_dim3A_740 = vector.broadcast %reduce_max3A_736 : i32 to vector<1x128xi32>
    %select_n3A_741 = arith.select %eq3A_739, %broadcast_in_dim3A_740, %select_n3A_725 : vector<1x128xi1>, vector<1x128xi32>
    %eq3A_742 = arith.constant 999982 : i32
    %eq3A_743 = vector.broadcast %eq3A_742 : i32 to vector<128x128xi32>
    %eq3A_744 = arith.cmpi eq, %get3A_4, %eq3A_743 : vector<128x128xi32>
    %jit3A_745 = arith.constant -1 : i32
    %broadcast_in_dim3A_746 = vector.broadcast %jit3A_745 : i32 to vector<128x128xi32>
    %select_n3A_747 = arith.select %eq3A_744, %add3A, %broadcast_in_dim3A_746 : vector<128x128xi1>, vector<128x128xi32>
    %reduce_max3A_748 = vector.shape_cast %select_n3A_747 : vector<128x128xi32> to vector<1x128x128xi32>
    %reduce_max3A_749 = arith.constant dense<-2147483648> : vector<1xi32>
    %reduce_max3A_750 = vector.multi_reduction <maxsi>, %reduce_max3A_748, %reduce_max3A_749 [1, 2] : vector<1x128x128xi32> to vector<1xi32>
    %reduce_max3A_751 = vector.shape_cast %reduce_max3A_750 : vector<1xi32> to vector<1x1x1xi32>
    %reduce_max3A_752 = vector.extract %reduce_max3A_751[0, 0, 0] : i32 from vector<1x1x1xi32>
    %eq3A_753 = arith.constant 46 : i32
    %eq3A_754 = vector.broadcast %eq3A_753 : i32 to vector<1x128xi32>
    %eq3A_755 = arith.cmpi eq, %iota3A_8, %eq3A_754 : vector<1x128xi32>
    %broadcast_in_dim3A_756 = vector.broadcast %reduce_max3A_752 : i32 to vector<1x128xi32>
    %select_n3A_757 = arith.select %eq3A_755, %broadcast_in_dim3A_756, %select_n3A_741 : vector<1x128xi1>, vector<1x128xi32>
    %eq3A_758 = arith.constant 999983 : i32
    %eq3A_759 = vector.broadcast %eq3A_758 : i32 to vector<128x128xi32>
    %eq3A_760 = arith.cmpi eq, %get3A_4, %eq3A_759 : vector<128x128xi32>
    %jit3A_761 = arith.constant -1 : i32
    %broadcast_in_dim3A_762 = vector.broadcast %jit3A_761 : i32 to vector<128x128xi32>
    %select_n3A_763 = arith.select %eq3A_760, %add3A, %broadcast_in_dim3A_762 : vector<128x128xi1>, vector<128x128xi32>
    %reduce_max3A_764 = vector.shape_cast %select_n3A_763 : vector<128x128xi32> to vector<1x128x128xi32>
    %reduce_max3A_765 = arith.constant dense<-2147483648> : vector<1xi32>
    %reduce_max3A_766 = vector.multi_reduction <maxsi>, %reduce_max3A_764, %reduce_max3A_765 [1, 2] : vector<1x128x128xi32> to vector<1xi32>
    %reduce_max3A_767 = vector.shape_cast %reduce_max3A_766 : vector<1xi32> to vector<1x1x1xi32>
    %reduce_max3A_768 = vector.extract %reduce_max3A_767[0, 0, 0] : i32 from vector<1x1x1xi32>
    %eq3A_769 = arith.constant 47 : i32
    %eq3A_770 = vector.broadcast %eq3A_769 : i32 to vector<1x128xi32>
    %eq3A_771 = arith.cmpi eq, %iota3A_8, %eq3A_770 : vector<1x128xi32>
    %broadcast_in_dim3A_772 = vector.broadcast %reduce_max3A_768 : i32 to vector<1x128xi32>
    %select_n3A_773 = arith.select %eq3A_771, %broadcast_in_dim3A_772, %select_n3A_757 : vector<1x128xi1>, vector<1x128xi32>
    %eq3A_774 = arith.constant 999984 : i32
    %eq3A_775 = vector.broadcast %eq3A_774 : i32 to vector<128x128xi32>
    %eq3A_776 = arith.cmpi eq, %get3A_4, %eq3A_775 : vector<128x128xi32>
    %jit3A_777 = arith.constant -1 : i32
    %broadcast_in_dim3A_778 = vector.broadcast %jit3A_777 : i32 to vector<128x128xi32>
    %select_n3A_779 = arith.select %eq3A_776, %add3A, %broadcast_in_dim3A_778 : vector<128x128xi1>, vector<128x128xi32>
    %reduce_max3A_780 = vector.shape_cast %select_n3A_779 : vector<128x128xi32> to vector<1x128x128xi32>
    %reduce_max3A_781 = arith.constant dense<-2147483648> : vector<1xi32>
    %reduce_max3A_782 = vector.multi_reduction <maxsi>, %reduce_max3A_780, %reduce_max3A_781 [1, 2] : vector<1x128x128xi32> to vector<1xi32>
    %reduce_max3A_783 = vector.shape_cast %reduce_max3A_782 : vector<1xi32> to vector<1x1x1xi32>
    %reduce_max3A_784 = vector.extract %reduce_max3A_783[0, 0, 0] : i32 from vector<1x1x1xi32>
    %eq3A_785 = arith.constant 48 : i32
    %eq3A_786 = vector.broadcast %eq3A_785 : i32 to vector<1x128xi32>
    %eq3A_787 = arith.cmpi eq, %iota3A_8, %eq3A_786 : vector<1x128xi32>
    %broadcast_in_dim3A_788 = vector.broadcast %reduce_max3A_784 : i32 to vector<1x128xi32>
    %select_n3A_789 = arith.select %eq3A_787, %broadcast_in_dim3A_788, %select_n3A_773 : vector<1x128xi1>, vector<1x128xi32>
    %eq3A_790 = arith.constant 999985 : i32
    %eq3A_791 = vector.broadcast %eq3A_790 : i32 to vector<128x128xi32>
    %eq3A_792 = arith.cmpi eq, %get3A_4, %eq3A_791 : vector<128x128xi32>
    %jit3A_793 = arith.constant -1 : i32
    %broadcast_in_dim3A_794 = vector.broadcast %jit3A_793 : i32 to vector<128x128xi32>
    %select_n3A_795 = arith.select %eq3A_792, %add3A, %broadcast_in_dim3A_794 : vector<128x128xi1>, vector<128x128xi32>
    %reduce_max3A_796 = vector.shape_cast %select_n3A_795 : vector<128x128xi32> to vector<1x128x128xi32>
    %reduce_max3A_797 = arith.constant dense<-2147483648> : vector<1xi32>
    %reduce_max3A_798 = vector.multi_reduction <maxsi>, %reduce_max3A_796, %reduce_max3A_797 [1, 2] : vector<1x128x128xi32> to vector<1xi32>
    %reduce_max3A_799 = vector.shape_cast %reduce_max3A_798 : vector<1xi32> to vector<1x1x1xi32>
    %reduce_max3A_800 = vector.extract %reduce_max3A_799[0, 0, 0] : i32 from vector<1x1x1xi32>
    %eq3A_801 = arith.constant 49 : i32
    %eq3A_802 = vector.broadcast %eq3A_801 : i32 to vector<1x128xi32>
    %eq3A_803 = arith.cmpi eq, %iota3A_8, %eq3A_802 : vector<1x128xi32>
    %broadcast_in_dim3A_804 = vector.broadcast %reduce_max3A_800 : i32 to vector<1x128xi32>
    %select_n3A_805 = arith.select %eq3A_803, %broadcast_in_dim3A_804, %select_n3A_789 : vector<1x128xi1>, vector<1x128xi32>
    %eq3A_806 = arith.constant 999986 : i32
    %eq3A_807 = vector.broadcast %eq3A_806 : i32 to vector<128x128xi32>
    %eq3A_808 = arith.cmpi eq, %get3A_4, %eq3A_807 : vector<128x128xi32>
    %jit3A_809 = arith.constant -1 : i32
    %broadcast_in_dim3A_810 = vector.broadcast %jit3A_809 : i32 to vector<128x128xi32>
    %select_n3A_811 = arith.select %eq3A_808, %add3A, %broadcast_in_dim3A_810 : vector<128x128xi1>, vector<128x128xi32>
    %reduce_max3A_812 = vector.shape_cast %select_n3A_811 : vector<128x128xi32> to vector<1x128x128xi32>
    %reduce_max3A_813 = arith.constant dense<-2147483648> : vector<1xi32>
    %reduce_max3A_814 = vector.multi_reduction <maxsi>, %reduce_max3A_812, %reduce_max3A_813 [1, 2] : vector<1x128x128xi32> to vector<1xi32>
    %reduce_max3A_815 = vector.shape_cast %reduce_max3A_814 : vector<1xi32> to vector<1x1x1xi32>
    %reduce_max3A_816 = vector.extract %reduce_max3A_815[0, 0, 0] : i32 from vector<1x1x1xi32>
    %eq3A_817 = arith.constant 50 : i32
    %eq3A_818 = vector.broadcast %eq3A_817 : i32 to vector<1x128xi32>
    %eq3A_819 = arith.cmpi eq, %iota3A_8, %eq3A_818 : vector<1x128xi32>
    %broadcast_in_dim3A_820 = vector.broadcast %reduce_max3A_816 : i32 to vector<1x128xi32>
    %select_n3A_821 = arith.select %eq3A_819, %broadcast_in_dim3A_820, %select_n3A_805 : vector<1x128xi1>, vector<1x128xi32>
    %eq3A_822 = arith.constant 999987 : i32
    %eq3A_823 = vector.broadcast %eq3A_822 : i32 to vector<128x128xi32>
    %eq3A_824 = arith.cmpi eq, %get3A_4, %eq3A_823 : vector<128x128xi32>
    %jit3A_825 = arith.constant -1 : i32
    %broadcast_in_dim3A_826 = vector.broadcast %jit3A_825 : i32 to vector<128x128xi32>
    %select_n3A_827 = arith.select %eq3A_824, %add3A, %broadcast_in_dim3A_826 : vector<128x128xi1>, vector<128x128xi32>
    %reduce_max3A_828 = vector.shape_cast %select_n3A_827 : vector<128x128xi32> to vector<1x128x128xi32>
    %reduce_max3A_829 = arith.constant dense<-2147483648> : vector<1xi32>
    %reduce_max3A_830 = vector.multi_reduction <maxsi>, %reduce_max3A_828, %reduce_max3A_829 [1, 2] : vector<1x128x128xi32> to vector<1xi32>
    %reduce_max3A_831 = vector.shape_cast %reduce_max3A_830 : vector<1xi32> to vector<1x1x1xi32>
    %reduce_max3A_832 = vector.extract %reduce_max3A_831[0, 0, 0] : i32 from vector<1x1x1xi32>
    %eq3A_833 = arith.constant 51 : i32
    %eq3A_834 = vector.broadcast %eq3A_833 : i32 to vector<1x128xi32>
    %eq3A_835 = arith.cmpi eq, %iota3A_8, %eq3A_834 : vector<1x128xi32>
    %broadcast_in_dim3A_836 = vector.broadcast %reduce_max3A_832 : i32 to vector<1x128xi32>
    %select_n3A_837 = arith.select %eq3A_835, %broadcast_in_dim3A_836, %select_n3A_821 : vector<1x128xi1>, vector<1x128xi32>
    %eq3A_838 = arith.constant 999988 : i32
    %eq3A_839 = vector.broadcast %eq3A_838 : i32 to vector<128x128xi32>
    %eq3A_840 = arith.cmpi eq, %get3A_4, %eq3A_839 : vector<128x128xi32>
    %jit3A_841 = arith.constant -1 : i32
    %broadcast_in_dim3A_842 = vector.broadcast %jit3A_841 : i32 to vector<128x128xi32>
    %select_n3A_843 = arith.select %eq3A_840, %add3A, %broadcast_in_dim3A_842 : vector<128x128xi1>, vector<128x128xi32>
    %reduce_max3A_844 = vector.shape_cast %select_n3A_843 : vector<128x128xi32> to vector<1x128x128xi32>
    %reduce_max3A_845 = arith.constant dense<-2147483648> : vector<1xi32>
    %reduce_max3A_846 = vector.multi_reduction <maxsi>, %reduce_max3A_844, %reduce_max3A_845 [1, 2] : vector<1x128x128xi32> to vector<1xi32>
    %reduce_max3A_847 = vector.shape_cast %reduce_max3A_846 : vector<1xi32> to vector<1x1x1xi32>
    %reduce_max3A_848 = vector.extract %reduce_max3A_847[0, 0, 0] : i32 from vector<1x1x1xi32>
    %eq3A_849 = arith.constant 52 : i32
    %eq3A_850 = vector.broadcast %eq3A_849 : i32 to vector<1x128xi32>
    %eq3A_851 = arith.cmpi eq, %iota3A_8, %eq3A_850 : vector<1x128xi32>
    %broadcast_in_dim3A_852 = vector.broadcast %reduce_max3A_848 : i32 to vector<1x128xi32>
    %select_n3A_853 = arith.select %eq3A_851, %broadcast_in_dim3A_852, %select_n3A_837 : vector<1x128xi1>, vector<1x128xi32>
    %eq3A_854 = arith.constant 999989 : i32
    %eq3A_855 = vector.broadcast %eq3A_854 : i32 to vector<128x128xi32>
    %eq3A_856 = arith.cmpi eq, %get3A_4, %eq3A_855 : vector<128x128xi32>
    %jit3A_857 = arith.constant -1 : i32
    %broadcast_in_dim3A_858 = vector.broadcast %jit3A_857 : i32 to vector<128x128xi32>
    %select_n3A_859 = arith.select %eq3A_856, %add3A, %broadcast_in_dim3A_858 : vector<128x128xi1>, vector<128x128xi32>
    %reduce_max3A_860 = vector.shape_cast %select_n3A_859 : vector<128x128xi32> to vector<1x128x128xi32>
    %reduce_max3A_861 = arith.constant dense<-2147483648> : vector<1xi32>
    %reduce_max3A_862 = vector.multi_reduction <maxsi>, %reduce_max3A_860, %reduce_max3A_861 [1, 2] : vector<1x128x128xi32> to vector<1xi32>
    %reduce_max3A_863 = vector.shape_cast %reduce_max3A_862 : vector<1xi32> to vector<1x1x1xi32>
    %reduce_max3A_864 = vector.extract %reduce_max3A_863[0, 0, 0] : i32 from vector<1x1x1xi32>
    %eq3A_865 = arith.constant 53 : i32
    %eq3A_866 = vector.broadcast %eq3A_865 : i32 to vector<1x128xi32>
    %eq3A_867 = arith.cmpi eq, %iota3A_8, %eq3A_866 : vector<1x128xi32>
    %broadcast_in_dim3A_868 = vector.broadcast %reduce_max3A_864 : i32 to vector<1x128xi32>
    %select_n3A_869 = arith.select %eq3A_867, %broadcast_in_dim3A_868, %select_n3A_853 : vector<1x128xi1>, vector<1x128xi32>
    %eq3A_870 = arith.constant 999990 : i32
    %eq3A_871 = vector.broadcast %eq3A_870 : i32 to vector<128x128xi32>
    %eq3A_872 = arith.cmpi eq, %get3A_4, %eq3A_871 : vector<128x128xi32>
    %jit3A_873 = arith.constant -1 : i32
    %broadcast_in_dim3A_874 = vector.broadcast %jit3A_873 : i32 to vector<128x128xi32>
    %select_n3A_875 = arith.select %eq3A_872, %add3A, %broadcast_in_dim3A_874 : vector<128x128xi1>, vector<128x128xi32>
    %reduce_max3A_876 = vector.shape_cast %select_n3A_875 : vector<128x128xi32> to vector<1x128x128xi32>
    %reduce_max3A_877 = arith.constant dense<-2147483648> : vector<1xi32>
    %reduce_max3A_878 = vector.multi_reduction <maxsi>, %reduce_max3A_876, %reduce_max3A_877 [1, 2] : vector<1x128x128xi32> to vector<1xi32>
    %reduce_max3A_879 = vector.shape_cast %reduce_max3A_878 : vector<1xi32> to vector<1x1x1xi32>
    %reduce_max3A_880 = vector.extract %reduce_max3A_879[0, 0, 0] : i32 from vector<1x1x1xi32>
    %eq3A_881 = arith.constant 54 : i32
    %eq3A_882 = vector.broadcast %eq3A_881 : i32 to vector<1x128xi32>
    %eq3A_883 = arith.cmpi eq, %iota3A_8, %eq3A_882 : vector<1x128xi32>
    %broadcast_in_dim3A_884 = vector.broadcast %reduce_max3A_880 : i32 to vector<1x128xi32>
    %select_n3A_885 = arith.select %eq3A_883, %broadcast_in_dim3A_884, %select_n3A_869 : vector<1x128xi1>, vector<1x128xi32>
    %eq3A_886 = arith.constant 999991 : i32
    %eq3A_887 = vector.broadcast %eq3A_886 : i32 to vector<128x128xi32>
    %eq3A_888 = arith.cmpi eq, %get3A_4, %eq3A_887 : vector<128x128xi32>
    %jit3A_889 = arith.constant -1 : i32
    %broadcast_in_dim3A_890 = vector.broadcast %jit3A_889 : i32 to vector<128x128xi32>
    %select_n3A_891 = arith.select %eq3A_888, %add3A, %broadcast_in_dim3A_890 : vector<128x128xi1>, vector<128x128xi32>
    %reduce_max3A_892 = vector.shape_cast %select_n3A_891 : vector<128x128xi32> to vector<1x128x128xi32>
    %reduce_max3A_893 = arith.constant dense<-2147483648> : vector<1xi32>
    %reduce_max3A_894 = vector.multi_reduction <maxsi>, %reduce_max3A_892, %reduce_max3A_893 [1, 2] : vector<1x128x128xi32> to vector<1xi32>
    %reduce_max3A_895 = vector.shape_cast %reduce_max3A_894 : vector<1xi32> to vector<1x1x1xi32>
    %reduce_max3A_896 = vector.extract %reduce_max3A_895[0, 0, 0] : i32 from vector<1x1x1xi32>
    %eq3A_897 = arith.constant 55 : i32
    %eq3A_898 = vector.broadcast %eq3A_897 : i32 to vector<1x128xi32>
    %eq3A_899 = arith.cmpi eq, %iota3A_8, %eq3A_898 : vector<1x128xi32>
    %broadcast_in_dim3A_900 = vector.broadcast %reduce_max3A_896 : i32 to vector<1x128xi32>
    %select_n3A_901 = arith.select %eq3A_899, %broadcast_in_dim3A_900, %select_n3A_885 : vector<1x128xi1>, vector<1x128xi32>
    %eq3A_902 = arith.constant 999992 : i32
    %eq3A_903 = vector.broadcast %eq3A_902 : i32 to vector<128x128xi32>
    %eq3A_904 = arith.cmpi eq, %get3A_4, %eq3A_903 : vector<128x128xi32>
    %jit3A_905 = arith.constant -1 : i32
    %broadcast_in_dim3A_906 = vector.broadcast %jit3A_905 : i32 to vector<128x128xi32>
    %select_n3A_907 = arith.select %eq3A_904, %add3A, %broadcast_in_dim3A_906 : vector<128x128xi1>, vector<128x128xi32>
    %reduce_max3A_908 = vector.shape_cast %select_n3A_907 : vector<128x128xi32> to vector<1x128x128xi32>
    %reduce_max3A_909 = arith.constant dense<-2147483648> : vector<1xi32>
    %reduce_max3A_910 = vector.multi_reduction <maxsi>, %reduce_max3A_908, %reduce_max3A_909 [1, 2] : vector<1x128x128xi32> to vector<1xi32>
    %reduce_max3A_911 = vector.shape_cast %reduce_max3A_910 : vector<1xi32> to vector<1x1x1xi32>
    %reduce_max3A_912 = vector.extract %reduce_max3A_911[0, 0, 0] : i32 from vector<1x1x1xi32>
    %eq3A_913 = arith.constant 56 : i32
    %eq3A_914 = vector.broadcast %eq3A_913 : i32 to vector<1x128xi32>
    %eq3A_915 = arith.cmpi eq, %iota3A_8, %eq3A_914 : vector<1x128xi32>
    %broadcast_in_dim3A_916 = vector.broadcast %reduce_max3A_912 : i32 to vector<1x128xi32>
    %select_n3A_917 = arith.select %eq3A_915, %broadcast_in_dim3A_916, %select_n3A_901 : vector<1x128xi1>, vector<1x128xi32>
    %eq3A_918 = arith.constant 999993 : i32
    %eq3A_919 = vector.broadcast %eq3A_918 : i32 to vector<128x128xi32>
    %eq3A_920 = arith.cmpi eq, %get3A_4, %eq3A_919 : vector<128x128xi32>
    %jit3A_921 = arith.constant -1 : i32
    %broadcast_in_dim3A_922 = vector.broadcast %jit3A_921 : i32 to vector<128x128xi32>
    %select_n3A_923 = arith.select %eq3A_920, %add3A, %broadcast_in_dim3A_922 : vector<128x128xi1>, vector<128x128xi32>
    %reduce_max3A_924 = vector.shape_cast %select_n3A_923 : vector<128x128xi32> to vector<1x128x128xi32>
    %reduce_max3A_925 = arith.constant dense<-2147483648> : vector<1xi32>
    %reduce_max3A_926 = vector.multi_reduction <maxsi>, %reduce_max3A_924, %reduce_max3A_925 [1, 2] : vector<1x128x128xi32> to vector<1xi32>
    %reduce_max3A_927 = vector.shape_cast %reduce_max3A_926 : vector<1xi32> to vector<1x1x1xi32>
    %reduce_max3A_928 = vector.extract %reduce_max3A_927[0, 0, 0] : i32 from vector<1x1x1xi32>
    %eq3A_929 = arith.constant 57 : i32
    %eq3A_930 = vector.broadcast %eq3A_929 : i32 to vector<1x128xi32>
    %eq3A_931 = arith.cmpi eq, %iota3A_8, %eq3A_930 : vector<1x128xi32>
    %broadcast_in_dim3A_932 = vector.broadcast %reduce_max3A_928 : i32 to vector<1x128xi32>
    %select_n3A_933 = arith.select %eq3A_931, %broadcast_in_dim3A_932, %select_n3A_917 : vector<1x128xi1>, vector<1x128xi32>
    %eq3A_934 = arith.constant 999994 : i32
    %eq3A_935 = vector.broadcast %eq3A_934 : i32 to vector<128x128xi32>
    %eq3A_936 = arith.cmpi eq, %get3A_4, %eq3A_935 : vector<128x128xi32>
    %jit3A_937 = arith.constant -1 : i32
    %broadcast_in_dim3A_938 = vector.broadcast %jit3A_937 : i32 to vector<128x128xi32>
    %select_n3A_939 = arith.select %eq3A_936, %add3A, %broadcast_in_dim3A_938 : vector<128x128xi1>, vector<128x128xi32>
    %reduce_max3A_940 = vector.shape_cast %select_n3A_939 : vector<128x128xi32> to vector<1x128x128xi32>
    %reduce_max3A_941 = arith.constant dense<-2147483648> : vector<1xi32>
    %reduce_max3A_942 = vector.multi_reduction <maxsi>, %reduce_max3A_940, %reduce_max3A_941 [1, 2] : vector<1x128x128xi32> to vector<1xi32>
    %reduce_max3A_943 = vector.shape_cast %reduce_max3A_942 : vector<1xi32> to vector<1x1x1xi32>
    %reduce_max3A_944 = vector.extract %reduce_max3A_943[0, 0, 0] : i32 from vector<1x1x1xi32>
    %eq3A_945 = arith.constant 58 : i32
    %eq3A_946 = vector.broadcast %eq3A_945 : i32 to vector<1x128xi32>
    %eq3A_947 = arith.cmpi eq, %iota3A_8, %eq3A_946 : vector<1x128xi32>
    %broadcast_in_dim3A_948 = vector.broadcast %reduce_max3A_944 : i32 to vector<1x128xi32>
    %select_n3A_949 = arith.select %eq3A_947, %broadcast_in_dim3A_948, %select_n3A_933 : vector<1x128xi1>, vector<1x128xi32>
    %eq3A_950 = arith.constant 999995 : i32
    %eq3A_951 = vector.broadcast %eq3A_950 : i32 to vector<128x128xi32>
    %eq3A_952 = arith.cmpi eq, %get3A_4, %eq3A_951 : vector<128x128xi32>
    %jit3A_953 = arith.constant -1 : i32
    %broadcast_in_dim3A_954 = vector.broadcast %jit3A_953 : i32 to vector<128x128xi32>
    %select_n3A_955 = arith.select %eq3A_952, %add3A, %broadcast_in_dim3A_954 : vector<128x128xi1>, vector<128x128xi32>
    %reduce_max3A_956 = vector.shape_cast %select_n3A_955 : vector<128x128xi32> to vector<1x128x128xi32>
    %reduce_max3A_957 = arith.constant dense<-2147483648> : vector<1xi32>
    %reduce_max3A_958 = vector.multi_reduction <maxsi>, %reduce_max3A_956, %reduce_max3A_957 [1, 2] : vector<1x128x128xi32> to vector<1xi32>
    %reduce_max3A_959 = vector.shape_cast %reduce_max3A_958 : vector<1xi32> to vector<1x1x1xi32>
    %reduce_max3A_960 = vector.extract %reduce_max3A_959[0, 0, 0] : i32 from vector<1x1x1xi32>
    %eq3A_961 = arith.constant 59 : i32
    %eq3A_962 = vector.broadcast %eq3A_961 : i32 to vector<1x128xi32>
    %eq3A_963 = arith.cmpi eq, %iota3A_8, %eq3A_962 : vector<1x128xi32>
    %broadcast_in_dim3A_964 = vector.broadcast %reduce_max3A_960 : i32 to vector<1x128xi32>
    %select_n3A_965 = arith.select %eq3A_963, %broadcast_in_dim3A_964, %select_n3A_949 : vector<1x128xi1>, vector<1x128xi32>
    %eq3A_966 = arith.constant 999996 : i32
    %eq3A_967 = vector.broadcast %eq3A_966 : i32 to vector<128x128xi32>
    %eq3A_968 = arith.cmpi eq, %get3A_4, %eq3A_967 : vector<128x128xi32>
    %jit3A_969 = arith.constant -1 : i32
    %broadcast_in_dim3A_970 = vector.broadcast %jit3A_969 : i32 to vector<128x128xi32>
    %select_n3A_971 = arith.select %eq3A_968, %add3A, %broadcast_in_dim3A_970 : vector<128x128xi1>, vector<128x128xi32>
    %reduce_max3A_972 = vector.shape_cast %select_n3A_971 : vector<128x128xi32> to vector<1x128x128xi32>
    %reduce_max3A_973 = arith.constant dense<-2147483648> : vector<1xi32>
    %reduce_max3A_974 = vector.multi_reduction <maxsi>, %reduce_max3A_972, %reduce_max3A_973 [1, 2] : vector<1x128x128xi32> to vector<1xi32>
    %reduce_max3A_975 = vector.shape_cast %reduce_max3A_974 : vector<1xi32> to vector<1x1x1xi32>
    %reduce_max3A_976 = vector.extract %reduce_max3A_975[0, 0, 0] : i32 from vector<1x1x1xi32>
    %eq3A_977 = arith.constant 60 : i32
    %eq3A_978 = vector.broadcast %eq3A_977 : i32 to vector<1x128xi32>
    %eq3A_979 = arith.cmpi eq, %iota3A_8, %eq3A_978 : vector<1x128xi32>
    %broadcast_in_dim3A_980 = vector.broadcast %reduce_max3A_976 : i32 to vector<1x128xi32>
    %select_n3A_981 = arith.select %eq3A_979, %broadcast_in_dim3A_980, %select_n3A_965 : vector<1x128xi1>, vector<1x128xi32>
    %eq3A_982 = arith.constant 999997 : i32
    %eq3A_983 = vector.broadcast %eq3A_982 : i32 to vector<128x128xi32>
    %eq3A_984 = arith.cmpi eq, %get3A_4, %eq3A_983 : vector<128x128xi32>
    %jit3A_985 = arith.constant -1 : i32
    %broadcast_in_dim3A_986 = vector.broadcast %jit3A_985 : i32 to vector<128x128xi32>
    %select_n3A_987 = arith.select %eq3A_984, %add3A, %broadcast_in_dim3A_986 : vector<128x128xi1>, vector<128x128xi32>
    %reduce_max3A_988 = vector.shape_cast %select_n3A_987 : vector<128x128xi32> to vector<1x128x128xi32>
    %reduce_max3A_989 = arith.constant dense<-2147483648> : vector<1xi32>
    %reduce_max3A_990 = vector.multi_reduction <maxsi>, %reduce_max3A_988, %reduce_max3A_989 [1, 2] : vector<1x128x128xi32> to vector<1xi32>
    %reduce_max3A_991 = vector.shape_cast %reduce_max3A_990 : vector<1xi32> to vector<1x1x1xi32>
    %reduce_max3A_992 = vector.extract %reduce_max3A_991[0, 0, 0] : i32 from vector<1x1x1xi32>
    %eq3A_993 = arith.constant 61 : i32
    %eq3A_994 = vector.broadcast %eq3A_993 : i32 to vector<1x128xi32>
    %eq3A_995 = arith.cmpi eq, %iota3A_8, %eq3A_994 : vector<1x128xi32>
    %broadcast_in_dim3A_996 = vector.broadcast %reduce_max3A_992 : i32 to vector<1x128xi32>
    %select_n3A_997 = arith.select %eq3A_995, %broadcast_in_dim3A_996, %select_n3A_981 : vector<1x128xi1>, vector<1x128xi32>
    %eq3A_998 = arith.constant 999998 : i32
    %eq3A_999 = vector.broadcast %eq3A_998 : i32 to vector<128x128xi32>
    %eq3A_1000 = arith.cmpi eq, %get3A_4, %eq3A_999 : vector<128x128xi32>
    %jit3A_1001 = arith.constant -1 : i32
    %broadcast_in_dim3A_1002 = vector.broadcast %jit3A_1001 : i32 to vector<128x128xi32>
    %select_n3A_1003 = arith.select %eq3A_1000, %add3A, %broadcast_in_dim3A_1002 : vector<128x128xi1>, vector<128x128xi32>
    %reduce_max3A_1004 = vector.shape_cast %select_n3A_1003 : vector<128x128xi32> to vector<1x128x128xi32>
    %reduce_max3A_1005 = arith.constant dense<-2147483648> : vector<1xi32>
    %reduce_max3A_1006 = vector.multi_reduction <maxsi>, %reduce_max3A_1004, %reduce_max3A_1005 [1, 2] : vector<1x128x128xi32> to vector<1xi32>
    %reduce_max3A_1007 = vector.shape_cast %reduce_max3A_1006 : vector<1xi32> to vector<1x1x1xi32>
    %reduce_max3A_1008 = vector.extract %reduce_max3A_1007[0, 0, 0] : i32 from vector<1x1x1xi32>
    %eq3A_1009 = arith.constant 62 : i32
    %eq3A_1010 = vector.broadcast %eq3A_1009 : i32 to vector<1x128xi32>
    %eq3A_1011 = arith.cmpi eq, %iota3A_8, %eq3A_1010 : vector<1x128xi32>
    %broadcast_in_dim3A_1012 = vector.broadcast %reduce_max3A_1008 : i32 to vector<1x128xi32>
    %select_n3A_1013 = arith.select %eq3A_1011, %broadcast_in_dim3A_1012, %select_n3A_997 : vector<1x128xi1>, vector<1x128xi32>
    %eq3A_1014 = arith.constant 999999 : i32
    %eq3A_1015 = vector.broadcast %eq3A_1014 : i32 to vector<128x128xi32>
    %eq3A_1016 = arith.cmpi eq, %get3A_4, %eq3A_1015 : vector<128x128xi32>
    %jit3A_1017 = arith.constant -1 : i32
    %broadcast_in_dim3A_1018 = vector.broadcast %jit3A_1017 : i32 to vector<128x128xi32>
    %select_n3A_1019 = arith.select %eq3A_1016, %add3A, %broadcast_in_dim3A_1018 : vector<128x128xi1>, vector<128x128xi32>
    %reduce_max3A_1020 = vector.shape_cast %select_n3A_1019 : vector<128x128xi32> to vector<1x128x128xi32>
    %reduce_max3A_1021 = arith.constant dense<-2147483648> : vector<1xi32>
    %reduce_max3A_1022 = vector.multi_reduction <maxsi>, %reduce_max3A_1020, %reduce_max3A_1021 [1, 2] : vector<1x128x128xi32> to vector<1xi32>
    %reduce_max3A_1023 = vector.shape_cast %reduce_max3A_1022 : vector<1xi32> to vector<1x1x1xi32>
    %reduce_max3A_1024 = vector.extract %reduce_max3A_1023[0, 0, 0] : i32 from vector<1x1x1xi32>
    %eq3A_1025 = arith.constant 63 : i32
    %eq3A_1026 = vector.broadcast %eq3A_1025 : i32 to vector<1x128xi32>
    %eq3A_1027 = arith.cmpi eq, %iota3A_8, %eq3A_1026 : vector<1x128xi32>
    %broadcast_in_dim3A_1028 = vector.broadcast %reduce_max3A_1024 : i32 to vector<1x128xi32>
    %select_n3A_1029 = arith.select %eq3A_1027, %broadcast_in_dim3A_1028, %select_n3A_1013 : vector<1x128xi1>, vector<1x128xi32>
    %ge3A = arith.constant 0 : i32
    %ge3A_1030 = vector.broadcast %ge3A : i32 to vector<1x128xi32>
    %ge3A_1031 = arith.cmpi sge, %select_n3A_1029, %ge3A_1030 : vector<1x128xi32>
    %iota3A_1032 = tpu.iota {dimensions = array<i32: 0>} : vector<16384x128xi32>
    %broadcast_in_dim3A_1033 = vector.shape_cast %select_n3A_1029 : vector<1x128xi32> to vector<1x128xi32>
    %broadcast_in_dim3A_1034 = vector.broadcast %broadcast_in_dim3A_1033 : vector<1x128xi32> to vector<16384x128xi32>
    %eq3A_1035 = arith.cmpi eq, %iota3A_1032, %broadcast_in_dim3A_1034 : vector<16384x128xi32>
    %convert_element_type3A = arith.extui %eq3A_1035 : vector<16384x128xi1> to vector<16384x128xi32>
    %convert_element_type3A_1036 = arith.sitofp %convert_element_type3A : vector<16384x128xi32> to vector<16384x128xf32>
    %get3A_1037 = arith.constant 0 : index
    %get3A_1038 = arith.constant 0 : index
    %get3A_1039 = vector.load %arg3[%get3A_1037, %get3A_1038] : memref<32x16384xf32, #tpu.memory_space<vmem>>, vector<32x16384xf32>
    %dot_general3A = arith.constant dense<0.000000e+00> : vector<32x128xf32>
    %dot_general3A_1040 = tpu.matmul %get3A_1039, %convert_element_type3A_1036, %dot_general3A {dimension_numbers = #tpu.dot_dimension_numbers<[1], [0], [0], [1], [0, 0, 1, 1], [], []>, transpose_lhs_hint = false} : vector<32x16384xf32>, vector<16384x128xf32>, vector<32x128xf32> -> vector<32x128xf32>
    %broadcast_in_dim3A_1041 = vector.shape_cast %ge3A_1031 : vector<1x128xi1> to vector<1x128xi1>
    %broadcast_in_dim3A_1042 = vector.broadcast %broadcast_in_dim3A_1041 : vector<1x128xi1> to vector<32x128xi1>
    %neg3A = arith.constant 0.000000e+00 : f32
    %neg3A_1043 = vector.broadcast %neg3A : f32 to vector<32x128xf32>
    %neg3A_1044 = arith.subf %neg3A_1043, %dot_general3A_1040 : vector<32x128xf32>
    %select_n3A_1045 = arith.select %broadcast_in_dim3A_1042, %neg3A_1044, %get3A_1 : vector<32x128xi1>, vector<32x128xf32>
    %swap3A = arith.constant 0 : index
    %swap3A_1046 = arith.constant 0 : index
    %swap3A_1047 = vector.load %arg5[%swap3A, %swap3A_1046] : memref<32x128xf32, #tpu.memory_space<vmem>>, vector<32x128xf32>
    tpu.vector_store %arg5[%swap3A, %swap3A_1046], %select_n3A_1045 {strides = array<i32>} : memref<32x128xf32, #tpu.memory_space<vmem>>, vector<32x128xf32>,
    return
  }
  func.func @transform_1(%arg0: i32) -> (i32, i32) {
    %c0_i32 = arith.constant 0 : i32
    %c7812_i32 = arith.constant 7812 : i32
    %c0_i32_0 = arith.constant 0 : i32
    return %c0_i32, %c7812_i32 : i32, i32
  }
  func.func @transform_2(%arg0: i32) -> (i32, i32) {
    %c0_i32 = arith.constant 0 : i32
    %c0_i32_0 = arith.constant 0 : i32
    %c0_i32_1 = arith.constant 0 : i32
    return %c0_i32, %c0_i32_0 : i32, i32
  }
  func.func @transform_3(%arg0: i32) -> (i32, i32) {
    %c0_i32 = arith.constant 0 : i32
    %c0_i32_0 = arith.constant 0 : i32
    %c0_i32_1 = arith.constant 0 : i32
    return %c0_i32, %c0_i32_0 : i32, i32
  }
  func.func @transform_4(%arg0: i32) -> (i32, i32) {
    %c0_i32 = arith.constant 0 : i32
    %c7812_i32 = arith.constant 7812 : i32
    %c0_i32_0 = arith.constant 0 : i32
    return %c0_i32, %c7812_i32 : i32, i32
  }
}

module attributes {stable_mosaic.version = 14 : i64} {
  func.func @_neg_pad_body(%arg0: i32, %arg1: memref<32x2048xf32, #tpu.memory_space<vmem>>, %arg2: memref<2048x128xf32, #tpu.memory_space<vmem>>) attributes {dimension_semantics = [#tpu.dimension_semantics<arbitrary>], iteration_bounds = array<i64: 8>, scalar_prefetch = 0 : i64, scratch_operands = 0 : i64, tpu.core_type = #tpu.core_type<tc>, window_params = [{transform_indices = @transform_0, window_bounds = array<i64: 32, 2048>}, {transform_indices = @transform_1, window_bounds = array<i64: 2048, 128>}]} {
    %get3A = arith.constant 0 : index
    %get3A_0 = arith.constant 0 : index
    %get3A_1 = vector.load %arg1[%get3A, %get3A_0] : memref<32x2048xf32, #tpu.memory_space<vmem>>, vector<32x2048xf32>
    %transpose3A = tpu.transpose %get3A_1, [1, 0] : vector<32x2048xf32> -> vector<2048x32xf32>
    %neg3A = arith.constant 0.000000e+00 : f32
    %neg3A_2 = vector.broadcast %neg3A : f32 to vector<2048x32xf32>
    %neg3A_3 = arith.subf %neg3A_2, %transpose3A : vector<2048x32xf32>
    %swap3A = arith.constant 0 : index
    %swap3A_4 = arith.constant 0 : index
    %swap3A_5 = vector.load %arg2[%swap3A, %swap3A_4] : memref<2048x128xf32, #tpu.memory_space<vmem>>, vector<2048x32xf32>
    tpu.vector_store %arg2[%swap3A, %swap3A_4], %neg3A_3 {strides = array<i32>} : memref<2048x128xf32, #tpu.memory_space<vmem>>, vector<2048x32xf32>,
    %broadcast_in_dim3A = arith.constant 0.000000e+00 : f32
    %broadcast_in_dim3A_6 = vector.broadcast %broadcast_in_dim3A : f32 to vector<2048x96xf32>
    %swap3A_7 = arith.constant 0 : index
    %swap3A_8 = arith.constant 32 : index
    %swap3A_9 = vector.load %arg2[%swap3A_7, %swap3A_8] : memref<2048x128xf32, #tpu.memory_space<vmem>>, vector<2048x96xf32>
    tpu.vector_store %arg2[%swap3A_7, %swap3A_8], %broadcast_in_dim3A_6 {strides = array<i32>} : memref<2048x128xf32, #tpu.memory_space<vmem>>, vector<2048x96xf32>,
    return
  }
  func.func @transform_0(%arg0: i32) -> (i32, i32) {
    %c0_i32 = arith.constant 0 : i32
    %c0_i32_0 = arith.constant 0 : i32
    return %c0_i32, %arg0 : i32, i32
  }
  func.func @transform_1(%arg0: i32) -> (i32, i32) {
    %c0_i32 = arith.constant 0 : i32
    %c0_i32_0 = arith.constant 0 : i32
    return %arg0, %c0_i32 : i32, i32
  }
}

</mosaic_0001>

<sc_bundles>
// kernel: _scatter_overwrite.5.cloned.1.call-start
scs
__scs_entry_jumppad:
0x0: {  	(pc) =	sbr.rel $0x88, $3  }
0x1: {  	(tag) =	ssettag $0x0;
	lr =	simm.s32 $0x1  }
0x2: {  	[smem:$0x3F9E] =	sst lr;
	_ =	strace $0xD0000000  }
0x3: {  	_ = 	snop  }
0x4: {  	_ = 	snop  }
0x5: {  	_ = 	snop  }
0x6: {  	_ = 	snop  }
0x7: {  	_ = 	snop  }
__scs_overlays_trampoline_lowered:
0x8: {  	[smem:$0x3FAD] =	sst s0  }
0x9: {  	[smem:$0x3FAE] =	sst s1  }
0xa: {  	[smem:$0x3FAF] =	sst s2  }
0xb: {  	[smem:$0x3FB0] =	sst s3  }
0xc: {  	[smem:$0x3FB1] =	sst s4  }
0xd: {  	[smem:$0x3FB2] =	sst s5  }
0xe: {  	[smem:$0x3FB3] =	sst s6  }
0xf: {  	[smem:$0x3FB4] =	sst s7  }
0x10: {  	[smem:$0x3FB5] =	sst s8  }
0x11: {  	[smem:$0x3FB6] =	sst s9;
	s0 =	simm.s32 @!p0 $0x0  }
0x12: {  	s1 =	sld [smem:$0x3F9C];
	s0 =	simm.s32 @p0 $0x1  }
0x13: {  	[smem:$0x3FB7] =	sst s0;
	s0 =	simm.s32 @!p1 $0x0  }
0x14: {  	s2 =	sld [smem:$0x3F9B];
	s0 =	simm.s32 @p1 $0x1  }
0x15: {  	[smem:$0x3FB8] =	sst s0;
	s0 =	simm.s32 @!p2 $0x0  }
0x16: {  	s3 =	sld [smem:$0x3FDB];
	s0 =	simm.s32 @p2 $0x1  }
0x17: {  	s4 =	simm.s32 $0x1BF5;
	[smem:$0x3FBA] =	sst s0  }
0x18: {  	s0 =	sld [smem:$0x3F9D];
	_ =	swait.ge [sflag:s4], $0x0  }
0x19: {  	s7 =	sld [smem:$0x3F9E]  }
0x1a: {  	s8 =	sadd.s32 $0xFFFFE003, lr  }
0x1b: {  	s9 =	sadd.s32 $0xFFFFFEF7, lr;
	s5 =	simm.s32 $0xFFFFFFFF;
	p2 =	slt.u32 s8, $0xFFFFF086  }
0x1c: {  	p1 =	slt.u32 s9, $0xF7A;
	s5 =	simm.s32 @!p2 $0x0  }
0x1d: {  	s5 =	simm.s32 @p1 $0x1;
	p0 =	seq.s32 s7, s2  }
0x1e: {  	s7 =	smul.u32 @!p0 $0xF7A, s2;
	p2 =	seq.s32 @!p0 s5, $0x0  }
0x1f: {  	s9 =	smul.u32 $0xF7A, s1;
	s8 =	simm.s32 @!p0 $0x1BF5;
	p2 =	por !p2, p0  }
0x20: {  	[sflag:s8] =	ssyncset.s32 @!p0 $0xFFFFF086;
	s6 =	sadd.s32 @!p0 s3, s7;
	s7 =	simm.s32 @!p0 $0x108  }
0x21: {  	s3 =	sadd.s32 s3, s9;
	s6 =	sadd.s32 @!p0 $0x88, s6;
	s7 =	simm.s32 @p2 $0x1082  }
0x22: {  	[simem:s7], [sflag:s8] =	dma.local @!p0 [hbm:s6], $0xF7A  }
0x23: {  	s9 =	sor.u32 $0xD0000000, s2;
	s6 =	simm.s32 $0x108;
	_ =	swait.ge @!p0 [sflag:s8], $0x0  }
0x24: {  	s3 =	sadd.s32 $0x88, s3;
	s6 =	simm.s32 @!p1 $0x1082;
	[sflag:s4] =	ssyncset.s32 $0xFFFFF086  }
0x25: {  	[simem:s6], [sflag:s4] =	dma.local [hbm:s3], $0xF7A  }
0x26: {  	[smem:$0x3F9E] =	sst s1;
	(tag) =	ssettag s2;
	_ =	strace s9  }
0x27: {  	s1 =	sld [smem:$0x3FAE]  }
0x28: {  	s2 =	sld [smem:$0x3FAF]  }
0x29: {  	s4 =	sld [smem:$0x3FB1]  }
0x2a: {  	p0 =	seq.s32 s5, $0x0;
	s5 =	sld [smem:$0x3FB2]  }
0x2b: {  	s6 =	sld [smem:$0x3FB3]  }
0x2c: {  	s7 =	sld [smem:$0x3FB4]  }
0x2d: {  	s3 =	simm.s32 $0x108;
	s8 =	sld [smem:$0x3FB5]  }
0x2e: {  	s3 =	simm.s32 @!p0 $0x1082;
	s9 =	sld [smem:$0x3FB6]  }
0x2f: {  	lr =	sadd.s32 s0, s3;
	s0 =	sld [smem:$0x3FAD]  }
0x30: {  	s3 =	sld [smem:$0x3FB0]  }
0x31: {  	[smem:$0x3FB9] =	sst s10  }
0x32: {  	s10 =	sld [smem:$0x3FB7];
	_ =	sdelay $0x3  }
0x33: {  	p0 =	seq.s32 s10, $0x1;
	s10 =	sld [smem:$0x3FB9];
	_ =	sdelay $0x3  }
0x34: {  	[smem:$0x3FB9] =	sst s10  }
0x35: {  	s10 =	sld [smem:$0x3FB8];
	_ =	sdelay $0x3  }
0x36: {  	p1 =	seq.s32 s10, $0x1;
	s10 =	sld [smem:$0x3FB9];
	_ =	sdelay $0x3  }
0x37: {  	[smem:$0x3FB9] =	sst s10  }
0x38: {  	s10 =	sld [smem:$0x3FBA]  }
0x39: {  	_ = 	snop;
	(pc) =	sbr.ind lr, $3  }
0x3a: {  	_ = 	snop  }
0x3b: {  	_ = 	snop  }
0x3c: {  	p2 =	seq.s32 s10, $0x1;
	s10 =	sld [smem:$0x3FB9]  }
0x3d: {  	_ =	shalt  }
0x3e: {  	_ =	shalt  }
0x3f: {  	_ =	shalt  }
0x40: {  	_ =	shalt  }
0x41: {  	_ =	shalt  }
0x42: {  	_ =	shalt  }
0x43: {  	_ =	shalt  }
0x44: {  	_ =	shalt  }
0x45: {  	_ =	shalt  }
0x46: {  	_ =	shalt  }
0x47: {  	_ =	shalt  }
0x48: {  	_ =	shalt  }
0x49: {  	_ =	shalt  }
0x4a: {  	_ =	shalt  }
0x4b: {  	_ =	shalt  }
0x4c: {  	_ =	shalt  }
0x4d: {  	_ =	shalt  }
0x4e: {  	_ =	shalt  }
0x4f: {  	_ =	shalt  }
0x50: {  	_ =	shalt  }
0x51: {  	_ =	shalt  }
0x52: {  	_ =	shalt  }
0x53: {  	_ =	shalt  }
0x54: {  	_ =	shalt  }
0x55: {  	_ =	shalt  }
0x56: {  	_ =	shalt  }
0x57: {  	_ =	shalt  }
0x58: {  	_ =	shalt  }
0x59: {  	_ =	shalt  }
0x5a: {  	_ =	shalt  }
0x5b: {  	_ =	shalt  }
0x5c: {  	_ =	shalt  }
0x5d: {  	_ =	shalt  }
0x5e: {  	_ =	shalt  }
0x5f: {  	_ =	shalt  }
0x60: {  	_ =	shalt  }
0x61: {  	_ =	shalt  }
0x62: {  	_ =	shalt  }
0x63: {  	_ =	shalt  }
0x64: {  	_ =	shalt  }
0x65: {  	_ =	shalt  }
0x66: {  	_ =	shalt  }
0x67: {  	_ =	shalt  }
0x68: {  	_ =	shalt  }
0x69: {  	_ =	shalt  }
0x6a: {  	_ =	shalt  }
0x6b: {  	_ =	shalt  }
0x6c: {  	_ =	shalt  }
0x6d: {  	_ =	shalt  }
0x6e: {  	_ =	shalt  }
0x6f: {  	_ =	shalt  }
0x70: {  	_ =	shalt  }
0x71: {  	_ =	shalt  }
0x72: {  	_ =	shalt  }
0x73: {  	_ =	shalt  }
0x74: {  	_ =	shalt  }
0x75: {  	_ =	shalt  }
0x76: {  	_ =	shalt  }
0x77: {  	_ =	shalt  }
0x78: {  	_ =	shalt  }
0x79: {  	_ =	shalt  }
0x7a: {  	_ =	shalt  }
0x7b: {  	_ =	shalt  }
0x7c: {  	_ =	shalt  }
0x7d: {  	_ =	shalt  }
0x7e: {  	_ =	shalt  }
0x7f: {  	_ =	shalt  }
0x80: {  	_ =	shalt  }
0x81: {  	_ =	shalt  }
0x82: {  	_ =	shalt  }
0x83: {  	_ =	shalt  }
0x84: {  	_ =	shalt  }
0x85: {  	_ =	shalt  }
0x86: {  	_ =	shalt  }
0x87: {  	_ =	shalt  }
.Lfunc_end0:
.L_simem_size_0:
called_computation_lowered:
.L_overlay_start_0:
0x88: {  	s2 =	sld [smem:$0x3FD9]  }
0x89: {  	s3 =	sld [smem:$0x3FFE];
	_ =	sdelay $0x1  }
0x8a: {  	s1 =	srdreg.scid  }
0x8b: {  	s0 =	sand.u32 $0x1, s1  }
0x8c: {  	s17 =	sshll.u32 s0, $0xA;
	s2 =	sadd.s32 s3, s2  }
0x8d: {  	s2 =	sadd.s32 s2, s17  }
0x8e: {  	[smem:$0x3FC5] =	sst s2  }
0x8f: {  	_ = 	snop  }
0x90: {  	s2 =	sld [smem:$0x3FC8]  }
0x91: {  	s18 =	sld [smem:$0x3FC7]  }
0x92: {  	s4 =	sld [smem:$0x3FD0];
	(tm) =	ssettm $0x1  }
0x93: {  	s5 =	sld [smem:$0x3FFB];
	_ =	sdelay $0x3  }
0x94: {  	_ =	strace s5  }
0x95: {  	s5 =	sld [smem:$0x3FFC];
	_ =	sdelay $0x3  }
0x96: {  	_ =	strace s5  }
0x97: {  	s5 =	sld [smem:$0x3FFD];
	_ =	sdelay $0x3  }
0x98: {  	_ =	strace s5  }
0x99: {  	_ =	strace $0x8FFFFFFF  }
0x9a: {  	s19 =	sld [smem:$0x3FDB];
	_ =	sdelay $0x1  }
0x9b: {  	s6 =	simm.s32 $_scs_section_size  }
0x9c: {  	s7 =	simm.s32 $_size__tile_overlayer_lowered;
	s8 =	simm.s32 $_tile_overlayer_lowered  }
0x9d: {  	s22 =	simm.s32 $0x1BFF;
	s21 =	sshll.u32 s8, $0x1;
	s5 =	sadd.s32 s6, s19  }
0x9e: {  	s9 =	simm.s32 $0x0;
	s20 =	sshll.u32 s7, $0x1;
	s7 =	sadd.s32 s21, s5  }
0x9f: {  	[timem:s9], [sflag:s22] =	dma.local [hbm:s7], s20  }
0xa0: {  	_ =	swait.ge [sflag:s22], s20  }
0xa1: {  	s6 =	ssub.s32 $0x0, s20;
	[sflag:s22] =	ssyncset.done $0x0  }
0xa2: {  	[sflag:s22] =	ssyncadd.s32 s6;
	_ =	sdelay $0x1  }
0xa3: {  	s23 =	simm.s32 $0x1B8B  }
0xa4: {  	_ =	swait.ge [sflag:s23], $0x1  }
0xa5: {  	[sflag:s23] =	ssyncset.done $0x0  }
0xa6: {  	s25 =	simm.s32 $0x1B8E;
	s24 =	sld [smem:$0x3FFE];
	[sflag:s23] =	ssyncadd.s32 $0xFFFFFFFF  }
0xa7: {  	s26 =	simm.s32 $execute0_lowered;
	[smem:$0x3FD2] =	sst s25  }
0xa8: {  	s7 =	sshll.u32 s26, $0x1;
	_ =	strace $0x80000046;
	[dreg:$0x1] =	wrdreg $0xFFFFFFFF  }
0xa9: {  	s28 =	simm.s32 $_size_execute0_lowered;
	s5 =	sadd.s32 s5, s7;
	[dreg:$0x0] =	wrdreg $0x0  }
0xaa: {  	s7 =	sshll.u32 s28, $0x1;
	[dreg:$0x2] =	wrdreg s5  }
0xab: {  	[dreg:$0x3] =	wrdreg s7  }
0xac: {  	[dreg:$0x4] =	wrdreg $0xC0  }
0xad: {  	_ =	task [dreg:s9], $0x5FFFF  }
0xae: {  	[dreg:$0x1] =	wrdreg $0xFFFFFFFF  }
0xaf: {  	[dreg:$0x0] =	wrdreg $0x60  }
0xb0: {  	[dreg:$0x2] =	wrdreg s24  }
0xb1: {  	[dreg:$0x3] =	wrdreg s2  }
0xb2: {  	[dreg:$0x4] =	wrdreg s18  }
0xb3: {  	[dreg:$0x5] =	wrdreg s4  }
0xb4: {  	[dreg:$0x6] =	wrdreg $0x9  }
0xb5: {  	_ =	task.clear_ibuf [dreg:s9], $0x7FFFF;
	_ =	strace $0x90000046  }
0xb6: {  	s29 =	simm.s32 $0x9;
	_ =	strace $0x80000048  }
0xb7: {  	_ =	swait.ge [sflag:s29], $0x1  }
0xb8: {  	[sflag:s29] =	ssyncadd.s32 $0xFFFFFFFF  }
0xb9: {  	_ =	strace $0x90000048  }
0xba: {  	_ =	sfence  }
0xbb: {  	s30 =	sld [smem:$0x0];
	_ =	sdelay $0x2  }
0xbc: {  	s31 =	sshll.u32 s1, $0xD;
	s1 =	sshrl.u32 s1, $0x2  }
0xbd: {  	s3 =	sand.u32 $0x4000, s31;
	s1 =	sadd.s32 s1, s30  }
0xbe: {  	s0 =	sor.u32 s3, s0;
	s1 =	sshll.u32 s1, $0x11  }
0xbf: {  	s0 =	sor.u32 s1, s0  }
0xc0: {  	s0 =	sadd.s32 $0x8F2B, s0  }
0xc1: {  	[sflag:s0] =	ssyncadd.remote.s32 $0x1  }
0xc2: {  	_ =	sfence.sel $0xFFFF  }
0xc3: {  	[dreg:$0x0] =	wrdreg $0xFFFFFFFF;
	(pc) =	sbr.abs _section_cstart, $3  }
0xc4: {  	[dreg:$0x1] =	wrdreg $0xFFFFFFFF  }
0xc5: {  	_ =	task.clear_ibuf [dreg:s9], $0x2FFFF;
	_ =	strace $0x9FFFFFFF  }
0xc6: {  	(tm) =	ssettm $0x7FFFFFFF  }
0xc7: {  	_ =	shalt  }
tec
execute0_lowered:
.L_overlay_start_1:
0x0: {  	(tag) =	ssettag $0x1  }
0x1: {  	s0 =	rddreg [dreg:$0x0]  }
0x2: {  	s30 =	rddreg [dreg:$0x1]  }
0x3: {  	s1 =	rddreg [dreg:$0x2]  }
0x4: {  	s12 =	rddreg [dreg:$0x3];
	s5 =	simm.s32 $0x0;
	s2 =	srdreg.scid  }
0x5: {  	s11 =	stileid.u32;
	s7 =	simm.s32 $0x1F;
	s29 =	simm.s32 $0x8  }
0x6: {  	s16 =	simm.s32 $0x2000;
	[smem:$0x7FF] =	sst s5;
	s2 =	sand.u32 $0x1, s2  }
0x7: {  	s3 =	sshll.u32 s11, $0x1;
	s6 =	sadd.s32 $0xC00, s0;
	p1 =	slt.u32 s11, $0x8  }
0x8: {  	s1 =	sadd.s32 $0x400, s1;
	s13 =	sadd.s32 $0x200, s12;
	s28 =	sshll.u32 s11, $0xB  }
0x9: {  	s11 =	simm.s32 $0x1B400;
	_ =	strace $0x80000047;
	s3 =	sor.u32 s2, s3  }
0xa: {  	s17 =	ssub.s32 $0x2, s2;
	s7 =	simm.s32 @!p1 $0x1E;
	[dreg:$0x7] =	wrdreg s1  }
0xb: {  	s2 =	sshll.u32 s2, $0xA;
	s1 =	simm.s32 $0x0;
	s4 =	smul.u32 $0x7800, s3  }
0xc: {  	s9 =	smul.u32 $0x7C00, s3;
	p0 =	seq.s32 s3, $0x1F;
	s10 =	sshrl.u32 s17, $0x1  }
0xd: {  	s18 =	sshll.u32 s7, $0xA;
	s0 =	ssub.s32 s17, s10;
	s17 =	simm.s32 $0x19C00  }
0xe: {  	s10 =	simm.s32 $0x2;
	s8 =	sadd.s32 $0x4000, s4;
	s0 =	smax.u32 s0, $0x1  }
0xf: {  	s8 =	smov.u32 @p1 s9;
	s9 =	simm.s32 $0x200;
	[dreg:$0xa] =	wrdreg s0  }
0x10: {  	v0 =	vlaneseq.u32;
	s0 =	simm.s32 $0x3;
	s4 =	sadd.s32 s18, s8;
	s9 =	simm.s32 @!p0 $0x0  }
0x11: {  	v1 =	vmul.u32 $0x80, v0;
	s14 =	sadd.s32 s30, s8;
	s19 =	sadd.s32 $0x7800, s8;
	p0 =	sne.s32 s3, $0x1F  }
0x12: {  	s0 =	simm.s32 @!p1 $0x4;
	s18 =	simm.s32 $0x1A000;
	[dreg:$0x5] =	wrdreg s14  }
0x13: {  	v4 =	vimm.s32 $0xFFFFFFFF;
	v5 =	vimm.s32 $0x0;
	v6 =	vor.u32 $0x1, v1;
	s4 =	sor.u32 s9, s4;
	s20 =	sadd.s32 s30, s19;
	[dreg:$0x11] =	wrdreg s0  }
0x14: {  	v7 =	vor.u32 $0x2, v1;
	v8 =	vor.u32 $0x3, v1;
	v9 =	vor.u32 $0x4, v1;
	s9 =	sadd.s32 $0x200, s30;
	s21 =	sadd.s32 s12, s19;
	[dreg:$0x8] =	wrdreg s20  }
0x15: {  	v10 =	vor.u32 $0x5, v1;
	v11 =	vor.u32 $0x6, v1;
	v12 =	vor.u32 $0x7, v1;
	s22 =	sadd.s32 $0x1E8500, s14;
	s23 =	sadd.s32 $0xF4280, s14;
	[dreg:$0x9] =	wrdreg s21  }
0x16: {  	v13 =	vor.u32 $0x8, v1;
	v14 =	vor.u32 $0x9, v1;
	v15 =	vor.u32 $0xA, v1;
	s24 =	sadd.s32 $0x2DC780, s14;
	s19 =	simm.s32 $0x1A400;
	[dreg:$0xb] =	wrdreg s22  }
0x17: {  	v16 =	vor.u32 $0xB, v1;
	v17 =	vor.u32 $0xC, v1;
	v18 =	vor.u32 $0xD, v1;
	s14 =	simm.s32 $0x11C00;
	s15 =	sadd.s32 s8, s9;
	[dreg:$0xc] =	wrdreg s23  }
.Ltmp0:
0x18: {  	v19 =	vor.u32 $0xE, v1;
	v20 =	vor.u32 $0xF, v1;
	v21 =	vor.u32 $0x10, v1;
	[dreg:$0xd] =	wrdreg s24;
	s22 =	sor.u32 s2, s28;
	(pc) =	sbr.rel .LBB2_1-.Ltmp0, $4  }
0x19: {  	v22 =	vor.u32 $0x11, v1;
	v23 =	vor.u32 $0x12, v1;
	v24 =	vor.u32 $0x13, v1;
	s20 =	simm.s32 $0x1;
	s25 =	sadd.s32 $0xF4280, s15;
	[dreg:$0x6] =	wrdreg s15  }
0x1a: {  	v25 =	vor.u32 $0x14, v1;
	v26 =	vor.u32 $0x15, v1;
	v27 =	vor.u32 $0x16, v1;
	s21 =	simm.s32 $0x1AC00;
	s26 =	sadd.s32 $0x1E8500, s15;
	[dreg:$0xe] =	wrdreg s25  }
0x1b: {  	v28 =	vor.u32 $0x17, v1;
	v29 =	vor.u32 $0x18, v1;
	v30 =	vor.u32 $0x19, v1;
	s23 =	simm.s32 $0x1A800;
	s31 =	sadd.s32 $0x2DC780, s15;
	[dreg:$0xf] =	wrdreg s26  }
0x1c: {  	v31 =	vor.u32 $0x1A, v1;
	v3 =	vmov s8;
	v2 =	vmov s4;
	[dreg:$0x10] =	wrdreg s31;
	s25 =	simm.s32 $0x3;
	s26 =	simm.s32 $0x9C00  }
.LBB2_40:
0x1d: {  	_ = 	snop  }
.LBB2_43:
0x1e: {  	_ =	sdelay $0x4  }
0x1f: {  	s0 =	sadd.s32 @!p3 $0x19C00, s2;
	v32 =	vor.u32 s4, v0;
	[tilespmem:v38+s26+$0x0] =	vst.idx.msk @p1 vm0, v39  }
0x20: {  	[tilespmem:s28], [sflag:$0x7] =	stream.indirect.gather @!p3 [hbm4b:s6+s15], $0x80, s0, s15, $0xb8;
	[tilespmem:$0x1BC00] =	vst v63  }
0x21: {  	_ =	swait.ge @!p3 [sflag:s24], $0x800  }
0x22: {  	[sflag:s24] =	ssyncset.done @!p3 $0x0  }
0x23: {  	[sflag:s24] =	ssyncadd.s32 @!p3 $0xFFFFF800  }
0x24: {  	v32 =	vld.idx.msk [tilespmem:v32+s19+$0x0], vm1;
	_ =	sdelay $0x4  }
0x25: {  	v33 =	vshll.u32 v32, $0x3  }
0x26: {  	v32 =	vand.u32 $0x7F, v32;
	v33 =	vand.u32 $0xFFFFFC00, v33  }
0x27: {  	v34 =	vld.idx.msk [tilespmem:v1+s21+$0x0], vm1;
	v32 =	vor.u32 v32, v33;
	_ =	sdelay $0x4  }
0x28: {  	[tilespmem:v32+s26+$0x0] =	vst.idx.msk vm1, v34  }
0x29: {  	v33 =	vor.u32 $0x80, v32;
	v34 =	vld.idx.msk [tilespmem:v6+s21+$0x0], vm1;
	_ =	sdelay $0x4  }
0x2a: {  	[tilespmem:v33+s26+$0x0] =	vst.idx.msk vm1, v34  }
0x2b: {  	v59 =	vor.u32 $0x100, v32;
	v33 =	vld.idx.msk [tilespmem:v7+s21+$0x0], vm1;
	_ =	sdelay $0x4  }
0x2c: {  	[tilespmem:v59+s26+$0x0] =	vst.idx.msk vm1, v33  }
0x2d: {  	v60 =	vor.u32 $0x180, v32;
	v33 =	vld.idx.msk [tilespmem:v8+s21+$0x0], vm1;
	_ =	sdelay $0x4  }
0x2e: {  	[tilespmem:v60+s26+$0x0] =	vst.idx.msk vm1, v33  }
0x2f: {  	v61 =	vor.u32 $0x200, v32;
	v33 =	vld.idx.msk [tilespmem:v9+s21+$0x0], vm1;
	_ =	sdelay $0x4  }
0x30: {  	[tilespmem:v61+s26+$0x0] =	vst.idx.msk vm1, v33  }
0x31: {  	v62 =	vor.u32 $0x280, v32;
	v33 =	vld.idx.msk [tilespmem:v10+s21+$0x0], vm1;
	_ =	sdelay $0x4  }
0x32: {  	[tilespmem:v62+s26+$0x0] =	vst.idx.msk vm1, v33  }
0x33: {  	v63 =	vor.u32 $0x300, v32;
	v33 =	vld.idx.msk [tilespmem:v11+s21+$0x0], vm1;
	_ =	sdelay $0x4  }
0x34: {  	[tilespmem:v63+s26+$0x0] =	vst.idx.msk vm1, v33  }
0x35: {  	v36 =	vor.u32 $0x380, v32;
	v33 =	vld.idx.msk [tilespmem:v12+s21+$0x0], vm1;
	_ =	sdelay $0x4  }
0x36: {  	[tilespmem:v36+s26+$0x0] =	vst.idx.msk vm1, v33  }
0x37: {  	v37 =	vadd.s32 $0x2000, v32;
	v34 =	vld.idx.msk [tilespmem:v13+s21+$0x0], vm1;
	_ =	sdelay $0x4  }
0x38: {  	[tilespmem:v37+s26+$0x0] =	vst.idx.msk vm1, v34  }
0x39: {  	v38 =	vadd.s32 $0x2080, v32;
	v34 =	vld.idx.msk [tilespmem:v14+s21+$0x0], vm1;
	_ =	sdelay $0x4  }
0x3a: {  	[tilespmem:v38+s26+$0x0] =	vst.idx.msk vm1, v34  }
0x3b: {  	v39 =	vadd.s32 $0x2100, v32;
	v34 =	vld.idx.msk [tilespmem:v15+s21+$0x0], vm1;
	_ =	sdelay $0x4  }
0x3c: {  	[tilespmem:v39+s26+$0x0] =	vst.idx.msk vm1, v34  }
0x3d: {  	v40 =	vadd.s32 $0x2180, v32;
	v34 =	vld.idx.msk [tilespmem:v16+s21+$0x0], vm1;
	_ =	sdelay $0x4  }
0x3e: {  	[tilespmem:v40+s26+$0x0] =	vst.idx.msk vm1, v34  }
0x3f: {  	v41 =	vadd.s32 $0x2200, v32;
	v34 =	vld.idx.msk [tilespmem:v17+s21+$0x0], vm1;
	_ =	sdelay $0x4  }
0x40: {  	[tilespmem:v41+s26+$0x0] =	vst.idx.msk vm1, v34  }
0x41: {  	v42 =	vadd.s32 $0x2280, v32;
	v33 =	vld.idx.msk [tilespmem:v18+s21+$0x0], vm1;
	_ =	sdelay $0x4  }
0x42: {  	[tilespmem:v42+s26+$0x0] =	vst.idx.msk vm1, v33  }
0x43: {  	v43 =	vadd.s32 $0x2300, v32;
	v33 =	vld.idx.msk [tilespmem:v19+s21+$0x0], vm1;
	_ =	sdelay $0x4  }
0x44: {  	[tilespmem:v43+s26+$0x0] =	vst.idx.msk vm1, v33  }
0x45: {  	vm15 =	vmmov vm1;
	v44 =	vadd.s32 $0x2380, v32;
	v33 =	vld.idx.msk [tilespmem:v20+s21+$0x0], vm1;
	_ =	sdelay $0x4  }
0x46: {  	[tilespmem:v44+s26+$0x0] =	vst.idx.msk vm1, v33  }
0x47: {  	v45 =	vadd.s32 $0x4000, v32;
	v33 =	vld.idx.msk [tilespmem:v21+s21+$0x0], vm15;
	_ =	sdelay $0x4  }
0x48: {  	[tilespmem:v45+s26+$0x0] =	vst.idx.msk vm15, v33  }
0x49: {  	v46 =	vadd.s32 $0x4080, v32;
	v33 =	vld.idx.msk [tilespmem:v22+s21+$0x0], vm15;
	_ =	sdelay $0x4  }
0x4a: {  	[tilespmem:v46+s26+$0x0] =	vst.idx.msk vm15, v33  }
0x4b: {  	v47 =	vadd.s32 $0x4100, v32;
	v33 =	vld.idx.msk [tilespmem:v23+s21+$0x0], vm15;
	_ =	sdelay $0x4  }
0x4c: {  	[tilespmem:v47+s26+$0x0] =	vst.idx.msk vm15, v33  }
0x4d: {  	v48 =	vadd.s32 $0x4180, v32;
	v33 =	vld.idx.msk [tilespmem:v24+s21+$0x0], vm15;
	_ =	sdelay $0x4  }
0x4e: {  	[tilespmem:v48+s26+$0x0] =	vst.idx.msk vm15, v33  }
0x4f: {  	v49 =	vadd.s32 $0x4200, v32;
	v33 =	vld.idx.msk [tilespmem:v25+s21+$0x0], vm15;
	_ =	sdelay $0x4  }
0x50: {  	[tilespmem:v49+s26+$0x0] =	vst.idx.msk vm15, v33  }
0x51: {  	v50 =	vadd.s32 $0x4280, v32;
	v33 =	vld.idx.msk [tilespmem:v26+s21+$0x0], vm15;
	_ =	sdelay $0x4  }
0x52: {  	[tilespmem:v50+s26+$0x0] =	vst.idx.msk vm15, v33  }
0x53: {  	v51 =	vadd.s32 $0x4300, v32;
	v33 =	vld.idx.msk [tilespmem:v27+s21+$0x0], vm15;
	_ =	sdelay $0x4  }
0x54: {  	[tilespmem:v51+s26+$0x0] =	vst.idx.msk vm15, v33  }
0x55: {  	v52 =	vadd.s32 $0x4380, v32;
	v33 =	vld.idx.msk [tilespmem:v28+s21+$0x0], vm15;
	_ =	sdelay $0x4  }
0x56: {  	[tilespmem:v52+s26+$0x0] =	vst.idx.msk vm15, v33  }
0x57: {  	v53 =	vadd.s32 $0x6000, v32;
	v33 =	vld.idx.msk [tilespmem:v29+s21+$0x0], vm15;
	_ =	sdelay $0x4  }
0x58: {  	[tilespmem:v53+s26+$0x0] =	vst.idx.msk vm15, v33  }
0x59: {  	v54 =	vadd.s32 $0x6080, v32;
	v33 =	vld.idx.msk [tilespmem:v30+s21+$0x0], vm15;
	_ =	sdelay $0x4  }
0x5a: {  	[tilespmem:v54+s26+$0x0] =	vst.idx.msk vm15, v33  }
0x5b: {  	v55 =	vadd.s32 $0x6100, v32;
	v33 =	vld.idx.msk [tilespmem:v31+s21+$0x0], vm15  }
0x5c: {  	v35 =	vor.u32 $0x1B, v1;
	_ =	sdelay $0x3  }
0x5d: {  	[tilespmem:v55+s26+$0x0] =	vst.idx.msk vm15, v33  }
0x5e: {  	v56 =	vadd.s32 $0x6180, v32;
	v33 =	vld.idx.msk [tilespmem:v35+s21+$0x0], vm15  }
0x5f: {  	v57 =	vor.u32 $0x1C, v1;
	_ =	sdelay $0x3  }
0x60: {  	[tilespmem:v56+s26+$0x0] =	vst.idx.msk vm15, v33  }
0x61: {  	v58 =	vadd.s32 $0x6200, v32;
	v33 =	vld.idx.msk [tilespmem:v57+s21+$0x0], vm15  }
0x62: {  	v59 =	vor.u32 $0x1D, v1;
	_ =	sdelay $0x3  }
0x63: {  	[tilespmem:v58+s26+$0x0] =	vst.idx.msk vm15, v33  }
0x64: {  	v60 =	vadd.s32 $0x6280, v32;
	v33 =	vld.idx.msk [tilespmem:v59+s21+$0x0], vm15  }
0x65: {  	v61 =	vor.u32 $0x1E, v1;
	_ =	sdelay $0x3  }
0x66: {  	[tilespmem:v60+s26+$0x0] =	vst.idx.msk vm15, v33  }
0x67: {  	v62 =	vadd.s32 $0x6300, v32;
	v33 =	vld.idx.msk [tilespmem:v61+s21+$0x0], vm15  }
0x68: {  	v63 =	vor.u32 $0x1F, v1;
	_ =	sdelay $0x3  }
0x69: {  	[tilespmem:v62+s26+$0x0] =	vst.idx.msk vm15, v33  }
0x6a: {  	v32 =	vadd.s32 $0x6380, v32;
	v33 =	vld.idx.msk [tilespmem:v63+s21+$0x0], vm15;
	_ =	sdelay $0x4  }
0x6b: {  	[tilespmem:v32+s26+$0x0] =	vst.idx.msk vm15, v33  }
.LBB2_44:
0x6c: {  	s1 =	rddreg [dreg:$0x9]  }
0x6d: {  	[hbm4b:s1+s5] =	stream.linear.scatter [tilespmem:s26], [sflag:$0x8], $0x1000, $0x38;
	[tilespmem:$0x1BC00] =	vst v63  }
0x6e: {  	s2 =	simm.s32 $0xBC00;
	s0 =	sadd.s32 $0xF4280, s1  }
0x6f: {  	[hbm4b:s0+s5] =	stream.linear.scatter [tilespmem:s2], [sflag:$0x8], $0x1000, $0x38;
	[tilespmem:$0x1BC00] =	vst v63  }
0x70: {  	s24 =	simm.s32 $0xDC00;
	s15 =	sadd.s32 $0x1E8500, s1  }
0x71: {  	[hbm4b:s15+s5] =	stream.linear.scatter [tilespmem:s24], [sflag:$0x8], $0x1000, $0x38;
	[tilespmem:$0x1BC00] =	vst v63  }
0x72: {  	s31 =	simm.s32 $0xFC00;
	s28 =	sadd.s32 $0x2DC780, s1  }
0x73: {  	[hbm4b:s28+s5] =	stream.linear.scatter [tilespmem:s31], [sflag:$0x8], $0x1000, $0x38;
	[tilespmem:$0x1BC00] =	vst v63  }
0x74: {  	_ =	swait.ge [sflag:s29], $0x4000  }
0x75: {  	[sflag:s29] =	ssyncset.done $0x0  }
0x76: {  	s1 =	rddreg [dreg:$0x12];
	[sflag:s29] =	ssyncadd.s32 $0xFFFFC000  }
.LBB2_45:
0x77: {  	s1 =	sadd.s32 $0x1, s1;
	s0 =	rddreg [dreg:$0xa]  }
0x78: {  	p1 =	sne.s32 s1, s0  }
.Ltmp1:
0x79: {  	_ = 	snop;
	(pc) =	sbr.rel @!p1 .LBB2_46-.Ltmp1, $1  }
0x7a: {  	_ =	sdelay $0x3  }
.LBB2_1:
0x7b: {  	s0 =	rddreg [dreg:$0x5]  }
0x7c: {  	[tilespmem:s26], [sflag:$0x1] =	stream.linear.gather [hbm4b:s0+s5], $0x1000, $0x38;
	[tilespmem:$0x1BC00] =	vst v63  }
0x7d: {  	s4 =	rddreg [dreg:$0xc];
	s12 =	simm.s32 $0xBC00  }
0x7e: {  	[tilespmem:s12], [sflag:$0x1] =	stream.linear.gather [hbm4b:s4+s5], $0x1000, $0x38;
	[tilespmem:$0x1BC00] =	vst v63  }
0x7f: {  	s15 =	rddreg [dreg:$0xb];
	s24 =	simm.s32 $0xDC00  }
0x80: {  	[tilespmem:s24], [sflag:$0x1] =	stream.linear.gather [hbm4b:s15+s5], $0x1000, $0x38;
	[tilespmem:$0x1BC00] =	vst v63  }
0x81: {  	s28 =	rddreg [dreg:$0xd];
	s31 =	simm.s32 $0xFC00  }
0x82: {  	[tilespmem:s31], [sflag:$0x1] =	stream.linear.gather [hbm4b:s28+s5], $0x1000, $0x38;
	[tilespmem:$0x1BC00] =	vst v63  }
0x83: {  	s2 =	rddreg [dreg:$0x6];
	s3 =	simm.s32 $0xAC00  }
0x84: {  	[tilespmem:s3], [sflag:$0x1] =	stream.linear.gather [hbm4b:s2+s5], $0x1000, $0x38;
	[tilespmem:$0x1BC00] =	vst v63  }
0x85: {  	s4 =	rddreg [dreg:$0xe];
	s12 =	simm.s32 $0xCC00  }
0x86: {  	[tilespmem:s12], [sflag:$0x1] =	stream.linear.gather [hbm4b:s4+s5], $0x1000, $0x38;
	[tilespmem:$0x1BC00] =	vst v63  }
0x87: {  	s15 =	rddreg [dreg:$0xf];
	s24 =	simm.s32 $0xEC00  }
0x88: {  	[tilespmem:s24], [sflag:$0x1] =	stream.linear.gather [hbm4b:s15+s5], $0x1000, $0x38;
	[tilespmem:$0x1BC00] =	vst v63  }
0x89: {  	s0 =	simm.s32 $0x2040;
	s28 =	rddreg [dreg:$0x10];
	s31 =	simm.s32 $0x10C00  }
0x8a: {  	[tilespmem:s31], [sflag:$0x1] =	stream.linear.gather [hbm4b:s28+s5], $0x1000, $0x38;
	[tilespmem:$0x1BC00] =	vst v63  }
0x8b: {  	[tilespmem:s0+$0xFFFFFFC0] =	vst v4  }
0x8c: {  	[tilespmem:s0+$0x30] =	vst v4  }
0x8d: {  	[tilespmem:s0+$0x20] =	vst v4  }
0x8e: {  	[tilespmem:s0+$0x10] =	vst v4  }
0x8f: {  	[tilespmem:s0+$0x0] =	vst v4  }
0x90: {  	[tilespmem:s0+$0xFFFFFFF0] =	vst v4  }
0x91: {  	[dreg:$0x12] =	wrdreg s1;
	s2 =	simm.s32 $0x0;
	[tilespmem:s0+$0xFFFFFFE0] =	vst v4  }
.LBB2_2:
0x92: {  	s2 =	sadd.s32 $0x8, s2;
	[tilespmem:s0+$0xFFFFFFD0] =	vst v4;
	s0 =	sadd.s32 $0x80, s0  }
0x93: {  	[tilespmem:s0+$0xFFFFFFC0] =	vst v4;
	p1 =	slt.u32 s2, $0x7B8  }
0x94: {  	[tilespmem:s0+$0x30] =	vst v4  }
.Ltmp2:
0x95: {  	[tilespmem:s0+$0x20] =	vst v4;
	(pc) =	sbr.rel @p1 .LBB2_2-.Ltmp2, $4  }
0x96: {  	[tilespmem:s0+$0x10] =	vst v4  }
0x97: {  	[tilespmem:s0+$0x0] =	vst v4  }
0x98: {  	[tilespmem:s0+$0xFFFFFFF0] =	vst v4  }
0x99: {  	[tilespmem:s0+$0xFFFFFFE0] =	vst v4  }
0x9a: {  	[tilespmem:s0+$0xFFFFFFD0] =	vst v4;
	s0 =	simm.s32 $0x0;
	s1 =	rddreg [dreg:$0x2]  }
0x9b: {  	[tilespmem:s0], [sflag:$0x8] =	stream.linear.gather [hbm4b:s1+s0], $0x2000, $0x38;
	[tilespmem:$0x1BC00] =	vst v63  }
0x9c: {  	_ =	swait.ge [sflag:s29], $0x2000  }
0x9d: {  	[sflag:s29] =	ssyncset.done $0x0  }
0x9e: {  	s2 =	simm.s32 $0xFFFFFFFC;
	s3 =	simm.s32 $0x20;
	[sflag:s29] =	ssyncadd.s32 $0xFFFFE000  }
.LBB2_4:
0x9f: {  	v32 =	vld [tilespmem:s3+$0xFFFFFFE0];
	_ =	sdelay $0x4  }
0xa0: {  	vm0 =	vge.s32 v32, v3;
	vm1 =	vlt.s32 v32, v2;
	v33 =	vsub.s32 v32, v3  }
0xa1: {  	v32 =	vand.u32 $0x7F, v32;
	vm0 =	vmand vm0, vm1;
	v33 =	vand.u32 $0xFFFFFF80, v33  }
0xa2: {  	v32 =	vor.u32 v32, v33;
	_ =	sdelay $0x3  }
0xa3: {  	v57 =	vor.u32 s0, v0  }
0xa4: {  	[tilespmem:v32+s16+$0x0] =	vst.idx.msk vm0, v57  }
0xa5: {  	v32 =	vld [tilespmem:s3+$0xFFFFFFF0];
	_ =	sdelay $0x4  }
0xa6: {  	vm10 =	vge.s32 v32, v3;
	vm11 =	vlt.s32 v32, v2;
	v58 =	vsub.s32 v32, v3  }
0xa7: {  	v32 =	vand.u32 $0x7F, v32;
	vm0 =	vmand vm10, vm11;
	v33 =	vand.u32 $0xFFFFFF80, v58  }
0xa8: {  	v32 =	vor.u32 v32, v33;
	_ =	sdelay $0x2  }
0xa9: {  	s4 =	sadd.s32 $0x10, s0  }
0xaa: {  	v59 =	vor.u32 s4, v0  }
0xab: {  	[tilespmem:v32+s16+$0x0] =	vst.idx.msk vm0, v59  }
0xac: {  	v32 =	vld [tilespmem:s3+$0x0];
	_ =	sdelay $0x4  }
0xad: {  	vm12 =	vge.s32 v32, v3;
	vm13 =	vlt.s32 v32, v2;
	v60 =	vsub.s32 v32, v3  }
0xae: {  	v32 =	vand.u32 $0x7F, v32;
	vm0 =	vmand vm12, vm13;
	v33 =	vand.u32 $0xFFFFFF80, v60  }
0xaf: {  	v32 =	vor.u32 v32, v33;
	_ =	sdelay $0x2  }
0xb0: {  	s28 =	sadd.s32 $0x20, s0  }
0xb1: {  	v61 =	vor.u32 s28, v0  }
0xb2: {  	[tilespmem:v32+s16+$0x0] =	vst.idx.msk vm0, v61  }
0xb3: {  	v32 =	vld [tilespmem:s3+$0x10];
	_ =	sdelay $0x4  }
0xb4: {  	vm14 =	vge.s32 v32, v3;
	vm15 =	vlt.s32 v32, v2;
	v62 =	vsub.s32 v32, v3  }
0xb5: {  	s2 =	sadd.s32 $0x4, s2;
	v32 =	vand.u32 $0x7F, v32;
	vm0 =	vmand vm14, vm15;
	v33 =	vand.u32 $0xFFFFFF80, v62  }
0xb6: {  	p1 =	slt.u32 s2, $0x1FC;
	v32 =	vor.u32 v32, v33  }
.Ltmp3:
0xb7: {  	_ = 	snop;
	(pc) =	sbr.rel @p1 .LBB2_4-.Ltmp3, $4  }
0xb8: {  	_ = 	snop  }
0xb9: {  	s31 =	sadd.s32 $0x30, s0  }
0xba: {  	v63 =	vor.u32 s31, v0  }
0xbb: {  	s0 =	sadd.s32 $0x40, s0;
	s3 =	sadd.s32 $0x40, s3;
	[tilespmem:v32+s16+$0x0] =	vst.idx.msk vm0, v63  }
0xbc: {  	s0 =	rddreg [dreg:$0x7]  }
0xbd: {  	[tilespmem:s5], [sflag:$0x8] =	stream.linear.gather [hbm4b:s0+s5], $0x2000, $0x38;
	[tilespmem:$0x1BC00] =	vst v63  }
0xbe: {  	_ =	swait.ge [sflag:s29], $0x2000  }
0xbf: {  	s2 =	simm.s32 $0x2030;
	[sflag:s29] =	ssyncset.done $0x0  }
0xc0: {  	s3 =	simm.s32 $0x20;
	s0 =	simm.s32 $0xFFFFFFFC;
	[sflag:s29] =	ssyncadd.s32 $0xFFFFE000  }
.LBB2_6:
0xc1: {  	v32 =	vld [tilespmem:s3+$0xFFFFFFE0];
	_ =	sdelay $0x4  }
0xc2: {  	vm0 =	vge.s32 v32, v3;
	vm1 =	vlt.s32 v32, v2;
	v33 =	vsub.s32 v32, v3  }
0xc3: {  	v32 =	vand.u32 $0x7F, v32;
	vm0 =	vmand vm0, vm1;
	v33 =	vand.u32 $0xFFFFFF80, v33  }
0xc4: {  	v32 =	vor.u32 v32, v33;
	_ =	sdelay $0x2  }
0xc5: {  	s4 =	sadd.s32 $0xFFFFFFD0, s2  }
0xc6: {  	v57 =	vor.u32 s4, v0  }
0xc7: {  	[tilespmem:v32+s16+$0x0] =	vst.idx.msk vm0, v57  }
0xc8: {  	v32 =	vld [tilespmem:s3+$0xFFFFFFF0];
	_ =	sdelay $0x4  }
0xc9: {  	vm10 =	vge.s32 v32, v3;
	vm11 =	vlt.s32 v32, v2;
	v58 =	vsub.s32 v32, v3  }
0xca: {  	v32 =	vand.u32 $0x7F, v32;
	vm0 =	vmand vm10, vm11;
	v33 =	vand.u32 $0xFFFFFF80, v58  }
0xcb: {  	v32 =	vor.u32 v32, v33;
	_ =	sdelay $0x2  }
0xcc: {  	s29 =	sadd.s32 $0xFFFFFFE0, s2  }
0xcd: {  	v59 =	vor.u32 s29, v0  }
0xce: {  	[tilespmem:v32+s16+$0x0] =	vst.idx.msk vm0, v59  }
0xcf: {  	v32 =	vld [tilespmem:s3+$0x0];
	_ =	sdelay $0x4  }
0xd0: {  	vm12 =	vge.s32 v32, v3;
	vm13 =	vlt.s32 v32, v2;
	v60 =	vsub.s32 v32, v3  }
0xd1: {  	v32 =	vand.u32 $0x7F, v32;
	vm0 =	vmand vm12, vm13;
	v33 =	vand.u32 $0xFFFFFF80, v60  }
0xd2: {  	v32 =	vor.u32 v32, v33;
	_ =	sdelay $0x2  }
0xd3: {  	s31 =	sadd.s32 $0xFFFFFFF0, s2  }
0xd4: {  	v61 =	vor.u32 s31, v0  }
0xd5: {  	[tilespmem:v32+s16+$0x0] =	vst.idx.msk vm0, v61  }
0xd6: {  	v32 =	vld [tilespmem:s3+$0x10];
	_ =	sdelay $0x4  }
0xd7: {  	vm14 =	vge.s32 v32, v3;
	vm15 =	vlt.s32 v32, v2;
	v62 =	vsub.s32 v32, v3  }
0xd8: {  	s0 =	sadd.s32 $0x4, s0;
	v32 =	vand.u32 $0x7F, v32;
	vm0 =	vmand vm14, vm15;
	v33 =	vand.u32 $0xFFFFFF80, v62  }
0xd9: {  	p1 =	slt.u32 s0, $0x1FC;
	v32 =	vor.u32 v32, v33  }
.Ltmp4:
0xda: {  	_ = 	snop;
	(pc) =	sbr.rel @p1 .LBB2_6-.Ltmp4, $3  }
0xdb: {  	_ =	sdelay $0x1  }
0xdc: {  	v63 =	vor.u32 s2, v0  }
0xdd: {  	s2 =	sadd.s32 $0x40, s2;
	s4 =	simm.s32 $0x30;
	s3 =	sadd.s32 $0x40, s3;
	[tilespmem:v32+s16+$0x0] =	vst.idx.msk vm0, v63  }
0xde: {  	s0 =	simm.s32 $0x0;
	s2 =	simm.s32 $0x0  }
0xdf: {  	s2 =	sand.u32 $0x40, s2;
	s0 =	sand.u32 $0xFFFFFF80, s0  }
0xe0: {  	s3 =	simm.s32 $0x10;
	s2 =	sor.u32 s2, s0  }
0xe1: {  	s15 =	sand.u32 $0x50, s3;
	v32 =	vor.u32 s2, v0  }
0xe2: {  	s24 =	simm.s32 $0x20;
	s12 =	sadd.s32 $0x30, s22;
	s2 =	sor.u32 s0, s15  }
0xe3: {  	s3 =	sand.u32 $0x60, s24;
	s15 =	sadd.s32 $0xFFFFFFD0, s12;
	v33 =	vor.u32 s2, v0  }
0xe4: {  	s28 =	sand.u32 $0x70, s4;
	s3 =	sor.u32 s0, s3;
	v34 =	vor.u32 s15, v0  }
0xe5: {  	s4 =	simm.s32 $0x40;
	s1 =	simm.s32 $0x40;
	s29 =	sadd.s32 $0xFFFFFFE0, s12;
	v37 =	vor.u32 s3, v0;
	v34 =	vand.u32 $0x3FCF, v34  }
0xe6: {  	s31 =	sadd.s32 $0xFFFFFFF0, s12;
	s24 =	simm.s32 $0x70;
	v35 =	vor.u32 s29, v0;
	s2 =	sor.u32 s0, s28;
	[tilespmem:v32+s17+$0x0] =	vst.idx.msk $0xffff, v34  }
0xe7: {  	s4 =	sand.u32 $0xFFFFFF80, s4;
	s24 =	sand.u32 $0x70, s24;
	v61 =	vand.u32 $0x3FFF, v35;
	s3 =	sand.u32 $0x40, s1;
	[tilespmem:v32+s18+$0x0] =	vst.idx.msk $0xffff, v34;
	v34 =	vor.u32 s2, v0  }
0xe8: {  	v62 =	vor.u32 s31, v0;
	s1 =	sadd.s32 $0x70, s22;
	s28 =	simm.s32 $0x60;
	s15 =	simm.s32 $0x50;
	[tilespmem:v33+s17+$0x0] =	vst.idx.msk $0xffff, v61  }
0xe9: {  	v63 =	vand.u32 $0x3FFF, v62;
	s29 =	sand.u32 $0x60, s28;
	s2 =	sor.u32 s3, s4;
	s3 =	sand.u32 $0x50, s15;
	[tilespmem:v33+s18+$0x0] =	vst.idx.msk $0xffff, v61  }
0xea: {  	v38 =	vor.u32 s12, v0;
	s12 =	sor.u32 s4, s24;
	s31 =	sor.u32 s4, s29;
	v35 =	vor.u32 s2, v0;
	s29 =	sor.u32 s4, s3;
	[tilespmem:v37+s17+$0x0] =	vst.idx.msk $0xffff, v63  }
0xeb: {  	v38 =	vand.u32 $0x3FFF, v38;
	s0 =	simm.s32 $0x8;
	v32 =	vor.u32 s31, v0;
	s31 =	sadd.s32 $0xFFFFFFD0, s1;
	v36 =	vor.u32 s29, v0;
	s29 =	sadd.s32 $0xFFFFFFF0, s1;
	[tilespmem:v37+s18+$0x0] =	vst.idx.msk $0xffff, v63  }
0xec: {  	s15 =	sadd.s32 $0xFFFFFFE0, s1;
	s3 =	simm.s32 $0x80;
	v39 =	vor.u32 s31, v0;
	s2 =	simm.s32 $0xB0;
	v33 =	vor.u32 s1, v0;
	v37 =	vor.u32 s29, v0;
	[tilespmem:v34+s17+$0x0] =	vst.idx.msk $0xffff, v38  }
.LBB2_8:
0xed: {  	s0 =	sadd.s32 $0x4, s0  }
0xee: {  	s4 =	sand.u32 $0x70, s2;
	v39 =	vand.u32 $0x3FCF, v39;
	[tilespmem:v34+s18+$0x0] =	vst.idx.msk $0xffff, v38;
	s24 =	smov.u32 s3;
	s28 =	sadd.s32 $0xFFFFFFD0, s2  }
0xef: {  	s29 =	sadd.s32 $0xFFFFFFF0, s2;
	v34 =	vor.u32 s15, v0;
	s3 =	sshll.u32 s0, $0x4;
	[tilespmem:v35+s17+$0x0] =	vst.idx.msk $0xffff, v39;
	s15 =	sand.u32 $0x40, s28  }
0xf0: {  	s24 =	sand.u32 $0xFFFFFF80, s24;
	s28 =	sand.u32 $0x60, s29;
	v38 =	vand.u32 $0x3FFF, v34;
	v34 =	vor.u32 s12, v0;
	p1 =	slt.u32 s0, $0x3C;
	[tilespmem:v35+s18+$0x0] =	vst.idx.msk $0xffff, v39  }
.Ltmp5:
0xf1: {  	s12 =	sor.u32 s15, s24;
	s15 =	sadd.s32 $0xFFFFFFE0, s2;
	[tilespmem:v36+s17+$0x0] =	vst.idx.msk $0xffff, v38;
	(pc) =	sbr.rel @p1 .LBB2_8-.Ltmp5, $4  }
0xf2: {  	v37 =	vand.u32 $0x3FFF, v37;
	s28 =	sor.u32 s24, s28;
	v35 =	vor.u32 s12, v0;
	s15 =	sand.u32 $0x50, s15;
	s12 =	sor.u32 s24, s4;
	[tilespmem:v36+s18+$0x0] =	vst.idx.msk $0xffff, v38  }
0xf3: {  	s4 =	sadd.s32 s2, s22;
	v39 =	vor.u32 s28, v0;
	s24 =	sor.u32 s24, s15;
	[tilespmem:v32+s17+$0x0] =	vst.idx.msk $0xffff, v37  }
0xf4: {  	s28 =	sadd.s32 $0xFFFFFFD0, s4;
	s15 =	sadd.s32 $0xFFFFFFE0, s4;
	v38 =	vand.u32 $0x3FFF, v33;
	v33 =	vor.u32 s4, v0;
	v36 =	vor.u32 s24, v0;
	s24 =	sadd.s32 $0xFFFFFFF0, s4;
	[tilespmem:v32+s18+$0x0] =	vst.idx.msk $0xffff, v37;
	v32 =	vmovc v39  }
0xf5: {  	s2 =	sadd.s32 $0x40, s2;
	v39 =	vor.u32 s28, v0;
	v37 =	vor.u32 s24, v0;
	[tilespmem:v34+s17+$0x0] =	vst.idx.msk $0xffff, v38  }
0xf6: {  	_ =	sdelay $0x3  }
0xf7: {  	v39 =	vand.u32 $0x3FCF, v39;
	[tilespmem:v34+s18+$0x0] =	vst.idx.msk $0xffff, v38  }
0xf8: {  	s0 =	sadd.s32 $0xFFFFFFD0, s2;
	v50 =	vor.u32 s15, v0;
	[tilespmem:v35+s17+$0x0] =	vst.idx.msk $0xffff, v39  }
0xf9: {  	s3 =	sand.u32 $0xFFFFFF80, s3;
	v51 =	vor.u32 s12, v0;
	s0 =	sand.u32 $0x40, s0;
	v34 =	vand.u32 $0x3FFF, v50;
	[tilespmem:v35+s18+$0x0] =	vst.idx.msk $0xffff, v39  }
0xfa: {  	s4 =	sadd.s32 $0xFFFFFFE0, s2;
	s0 =	sor.u32 s0, s3;
	[tilespmem:v36+s17+$0x0] =	vst.idx.msk $0xffff, v34  }
0xfb: {  	v53 =	vand.u32 $0x3FFF, v37;
	s29 =	sand.u32 $0x50, s4;
	v52 =	vor.u32 s0, v0;
	[tilespmem:v36+s18+$0x0] =	vst.idx.msk $0xffff, v34  }
0xfc: {  	s31 =	sadd.s32 $0xFFFFFFF0, s2;
	s12 =	sadd.s32 s2, s22;
	s0 =	sor.u32 s3, s29;
	[tilespmem:v32+s17+$0x0] =	vst.idx.msk $0xffff, v53  }
0xfd: {  	v55 =	vand.u32 $0x3FFF, v33;
	s4 =	sand.u32 $0x60, s31;
	s1 =	sadd.s32 $0xFFFFFFD0, s12;
	v54 =	vor.u32 s0, v0;
	[tilespmem:v32+s18+$0x0] =	vst.idx.msk $0xffff, v53  }
0xfe: {  	s24 =	sor.u32 s3, s4;
	v56 =	vor.u32 s1, v0;
	[tilespmem:v51+s17+$0x0] =	vst.idx.msk $0xffff, v55  }
0xff: {  	s28 =	sand.u32 $0x70, s2;
	v57 =	vor.u32 s24, v0;
	s29 =	sadd.s32 $0xFFFFFFE0, s12;
	v33 =	vand.u32 $0x3FCF, v56;
	[tilespmem:v51+s18+$0x0] =	vst.idx.msk $0xffff, v55  }
0x100: {  	s2 =	sor.u32 s3, s28;
	v58 =	vor.u32 s29, v0;
	[tilespmem:v52+s17+$0x0] =	vst.idx.msk $0xffff, v33  }
0x101: {  	s31 =	sadd.s32 $0xFFFFFFF0, s12;
	v59 =	vor.u32 s2, v0;
	v32 =	vand.u32 $0x3FFF, v58;
	[tilespmem:v52+s18+$0x0] =	vst.idx.msk $0xffff, v33  }
0x102: {  	v60 =	vor.u32 s31, v0;
	[tilespmem:v54+s17+$0x0] =	vst.idx.msk $0xffff, v32  }
0x103: {  	v61 =	vand.u32 $0x3FFF, v60;
	[tilespmem:v54+s18+$0x0] =	vst.idx.msk $0xffff, v32  }
0x104: {  	v62 =	vor.u32 s12, v0;
	[tilespmem:v57+s17+$0x0] =	vst.idx.msk $0xffff, v61  }
0x105: {  	v63 =	vand.u32 $0x3FFF, v62;
	[tilespmem:v57+s18+$0x0] =	vst.idx.msk $0xffff, v61  }
0x106: {  	s2 =	simm.s32 $0x2020;
	[tilespmem:v59+s17+$0x0] =	vst.idx.msk $0xffff, v63  }
0x107: {  	s3 =	simm.s32 $0xFFFFFFFC;
	s12 =	simm.s32 $0x0;
	s0 =	simm.s32 $0x0;
	[tilespmem:v59+s18+$0x0] =	vst.idx.msk $0xffff, v63  }
.LBB2_10:
0x108: {  	v32 =	vld [tilespmem:s2+$0xFFFFFFE0];
	_ =	sdelay $0x4  }
0x109: {  	vm0 =	vgt.s32 v32, $0xFFFFFFFF  }
0x10a: {  	v33 =	vsel vm0, $0x1, v5  }
0x10b: {  	(xrf0) =	vadd.scan.msk.s32 $0xffff, v33;
	_ =	sdelay $0x2  }
0x10c: {  	v47 =	vmov s0  }
0x10d: {  	v33 =	vadd.s32 $0xFFFFFFFF, v47  }
0x10e: {  	v33 =	vbroadcast v33, $0x0  }
0x10f: {  	v34, _, _ =	vpop (xrf0)  }
0x110: {  	v33 =	vadd.s32 v34, v33  }
0x111: {  	vm1 =	vgt.s32 v33, $0x0  }
0x112: {  	v35 =	vmpcnt.ones.xlane vm0;
	v34 =	vnsel vm1, $0x0, v33  }
0x113: {  	v33 =	vand.u32 $0x7F, v33;
	v34 =	vand.u32 $0x7FFFFF80, v34  }
0x114: {  	(v2sf) =	vpush v35, $0x0;
	v33 =	vor.u32 v33, v34;
	_ =	sdelay $0x4  }
0x115: {  	v48 =	vor.u32 s12, v0;
	[tilespmem:v33+s17+$0x0] =	vst.idx.msk vm0, v32  }
0x116: {  	[tilespmem:v33+s19+$0x0] =	vst.idx.msk vm0, v48  }
0x117: {  	v32 =	vld [tilespmem:s2+$0xFFFFFFF0];
	_ =	sdelay $0x4  }
0x118: {  	vm10 =	vgt.s32 v32, $0xFFFFFFFF  }
0x119: {  	v49 =	vsel vm10, $0x1, v5  }
0x11a: {  	(xrf0) =	vadd.scan.msk.s32 $0xffff, v49  }
0x11b: {  	s4 =	spop (v2sf)  }
0x11c: {  	s31 =	sadd.s32 s0, s4  }
0x11d: {  	v50 =	vmov s31  }
0x11e: {  	v33 =	vadd.s32 $0xFFFFFFFF, v50  }
0x11f: {  	v33 =	vbroadcast v33, $0x0  }
0x120: {  	v51, _, _ =	vpop (xrf0)  }
0x121: {  	v33 =	vadd.s32 v51, v33  }
0x122: {  	vm11 =	vgt.s32 v33, $0x0  }
0x123: {  	v52 =	vmpcnt.ones.xlane vm10;
	v34 =	vnsel vm11, $0x0, v33  }
0x124: {  	v33 =	vand.u32 $0x7F, v33;
	v34 =	vand.u32 $0x7FFFFF80, v34  }
0x125: {  	(v2sf) =	vpush v52, $0x0;
	v33 =	vor.u32 v33, v34;
	_ =	sdelay $0x3  }
0x126: {  	s1 =	sadd.s32 $0x10, s12  }
0x127: {  	v53 =	vor.u32 s1, v0;
	[tilespmem:v33+s17+$0x0] =	vst.idx.msk vm10, v32  }
0x128: {  	[tilespmem:v33+s19+$0x0] =	vst.idx.msk vm10, v53  }
0x129: {  	v32 =	vld [tilespmem:s2+$0x0];
	_ =	sdelay $0x4  }
0x12a: {  	vm12 =	vgt.s32 v32, $0xFFFFFFFF  }
0x12b: {  	v54 =	vsel vm12, $0x1, v5  }
0x12c: {  	(xrf0) =	vadd.scan.msk.s32 $0xffff, v54  }
0x12d: {  	s15 =	spop (v2sf)  }
0x12e: {  	s0 =	sadd.s32 s31, s15  }
0x12f: {  	v55 =	vmov s0  }
0x130: {  	v33 =	vadd.s32 $0xFFFFFFFF, v55  }
0x131: {  	v33 =	vbroadcast v33, $0x0  }
0x132: {  	v56, _, _ =	vpop (xrf0)  }
0x133: {  	v33 =	vadd.s32 v56, v33  }
0x134: {  	vm13 =	vgt.s32 v33, $0x0  }
0x135: {  	v57 =	vmpcnt.ones.xlane vm12;
	v34 =	vnsel vm13, $0x0, v33  }
0x136: {  	v33 =	vand.u32 $0x7F, v33;
	v34 =	vand.u32 $0x7FFFFF80, v34  }
0x137: {  	(v2sf) =	vpush v57, $0x0;
	v33 =	vor.u32 v33, v34;
	_ =	sdelay $0x3  }
0x138: {  	s24 =	sadd.s32 $0x20, s12  }
0x139: {  	v58 =	vor.u32 s24, v0;
	[tilespmem:v33+s17+$0x0] =	vst.idx.msk vm12, v32  }
0x13a: {  	[tilespmem:v33+s19+$0x0] =	vst.idx.msk vm12, v58  }
0x13b: {  	v32 =	vld [tilespmem:s2+$0x10];
	_ =	sdelay $0x4  }
0x13c: {  	vm14 =	vgt.s32 v32, $0xFFFFFFFF  }
0x13d: {  	v59 =	vsel vm14, $0x1, v5;
	v60 =	vmpcnt.ones.xlane vm14  }
0x13e: {  	(xrf0) =	vadd.scan.msk.s32 $0xffff, v59  }
0x13f: {  	s28 =	spop (v2sf);
	(v2sf) =	vpush v60, $0x0  }
0x140: {  	s0 =	sadd.s32 s0, s28  }
0x141: {  	v61 =	vmov s0  }
0x142: {  	v33 =	vadd.s32 $0xFFFFFFFF, v61  }
0x143: {  	v33 =	vbroadcast v33, $0x0  }
0x144: {  	v62, _, _ =	vpop (xrf0)  }
0x145: {  	v33 =	vadd.s32 v62, v33  }
0x146: {  	vm15 =	vgt.s32 v33, $0x0  }
0x147: {  	v34 =	vnsel vm15, $0x0, v33  }
0x148: {  	v33 =	vand.u32 $0x7F, v33;
	v34 =	vand.u32 $0x7FFFFF80, v34  }
0x149: {  	s3 =	sadd.s32 $0x4, s3;
	v33 =	vor.u32 v33, v34  }
0x14a: {  	p1 =	slt.u32 s3, $0x3C  }
.Ltmp6:
0x14b: {  	_ = 	snop;
	(pc) =	sbr.rel @p1 .LBB2_10-.Ltmp6, $4  }
0x14c: {  	_ = 	snop  }
0x14d: {  	s29 =	sadd.s32 $0x30, s12  }
0x14e: {  	v63 =	vor.u32 s29, v0;
	[tilespmem:v33+s17+$0x0] =	vst.idx.msk vm14, v32;
	s31 =	spop (v2sf)  }
0x14f: {  	s12 =	sadd.s32 $0x40, s12;
	s2 =	sadd.s32 $0x40, s2;
	[tilespmem:v33+s19+$0x0] =	vst.idx.msk vm14, v63;
	s0 =	sadd.s32 s0, s31  }
0x150: {  	p1 =	slt.s32 s0, $0x1;
	s24 =	simm.s32 $0x0  }
0x151: {  	s2 =	simm.s32 @!p1 $0x10;
	s3 =	simm.s32 @!p1 $0x19C00;
	s4 =	simm.s32 @!p1 $0x1AC00  }
0x152: {  	[tilespmem:s4], [sflag:$0x5] =	stream.indirect.gather @!p1 [hbm4b:s6+s2], $0x80, s3, s2, $0xb8;
	[tilespmem:$0x1BC00] =	vst v63  }
.LBB2_12:
0x153: {  	s15 =	sshll.u32 s24, $0x1  }
0x154: {  	p1 =	slt.u32 s15, s7  }
.Ltmp7:
0x155: {  	_ = 	snop;
	(pc) =	sbr.rel @!p1 .LBB2_13-.Ltmp7, $1  }
0x156: {  	_ =	sdelay $0x3  }
0x157: {  	_ =	swait.ge [sflag:s20], $0x8000  }
0x158: {  	p2 =	seq.s32 s24, $0x0;
	[sflag:s20] =	ssyncset.done $0x0  }
0x159: {  	s12 =	sor.u32 $0x1, s15;
	s2 =	simm.s32 @!p2 $0x4;
	[sflag:s20] =	ssyncadd.s32 $0xFFFF8000  }
0x15a: {  	p1 =	sge.u32 s12, s7;
	_ =	swait.ge @!p2 [sflag:s2], $0x8000  }
0x15b: {  	s3 =	sshll.u32 @!p1 s12, $0xA;
	[sflag:s2] =	ssyncset.done @!p2 $0x0  }
0x15c: {  	[sflag:s2] =	ssyncadd.s32 @!p2 $0xFFFF8000;
	s2 =	sadd.s32 @!p1 s8, s3  }
0x15d: {  	s4 =	simm.s32 @!p1 $0x0;
	s28 =	simm.s32 @!p1 $0x11C00;
	s3 =	sadd.s32 @!p1 s30, s2  }
0x15e: {  	[tilespmem:s28], [sflag:$0x2] =	stream.linear.gather @!p1 [hbm4b:s3+s4], $0x1000, $0x38;
	[tilespmem:$0x1BC00] =	vst v63  }
0x15f: {  	s29 =	simm.s32 @!p1 $0x13C00;
	s28 =	sadd.s32 @!p1 $0xF4280, s3  }
0x160: {  	[tilespmem:s29], [sflag:$0x2] =	stream.linear.gather @!p1 [hbm4b:s28+s4], $0x1000, $0x38;
	[tilespmem:$0x1BC00] =	vst v63  }
0x161: {  	s28 =	sadd.s32 @!p1 $0x1E8500, s3;
	s29 =	simm.s32 @!p1 $0x15C00  }
0x162: {  	[tilespmem:s29], [sflag:$0x2] =	stream.linear.gather @!p1 [hbm4b:s28+s4], $0x1000, $0x38;
	[tilespmem:$0x1BC00] =	vst v63  }
0x163: {  	s3 =	sadd.s32 @!p1 $0x2DC780, s3;
	s28 =	simm.s32 @!p1 $0x17C00  }
0x164: {  	[tilespmem:s28], [sflag:$0x2] =	stream.linear.gather @!p1 [hbm4b:s3+s4], $0x1000, $0x38;
	[tilespmem:$0x1BC00] =	vst v63  }
0x165: {  	s2 =	sadd.s32 @!p1 s2, s9;
	s3 =	simm.s32 @!p1 $0x12C00  }
0x166: {  	[tilespmem:s3], [sflag:$0x2] =	stream.linear.gather @!p1 [hbm4b:s2+s4], $0x1000, $0x38;
	[tilespmem:$0x1BC00] =	vst v63  }
0x167: {  	s28 =	simm.s32 @!p1 $0x14C00;
	s3 =	sadd.s32 @!p1 $0xF4280, s2  }
0x168: {  	[tilespmem:s28], [sflag:$0x2] =	stream.linear.gather @!p1 [hbm4b:s3+s4], $0x1000, $0x38;
	[tilespmem:$0x1BC00] =	vst v63  }
0x169: {  	s3 =	sadd.s32 @!p1 $0x1E8500, s2;
	s28 =	simm.s32 @!p1 $0x16C00  }
0x16a: {  	[tilespmem:s28], [sflag:$0x2] =	stream.linear.gather @!p1 [hbm4b:s3+s4], $0x1000, $0x38;
	[tilespmem:$0x1BC00] =	vst v63  }
0x16b: {  	s2 =	sadd.s32 @!p1 $0x2DC780, s2;
	s3 =	simm.s32 @!p1 $0x18C00  }
0x16c: {  	[tilespmem:s3], [sflag:$0x2] =	stream.linear.gather @!p1 [hbm4b:s2+s4], $0x1000, $0x38;
	[tilespmem:$0x1BC00] =	vst v63  }
0x16d: {  	p1 =	slt.s32 s0, $0x1  }
0x16e: {  	s2 =	sadd.s32 @!p1 $0xF, s0  }
0x16f: {  	p2 =	slt.s32 @!p1 s2, $0x10  }
0x170: {  	p2 =	por p1, p2  }
.Ltmp8:
0x171: {  	_ = 	snop;
	(pc) =	sbr.rel @p2 .LBB2_20-.Ltmp8, $4  }
0x172: {  	s3 =	simm.s32 @!p1 $0x5  }
0x173: {  	_ =	swait.ge @!p1 [sflag:s3], $0x800  }
0x174: {  	[sflag:s3] =	ssyncset.done @!p1 $0x0  }
0x175: {  	[sflag:s3] =	ssyncadd.s32 @!p1 $0xFFFFF800  }
0x176: {  	s3 =	sshra.s32 @!p1 s2, $0x1F  }
0x177: {  	s3 =	sshrl.u32 @!p1 s3, $0x1C  }
0x178: {  	s2 =	sadd.s32 @!p1 s3, s2  }
0x179: {  	s31 =	sshra.s32 @!p1 s2, $0x4  }
0x17a: {  	p2 =	sne.s32 s31, $0x1  }
.Ltmp9:
0x17b: {  	_ = 	snop;
	(pc) =	sbr.rel @!p2 .LBB2_16-.Ltmp9, $4  }
0x17c: {  	s4 =	simm.s32 $0x0;
	p3 =	por $0x1, $0x1  }
0x17d: {  	v32 =	vmov s0;
	s29 =	simm.s32 @!p3 $0x1AC00;
	s28 =	simm.s32 @!p3 $0x7;
	s0 =	simm.s32 @!p3 $0x0  }
0x17e: {  	s30 =	simm.s32 @!p3 $0x10;
	v33 =	vor.u32 s4, v0;
	s3 =	sand.u32 $0x70, s4;
	s4 =	simm.s32 $0x0  }
0x17f: {  	vm1 =	vlt.s32 v33, v32;
	s2 =	sor.u32 @!p3 s3, s0;
	s4 =	sor.u32 s3, s4;
	p1 =	por $0x0, $0x0  }
0x180: {  	s0 =	sadd.s32 @!p3 $0x19C00, s2;
	v33 =	vor.u32 s4, v0  }
0x181: {  	[tilespmem:s29], [sflag:$0x7] =	stream.indirect.gather @!p3 [hbm4b:s6+s30], $0x80, s0, s30, $0xb8;
	[tilespmem:$0x1BC00] =	vst v63  }
0x182: {  	_ =	swait.ge @!p3 [sflag:s28], $0x800  }
0x183: {  	[sflag:s28] =	ssyncset.done @!p3 $0x0  }
0x184: {  	[sflag:s28] =	ssyncadd.s32 @!p3 $0xFFFFF800  }
0x185: {  	v33 =	vld.idx.msk [tilespmem:v33+s19+$0x0], vm1;
	_ =	sdelay $0x4  }
0x186: {  	v34 =	vshll.u32 v33, $0x3  }
0x187: {  	v33 =	vand.u32 $0x7F, v33;
	v34 =	vand.u32 $0xFFFFFC00, v34  }
0x188: {  	v35 =	vld.idx.msk [tilespmem:v1+s21+$0x0], vm1;
	v38 =	vor.u32 v33, v34;
	_ =	sdelay $0x4  }
0x189: {  	[tilespmem:v38+s26+$0x0] =	vst.idx.msk vm1, v35  }
0x18a: {  	v33 =	vor.u32 $0x80, v38;
	v36 =	vld.idx.msk [tilespmem:v6+s21+$0x0], vm1;
	_ =	sdelay $0x4  }
0x18b: {  	[tilespmem:v33+s26+$0x0] =	vst.idx.msk vm1, v36  }
0x18c: {  	v37 =	vor.u32 $0x100, v38;
	v33 =	vld.idx.msk [tilespmem:v7+s21+$0x0], vm1;
	_ =	sdelay $0x4  }
0x18d: {  	[tilespmem:v37+s26+$0x0] =	vst.idx.msk vm1, v33  }
0x18e: {  	v39 =	vor.u32 $0x180, v38;
	v33 =	vld.idx.msk [tilespmem:v8+s21+$0x0], vm1;
	_ =	sdelay $0x4  }
0x18f: {  	[tilespmem:v39+s26+$0x0] =	vst.idx.msk vm1, v33  }
0x190: {  	v40 =	vor.u32 $0x200, v38;
	v33 =	vld.idx.msk [tilespmem:v9+s21+$0x0], vm1;
	_ =	sdelay $0x4  }
0x191: {  	[tilespmem:v40+s26+$0x0] =	vst.idx.msk vm1, v33  }
0x192: {  	v41 =	vor.u32 $0x280, v38;
	v33 =	vld.idx.msk [tilespmem:v10+s21+$0x0], vm1;
	_ =	sdelay $0x4  }
0x193: {  	[tilespmem:v41+s26+$0x0] =	vst.idx.msk vm1, v33  }
0x194: {  	v42 =	vor.u32 $0x300, v38;
	v33 =	vld.idx.msk [tilespmem:v11+s21+$0x0], vm1;
	_ =	sdelay $0x4  }
0x195: {  	[tilespmem:v42+s26+$0x0] =	vst.idx.msk vm1, v33  }
0x196: {  	v43 =	vor.u32 $0x380, v38;
	v33 =	vld.idx.msk [tilespmem:v12+s21+$0x0], vm1;
	_ =	sdelay $0x4  }
0x197: {  	[tilespmem:v43+s26+$0x0] =	vst.idx.msk vm1, v33  }
0x198: {  	v44 =	vadd.s32 $0x2000, v38;
	v34 =	vld.idx.msk [tilespmem:v13+s21+$0x0], vm1;
	_ =	sdelay $0x4  }
0x199: {  	[tilespmem:v44+s26+$0x0] =	vst.idx.msk vm1, v34  }
0x19a: {  	v45 =	vadd.s32 $0x2080, v38;
	v34 =	vld.idx.msk [tilespmem:v14+s21+$0x0], vm1;
	_ =	sdelay $0x4  }
0x19b: {  	[tilespmem:v45+s26+$0x0] =	vst.idx.msk vm1, v34  }
0x19c: {  	v46 =	vadd.s32 $0x2100, v38;
	v34 =	vld.idx.msk [tilespmem:v15+s21+$0x0], vm1;
	_ =	sdelay $0x4  }
0x19d: {  	[tilespmem:v46+s26+$0x0] =	vst.idx.msk vm1, v34  }
0x19e: {  	v47 =	vadd.s32 $0x2180, v38;
	v34 =	vld.idx.msk [tilespmem:v16+s21+$0x0], vm1;
	_ =	sdelay $0x4  }
0x19f: {  	[tilespmem:v47+s26+$0x0] =	vst.idx.msk vm1, v34  }
0x1a0: {  	v48 =	vadd.s32 $0x2200, v38;
	v34 =	vld.idx.msk [tilespmem:v17+s21+$0x0], vm1;
	_ =	sdelay $0x4  }
0x1a1: {  	[tilespmem:v48+s26+$0x0] =	vst.idx.msk vm1, v34  }
0x1a2: {  	v49 =	vadd.s32 $0x2280, v38;
	v33 =	vld.idx.msk [tilespmem:v18+s21+$0x0], vm1;
	_ =	sdelay $0x4  }
0x1a3: {  	[tilespmem:v49+s26+$0x0] =	vst.idx.msk vm1, v33  }
0x1a4: {  	v50 =	vadd.s32 $0x2300, v38;
	v33 =	vld.idx.msk [tilespmem:v19+s21+$0x0], vm1;
	_ =	sdelay $0x4  }
0x1a5: {  	[tilespmem:v50+s26+$0x0] =	vst.idx.msk vm1, v33  }
0x1a6: {  	vm0 =	vmmov vm1;
	v51 =	vadd.s32 $0x2380, v38;
	v33 =	vld.idx.msk [tilespmem:v20+s21+$0x0], vm1;
	_ =	sdelay $0x4  }
0x1a7: {  	[tilespmem:v51+s26+$0x0] =	vst.idx.msk vm1, v33  }
0x1a8: {  	v52 =	vadd.s32 $0x4000, v38;
	v33 =	vld.idx.msk [tilespmem:v21+s21+$0x0], vm0;
	_ =	sdelay $0x4  }
0x1a9: {  	[tilespmem:v52+s26+$0x0] =	vst.idx.msk vm0, v33  }
0x1aa: {  	v53 =	vadd.s32 $0x4080, v38;
	v33 =	vld.idx.msk [tilespmem:v22+s21+$0x0], vm0;
	_ =	sdelay $0x4  }
0x1ab: {  	[tilespmem:v53+s26+$0x0] =	vst.idx.msk vm0, v33  }
0x1ac: {  	v54 =	vadd.s32 $0x4100, v38;
	v33 =	vld.idx.msk [tilespmem:v23+s21+$0x0], vm0;
	_ =	sdelay $0x4  }
0x1ad: {  	[tilespmem:v54+s26+$0x0] =	vst.idx.msk vm0, v33  }
0x1ae: {  	v55 =	vadd.s32 $0x4180, v38;
	v33 =	vld.idx.msk [tilespmem:v24+s21+$0x0], vm0;
	_ =	sdelay $0x4  }
0x1af: {  	[tilespmem:v55+s26+$0x0] =	vst.idx.msk vm0, v33  }
0x1b0: {  	v56 =	vadd.s32 $0x4200, v38;
	v33 =	vld.idx.msk [tilespmem:v25+s21+$0x0], vm0;
	_ =	sdelay $0x4  }
0x1b1: {  	[tilespmem:v56+s26+$0x0] =	vst.idx.msk vm0, v33  }
0x1b2: {  	v57 =	vadd.s32 $0x4280, v38;
	v33 =	vld.idx.msk [tilespmem:v26+s21+$0x0], vm0;
	_ =	sdelay $0x4  }
0x1b3: {  	[tilespmem:v57+s26+$0x0] =	vst.idx.msk vm0, v33  }
0x1b4: {  	v58 =	vadd.s32 $0x4300, v38;
	v33 =	vld.idx.msk [tilespmem:v27+s21+$0x0], vm0;
	_ =	sdelay $0x4  }
0x1b5: {  	[tilespmem:v58+s26+$0x0] =	vst.idx.msk vm0, v33  }
0x1b6: {  	v59 =	vadd.s32 $0x4380, v38;
	v33 =	vld.idx.msk [tilespmem:v28+s21+$0x0], vm0;
	_ =	sdelay $0x4  }
0x1b7: {  	[tilespmem:v59+s26+$0x0] =	vst.idx.msk vm0, v33  }
0x1b8: {  	v60 =	vadd.s32 $0x6000, v38;
	v33 =	vld.idx.msk [tilespmem:v29+s21+$0x0], vm0;
	_ =	sdelay $0x4  }
0x1b9: {  	[tilespmem:v60+s26+$0x0] =	vst.idx.msk vm0, v33  }
0x1ba: {  	v61 =	vadd.s32 $0x6080, v38;
	v33 =	vld.idx.msk [tilespmem:v30+s21+$0x0], vm0;
	_ =	sdelay $0x4  }
0x1bb: {  	[tilespmem:v61+s26+$0x0] =	vst.idx.msk vm0, v33  }
0x1bc: {  	v62 =	vadd.s32 $0x6100, v38;
	v34 =	vld.idx.msk [tilespmem:v31+s21+$0x0], vm0  }
0x1bd: {  	v33 =	vor.u32 $0x1B, v1;
	_ =	sdelay $0x3  }
0x1be: {  	[tilespmem:v62+s26+$0x0] =	vst.idx.msk vm0, v34  }
0x1bf: {  	v36 =	vadd.s32 $0x6180, v38;
	v35 =	vld.idx.msk [tilespmem:v33+s21+$0x0], vm0  }
0x1c0: {  	v34 =	vor.u32 $0x1C, v1;
	_ =	sdelay $0x3  }
0x1c1: {  	[tilespmem:v36+s26+$0x0] =	vst.idx.msk vm0, v35  }
0x1c2: {  	v37 =	vadd.s32 $0x6200, v38;
	v36 =	vld.idx.msk [tilespmem:v34+s21+$0x0], vm0  }
0x1c3: {  	v35 =	vor.u32 $0x1D, v1;
	_ =	sdelay $0x3  }
0x1c4: {  	[tilespmem:v37+s26+$0x0] =	vst.idx.msk vm0, v36  }
0x1c5: {  	v39 =	vadd.s32 $0x6280, v38;
	v37 =	vld.idx.msk [tilespmem:v35+s21+$0x0], vm0  }
0x1c6: {  	v36 =	vor.u32 $0x1E, v1;
	_ =	sdelay $0x3  }
0x1c7: {  	[tilespmem:v39+s26+$0x0] =	vst.idx.msk vm0, v37  }
0x1c8: {  	v40 =	vadd.s32 $0x6300, v38;
	v39 =	vld.idx.msk [tilespmem:v36+s21+$0x0], vm0  }
0x1c9: {  	v37 =	vor.u32 $0x1F, v1;
	_ =	sdelay $0x3  }
0x1ca: {  	p2 =	sne.s32 s31, $0x2;
	[tilespmem:v40+s26+$0x0] =	vst.idx.msk vm0, v39  }
.Ltmp10:
0x1cb: {  	v38 =	vadd.s32 $0x6380, v38;
	v39 =	vld.idx.msk [tilespmem:v37+s21+$0x0], vm0;
	(pc) =	sbr.rel @!p2 .LBB2_19-.Ltmp10, $4  }
0x1cc: {  	s3 =	simm.s32 $0x10;
	s1 =	simm.s32 $0x0;
	p1 =	por $0x1, $0x1  }
0x1cd: {  	s0 =	simm.s32 $0x2;
	s4 =	sand.u32 $0x70, s3;
	p3 =	por $0x0, $0x0  }
0x1ce: {  	v63 =	vor.u32 s3, v0;
	s29 =	simm.s32 @!p3 $0x1AC00;
	s28 =	simm.s32 @!p3 $0x7;
	s2 =	simm.s32 @!p3 $0x0  }
0x1cf: {  	s30 =	simm.s32 @!p3 $0x10;
	s2 =	sor.u32 @!p3 s4, s2;
	s4 =	sor.u32 s4, s1;
	vm1 =	vlt.s32 v63, v32  }
.LBB2_18:
0x1d0: {  	s1 =	sadd.s32 @!p3 $0x19C00, s2;
	v40 =	vor.u32 s4, v0;
	[tilespmem:v38+s26+$0x0] =	vst.idx.msk vm0, v39;
	vm0 =	vmmov vm1;
	s2 =	smov.u32 s0;
	s0 =	sadd.s32 $0x1, s0  }
0x1d1: {  	[tilespmem:s29], [sflag:$0x7] =	stream.indirect.gather @!p3 [hbm4b:s6+s30], $0x80, s1, s30, $0xb8;
	[tilespmem:$0x1BC00] =	vst v63  }
0x1d2: {  	p2 =	sne.s32 s31, s0;
	_ =	swait.ge @!p3 [sflag:s28], $0x800  }
0x1d3: {  	[sflag:s28] =	ssyncset.done @!p3 $0x0  }
0x1d4: {  	[sflag:s28] =	ssyncadd.s32 @!p3 $0xFFFFF800  }
0x1d5: {  	v38 =	vld.idx.msk [tilespmem:v40+s19+$0x0], vm1;
	_ =	sdelay $0x5  }
0x1d6: {  	v39 =	vand.u32 $0x7F, v38;
	v38 =	vshll.u32 v38, $0x3  }
0x1d7: {  	v38 =	vand.u32 $0xFFFFFC00, v38;
	v40 =	vld.idx.msk [tilespmem:v1+s21+$0x0], vm1  }
0x1d8: {  	v38 =	vor.u32 v39, v38  }
0x1d9: {  	v39 =	vor.u32 $0x80, v38;
	v41 =	vadd.s32 $0x2000, v38;
	v42 =	vadd.s32 $0x2080, v38  }
0x1da: {  	v43 =	vadd.s32 $0x2100, v38;
	v44 =	vadd.s32 $0x2180, v38;
	v45 =	vadd.s32 $0x2200, v38;
	_ =	sdelay $0x2  }
0x1db: {  	[tilespmem:v38+s26+$0x0] =	vst.idx.msk vm1, v40  }
0x1dc: {  	v40 =	vld.idx.msk [tilespmem:v6+s21+$0x0], vm1;
	_ =	sdelay $0x5  }
0x1dd: {  	[tilespmem:v39+s26+$0x0] =	vst.idx.msk vm1, v40  }
0x1de: {  	v39 =	vld.idx.msk [tilespmem:v7+s21+$0x0], vm1  }
0x1df: {  	v40 =	vor.u32 $0x100, v38;
	_ =	sdelay $0x4  }
0x1e0: {  	[tilespmem:v40+s26+$0x0] =	vst.idx.msk vm0, v39  }
0x1e1: {  	v39 =	vld.idx.msk [tilespmem:v8+s21+$0x0], vm0  }
0x1e2: {  	v40 =	vor.u32 $0x180, v38;
	_ =	sdelay $0x4  }
0x1e3: {  	[tilespmem:v40+s26+$0x0] =	vst.idx.msk vm0, v39  }
0x1e4: {  	v39 =	vld.idx.msk [tilespmem:v9+s21+$0x0], vm0  }
0x1e5: {  	v40 =	vor.u32 $0x200, v38;
	_ =	sdelay $0x4  }
0x1e6: {  	[tilespmem:v40+s26+$0x0] =	vst.idx.msk vm0, v39  }
0x1e7: {  	v39 =	vld.idx.msk [tilespmem:v10+s21+$0x0], vm0  }
0x1e8: {  	v40 =	vor.u32 $0x280, v38;
	_ =	sdelay $0x4  }
0x1e9: {  	[tilespmem:v40+s26+$0x0] =	vst.idx.msk vm0, v39  }
0x1ea: {  	v39 =	vld.idx.msk [tilespmem:v11+s21+$0x0], vm0  }
0x1eb: {  	v40 =	vor.u32 $0x300, v38;
	_ =	sdelay $0x4  }
0x1ec: {  	[tilespmem:v40+s26+$0x0] =	vst.idx.msk vm0, v39  }
0x1ed: {  	v39 =	vld.idx.msk [tilespmem:v12+s21+$0x0], vm0  }
0x1ee: {  	v40 =	vor.u32 $0x380, v38;
	_ =	sdelay $0x4  }
0x1ef: {  	[tilespmem:v40+s26+$0x0] =	vst.idx.msk vm0, v39  }
0x1f0: {  	v39 =	vld.idx.msk [tilespmem:v13+s21+$0x0], vm0;
	_ =	sdelay $0x5  }
0x1f1: {  	[tilespmem:v41+s26+$0x0] =	vst.idx.msk vm0, v39  }
0x1f2: {  	v39 =	vld.idx.msk [tilespmem:v14+s21+$0x0], vm0;
	_ =	sdelay $0x5  }
0x1f3: {  	[tilespmem:v42+s26+$0x0] =	vst.idx.msk vm0, v39  }
0x1f4: {  	v39 =	vld.idx.msk [tilespmem:v15+s21+$0x0], vm0;
	_ =	sdelay $0x5  }
0x1f5: {  	[tilespmem:v43+s26+$0x0] =	vst.idx.msk vm0, v39  }
0x1f6: {  	v39 =	vld.idx.msk [tilespmem:v16+s21+$0x0], vm0;
	_ =	sdelay $0x5  }
0x1f7: {  	[tilespmem:v44+s26+$0x0] =	vst.idx.msk vm0, v39  }
0x1f8: {  	v39 =	vld.idx.msk [tilespmem:v17+s21+$0x0], vm0;
	_ =	sdelay $0x5  }
0x1f9: {  	[tilespmem:v45+s26+$0x0] =	vst.idx.msk vm0, v39  }
0x1fa: {  	v39 =	vld.idx.msk [tilespmem:v18+s21+$0x0], vm0  }
0x1fb: {  	v40 =	vadd.s32 $0x2280, v38;
	_ =	sdelay $0x4  }
0x1fc: {  	[tilespmem:v40+s26+$0x0] =	vst.idx.msk vm0, v39  }
0x1fd: {  	v39 =	vld.idx.msk [tilespmem:v19+s21+$0x0], vm0  }
0x1fe: {  	v40 =	vadd.s32 $0x2300, v38;
	_ =	sdelay $0x4  }
0x1ff: {  	[tilespmem:v40+s26+$0x0] =	vst.idx.msk vm0, v39  }
0x200: {  	v39 =	vld.idx.msk [tilespmem:v20+s21+$0x0], vm0  }
0x201: {  	v40 =	vadd.s32 $0x2380, v38;
	_ =	sdelay $0x4  }
0x202: {  	[tilespmem:v40+s26+$0x0] =	vst.idx.msk vm0, v39  }
0x203: {  	v39 =	vld.idx.msk [tilespmem:v21+s21+$0x0], vm0  }
0x204: {  	v40 =	vadd.s32 $0x4000, v38;
	_ =	sdelay $0x4  }
0x205: {  	[tilespmem:v40+s26+$0x0] =	vst.idx.msk vm0, v39  }
0x206: {  	v39 =	vld.idx.msk [tilespmem:v22+s21+$0x0], vm0  }
0x207: {  	v40 =	vadd.s32 $0x4080, v38;
	_ =	sdelay $0x4  }
0x208: {  	[tilespmem:v40+s26+$0x0] =	vst.idx.msk vm0, v39  }
0x209: {  	v39 =	vld.idx.msk [tilespmem:v23+s21+$0x0], vm0  }
0x20a: {  	v40 =	vadd.s32 $0x4100, v38;
	_ =	sdelay $0x4  }
0x20b: {  	[tilespmem:v40+s26+$0x0] =	vst.idx.msk vm0, v39  }
0x20c: {  	v39 =	vld.idx.msk [tilespmem:v24+s21+$0x0], vm0  }
0x20d: {  	v40 =	vadd.s32 $0x4180, v38;
	_ =	sdelay $0x4  }
0x20e: {  	[tilespmem:v40+s26+$0x0] =	vst.idx.msk vm0, v39  }
0x20f: {  	v39 =	vld.idx.msk [tilespmem:v25+s21+$0x0], vm0  }
0x210: {  	v40 =	vadd.s32 $0x4200, v38;
	_ =	sdelay $0x4  }
0x211: {  	[tilespmem:v40+s26+$0x0] =	vst.idx.msk vm0, v39  }
0x212: {  	v39 =	vld.idx.msk [tilespmem:v26+s21+$0x0], vm0  }
0x213: {  	v40 =	vadd.s32 $0x4280, v38;
	_ =	sdelay $0x4  }
0x214: {  	[tilespmem:v40+s26+$0x0] =	vst.idx.msk vm0, v39  }
0x215: {  	v39 =	vld.idx.msk [tilespmem:v27+s21+$0x0], vm0  }
0x216: {  	v40 =	vadd.s32 $0x4300, v38;
	_ =	sdelay $0x4  }
0x217: {  	[tilespmem:v40+s26+$0x0] =	vst.idx.msk vm0, v39  }
0x218: {  	v39 =	vld.idx.msk [tilespmem:v28+s21+$0x0], vm0  }
0x219: {  	v40 =	vadd.s32 $0x4380, v38;
	_ =	sdelay $0x4  }
0x21a: {  	[tilespmem:v40+s26+$0x0] =	vst.idx.msk vm0, v39  }
0x21b: {  	v39 =	vld.idx.msk [tilespmem:v29+s21+$0x0], vm0  }
0x21c: {  	v40 =	vadd.s32 $0x6000, v38;
	_ =	sdelay $0x4  }
0x21d: {  	[tilespmem:v40+s26+$0x0] =	vst.idx.msk vm0, v39  }
0x21e: {  	v39 =	vld.idx.msk [tilespmem:v30+s21+$0x0], vm0  }
0x21f: {  	v40 =	vadd.s32 $0x6080, v38;
	_ =	sdelay $0x4  }
0x220: {  	[tilespmem:v40+s26+$0x0] =	vst.idx.msk vm0, v39  }
0x221: {  	v39 =	vld.idx.msk [tilespmem:v31+s21+$0x0], vm0  }
0x222: {  	v40 =	vadd.s32 $0x6100, v38;
	_ =	sdelay $0x4  }
0x223: {  	[tilespmem:v40+s26+$0x0] =	vst.idx.msk vm0, v39  }
0x224: {  	v39 =	vld.idx.msk [tilespmem:v33+s21+$0x0], vm0  }
0x225: {  	v40 =	vadd.s32 $0x6180, v38;
	_ =	sdelay $0x4  }
0x226: {  	[tilespmem:v40+s26+$0x0] =	vst.idx.msk vm0, v39  }
0x227: {  	v39 =	vld.idx.msk [tilespmem:v34+s21+$0x0], vm0  }
0x228: {  	v40 =	vadd.s32 $0x6200, v38;
	_ =	sdelay $0x4  }
0x229: {  	[tilespmem:v40+s26+$0x0] =	vst.idx.msk vm0, v39  }
0x22a: {  	v39 =	vld.idx.msk [tilespmem:v35+s21+$0x0], vm0  }
0x22b: {  	v40 =	vadd.s32 $0x6280, v38;
	_ =	sdelay $0x4  }
0x22c: {  	[tilespmem:v40+s26+$0x0] =	vst.idx.msk vm0, v39  }
0x22d: {  	v39 =	vld.idx.msk [tilespmem:v36+s21+$0x0], vm0  }
0x22e: {  	v40 =	vadd.s32 $0x6300, v38;
	_ =	sdelay $0x4  }
0x22f: {  	[tilespmem:v40+s26+$0x0] =	vst.idx.msk vm0, v39  }
0x230: {  	v39 =	vld.idx.msk [tilespmem:v37+s21+$0x0], vm0  }
.Ltmp11:
0x231: {  	s3 =	sadd.s32 $0x10, s3;
	v38 =	vadd.s32 $0x6380, v38;
	(pc) =	sbr.rel @p2 .LBB2_18-.Ltmp11, $4  }
0x232: {  	s1 =	sshrl.u32 s2, $0x3;
	s4 =	sand.u32 $0x70, s3;
	p3 =	seq.s32 s2, $0x0  }
0x233: {  	s2 =	sshll.u32 @!p3 s1, $0x9;
	s29 =	simm.s32 @!p3 $0x1AC00;
	s28 =	simm.s32 @!p3 $0x7  }
0x234: {  	s30 =	simm.s32 @!p3 $0x10;
	s1 =	sshll.u32 s1, $0x7;
	s2 =	sshra.s32 @!p3 s2, $0x2;
	v40 =	vor.u32 s3, v0  }
0x235: {  	s2 =	sor.u32 @!p3 s4, s2;
	s4 =	sor.u32 s4, s1;
	vm1 =	vlt.s32 v40, v32  }
.LBB2_19:
0x236: {  	_ =	sdelay $0x4  }
0x237: {  	s0 =	sadd.s32 @!p3 $0x19C00, s2;
	v32 =	vor.u32 s4, v0;
	[tilespmem:v38+s26+$0x0] =	vst.idx.msk @p1 vm0, v39  }
0x238: {  	[tilespmem:s29], [sflag:$0x7] =	stream.indirect.gather @!p3 [hbm4b:s6+s30], $0x80, s0, s30, $0xb8;
	[tilespmem:$0x1BC00] =	vst v63  }
0x239: {  	_ =	swait.ge @!p3 [sflag:s28], $0x800  }
0x23a: {  	[sflag:s28] =	ssyncset.done @!p3 $0x0  }
0x23b: {  	[sflag:s28] =	ssyncadd.s32 @!p3 $0xFFFFF800  }
0x23c: {  	v32 =	vld.idx.msk [tilespmem:v32+s19+$0x0], vm1;
	_ =	sdelay $0x4  }
0x23d: {  	v33 =	vshll.u32 v32, $0x3  }
0x23e: {  	v32 =	vand.u32 $0x7F, v32;
	v33 =	vand.u32 $0xFFFFFC00, v33  }
0x23f: {  	v34 =	vld.idx.msk [tilespmem:v1+s21+$0x0], vm1;
	v32 =	vor.u32 v32, v33;
	_ =	sdelay $0x4  }
0x240: {  	[tilespmem:v32+s26+$0x0] =	vst.idx.msk vm1, v34  }
0x241: {  	v33 =	vor.u32 $0x80, v32;
	v34 =	vld.idx.msk [tilespmem:v6+s21+$0x0], vm1;
	_ =	sdelay $0x4  }
0x242: {  	[tilespmem:v33+s26+$0x0] =	vst.idx.msk vm1, v34  }
0x243: {  	v59 =	vor.u32 $0x100, v32;
	v33 =	vld.idx.msk [tilespmem:v7+s21+$0x0], vm1;
	_ =	sdelay $0x4  }
0x244: {  	[tilespmem:v59+s26+$0x0] =	vst.idx.msk vm1, v33  }
0x245: {  	v60 =	vor.u32 $0x180, v32;
	v33 =	vld.idx.msk [tilespmem:v8+s21+$0x0], vm1;
	_ =	sdelay $0x4  }
0x246: {  	[tilespmem:v60+s26+$0x0] =	vst.idx.msk vm1, v33  }
0x247: {  	v61 =	vor.u32 $0x200, v32;
	v33 =	vld.idx.msk [tilespmem:v9+s21+$0x0], vm1;
	_ =	sdelay $0x4  }
0x248: {  	[tilespmem:v61+s26+$0x0] =	vst.idx.msk vm1, v33  }
0x249: {  	v62 =	vor.u32 $0x280, v32;
	v33 =	vld.idx.msk [tilespmem:v10+s21+$0x0], vm1;
	_ =	sdelay $0x4  }
0x24a: {  	[tilespmem:v62+s26+$0x0] =	vst.idx.msk vm1, v33  }
0x24b: {  	v63 =	vor.u32 $0x300, v32;
	v33 =	vld.idx.msk [tilespmem:v11+s21+$0x0], vm1;
	_ =	sdelay $0x4  }
0x24c: {  	[tilespmem:v63+s26+$0x0] =	vst.idx.msk vm1, v33  }
0x24d: {  	v36 =	vor.u32 $0x380, v32;
	v33 =	vld.idx.msk [tilespmem:v12+s21+$0x0], vm1;
	_ =	sdelay $0x4  }
0x24e: {  	[tilespmem:v36+s26+$0x0] =	vst.idx.msk vm1, v33  }
0x24f: {  	v37 =	vadd.s32 $0x2000, v32;
	v34 =	vld.idx.msk [tilespmem:v13+s21+$0x0], vm1;
	_ =	sdelay $0x4  }
0x250: {  	[tilespmem:v37+s26+$0x0] =	vst.idx.msk vm1, v34  }
0x251: {  	v38 =	vadd.s32 $0x2080, v32;
	v34 =	vld.idx.msk [tilespmem:v14+s21+$0x0], vm1;
	_ =	sdelay $0x4  }
0x252: {  	[tilespmem:v38+s26+$0x0] =	vst.idx.msk vm1, v34  }
0x253: {  	v39 =	vadd.s32 $0x2100, v32;
	v34 =	vld.idx.msk [tilespmem:v15+s21+$0x0], vm1;
	_ =	sdelay $0x4  }
0x254: {  	[tilespmem:v39+s26+$0x0] =	vst.idx.msk vm1, v34  }
0x255: {  	v40 =	vadd.s32 $0x2180, v32;
	v34 =	vld.idx.msk [tilespmem:v16+s21+$0x0], vm1;
	_ =	sdelay $0x4  }
0x256: {  	[tilespmem:v40+s26+$0x0] =	vst.idx.msk vm1, v34  }
0x257: {  	v41 =	vadd.s32 $0x2200, v32;
	v34 =	vld.idx.msk [tilespmem:v17+s21+$0x0], vm1;
	_ =	sdelay $0x4  }
0x258: {  	[tilespmem:v41+s26+$0x0] =	vst.idx.msk vm1, v34  }
0x259: {  	v42 =	vadd.s32 $0x2280, v32;
	v33 =	vld.idx.msk [tilespmem:v18+s21+$0x0], vm1;
	_ =	sdelay $0x4  }
0x25a: {  	[tilespmem:v42+s26+$0x0] =	vst.idx.msk vm1, v33  }
0x25b: {  	v43 =	vadd.s32 $0x2300, v32;
	v33 =	vld.idx.msk [tilespmem:v19+s21+$0x0], vm1;
	_ =	sdelay $0x4  }
0x25c: {  	[tilespmem:v43+s26+$0x0] =	vst.idx.msk vm1, v33  }
0x25d: {  	vm15 =	vmmov vm1;
	v44 =	vadd.s32 $0x2380, v32;
	v33 =	vld.idx.msk [tilespmem:v20+s21+$0x0], vm1;
	_ =	sdelay $0x4  }
0x25e: {  	[tilespmem:v44+s26+$0x0] =	vst.idx.msk vm1, v33  }
0x25f: {  	v45 =	vadd.s32 $0x4000, v32;
	v33 =	vld.idx.msk [tilespmem:v21+s21+$0x0], vm15;
	_ =	sdelay $0x4  }
0x260: {  	[tilespmem:v45+s26+$0x0] =	vst.idx.msk vm15, v33  }
0x261: {  	v46 =	vadd.s32 $0x4080, v32;
	v33 =	vld.idx.msk [tilespmem:v22+s21+$0x0], vm15;
	_ =	sdelay $0x4  }
0x262: {  	[tilespmem:v46+s26+$0x0] =	vst.idx.msk vm15, v33  }
0x263: {  	v47 =	vadd.s32 $0x4100, v32;
	v33 =	vld.idx.msk [tilespmem:v23+s21+$0x0], vm15;
	_ =	sdelay $0x4  }
0x264: {  	[tilespmem:v47+s26+$0x0] =	vst.idx.msk vm15, v33  }
0x265: {  	v48 =	vadd.s32 $0x4180, v32;
	v33 =	vld.idx.msk [tilespmem:v24+s21+$0x0], vm15;
	_ =	sdelay $0x4  }
0x266: {  	[tilespmem:v48+s26+$0x0] =	vst.idx.msk vm15, v33  }
0x267: {  	v49 =	vadd.s32 $0x4200, v32;
	v33 =	vld.idx.msk [tilespmem:v25+s21+$0x0], vm15;
	_ =	sdelay $0x4  }
0x268: {  	[tilespmem:v49+s26+$0x0] =	vst.idx.msk vm15, v33  }
0x269: {  	v50 =	vadd.s32 $0x4280, v32;
	v33 =	vld.idx.msk [tilespmem:v26+s21+$0x0], vm15;
	_ =	sdelay $0x4  }
0x26a: {  	[tilespmem:v50+s26+$0x0] =	vst.idx.msk vm15, v33  }
0x26b: {  	v51 =	vadd.s32 $0x4300, v32;
	v33 =	vld.idx.msk [tilespmem:v27+s21+$0x0], vm15;
	_ =	sdelay $0x4  }
0x26c: {  	[tilespmem:v51+s26+$0x0] =	vst.idx.msk vm15, v33  }
0x26d: {  	v52 =	vadd.s32 $0x4380, v32;
	v33 =	vld.idx.msk [tilespmem:v28+s21+$0x0], vm15;
	_ =	sdelay $0x4  }
0x26e: {  	[tilespmem:v52+s26+$0x0] =	vst.idx.msk vm15, v33  }
0x26f: {  	v53 =	vadd.s32 $0x6000, v32;
	v33 =	vld.idx.msk [tilespmem:v29+s21+$0x0], vm15;
	_ =	sdelay $0x4  }
0x270: {  	[tilespmem:v53+s26+$0x0] =	vst.idx.msk vm15, v33  }
0x271: {  	v54 =	vadd.s32 $0x6080, v32;
	v33 =	vld.idx.msk [tilespmem:v30+s21+$0x0], vm15;
	_ =	sdelay $0x4  }
0x272: {  	[tilespmem:v54+s26+$0x0] =	vst.idx.msk vm15, v33  }
0x273: {  	v55 =	vadd.s32 $0x6100, v32;
	v33 =	vld.idx.msk [tilespmem:v31+s21+$0x0], vm15  }
0x274: {  	v35 =	vor.u32 $0x1B, v1;
	_ =	sdelay $0x3  }
0x275: {  	[tilespmem:v55+s26+$0x0] =	vst.idx.msk vm15, v33  }
0x276: {  	v56 =	vadd.s32 $0x6180, v32;
	v33 =	vld.idx.msk [tilespmem:v35+s21+$0x0], vm15  }
0x277: {  	v57 =	vor.u32 $0x1C, v1;
	_ =	sdelay $0x3  }
0x278: {  	[tilespmem:v56+s26+$0x0] =	vst.idx.msk vm15, v33  }
0x279: {  	v58 =	vadd.s32 $0x6200, v32;
	v33 =	vld.idx.msk [tilespmem:v57+s21+$0x0], vm15  }
0x27a: {  	v59 =	vor.u32 $0x1D, v1;
	_ =	sdelay $0x3  }
0x27b: {  	[tilespmem:v58+s26+$0x0] =	vst.idx.msk vm15, v33  }
0x27c: {  	v60 =	vadd.s32 $0x6280, v32;
	v33 =	vld.idx.msk [tilespmem:v59+s21+$0x0], vm15  }
0x27d: {  	v61 =	vor.u32 $0x1E, v1;
	_ =	sdelay $0x3  }
0x27e: {  	[tilespmem:v60+s26+$0x0] =	vst.idx.msk vm15, v33  }
0x27f: {  	v62 =	vadd.s32 $0x6300, v32;
	v33 =	vld.idx.msk [tilespmem:v61+s21+$0x0], vm15  }
0x280: {  	v63 =	vor.u32 $0x1F, v1;
	_ =	sdelay $0x3  }
0x281: {  	[tilespmem:v62+s26+$0x0] =	vst.idx.msk vm15, v33  }
0x282: {  	v32 =	vadd.s32 $0x6380, v32;
	v33 =	vld.idx.msk [tilespmem:v63+s21+$0x0], vm15;
	_ =	sdelay $0x4  }
0x283: {  	s30 =	rddreg [dreg:$0x1];
	[tilespmem:v32+s26+$0x0] =	vst.idx.msk vm15, v33  }
.LBB2_20:
0x284: {  	s0 =	sshll.u32 s24, $0xB  }
0x285: {  	s1 =	rddreg [dreg:$0x3];
	s0 =	sadd.s32 s8, s0  }
0x286: {  	s1 =	sadd.s32 s1, s0  }
0x287: {  	[hbm4b:s1+s5] =	stream.linear.scatter [tilespmem:s26], [sflag:$0x3], $0x1000, $0x38;
	[tilespmem:$0x1BC00] =	vst v63  }
0x288: {  	s3 =	simm.s32 $0xBC00;
	s2 =	sadd.s32 $0xF4280, s1  }
0x289: {  	[hbm4b:s2+s5] =	stream.linear.scatter [tilespmem:s3], [sflag:$0x3], $0x1000, $0x38;
	[tilespmem:$0x1BC00] =	vst v63  }
0x28a: {  	s29 =	simm.s32 $0xDC00;
	s28 =	sadd.s32 $0x1E8500, s1  }
0x28b: {  	[hbm4b:s28+s5] =	stream.linear.scatter [tilespmem:s29], [sflag:$0x3], $0x1000, $0x38;
	[tilespmem:$0x1BC00] =	vst v63  }
0x28c: {  	s31 =	simm.s32 $0xFC00;
	s1 =	sadd.s32 $0x2DC780, s1  }
0x28d: {  	[hbm4b:s1+s5] =	stream.linear.scatter [tilespmem:s31], [sflag:$0x3], $0x1000, $0x38;
	[tilespmem:$0x1BC00] =	vst v63  }
0x28e: {  	s0 =	sadd.s32 s0, s13;
	s2 =	simm.s32 $0xAC00  }
0x28f: {  	[hbm4b:s0+s5] =	stream.linear.scatter [tilespmem:s2], [sflag:$0x3], $0x1000, $0x38;
	[tilespmem:$0x1BC00] =	vst v63  }
0x290: {  	s4 =	simm.s32 $0xCC00;
	s3 =	sadd.s32 $0xF4280, s0  }
0x291: {  	[hbm4b:s3+s5] =	stream.linear.scatter [tilespmem:s4], [sflag:$0x3], $0x1000, $0x38;
	[tilespmem:$0x1BC00] =	vst v63  }
.Ltmp12:
0x292: {  	_ = 	snop;
	(pc) =	sbr.rel .LBB2_21-.Ltmp12, $4  }
0x293: {  	s28 =	sadd.s32 $0x1E8500, s0;
	s29 =	simm.s32 $0xEC00  }
0x294: {  	[hbm4b:s28+s5] =	stream.linear.scatter [tilespmem:s29], [sflag:$0x3], $0x1000, $0x38;
	[tilespmem:$0x1BC00] =	vst v63  }
0x295: {  	s31 =	simm.s32 $0x10C00;
	s0 =	sadd.s32 $0x2DC780, s0  }
0x296: {  	[hbm4b:s0+s5] =	stream.linear.scatter [tilespmem:s31], [sflag:$0x3], $0x1000, $0x38;
	[tilespmem:$0x1BC00] =	vst v63  }
.LBB2_13:
0x297: {  	s12 =	sor.u32 $0x1, s15  }
.LBB2_21:
0x298: {  	s0 =	smin.u32 s12, $0x1E  }
0x299: {  	s3 =	simm.s32 $0xFFFFFFFC;
	s0 =	sshll.u32 s0, $0xA  }
0x29a: {  	s31 =	simm.s32 $0x30;
	s2 =	sadd.s32 $0x2000, s0;
	s0 =	simm.s32 $0x0  }
.LBB2_22:
0x29b: {  	s1 =	sadd.s32 $0xFFFFFFD0, s31  }
0x29c: {  	s4 =	sand.u32 $0x380, s1  }
0x29d: {  	s29 =	sand.u32 $0x40, s1;
	s28 =	sadd.s32 s4, s2  }
0x29e: {  	s4 =	sadd.s32 s29, s28  }
0x29f: {  	v32 =	vld [tilespmem:s4+$0x0];
	_ =	sdelay $0x4  }
0x2a0: {  	vm0 =	vgt.s32 v32, $0xFFFFFFFF  }
0x2a1: {  	v33 =	vsel vm0, $0x1, v5  }
0x2a2: {  	(xrf0) =	vadd.scan.msk.s32 $0xffff, v33;
	_ =	sdelay $0x2  }
0x2a3: {  	v47 =	vmov s0  }
0x2a4: {  	v33 =	vadd.s32 $0xFFFFFFFF, v47  }
0x2a5: {  	v33 =	vbroadcast v33, $0x0  }
0x2a6: {  	v34, _, _ =	vpop (xrf0)  }
0x2a7: {  	v33 =	vadd.s32 v34, v33  }
0x2a8: {  	vm1 =	vgt.s32 v33, $0x0  }
0x2a9: {  	v35 =	vmpcnt.ones.xlane vm0;
	v34 =	vnsel vm1, $0x0, v33  }
0x2aa: {  	v33 =	vand.u32 $0x7F, v33;
	v34 =	vand.u32 $0x7FFFFF80, v34  }
0x2ab: {  	(v2sf) =	vpush v35, $0x0;
	v33 =	vor.u32 v33, v34;
	_ =	sdelay $0x3  }
0x2ac: {  	s4 =	sadd.s32 $0xFFFFFFE0, s31  }
0x2ad: {  	v48 =	vor.u32 s1, v0;
	s29 =	sand.u32 $0x50, s4;
	[tilespmem:v33+s18+$0x0] =	vst.idx.msk vm0, v32  }
0x2ae: {  	s1 =	sadd.s32 s29, s28;
	[tilespmem:v33+s23+$0x0] =	vst.idx.msk vm0, v48  }
0x2af: {  	v32 =	vld [tilespmem:s1+$0x0];
	_ =	sdelay $0x4  }
0x2b0: {  	vm10 =	vgt.s32 v32, $0xFFFFFFFF  }
0x2b1: {  	v49 =	vsel vm10, $0x1, v5  }
0x2b2: {  	(xrf0) =	vadd.scan.msk.s32 $0xffff, v49  }
0x2b3: {  	s29 =	spop (v2sf)  }
0x2b4: {  	s0 =	sadd.s32 s0, s29  }
0x2b5: {  	v50 =	vmov s0  }
0x2b6: {  	v33 =	vadd.s32 $0xFFFFFFFF, v50  }
0x2b7: {  	v33 =	vbroadcast v33, $0x0  }
0x2b8: {  	v51, _, _ =	vpop (xrf0)  }
0x2b9: {  	v33 =	vadd.s32 v51, v33  }
0x2ba: {  	vm11 =	vgt.s32 v33, $0x0  }
0x2bb: {  	v52 =	vmpcnt.ones.xlane vm10;
	v34 =	vnsel vm11, $0x0, v33  }
0x2bc: {  	v33 =	vand.u32 $0x7F, v33;
	v34 =	vand.u32 $0x7FFFFF80, v34  }
0x2bd: {  	(v2sf) =	vpush v52, $0x0;
	v33 =	vor.u32 v33, v34;
	_ =	sdelay $0x3  }
0x2be: {  	s1 =	sadd.s32 $0xFFFFFFF0, s31  }
0x2bf: {  	v53 =	vor.u32 s4, v0;
	s29 =	sand.u32 $0x60, s1;
	[tilespmem:v33+s18+$0x0] =	vst.idx.msk vm10, v32  }
0x2c0: {  	s4 =	sadd.s32 s29, s28;
	[tilespmem:v33+s23+$0x0] =	vst.idx.msk vm10, v53  }
0x2c1: {  	v32 =	vld [tilespmem:s4+$0x0];
	_ =	sdelay $0x4  }
0x2c2: {  	vm12 =	vgt.s32 v32, $0xFFFFFFFF  }
0x2c3: {  	v54 =	vsel vm12, $0x1, v5  }
0x2c4: {  	(xrf0) =	vadd.scan.msk.s32 $0xffff, v54  }
0x2c5: {  	s29 =	spop (v2sf)  }
0x2c6: {  	s0 =	sadd.s32 s0, s29  }
0x2c7: {  	v55 =	vmov s0  }
0x2c8: {  	v33 =	vadd.s32 $0xFFFFFFFF, v55  }
0x2c9: {  	v33 =	vbroadcast v33, $0x0  }
0x2ca: {  	v56, _, _ =	vpop (xrf0)  }
0x2cb: {  	v33 =	vadd.s32 v56, v33  }
0x2cc: {  	vm13 =	vgt.s32 v33, $0x0  }
0x2cd: {  	v57 =	vmpcnt.ones.xlane vm12;
	v34 =	vnsel vm13, $0x0, v33  }
0x2ce: {  	v33 =	vand.u32 $0x7F, v33;
	v34 =	vand.u32 $0x7FFFFF80, v34  }
0x2cf: {  	(v2sf) =	vpush v57, $0x0;
	v33 =	vor.u32 v33, v34;
	_ =	sdelay $0x4  }
0x2d0: {  	v58 =	vor.u32 s1, v0;
	s4 =	sand.u32 $0x70, s31;
	[tilespmem:v33+s18+$0x0] =	vst.idx.msk vm12, v32  }
0x2d1: {  	s1 =	sadd.s32 s4, s28;
	[tilespmem:v33+s23+$0x0] =	vst.idx.msk vm12, v58  }
0x2d2: {  	v32 =	vld [tilespmem:s1+$0x0];
	_ =	sdelay $0x4  }
0x2d3: {  	vm14 =	vgt.s32 v32, $0xFFFFFFFF  }
0x2d4: {  	v59 =	vsel vm14, $0x1, v5;
	v60 =	vmpcnt.ones.xlane vm14  }
0x2d5: {  	(xrf0) =	vadd.scan.msk.s32 $0xffff, v59  }
0x2d6: {  	s28 =	spop (v2sf);
	(v2sf) =	vpush v60, $0x0  }
0x2d7: {  	s0 =	sadd.s32 s0, s28  }
0x2d8: {  	v61 =	vmov s0  }
0x2d9: {  	v33 =	vadd.s32 $0xFFFFFFFF, v61  }
0x2da: {  	v33 =	vbroadcast v33, $0x0  }
0x2db: {  	v62, _, _ =	vpop (xrf0)  }
0x2dc: {  	v33 =	vadd.s32 v62, v33  }
0x2dd: {  	vm15 =	vgt.s32 v33, $0x0  }
0x2de: {  	v34 =	vnsel vm15, $0x0, v33  }
0x2df: {  	v33 =	vand.u32 $0x7F, v33;
	v34 =	vand.u32 $0x7FFFFF80, v34  }
0x2e0: {  	s3 =	sadd.s32 $0x4, s3;
	v33 =	vor.u32 v33, v34  }
0x2e1: {  	p1 =	slt.u32 s3, $0x3C  }
.Ltmp13:
0x2e2: {  	_ = 	snop;
	(pc) =	sbr.rel @p1 .LBB2_22-.Ltmp13, $3  }
0x2e3: {  	_ =	sdelay $0x1  }
0x2e4: {  	v63 =	vor.u32 s31, v0;
	[tilespmem:v33+s18+$0x0] =	vst.idx.msk vm14, v32;
	s29 =	spop (v2sf)  }
0x2e5: {  	s31 =	sadd.s32 $0x40, s31;
	[tilespmem:v33+s23+$0x0] =	vst.idx.msk vm14, v63;
	s0 =	sadd.s32 s0, s29  }
0x2e6: {  	p1 =	sge.u32 s12, s7  }
0x2e7: {  	p2 =	slt.s32 @!p1 s0, $0x1  }
0x2e8: {  	p1 =	por p2, p1  }
0x2e9: {  	s1 =	simm.s32 @!p1 $0x10;
	s2 =	simm.s32 @!p1 $0x1A000;
	s3 =	simm.s32 @!p1 $0x1B400  }
0x2ea: {  	[tilespmem:s3], [sflag:$0x6] =	stream.indirect.gather @!p1 [hbm4b:s6+s1], $0x80, s2, s1, $0xb8;
	[tilespmem:$0x1BC00] =	vst v63  }
0x2eb: {  	p1 =	slt.u32 s12, s7  }
.Ltmp14:
0x2ec: {  	_ = 	snop;
	(pc) =	sbr.rel @!p1 .LBB2_24-.Ltmp14, $1  }
0x2ed: {  	_ =	sdelay $0x3  }
0x2ee: {  	_ =	swait.ge [sflag:s10], $0x8000  }
0x2ef: {  	s15 =	sadd.s32 $0x2, s15;
	[sflag:s10] =	ssyncset.done $0x0  }
0x2f0: {  	p1 =	sge.u32 s15, s7;
	[sflag:s10] =	ssyncadd.s32 $0xFFFF8000  }
0x2f1: {  	s1 =	sshll.u32 @!p1 s15, $0xA;
	_ =	swait.ge [sflag:s25], $0x8000  }
0x2f2: {  	s3 =	simm.s32 @!p1 $0x0;
	s1 =	sadd.s32 @!p1 s8, s1;
	[sflag:s25] =	ssyncset.done $0x0  }
0x2f3: {  	s4 =	simm.s32 @!p1 $0x9C00;
	s2 =	sadd.s32 @!p1 s30, s1;
	[sflag:s25] =	ssyncadd.s32 $0xFFFF8000  }
0x2f4: {  	[tilespmem:s4], [sflag:$0x1] =	stream.linear.gather @!p1 [hbm4b:s2+s3], $0x1000, $0x38;
	[tilespmem:$0x1BC00] =	vst v63  }
0x2f5: {  	s28 =	simm.s32 @!p1 $0xBC00;
	s4 =	sadd.s32 @!p1 $0xF4280, s2  }
0x2f6: {  	[tilespmem:s28], [sflag:$0x1] =	stream.linear.gather @!p1 [hbm4b:s4+s3], $0x1000, $0x38;
	[tilespmem:$0x1BC00] =	vst v63  }
0x2f7: {  	s4 =	sadd.s32 @!p1 $0x1E8500, s2;
	s28 =	simm.s32 @!p1 $0xDC00  }
0x2f8: {  	[tilespmem:s28], [sflag:$0x1] =	stream.linear.gather @!p1 [hbm4b:s4+s3], $0x1000, $0x38;
	[tilespmem:$0x1BC00] =	vst v63  }
0x2f9: {  	s2 =	sadd.s32 @!p1 $0x2DC780, s2;
	s4 =	simm.s32 @!p1 $0xFC00  }
0x2fa: {  	[tilespmem:s4], [sflag:$0x1] =	stream.linear.gather @!p1 [hbm4b:s2+s3], $0x1000, $0x38;
	[tilespmem:$0x1BC00] =	vst v63  }
0x2fb: {  	s1 =	sadd.s32 @!p1 s1, s9;
	s2 =	simm.s32 @!p1 $0xAC00  }
0x2fc: {  	[tilespmem:s2], [sflag:$0x1] =	stream.linear.gather @!p1 [hbm4b:s1+s3], $0x1000, $0x38;
	[tilespmem:$0x1BC00] =	vst v63  }
0x2fd: {  	s4 =	simm.s32 @!p1 $0xCC00;
	s2 =	sadd.s32 @!p1 $0xF4280, s1  }
0x2fe: {  	[tilespmem:s4], [sflag:$0x1] =	stream.linear.gather @!p1 [hbm4b:s2+s3], $0x1000, $0x38;
	[tilespmem:$0x1BC00] =	vst v63  }
0x2ff: {  	s2 =	sadd.s32 @!p1 $0x1E8500, s1;
	s4 =	simm.s32 @!p1 $0xEC00  }
0x300: {  	[tilespmem:s4], [sflag:$0x1] =	stream.linear.gather @!p1 [hbm4b:s2+s3], $0x1000, $0x38;
	[tilespmem:$0x1BC00] =	vst v63  }
0x301: {  	s1 =	sadd.s32 @!p1 $0x2DC780, s1;
	s2 =	simm.s32 @!p1 $0x10C00  }
0x302: {  	[tilespmem:s2], [sflag:$0x1] =	stream.linear.gather @!p1 [hbm4b:s1+s3], $0x1000, $0x38;
	[tilespmem:$0x1BC00] =	vst v63  }
0x303: {  	p1 =	slt.s32 s0, $0x1  }
0x304: {  	s2 =	sadd.s32 @!p1 $0xF, s0  }
0x305: {  	p2 =	slt.s32 @!p1 s2, $0x10  }
0x306: {  	p2 =	por p1, p2  }
.Ltmp15:
0x307: {  	_ = 	snop;
	(pc) =	sbr.rel @p2 .LBB2_31-.Ltmp15, $4  }
0x308: {  	s1 =	simm.s32 @!p1 $0x6  }
0x309: {  	_ =	swait.ge @!p1 [sflag:s1], $0x800  }
0x30a: {  	[sflag:s1] =	ssyncset.done @!p1 $0x0  }
0x30b: {  	[sflag:s1] =	ssyncadd.s32 @!p1 $0xFFFFF800  }
0x30c: {  	s1 =	sshra.s32 @!p1 s2, $0x1F  }
0x30d: {  	s1 =	sshrl.u32 @!p1 s1, $0x1C  }
0x30e: {  	s1 =	sadd.s32 @!p1 s1, s2  }
0x30f: {  	s31 =	sshra.s32 @!p1 s1, $0x4  }
0x310: {  	p2 =	sne.s32 s31, $0x1  }
.Ltmp16:
0x311: {  	_ = 	snop;
	(pc) =	sbr.rel @!p2 .LBB2_27-.Ltmp16, $4  }
0x312: {  	p3 =	por $0x1, $0x1;
	s4 =	simm.s32 $0x0  }
0x313: {  	s29 =	simm.s32 @!p3 $0x1B400;
	s28 =	simm.s32 @!p3 $0x7;
	s2 =	simm.s32 $0x0  }
0x314: {  	v32 =	vmov s0;
	s0 =	simm.s32 @!p3 $0x0;
	s30 =	simm.s32 @!p3 $0x10;
	s3 =	sand.u32 $0x70, s2;
	v33 =	vor.u32 s2, v0  }
0x315: {  	p1 =	por $0x0, $0x0;
	s2 =	sor.u32 @!p3 s3, s0;
	vm1 =	vlt.s32 v33, v32;
	s4 =	sor.u32 s3, s4  }
0x316: {  	s0 =	sadd.s32 @!p3 $0x1A000, s2;
	v33 =	vor.u32 s4, v0  }
0x317: {  	[tilespmem:s29], [sflag:$0x7] =	stream.indirect.gather @!p3 [hbm4b:s6+s30], $0x80, s0, s30, $0xb8;
	[tilespmem:$0x1BC00] =	vst v63  }
0x318: {  	_ =	swait.ge @!p3 [sflag:s28], $0x800  }
0x319: {  	[sflag:s28] =	ssyncset.done @!p3 $0x0  }
0x31a: {  	[sflag:s28] =	ssyncadd.s32 @!p3 $0xFFFFF800  }
0x31b: {  	v33 =	vld.idx.msk [tilespmem:v33+s23+$0x0], vm1;
	_ =	sdelay $0x4  }
0x31c: {  	v34 =	vshll.u32 v33, $0x3  }
0x31d: {  	v33 =	vand.u32 $0x7F, v33;
	v34 =	vand.u32 $0xFFFFFC00, v34  }
0x31e: {  	v35 =	vld.idx.msk [tilespmem:v1+s11+$0x0], vm1;
	v38 =	vor.u32 v33, v34;
	_ =	sdelay $0x4  }
0x31f: {  	[tilespmem:v38+s14+$0x0] =	vst.idx.msk vm1, v35  }
0x320: {  	v33 =	vor.u32 $0x80, v38;
	v36 =	vld.idx.msk [tilespmem:v6+s11+$0x0], vm1;
	_ =	sdelay $0x4  }
0x321: {  	[tilespmem:v33+s14+$0x0] =	vst.idx.msk vm1, v36  }
0x322: {  	v37 =	vor.u32 $0x100, v38;
	v33 =	vld.idx.msk [tilespmem:v7+s11+$0x0], vm1;
	_ =	sdelay $0x4  }
0x323: {  	[tilespmem:v37+s14+$0x0] =	vst.idx.msk vm1, v33  }
0x324: {  	v39 =	vor.u32 $0x180, v38;
	v33 =	vld.idx.msk [tilespmem:v8+s11+$0x0], vm1;
	_ =	sdelay $0x4  }
0x325: {  	[tilespmem:v39+s14+$0x0] =	vst.idx.msk vm1, v33  }
0x326: {  	v40 =	vor.u32 $0x200, v38;
	v33 =	vld.idx.msk [tilespmem:v9+s11+$0x0], vm1;
	_ =	sdelay $0x4  }
0x327: {  	[tilespmem:v40+s14+$0x0] =	vst.idx.msk vm1, v33  }
0x328: {  	v41 =	vor.u32 $0x280, v38;
	v33 =	vld.idx.msk [tilespmem:v10+s11+$0x0], vm1;
	_ =	sdelay $0x4  }
0x329: {  	[tilespmem:v41+s14+$0x0] =	vst.idx.msk vm1, v33  }
0x32a: {  	v42 =	vor.u32 $0x300, v38;
	v33 =	vld.idx.msk [tilespmem:v11+s11+$0x0], vm1;
	_ =	sdelay $0x4  }
0x32b: {  	[tilespmem:v42+s14+$0x0] =	vst.idx.msk vm1, v33  }
0x32c: {  	v43 =	vor.u32 $0x380, v38;
	v33 =	vld.idx.msk [tilespmem:v12+s11+$0x0], vm1;
	_ =	sdelay $0x4  }
0x32d: {  	[tilespmem:v43+s14+$0x0] =	vst.idx.msk vm1, v33  }
0x32e: {  	v44 =	vadd.s32 $0x2000, v38;
	v34 =	vld.idx.msk [tilespmem:v13+s11+$0x0], vm1;
	_ =	sdelay $0x4  }
0x32f: {  	[tilespmem:v44+s14+$0x0] =	vst.idx.msk vm1, v34  }
0x330: {  	v45 =	vadd.s32 $0x2080, v38;
	v34 =	vld.idx.msk [tilespmem:v14+s11+$0x0], vm1;
	_ =	sdelay $0x4  }
0x331: {  	[tilespmem:v45+s14+$0x0] =	vst.idx.msk vm1, v34  }
0x332: {  	v46 =	vadd.s32 $0x2100, v38;
	v34 =	vld.idx.msk [tilespmem:v15+s11+$0x0], vm1;
	_ =	sdelay $0x4  }
0x333: {  	[tilespmem:v46+s14+$0x0] =	vst.idx.msk vm1, v34  }
0x334: {  	v47 =	vadd.s32 $0x2180, v38;
	v34 =	vld.idx.msk [tilespmem:v16+s11+$0x0], vm1;
	_ =	sdelay $0x4  }
0x335: {  	[tilespmem:v47+s14+$0x0] =	vst.idx.msk vm1, v34  }
0x336: {  	v48 =	vadd.s32 $0x2200, v38;
	v34 =	vld.idx.msk [tilespmem:v17+s11+$0x0], vm1;
	_ =	sdelay $0x4  }
0x337: {  	[tilespmem:v48+s14+$0x0] =	vst.idx.msk vm1, v34  }
0x338: {  	v49 =	vadd.s32 $0x2280, v38;
	v33 =	vld.idx.msk [tilespmem:v18+s11+$0x0], vm1;
	_ =	sdelay $0x4  }
0x339: {  	[tilespmem:v49+s14+$0x0] =	vst.idx.msk vm1, v33  }
0x33a: {  	v50 =	vadd.s32 $0x2300, v38;
	v33 =	vld.idx.msk [tilespmem:v19+s11+$0x0], vm1;
	_ =	sdelay $0x4  }
0x33b: {  	[tilespmem:v50+s14+$0x0] =	vst.idx.msk vm1, v33  }
0x33c: {  	vm0 =	vmmov vm1;
	v51 =	vadd.s32 $0x2380, v38;
	v33 =	vld.idx.msk [tilespmem:v20+s11+$0x0], vm1;
	_ =	sdelay $0x4  }
0x33d: {  	[tilespmem:v51+s14+$0x0] =	vst.idx.msk vm1, v33  }
0x33e: {  	v52 =	vadd.s32 $0x4000, v38;
	v33 =	vld.idx.msk [tilespmem:v21+s11+$0x0], vm0;
	_ =	sdelay $0x4  }
0x33f: {  	[tilespmem:v52+s14+$0x0] =	vst.idx.msk vm0, v33  }
0x340: {  	v53 =	vadd.s32 $0x4080, v38;
	v33 =	vld.idx.msk [tilespmem:v22+s11+$0x0], vm0;
	_ =	sdelay $0x4  }
0x341: {  	[tilespmem:v53+s14+$0x0] =	vst.idx.msk vm0, v33  }
0x342: {  	v54 =	vadd.s32 $0x4100, v38;
	v33 =	vld.idx.msk [tilespmem:v23+s11+$0x0], vm0;
	_ =	sdelay $0x4  }
0x343: {  	[tilespmem:v54+s14+$0x0] =	vst.idx.msk vm0, v33  }
0x344: {  	v55 =	vadd.s32 $0x4180, v38;
	v33 =	vld.idx.msk [tilespmem:v24+s11+$0x0], vm0;
	_ =	sdelay $0x4  }
0x345: {  	[tilespmem:v55+s14+$0x0] =	vst.idx.msk vm0, v33  }
0x346: {  	v56 =	vadd.s32 $0x4200, v38;
	v33 =	vld.idx.msk [tilespmem:v25+s11+$0x0], vm0;
	_ =	sdelay $0x4  }
0x347: {  	[tilespmem:v56+s14+$0x0] =	vst.idx.msk vm0, v33  }
0x348: {  	v57 =	vadd.s32 $0x4280, v38;
	v33 =	vld.idx.msk [tilespmem:v26+s11+$0x0], vm0;
	_ =	sdelay $0x4  }
0x349: {  	[tilespmem:v57+s14+$0x0] =	vst.idx.msk vm0, v33  }
0x34a: {  	v58 =	vadd.s32 $0x4300, v38;
	v33 =	vld.idx.msk [tilespmem:v27+s11+$0x0], vm0;
	_ =	sdelay $0x4  }
0x34b: {  	[tilespmem:v58+s14+$0x0] =	vst.idx.msk vm0, v33  }
0x34c: {  	v59 =	vadd.s32 $0x4380, v38;
	v33 =	vld.idx.msk [tilespmem:v28+s11+$0x0], vm0;
	_ =	sdelay $0x4  }
0x34d: {  	[tilespmem:v59+s14+$0x0] =	vst.idx.msk vm0, v33  }
0x34e: {  	v60 =	vadd.s32 $0x6000, v38;
	v33 =	vld.idx.msk [tilespmem:v29+s11+$0x0], vm0;
	_ =	sdelay $0x4  }
0x34f: {  	[tilespmem:v60+s14+$0x0] =	vst.idx.msk vm0, v33  }
0x350: {  	v61 =	vadd.s32 $0x6080, v38;
	v33 =	vld.idx.msk [tilespmem:v30+s11+$0x0], vm0;
	_ =	sdelay $0x4  }
0x351: {  	[tilespmem:v61+s14+$0x0] =	vst.idx.msk vm0, v33  }
0x352: {  	v62 =	vadd.s32 $0x6100, v38;
	v34 =	vld.idx.msk [tilespmem:v31+s11+$0x0], vm0  }
0x353: {  	v33 =	vor.u32 $0x1B, v1;
	_ =	sdelay $0x3  }
0x354: {  	[tilespmem:v62+s14+$0x0] =	vst.idx.msk vm0, v34  }
0x355: {  	v36 =	vadd.s32 $0x6180, v38;
	v35 =	vld.idx.msk [tilespmem:v33+s11+$0x0], vm0  }
0x356: {  	v34 =	vor.u32 $0x1C, v1;
	_ =	sdelay $0x3  }
0x357: {  	[tilespmem:v36+s14+$0x0] =	vst.idx.msk vm0, v35  }
0x358: {  	v37 =	vadd.s32 $0x6200, v38;
	v36 =	vld.idx.msk [tilespmem:v34+s11+$0x0], vm0  }
0x359: {  	v35 =	vor.u32 $0x1D, v1;
	_ =	sdelay $0x3  }
0x35a: {  	[tilespmem:v37+s14+$0x0] =	vst.idx.msk vm0, v36  }
0x35b: {  	v39 =	vadd.s32 $0x6280, v38;
	v37 =	vld.idx.msk [tilespmem:v35+s11+$0x0], vm0  }
0x35c: {  	v36 =	vor.u32 $0x1E, v1;
	_ =	sdelay $0x3  }
0x35d: {  	[tilespmem:v39+s14+$0x0] =	vst.idx.msk vm0, v37  }
0x35e: {  	v40 =	vadd.s32 $0x6300, v38;
	v39 =	vld.idx.msk [tilespmem:v36+s11+$0x0], vm0  }
0x35f: {  	v37 =	vor.u32 $0x1F, v1;
	_ =	sdelay $0x3  }
0x360: {  	p2 =	sne.s32 s31, $0x2;
	[tilespmem:v40+s14+$0x0] =	vst.idx.msk vm0, v39  }
.Ltmp17:
0x361: {  	v38 =	vadd.s32 $0x6380, v38;
	v39 =	vld.idx.msk [tilespmem:v37+s11+$0x0], vm0;
	(pc) =	sbr.rel @!p2 .LBB2_30-.Ltmp17, $4  }
0x362: {  	s3 =	simm.s32 $0x10;
	s4 =	simm.s32 $0x0;
	p1 =	por $0x1, $0x1  }
0x363: {  	s0 =	simm.s32 $0x2;
	s1 =	sand.u32 $0x70, s3;
	p3 =	por $0x0, $0x0  }
0x364: {  	v63 =	vor.u32 s3, v0;
	s4 =	sor.u32 s1, s4;
	s29 =	simm.s32 @!p3 $0x1B400;
	s2 =	simm.s32 @!p3 $0x0  }
0x365: {  	s28 =	simm.s32 @!p3 $0x7;
	s30 =	simm.s32 @!p3 $0x10;
	s2 =	sor.u32 @!p3 s1, s2;
	vm1 =	vlt.s32 v63, v32  }
.LBB2_29:
0x366: {  	s1 =	sadd.s32 @!p3 $0x1A000, s2;
	v40 =	vor.u32 s4, v0;
	[tilespmem:v38+s14+$0x0] =	vst.idx.msk vm0, v39;
	vm0 =	vmmov vm1;
	s2 =	smov.u32 s0;
	s0 =	sadd.s32 $0x1, s0  }
0x367: {  	[tilespmem:s29], [sflag:$0x7] =	stream.indirect.gather @!p3 [hbm4b:s6+s30], $0x80, s1, s30, $0xb8;
	[tilespmem:$0x1BC00] =	vst v63  }
0x368: {  	p2 =	sne.s32 s31, s0;
	_ =	swait.ge @!p3 [sflag:s28], $0x800  }
0x369: {  	[sflag:s28] =	ssyncset.done @!p3 $0x0  }
0x36a: {  	[sflag:s28] =	ssyncadd.s32 @!p3 $0xFFFFF800  }
0x36b: {  	v38 =	vld.idx.msk [tilespmem:v40+s23+$0x0], vm1;
	_ =	sdelay $0x5  }
0x36c: {  	v39 =	vand.u32 $0x7F, v38;
	v38 =	vshll.u32 v38, $0x3  }
0x36d: {  	v38 =	vand.u32 $0xFFFFFC00, v38;
	v40 =	vld.idx.msk [tilespmem:v1+s11+$0x0], vm1  }
0x36e: {  	v38 =	vor.u32 v39, v38  }
0x36f: {  	v39 =	vor.u32 $0x80, v38;
	v41 =	vadd.s32 $0x2000, v38;
	v42 =	vadd.s32 $0x2080, v38  }
0x370: {  	v43 =	vadd.s32 $0x2100, v38;
	v44 =	vadd.s32 $0x2180, v38;
	v45 =	vadd.s32 $0x2200, v38;
	_ =	sdelay $0x2  }
0x371: {  	[tilespmem:v38+s14+$0x0] =	vst.idx.msk vm1, v40  }
0x372: {  	v40 =	vld.idx.msk [tilespmem:v6+s11+$0x0], vm1;
	_ =	sdelay $0x5  }
0x373: {  	[tilespmem:v39+s14+$0x0] =	vst.idx.msk vm1, v40  }
0x374: {  	v39 =	vld.idx.msk [tilespmem:v7+s11+$0x0], vm1  }
0x375: {  	v40 =	vor.u32 $0x100, v38;
	_ =	sdelay $0x4  }
0x376: {  	[tilespmem:v40+s14+$0x0] =	vst.idx.msk vm0, v39  }
0x377: {  	v39 =	vld.idx.msk [tilespmem:v8+s11+$0x0], vm0  }
0x378: {  	v40 =	vor.u32 $0x180, v38;
	_ =	sdelay $0x4  }
0x379: {  	[tilespmem:v40+s14+$0x0] =	vst.idx.msk vm0, v39  }
0x37a: {  	v39 =	vld.idx.msk [tilespmem:v9+s11+$0x0], vm0  }
0x37b: {  	v40 =	vor.u32 $0x200, v38;
	_ =	sdelay $0x4  }
0x37c: {  	[tilespmem:v40+s14+$0x0] =	vst.idx.msk vm0, v39  }
0x37d: {  	v39 =	vld.idx.msk [tilespmem:v10+s11+$0x0], vm0  }
0x37e: {  	v40 =	vor.u32 $0x280, v38;
	_ =	sdelay $0x4  }
0x37f: {  	[tilespmem:v40+s14+$0x0] =	vst.idx.msk vm0, v39  }
0x380: {  	v39 =	vld.idx.msk [tilespmem:v11+s11+$0x0], vm0  }
0x381: {  	v40 =	vor.u32 $0x300, v38;
	_ =	sdelay $0x4  }
0x382: {  	[tilespmem:v40+s14+$0x0] =	vst.idx.msk vm0, v39  }
0x383: {  	v39 =	vld.idx.msk [tilespmem:v12+s11+$0x0], vm0  }
0x384: {  	v40 =	vor.u32 $0x380, v38;
	_ =	sdelay $0x4  }
0x385: {  	[tilespmem:v40+s14+$0x0] =	vst.idx.msk vm0, v39  }
0x386: {  	v39 =	vld.idx.msk [tilespmem:v13+s11+$0x0], vm0;
	_ =	sdelay $0x5  }
0x387: {  	[tilespmem:v41+s14+$0x0] =	vst.idx.msk vm0, v39  }
0x388: {  	v39 =	vld.idx.msk [tilespmem:v14+s11+$0x0], vm0;
	_ =	sdelay $0x5  }
0x389: {  	[tilespmem:v42+s14+$0x0] =	vst.idx.msk vm0, v39  }
0x38a: {  	v39 =	vld.idx.msk [tilespmem:v15+s11+$0x0], vm0;
	_ =	sdelay $0x5  }
0x38b: {  	[tilespmem:v43+s14+$0x0] =	vst.idx.msk vm0, v39  }
0x38c: {  	v39 =	vld.idx.msk [tilespmem:v16+s11+$0x0], vm0;
	_ =	sdelay $0x5  }
0x38d: {  	[tilespmem:v44+s14+$0x0] =	vst.idx.msk vm0, v39  }
0x38e: {  	v39 =	vld.idx.msk [tilespmem:v17+s11+$0x0], vm0;
	_ =	sdelay $0x5  }
0x38f: {  	[tilespmem:v45+s14+$0x0] =	vst.idx.msk vm0, v39  }
0x390: {  	v39 =	vld.idx.msk [tilespmem:v18+s11+$0x0], vm0  }
0x391: {  	v40 =	vadd.s32 $0x2280, v38;
	_ =	sdelay $0x4  }
0x392: {  	[tilespmem:v40+s14+$0x0] =	vst.idx.msk vm0, v39  }
0x393: {  	v39 =	vld.idx.msk [tilespmem:v19+s11+$0x0], vm0  }
0x394: {  	v40 =	vadd.s32 $0x2300, v38;
	_ =	sdelay $0x4  }
0x395: {  	[tilespmem:v40+s14+$0x0] =	vst.idx.msk vm0, v39  }
0x396: {  	v39 =	vld.idx.msk [tilespmem:v20+s11+$0x0], vm0  }
0x397: {  	v40 =	vadd.s32 $0x2380, v38;
	_ =	sdelay $0x4  }
0x398: {  	[tilespmem:v40+s14+$0x0] =	vst.idx.msk vm0, v39  }
0x399: {  	v39 =	vld.idx.msk [tilespmem:v21+s11+$0x0], vm0  }
0x39a: {  	v40 =	vadd.s32 $0x4000, v38;
	_ =	sdelay $0x4  }
0x39b: {  	[tilespmem:v40+s14+$0x0] =	vst.idx.msk vm0, v39  }
0x39c: {  	v39 =	vld.idx.msk [tilespmem:v22+s11+$0x0], vm0  }
0x39d: {  	v40 =	vadd.s32 $0x4080, v38;
	_ =	sdelay $0x4  }
0x39e: {  	[tilespmem:v40+s14+$0x0] =	vst.idx.msk vm0, v39  }
0x39f: {  	v39 =	vld.idx.msk [tilespmem:v23+s11+$0x0], vm0  }
0x3a0: {  	v40 =	vadd.s32 $0x4100, v38;
	_ =	sdelay $0x4  }
0x3a1: {  	[tilespmem:v40+s14+$0x0] =	vst.idx.msk vm0, v39  }
0x3a2: {  	v39 =	vld.idx.msk [tilespmem:v24+s11+$0x0], vm0  }
0x3a3: {  	v40 =	vadd.s32 $0x4180, v38;
	_ =	sdelay $0x4  }
0x3a4: {  	[tilespmem:v40+s14+$0x0] =	vst.idx.msk vm0, v39  }
0x3a5: {  	v39 =	vld.idx.msk [tilespmem:v25+s11+$0x0], vm0  }
0x3a6: {  	v40 =	vadd.s32 $0x4200, v38;
	_ =	sdelay $0x4  }
0x3a7: {  	[tilespmem:v40+s14+$0x0] =	vst.idx.msk vm0, v39  }
0x3a8: {  	v39 =	vld.idx.msk [tilespmem:v26+s11+$0x0], vm0  }
0x3a9: {  	v40 =	vadd.s32 $0x4280, v38;
	_ =	sdelay $0x4  }
0x3aa: {  	[tilespmem:v40+s14+$0x0] =	vst.idx.msk vm0, v39  }
0x3ab: {  	v39 =	vld.idx.msk [tilespmem:v27+s11+$0x0], vm0  }
0x3ac: {  	v40 =	vadd.s32 $0x4300, v38;
	_ =	sdelay $0x4  }
0x3ad: {  	[tilespmem:v40+s14+$0x0] =	vst.idx.msk vm0, v39  }
0x3ae: {  	v39 =	vld.idx.msk [tilespmem:v28+s11+$0x0], vm0  }
0x3af: {  	v40 =	vadd.s32 $0x4380, v38;
	_ =	sdelay $0x4  }
0x3b0: {  	[tilespmem:v40+s14+$0x0] =	vst.idx.msk vm0, v39  }
0x3b1: {  	v39 =	vld.idx.msk [tilespmem:v29+s11+$0x0], vm0  }
0x3b2: {  	v40 =	vadd.s32 $0x6000, v38;
	_ =	sdelay $0x4  }
0x3b3: {  	[tilespmem:v40+s14+$0x0] =	vst.idx.msk vm0, v39  }
0x3b4: {  	v39 =	vld.idx.msk [tilespmem:v30+s11+$0x0], vm0  }
0x3b5: {  	v40 =	vadd.s32 $0x6080, v38;
	_ =	sdelay $0x4  }
0x3b6: {  	[tilespmem:v40+s14+$0x0] =	vst.idx.msk vm0, v39  }
0x3b7: {  	v39 =	vld.idx.msk [tilespmem:v31+s11+$0x0], vm0  }
0x3b8: {  	v40 =	vadd.s32 $0x6100, v38;
	_ =	sdelay $0x4  }
0x3b9: {  	[tilespmem:v40+s14+$0x0] =	vst.idx.msk vm0, v39  }
0x3ba: {  	v39 =	vld.idx.msk [tilespmem:v33+s11+$0x0], vm0  }
0x3bb: {  	v40 =	vadd.s32 $0x6180, v38;
	_ =	sdelay $0x4  }
0x3bc: {  	[tilespmem:v40+s14+$0x0] =	vst.idx.msk vm0, v39  }
0x3bd: {  	v39 =	vld.idx.msk [tilespmem:v34+s11+$0x0], vm0  }
0x3be: {  	v40 =	vadd.s32 $0x6200, v38;
	_ =	sdelay $0x4  }
0x3bf: {  	[tilespmem:v40+s14+$0x0] =	vst.idx.msk vm0, v39  }
0x3c0: {  	v39 =	vld.idx.msk [tilespmem:v35+s11+$0x0], vm0  }
0x3c1: {  	v40 =	vadd.s32 $0x6280, v38;
	_ =	sdelay $0x4  }
0x3c2: {  	[tilespmem:v40+s14+$0x0] =	vst.idx.msk vm0, v39  }
0x3c3: {  	v39 =	vld.idx.msk [tilespmem:v36+s11+$0x0], vm0  }
0x3c4: {  	v40 =	vadd.s32 $0x6300, v38;
	_ =	sdelay $0x4  }
0x3c5: {  	[tilespmem:v40+s14+$0x0] =	vst.idx.msk vm0, v39  }
0x3c6: {  	v39 =	vld.idx.msk [tilespmem:v37+s11+$0x0], vm0  }
.Ltmp18:
0x3c7: {  	s3 =	sadd.s32 $0x10, s3;
	v38 =	vadd.s32 $0x6380, v38;
	(pc) =	sbr.rel @p2 .LBB2_29-.Ltmp18, $4  }
0x3c8: {  	s1 =	sshrl.u32 s2, $0x3;
	s4 =	sand.u32 $0x70, s3;
	p3 =	seq.s32 s2, $0x0  }
0x3c9: {  	s2 =	sshll.u32 @!p3 s1, $0x9;
	s29 =	simm.s32 @!p3 $0x1B400;
	s28 =	simm.s32 @!p3 $0x7  }
0x3ca: {  	s30 =	simm.s32 @!p3 $0x10;
	s1 =	sshll.u32 s1, $0x7;
	s2 =	sshra.s32 @!p3 s2, $0x2;
	v40 =	vor.u32 s3, v0  }
0x3cb: {  	s2 =	sor.u32 @!p3 s4, s2;
	s4 =	sor.u32 s4, s1;
	vm1 =	vlt.s32 v40, v32  }
.LBB2_30:
0x3cc: {  	_ =	sdelay $0x4  }
0x3cd: {  	s0 =	sadd.s32 @!p3 $0x1A000, s2;
	v32 =	vor.u32 s4, v0;
	[tilespmem:v38+s14+$0x0] =	vst.idx.msk @p1 vm0, v39  }
0x3ce: {  	[tilespmem:s29], [sflag:$0x7] =	stream.indirect.gather @!p3 [hbm4b:s6+s30], $0x80, s0, s30, $0xb8;
	[tilespmem:$0x1BC00] =	vst v63  }
0x3cf: {  	_ =	swait.ge @!p3 [sflag:s28], $0x800  }
0x3d0: {  	[sflag:s28] =	ssyncset.done @!p3 $0x0  }
0x3d1: {  	[sflag:s28] =	ssyncadd.s32 @!p3 $0xFFFFF800  }
0x3d2: {  	v32 =	vld.idx.msk [tilespmem:v32+s23+$0x0], vm1;
	_ =	sdelay $0x4  }
0x3d3: {  	v33 =	vshll.u32 v32, $0x3  }
0x3d4: {  	v32 =	vand.u32 $0x7F, v32;
	v33 =	vand.u32 $0xFFFFFC00, v33  }
0x3d5: {  	v34 =	vld.idx.msk [tilespmem:v1+s11+$0x0], vm1;
	v32 =	vor.u32 v32, v33;
	_ =	sdelay $0x4  }
0x3d6: {  	[tilespmem:v32+s14+$0x0] =	vst.idx.msk vm1, v34  }
0x3d7: {  	v33 =	vor.u32 $0x80, v32;
	v34 =	vld.idx.msk [tilespmem:v6+s11+$0x0], vm1;
	_ =	sdelay $0x4  }
0x3d8: {  	[tilespmem:v33+s14+$0x0] =	vst.idx.msk vm1, v34  }
0x3d9: {  	v59 =	vor.u32 $0x100, v32;
	v33 =	vld.idx.msk [tilespmem:v7+s11+$0x0], vm1;
	_ =	sdelay $0x4  }
0x3da: {  	[tilespmem:v59+s14+$0x0] =	vst.idx.msk vm1, v33  }
0x3db: {  	v60 =	vor.u32 $0x180, v32;
	v33 =	vld.idx.msk [tilespmem:v8+s11+$0x0], vm1;
	_ =	sdelay $0x4  }
0x3dc: {  	[tilespmem:v60+s14+$0x0] =	vst.idx.msk vm1, v33  }
0x3dd: {  	v61 =	vor.u32 $0x200, v32;
	v33 =	vld.idx.msk [tilespmem:v9+s11+$0x0], vm1;
	_ =	sdelay $0x4  }
0x3de: {  	[tilespmem:v61+s14+$0x0] =	vst.idx.msk vm1, v33  }
0x3df: {  	v62 =	vor.u32 $0x280, v32;
	v33 =	vld.idx.msk [tilespmem:v10+s11+$0x0], vm1;
	_ =	sdelay $0x4  }
0x3e0: {  	[tilespmem:v62+s14+$0x0] =	vst.idx.msk vm1, v33  }
0x3e1: {  	v63 =	vor.u32 $0x300, v32;
	v33 =	vld.idx.msk [tilespmem:v11+s11+$0x0], vm1;
	_ =	sdelay $0x4  }
0x3e2: {  	[tilespmem:v63+s14+$0x0] =	vst.idx.msk vm1, v33  }
0x3e3: {  	v36 =	vor.u32 $0x380, v32;
	v33 =	vld.idx.msk [tilespmem:v12+s11+$0x0], vm1;
	_ =	sdelay $0x4  }
0x3e4: {  	[tilespmem:v36+s14+$0x0] =	vst.idx.msk vm1, v33  }
0x3e5: {  	v37 =	vadd.s32 $0x2000, v32;
	v34 =	vld.idx.msk [tilespmem:v13+s11+$0x0], vm1;
	_ =	sdelay $0x4  }
0x3e6: {  	[tilespmem:v37+s14+$0x0] =	vst.idx.msk vm1, v34  }
0x3e7: {  	v38 =	vadd.s32 $0x2080, v32;
	v34 =	vld.idx.msk [tilespmem:v14+s11+$0x0], vm1;
	_ =	sdelay $0x4  }
0x3e8: {  	[tilespmem:v38+s14+$0x0] =	vst.idx.msk vm1, v34  }
0x3e9: {  	v39 =	vadd.s32 $0x2100, v32;
	v34 =	vld.idx.msk [tilespmem:v15+s11+$0x0], vm1;
	_ =	sdelay $0x4  }
0x3ea: {  	[tilespmem:v39+s14+$0x0] =	vst.idx.msk vm1, v34  }
0x3eb: {  	v40 =	vadd.s32 $0x2180, v32;
	v34 =	vld.idx.msk [tilespmem:v16+s11+$0x0], vm1;
	_ =	sdelay $0x4  }
0x3ec: {  	[tilespmem:v40+s14+$0x0] =	vst.idx.msk vm1, v34  }
0x3ed: {  	v41 =	vadd.s32 $0x2200, v32;
	v34 =	vld.idx.msk [tilespmem:v17+s11+$0x0], vm1;
	_ =	sdelay $0x4  }
0x3ee: {  	[tilespmem:v41+s14+$0x0] =	vst.idx.msk vm1, v34  }
0x3ef: {  	v42 =	vadd.s32 $0x2280, v32;
	v33 =	vld.idx.msk [tilespmem:v18+s11+$0x0], vm1;
	_ =	sdelay $0x4  }
0x3f0: {  	[tilespmem:v42+s14+$0x0] =	vst.idx.msk vm1, v33  }
0x3f1: {  	v43 =	vadd.s32 $0x2300, v32;
	v33 =	vld.idx.msk [tilespmem:v19+s11+$0x0], vm1;
	_ =	sdelay $0x4  }
0x3f2: {  	[tilespmem:v43+s14+$0x0] =	vst.idx.msk vm1, v33  }
0x3f3: {  	vm15 =	vmmov vm1;
	v44 =	vadd.s32 $0x2380, v32;
	v33 =	vld.idx.msk [tilespmem:v20+s11+$0x0], vm1;
	_ =	sdelay $0x4  }
0x3f4: {  	[tilespmem:v44+s14+$0x0] =	vst.idx.msk vm1, v33  }
0x3f5: {  	v45 =	vadd.s32 $0x4000, v32;
	v33 =	vld.idx.msk [tilespmem:v21+s11+$0x0], vm15;
	_ =	sdelay $0x4  }
0x3f6: {  	[tilespmem:v45+s14+$0x0] =	vst.idx.msk vm15, v33  }
0x3f7: {  	v46 =	vadd.s32 $0x4080, v32;
	v33 =	vld.idx.msk [tilespmem:v22+s11+$0x0], vm15;
	_ =	sdelay $0x4  }
0x3f8: {  	[tilespmem:v46+s14+$0x0] =	vst.idx.msk vm15, v33  }
0x3f9: {  	v47 =	vadd.s32 $0x4100, v32;
	v33 =	vld.idx.msk [tilespmem:v23+s11+$0x0], vm15;
	_ =	sdelay $0x4  }
0x3fa: {  	[tilespmem:v47+s14+$0x0] =	vst.idx.msk vm15, v33  }
0x3fb: {  	v48 =	vadd.s32 $0x4180, v32;
	v33 =	vld.idx.msk [tilespmem:v24+s11+$0x0], vm15;
	_ =	sdelay $0x4  }
0x3fc: {  	[tilespmem:v48+s14+$0x0] =	vst.idx.msk vm15, v33  }
0x3fd: {  	v49 =	vadd.s32 $0x4200, v32;
	v33 =	vld.idx.msk [tilespmem:v25+s11+$0x0], vm15;
	_ =	sdelay $0x4  }
0x3fe: {  	[tilespmem:v49+s14+$0x0] =	vst.idx.msk vm15, v33  }
0x3ff: {  	v50 =	vadd.s32 $0x4280, v32;
	v33 =	vld.idx.msk [tilespmem:v26+s11+$0x0], vm15;
	_ =	sdelay $0x4  }
0x400: {  	[tilespmem:v50+s14+$0x0] =	vst.idx.msk vm15, v33  }
0x401: {  	v51 =	vadd.s32 $0x4300, v32;
	v33 =	vld.idx.msk [tilespmem:v27+s11+$0x0], vm15;
	_ =	sdelay $0x4  }
0x402: {  	[tilespmem:v51+s14+$0x0] =	vst.idx.msk vm15, v33  }
0x403: {  	v52 =	vadd.s32 $0x4380, v32;
	v33 =	vld.idx.msk [tilespmem:v28+s11+$0x0], vm15;
	_ =	sdelay $0x4  }
0x404: {  	[tilespmem:v52+s14+$0x0] =	vst.idx.msk vm15, v33  }
0x405: {  	v53 =	vadd.s32 $0x6000, v32;
	v33 =	vld.idx.msk [tilespmem:v29+s11+$0x0], vm15;
	_ =	sdelay $0x4  }
0x406: {  	[tilespmem:v53+s14+$0x0] =	vst.idx.msk vm15, v33  }
0x407: {  	v54 =	vadd.s32 $0x6080, v32;
	v33 =	vld.idx.msk [tilespmem:v30+s11+$0x0], vm15;
	_ =	sdelay $0x4  }
0x408: {  	[tilespmem:v54+s14+$0x0] =	vst.idx.msk vm15, v33  }
0x409: {  	v55 =	vadd.s32 $0x6100, v32;
	v33 =	vld.idx.msk [tilespmem:v31+s11+$0x0], vm15  }
0x40a: {  	v35 =	vor.u32 $0x1B, v1;
	_ =	sdelay $0x3  }
0x40b: {  	[tilespmem:v55+s14+$0x0] =	vst.idx.msk vm15, v33  }
0x40c: {  	v56 =	vadd.s32 $0x6180, v32;
	v33 =	vld.idx.msk [tilespmem:v35+s11+$0x0], vm15  }
0x40d: {  	v57 =	vor.u32 $0x1C, v1;
	_ =	sdelay $0x3  }
0x40e: {  	[tilespmem:v56+s14+$0x0] =	vst.idx.msk vm15, v33  }
0x40f: {  	v58 =	vadd.s32 $0x6200, v32;
	v33 =	vld.idx.msk [tilespmem:v57+s11+$0x0], vm15  }
0x410: {  	v59 =	vor.u32 $0x1D, v1;
	_ =	sdelay $0x3  }
0x411: {  	[tilespmem:v58+s14+$0x0] =	vst.idx.msk vm15, v33  }
0x412: {  	v60 =	vadd.s32 $0x6280, v32;
	v33 =	vld.idx.msk [tilespmem:v59+s11+$0x0], vm15  }
0x413: {  	v61 =	vor.u32 $0x1E, v1;
	_ =	sdelay $0x3  }
0x414: {  	[tilespmem:v60+s14+$0x0] =	vst.idx.msk vm15, v33  }
0x415: {  	v62 =	vadd.s32 $0x6300, v32;
	v33 =	vld.idx.msk [tilespmem:v61+s11+$0x0], vm15  }
0x416: {  	v63 =	vor.u32 $0x1F, v1;
	_ =	sdelay $0x3  }
0x417: {  	[tilespmem:v62+s14+$0x0] =	vst.idx.msk vm15, v33  }
0x418: {  	v32 =	vadd.s32 $0x6380, v32;
	v33 =	vld.idx.msk [tilespmem:v63+s11+$0x0], vm15;
	_ =	sdelay $0x4  }
0x419: {  	s30 =	rddreg [dreg:$0x1];
	[tilespmem:v32+s14+$0x0] =	vst.idx.msk vm15, v33  }
.LBB2_31:
0x41a: {  	s0 =	sshll.u32 s12, $0xA  }
0x41b: {  	s1 =	rddreg [dreg:$0x3];
	s0 =	sadd.s32 s8, s0  }
0x41c: {  	s1 =	sadd.s32 s1, s0  }
0x41d: {  	[hbm4b:s1+s5] =	stream.linear.scatter [tilespmem:s14], [sflag:$0x4], $0x1000, $0x38;
	[tilespmem:$0x1BC00] =	vst v63  }
0x41e: {  	s3 =	simm.s32 $0x13C00;
	s2 =	sadd.s32 $0xF4280, s1  }
0x41f: {  	[hbm4b:s2+s5] =	stream.linear.scatter [tilespmem:s3], [sflag:$0x4], $0x1000, $0x38;
	[tilespmem:$0x1BC00] =	vst v63  }
0x420: {  	s29 =	simm.s32 $0x15C00;
	s28 =	sadd.s32 $0x1E8500, s1  }
0x421: {  	[hbm4b:s28+s5] =	stream.linear.scatter [tilespmem:s29], [sflag:$0x4], $0x1000, $0x38;
	[tilespmem:$0x1BC00] =	vst v63  }
0x422: {  	s31 =	simm.s32 $0x17C00;
	s1 =	sadd.s32 $0x2DC780, s1  }
0x423: {  	[hbm4b:s1+s5] =	stream.linear.scatter [tilespmem:s31], [sflag:$0x4], $0x1000, $0x38;
	[tilespmem:$0x1BC00] =	vst v63  }
0x424: {  	s0 =	sadd.s32 s0, s13;
	s3 =	simm.s32 $0x12C00  }
0x425: {  	[hbm4b:s0+s5] =	stream.linear.scatter [tilespmem:s3], [sflag:$0x4], $0x1000, $0x38;
	[tilespmem:$0x1BC00] =	vst v63  }
0x426: {  	s12 =	simm.s32 $0x14C00;
	s4 =	sadd.s32 $0xF4280, s0  }
0x427: {  	[hbm4b:s4+s5] =	stream.linear.scatter [tilespmem:s12], [sflag:$0x4], $0x1000, $0x38;
	[tilespmem:$0x1BC00] =	vst v63  }
.Ltmp19:
0x428: {  	_ = 	snop;
	(pc) =	sbr.rel .LBB2_32-.Ltmp19, $4  }
0x429: {  	s28 =	sadd.s32 $0x1E8500, s0;
	s29 =	simm.s32 $0x16C00  }
0x42a: {  	[hbm4b:s28+s5] =	stream.linear.scatter [tilespmem:s29], [sflag:$0x4], $0x1000, $0x38;
	[tilespmem:$0x1BC00] =	vst v63  }
0x42b: {  	s31 =	simm.s32 $0x18C00;
	s0 =	sadd.s32 $0x2DC780, s0  }
0x42c: {  	[hbm4b:s0+s5] =	stream.linear.scatter [tilespmem:s31], [sflag:$0x4], $0x1000, $0x38;
	[tilespmem:$0x1BC00] =	vst v63  }
.LBB2_24:
0x42d: {  	s15 =	sadd.s32 $0x2, s15  }
.LBB2_32:
0x42e: {  	s0 =	smin.u32 s15, $0x1E  }
0x42f: {  	s3 =	simm.s32 $0xFFFFFFFC;
	s0 =	sshll.u32 s0, $0xA  }
0x430: {  	s12 =	simm.s32 $0x30;
	s2 =	sadd.s32 $0x2000, s0;
	s0 =	simm.s32 $0x0  }
.LBB2_33:
0x431: {  	s1 =	sadd.s32 $0xFFFFFFD0, s12  }
0x432: {  	s4 =	sand.u32 $0x380, s1  }
0x433: {  	s29 =	sand.u32 $0x40, s1;
	s28 =	sadd.s32 s4, s2  }
0x434: {  	s4 =	sadd.s32 s29, s28  }
0x435: {  	v32 =	vld [tilespmem:s4+$0x0];
	_ =	sdelay $0x4  }
0x436: {  	vm0 =	vgt.s32 v32, $0xFFFFFFFF  }
0x437: {  	v33 =	vsel vm0, $0x1, v5  }
0x438: {  	(xrf0) =	vadd.scan.msk.s32 $0xffff, v33;
	_ =	sdelay $0x2  }
0x439: {  	v47 =	vmov s0  }
0x43a: {  	v33 =	vadd.s32 $0xFFFFFFFF, v47  }
0x43b: {  	v33 =	vbroadcast v33, $0x0  }
0x43c: {  	v34, _, _ =	vpop (xrf0)  }
0x43d: {  	v33 =	vadd.s32 v34, v33  }
0x43e: {  	vm1 =	vgt.s32 v33, $0x0  }
0x43f: {  	v35 =	vmpcnt.ones.xlane vm0;
	v34 =	vnsel vm1, $0x0, v33  }
0x440: {  	v33 =	vand.u32 $0x7F, v33;
	v34 =	vand.u32 $0x7FFFFF80, v34  }
0x441: {  	(v2sf) =	vpush v35, $0x0;
	v33 =	vor.u32 v33, v34;
	_ =	sdelay $0x3  }
0x442: {  	s4 =	sadd.s32 $0xFFFFFFE0, s12  }
0x443: {  	v48 =	vor.u32 s1, v0;
	s29 =	sand.u32 $0x50, s4;
	[tilespmem:v33+s17+$0x0] =	vst.idx.msk vm0, v32  }
0x444: {  	s1 =	sadd.s32 s29, s28;
	[tilespmem:v33+s19+$0x0] =	vst.idx.msk vm0, v48  }
0x445: {  	v32 =	vld [tilespmem:s1+$0x0];
	_ =	sdelay $0x4  }
0x446: {  	vm10 =	vgt.s32 v32, $0xFFFFFFFF  }
0x447: {  	v49 =	vsel vm10, $0x1, v5  }
0x448: {  	(xrf0) =	vadd.scan.msk.s32 $0xffff, v49  }
0x449: {  	s31 =	spop (v2sf)  }
0x44a: {  	s0 =	sadd.s32 s0, s31  }
0x44b: {  	v50 =	vmov s0  }
0x44c: {  	v33 =	vadd.s32 $0xFFFFFFFF, v50  }
0x44d: {  	v33 =	vbroadcast v33, $0x0  }
0x44e: {  	v51, _, _ =	vpop (xrf0)  }
0x44f: {  	v33 =	vadd.s32 v51, v33  }
0x450: {  	vm11 =	vgt.s32 v33, $0x0  }
0x451: {  	v52 =	vmpcnt.ones.xlane vm10;
	v34 =	vnsel vm11, $0x0, v33  }
0x452: {  	v33 =	vand.u32 $0x7F, v33;
	v34 =	vand.u32 $0x7FFFFF80, v34  }
0x453: {  	(v2sf) =	vpush v52, $0x0;
	v33 =	vor.u32 v33, v34;
	_ =	sdelay $0x3  }
0x454: {  	s1 =	sadd.s32 $0xFFFFFFF0, s12  }
0x455: {  	v53 =	vor.u32 s4, v0;
	s29 =	sand.u32 $0x60, s1;
	[tilespmem:v33+s17+$0x0] =	vst.idx.msk vm10, v32  }
0x456: {  	s4 =	sadd.s32 s29, s28;
	[tilespmem:v33+s19+$0x0] =	vst.idx.msk vm10, v53  }
0x457: {  	v32 =	vld [tilespmem:s4+$0x0];
	_ =	sdelay $0x4  }
0x458: {  	vm12 =	vgt.s32 v32, $0xFFFFFFFF  }
0x459: {  	v54 =	vsel vm12, $0x1, v5  }
0x45a: {  	(xrf0) =	vadd.scan.msk.s32 $0xffff, v54  }
0x45b: {  	s31 =	spop (v2sf)  }
0x45c: {  	s0 =	sadd.s32 s0, s31  }
0x45d: {  	v55 =	vmov s0  }
0x45e: {  	v33 =	vadd.s32 $0xFFFFFFFF, v55  }
0x45f: {  	v33 =	vbroadcast v33, $0x0  }
0x460: {  	v56, _, _ =	vpop (xrf0)  }
0x461: {  	v33 =	vadd.s32 v56, v33  }
0x462: {  	vm13 =	vgt.s32 v33, $0x0  }
0x463: {  	v57 =	vmpcnt.ones.xlane vm12;
	v34 =	vnsel vm13, $0x0, v33  }
0x464: {  	v33 =	vand.u32 $0x7F, v33;
	v34 =	vand.u32 $0x7FFFFF80, v34  }
0x465: {  	(v2sf) =	vpush v57, $0x0;
	v33 =	vor.u32 v33, v34;
	_ =	sdelay $0x4  }
0x466: {  	v58 =	vor.u32 s1, v0;
	s4 =	sand.u32 $0x70, s12;
	[tilespmem:v33+s17+$0x0] =	vst.idx.msk vm12, v32  }
0x467: {  	s1 =	sadd.s32 s4, s28;
	[tilespmem:v33+s19+$0x0] =	vst.idx.msk vm12, v58  }
0x468: {  	v32 =	vld [tilespmem:s1+$0x0];
	_ =	sdelay $0x4  }
0x469: {  	vm14 =	vgt.s32 v32, $0xFFFFFFFF  }
0x46a: {  	v59 =	vsel vm14, $0x1, v5;
	v60 =	vmpcnt.ones.xlane vm14  }
0x46b: {  	(xrf0) =	vadd.scan.msk.s32 $0xffff, v59  }
0x46c: {  	s29 =	spop (v2sf);
	(v2sf) =	vpush v60, $0x0  }
0x46d: {  	s0 =	sadd.s32 s0, s29  }
0x46e: {  	v61 =	vmov s0  }
0x46f: {  	v33 =	vadd.s32 $0xFFFFFFFF, v61  }
0x470: {  	v33 =	vbroadcast v33, $0x0  }
0x471: {  	v62, _, _ =	vpop (xrf0)  }
0x472: {  	v33 =	vadd.s32 v62, v33  }
0x473: {  	vm15 =	vgt.s32 v33, $0x0  }
0x474: {  	v34 =	vnsel vm15, $0x0, v33  }
0x475: {  	v33 =	vand.u32 $0x7F, v33;
	v34 =	vand.u32 $0x7FFFFF80, v34  }
0x476: {  	s3 =	sadd.s32 $0x4, s3;
	v33 =	vor.u32 v33, v34  }
0x477: {  	p1 =	slt.u32 s3, $0x3C  }
.Ltmp20:
0x478: {  	_ = 	snop;
	(pc) =	sbr.rel @p1 .LBB2_33-.Ltmp20, $3  }
0x479: {  	_ =	sdelay $0x1  }
0x47a: {  	v63 =	vor.u32 s12, v0;
	[tilespmem:v33+s17+$0x0] =	vst.idx.msk vm14, v32;
	s31 =	spop (v2sf)  }
0x47b: {  	s12 =	sadd.s32 $0x40, s12;
	[tilespmem:v33+s19+$0x0] =	vst.idx.msk vm14, v63;
	s0 =	sadd.s32 s0, s31  }
0x47c: {  	p1 =	sge.u32 s15, s7  }
0x47d: {  	p2 =	slt.s32 @!p1 s0, $0x1  }
0x47e: {  	s24 =	sadd.s32 $0x1, s24;
	p1 =	por p2, p1  }
0x47f: {  	s1 =	simm.s32 @!p1 $0x10;
	s2 =	simm.s32 @!p1 $0x19C00;
	s3 =	simm.s32 @!p1 $0x1AC00  }
0x480: {  	[tilespmem:s3], [sflag:$0x5] =	stream.indirect.gather @!p1 [hbm4b:s6+s1], $0x80, s2, s1, $0xb8;
	[tilespmem:$0x1BC00] =	vst v63  }
0x481: {  	p1 =	sne.s32 s24, $0x10  }
.Ltmp21:
0x482: {  	_ = 	snop;
	(pc) =	sbr.rel @p1 .LBB2_12-.Ltmp21, $4  }
.Ltmp22:
0x483: {  	_ = 	snop;
	(pc) =	sbr.rel @!p1 .LBB2_35-.Ltmp22, $4  }
0x484: {  	_ = 	snop  }
0x485: {  	_ = 	snop  }
0x486: {  	_ = 	snop  }
0x487: {  	_ = 	snop  }
.LBB2_16:
.Ltmp23:
0x488: {  	(pc) =	sbr.rel .LBB2_19-.Ltmp23, $2  }
0x489: {  	_ =	sdelay $0x2  }
0x48a: {  	_ = 	snop  }
.LBB2_27:
.Ltmp24:
0x48b: {  	(pc) =	sbr.rel .LBB2_30-.Ltmp24, $2  }
0x48c: {  	_ =	sdelay $0x2  }
0x48d: {  	_ = 	snop  }
.LBB2_35:
.Ltmp25:
0x48e: {  	(pc) =	sbr.rel @p0 .LBB2_45-.Ltmp25, $4  }
0x48f: {  	s0 =	rddreg [dreg:$0x11]  }
0x490: {  	_ =	swait.ge [sflag:s0], $0x8000  }
0x491: {  	[sflag:s0] =	ssyncset.done $0x0  }
0x492: {  	s29 =	simm.s32 $0x8;
	s1 =	rddreg [dreg:$0x12];
	[sflag:s0] =	ssyncadd.s32 $0xFFFF8000  }
0x493: {  	s15 =	simm.s32 $0x0;
	s1 =	rddreg [dreg:$0x8]  }
0x494: {  	[tilespmem:s26], [sflag:$0x8] =	stream.linear.gather [hbm4b:s1+s15], $0x1000, $0x38;
	[tilespmem:$0x1BC00] =	vst v63  }
0x495: {  	s2 =	simm.s32 $0xBC00;
	s0 =	sadd.s32 $0xF4280, s1  }
0x496: {  	[tilespmem:s2], [sflag:$0x8] =	stream.linear.gather [hbm4b:s0+s15], $0x1000, $0x38;
	[tilespmem:$0x1BC00] =	vst v63  }
0x497: {  	s24 =	simm.s32 $0xDC00;
	s12 =	sadd.s32 $0x1E8500, s1  }
0x498: {  	[tilespmem:s24], [sflag:$0x8] =	stream.linear.gather [hbm4b:s12+s15], $0x1000, $0x38;
	[tilespmem:$0x1BC00] =	vst v63  }
0x499: {  	s31 =	simm.s32 $0xFC00;
	s28 =	sadd.s32 $0x2DC780, s1  }
0x49a: {  	[tilespmem:s31], [sflag:$0x8] =	stream.linear.gather [hbm4b:s28+s15], $0x1000, $0x38;
	[tilespmem:$0x1BC00] =	vst v63  }
0x49b: {  	_ =	swait.ge [sflag:s29], $0x4000  }
0x49c: {  	s3 =	simm.s32 $0x9830;
	[sflag:s29] =	ssyncset.done $0x0  }
0x49d: {  	s0 =	simm.s32 $0xFFFFFFFC;
	s2 =	simm.s32 $0x30;
	[sflag:s29] =	ssyncadd.s32 $0xFFFFC000  }
.LBB2_37:
0x49e: {  	s1 =	sadd.s32 $0xFFFFFFD0, s2  }
0x49f: {  	s4 =	sand.u32 $0x3C0, s1  }
0x4a0: {  	v32 =	vld [tilespmem:s4+$0x9800];
	_ =	sdelay $0x4  }
0x4a1: {  	vm0 =	vgt.s32 v32, $0xFFFFFFFF  }
0x4a2: {  	v33 =	vsel vm0, $0x1, v5  }
0x4a3: {  	(xrf0) =	vadd.scan.msk.s32 $0xffff, v33;
	_ =	sdelay $0x2  }
0x4a4: {  	v47 =	vmov s15  }
0x4a5: {  	v33 =	vadd.s32 $0xFFFFFFFF, v47  }
0x4a6: {  	v33 =	vbroadcast v33, $0x0  }
0x4a7: {  	v34, _, _ =	vpop (xrf0)  }
0x4a8: {  	v33 =	vadd.s32 v34, v33  }
0x4a9: {  	vm1 =	vgt.s32 v33, $0x0  }
0x4aa: {  	v35 =	vmpcnt.ones.xlane vm0;
	v34 =	vnsel vm1, $0x0, v33  }
0x4ab: {  	v33 =	vand.u32 $0x7F, v33;
	v34 =	vand.u32 $0x7FFFFF80, v34  }
0x4ac: {  	(v2sf) =	vpush v35, $0x0;
	v33 =	vor.u32 v33, v34;
	_ =	sdelay $0x4  }
0x4ad: {  	v48 =	vor.u32 s1, v0;
	[tilespmem:v33+s17+$0x0] =	vst.idx.msk vm0, v32  }
0x4ae: {  	[tilespmem:v33+s19+$0x0] =	vst.idx.msk vm0, v48  }
0x4af: {  	v32 =	vld [tilespmem:s3+$0xFFFFFFE0];
	_ =	sdelay $0x4  }
0x4b0: {  	vm10 =	vgt.s32 v32, $0xFFFFFFFF  }
0x4b1: {  	v49 =	vsel vm10, $0x1, v5  }
0x4b2: {  	(xrf0) =	vadd.scan.msk.s32 $0xffff, v49  }
0x4b3: {  	s4 =	spop (v2sf)  }
0x4b4: {  	s1 =	sadd.s32 s15, s4  }
0x4b5: {  	v50 =	vmov s1  }
0x4b6: {  	v33 =	vadd.s32 $0xFFFFFFFF, v50  }
0x4b7: {  	v33 =	vbroadcast v33, $0x0  }
0x4b8: {  	v51, _, _ =	vpop (xrf0)  }
0x4b9: {  	v33 =	vadd.s32 v51, v33  }
0x4ba: {  	vm11 =	vgt.s32 v33, $0x0  }
0x4bb: {  	v52 =	vmpcnt.ones.xlane vm10;
	v34 =	vnsel vm11, $0x0, v33  }
0x4bc: {  	v33 =	vand.u32 $0x7F, v33;
	v34 =	vand.u32 $0x7FFFFF80, v34  }
0x4bd: {  	(v2sf) =	vpush v52, $0x0;
	v33 =	vor.u32 v33, v34;
	_ =	sdelay $0x3  }
0x4be: {  	s12 =	sadd.s32 $0xFFFFFFE0, s2  }
0x4bf: {  	v53 =	vor.u32 s12, v0;
	[tilespmem:v33+s17+$0x0] =	vst.idx.msk vm10, v32  }
0x4c0: {  	[tilespmem:v33+s19+$0x0] =	vst.idx.msk vm10, v53  }
0x4c1: {  	v32 =	vld [tilespmem:s3+$0xFFFFFFF0];
	_ =	sdelay $0x4  }
0x4c2: {  	vm12 =	vgt.s32 v32, $0xFFFFFFFF  }
0x4c3: {  	v54 =	vsel vm12, $0x1, v5  }
0x4c4: {  	(xrf0) =	vadd.scan.msk.s32 $0xffff, v54  }
0x4c5: {  	s15 =	spop (v2sf)  }
0x4c6: {  	s1 =	sadd.s32 s1, s15  }
0x4c7: {  	v55 =	vmov s1  }
0x4c8: {  	v33 =	vadd.s32 $0xFFFFFFFF, v55  }
0x4c9: {  	v33 =	vbroadcast v33, $0x0  }
0x4ca: {  	v56, _, _ =	vpop (xrf0)  }
0x4cb: {  	v33 =	vadd.s32 v56, v33  }
0x4cc: {  	vm13 =	vgt.s32 v33, $0x0  }
0x4cd: {  	v57 =	vmpcnt.ones.xlane vm12;
	v34 =	vnsel vm13, $0x0, v33  }
0x4ce: {  	v33 =	vand.u32 $0x7F, v33;
	v34 =	vand.u32 $0x7FFFFF80, v34  }
0x4cf: {  	(v2sf) =	vpush v57, $0x0;
	v33 =	vor.u32 v33, v34;
	_ =	sdelay $0x3  }
0x4d0: {  	s24 =	sadd.s32 $0xFFFFFFF0, s2  }
0x4d1: {  	v58 =	vor.u32 s24, v0;
	[tilespmem:v33+s17+$0x0] =	vst.idx.msk vm12, v32  }
0x4d2: {  	[tilespmem:v33+s19+$0x0] =	vst.idx.msk vm12, v58  }
0x4d3: {  	v32 =	vld [tilespmem:s3+$0x0];
	_ =	sdelay $0x4  }
0x4d4: {  	vm14 =	vgt.s32 v32, $0xFFFFFFFF  }
0x4d5: {  	v59 =	vsel vm14, $0x1, v5;
	v60 =	vmpcnt.ones.xlane vm14  }
0x4d6: {  	(xrf0) =	vadd.scan.msk.s32 $0xffff, v59  }
0x4d7: {  	s28 =	spop (v2sf);
	(v2sf) =	vpush v60, $0x0  }
0x4d8: {  	s1 =	sadd.s32 s1, s28  }
0x4d9: {  	v61 =	vmov s1  }
0x4da: {  	v33 =	vadd.s32 $0xFFFFFFFF, v61  }
0x4db: {  	v33 =	vbroadcast v33, $0x0  }
0x4dc: {  	v62, _, _ =	vpop (xrf0)  }
0x4dd: {  	v33 =	vadd.s32 v62, v33  }
0x4de: {  	vm15 =	vgt.s32 v33, $0x0  }
0x4df: {  	v34 =	vnsel vm15, $0x0, v33  }
0x4e0: {  	v33 =	vand.u32 $0x7F, v33;
	v34 =	vand.u32 $0x7FFFFF80, v34  }
0x4e1: {  	s0 =	sadd.s32 $0x4, s0;
	v33 =	vor.u32 v33, v34  }
0x4e2: {  	p1 =	slt.u32 s0, $0x3C  }
.Ltmp26:
0x4e3: {  	_ = 	snop;
	(pc) =	sbr.rel @p1 .LBB2_37-.Ltmp26, $3  }
0x4e4: {  	_ =	sdelay $0x1  }
0x4e5: {  	v63 =	vor.u32 s2, v0;
	[tilespmem:v33+s17+$0x0] =	vst.idx.msk vm14, v32;
	s31 =	spop (v2sf)  }
0x4e6: {  	s2 =	sadd.s32 $0x40, s2;
	s3 =	sadd.s32 $0x40, s3;
	[tilespmem:v33+s19+$0x0] =	vst.idx.msk vm14, v63;
	s15 =	sadd.s32 s1, s31  }
0x4e7: {  	p1 =	slt.s32 s15, $0x1  }
0x4e8: {  	s0 =	simm.s32 @!p1 $0x10;
	s1 =	simm.s32 @!p1 $0x19C00;
	s2 =	simm.s32 @!p1 $0x1AC00  }
0x4e9: {  	[tilespmem:s2], [sflag:$0x5] =	stream.indirect.gather @!p1 [hbm4b:s6+s0], $0x80, s1, s0, $0xb8;
	[tilespmem:$0x1BC00] =	vst v63  }
0x4ea: {  	s0 =	sadd.s32 @!p1 $0xF, s15  }
0x4eb: {  	p2 =	slt.s32 @!p1 s0, $0x10  }
0x4ec: {  	p2 =	por p1, p2  }
.Ltmp27:
0x4ed: {  	_ = 	snop;
	(pc) =	sbr.rel @p2 .LBB2_44-.Ltmp27, $4  }
0x4ee: {  	s1 =	simm.s32 @!p1 $0x5  }
0x4ef: {  	_ =	swait.ge @!p1 [sflag:s1], $0x800  }
0x4f0: {  	[sflag:s1] =	ssyncset.done @!p1 $0x0  }
0x4f1: {  	[sflag:s1] =	ssyncadd.s32 @!p1 $0xFFFFF800  }
0x4f2: {  	s1 =	sshra.s32 @!p1 s0, $0x1F  }
0x4f3: {  	s1 =	sshrl.u32 @!p1 s1, $0x1C  }
0x4f4: {  	s0 =	sadd.s32 @!p1 s1, s0  }
0x4f5: {  	s12 =	sshra.s32 @!p1 s0, $0x4  }
0x4f6: {  	p2 =	sne.s32 s12, $0x1  }
.Ltmp28:
0x4f7: {  	_ = 	snop;
	(pc) =	sbr.rel @!p2 .LBB2_40-.Ltmp28, $4  }
0x4f8: {  	s4 =	simm.s32 $0x0;
	p3 =	por $0x1, $0x1  }
0x4f9: {  	s31 =	simm.s32 $0x0;
	s28 =	simm.s32 @!p3 $0x1AC00;
	s24 =	simm.s32 @!p3 $0x7  }
0x4fa: {  	v32 =	vmov s15;
	s2 =	simm.s32 @!p3 $0x0;
	s15 =	simm.s32 @!p3 $0x10;
	v33 =	vor.u32 s4, v0;
	s1 =	sand.u32 $0x70, s4  }
0x4fb: {  	vm1 =	vlt.s32 v33, v32;
	s2 =	sor.u32 @!p3 s1, s2;
	s4 =	sor.u32 s1, s31;
	p1 =	por $0x0, $0x0  }
0x4fc: {  	s0 =	sadd.s32 @!p3 $0x19C00, s2;
	v33 =	vor.u32 s4, v0  }
0x4fd: {  	[tilespmem:s28], [sflag:$0x7] =	stream.indirect.gather @!p3 [hbm4b:s6+s15], $0x80, s0, s15, $0xb8;
	[tilespmem:$0x1BC00] =	vst v63  }
0x4fe: {  	_ =	swait.ge @!p3 [sflag:s24], $0x800  }
0x4ff: {  	[sflag:s24] =	ssyncset.done @!p3 $0x0  }
0x500: {  	[sflag:s24] =	ssyncadd.s32 @!p3 $0xFFFFF800  }
0x501: {  	v33 =	vld.idx.msk [tilespmem:v33+s19+$0x0], vm1;
	_ =	sdelay $0x4  }
0x502: {  	v34 =	vshll.u32 v33, $0x3  }
0x503: {  	v33 =	vand.u32 $0x7F, v33;
	v34 =	vand.u32 $0xFFFFFC00, v34  }
0x504: {  	v35 =	vld.idx.msk [tilespmem:v1+s21+$0x0], vm1;
	v38 =	vor.u32 v33, v34;
	_ =	sdelay $0x4  }
0x505: {  	[tilespmem:v38+s26+$0x0] =	vst.idx.msk vm1, v35  }
0x506: {  	v33 =	vor.u32 $0x80, v38;
	v36 =	vld.idx.msk [tilespmem:v6+s21+$0x0], vm1;
	_ =	sdelay $0x4  }
0x507: {  	[tilespmem:v33+s26+$0x0] =	vst.idx.msk vm1, v36  }
0x508: {  	v37 =	vor.u32 $0x100, v38;
	v33 =	vld.idx.msk [tilespmem:v7+s21+$0x0], vm1;
	_ =	sdelay $0x4  }
0x509: {  	[tilespmem:v37+s26+$0x0] =	vst.idx.msk vm1, v33  }
0x50a: {  	v39 =	vor.u32 $0x180, v38;
	v33 =	vld.idx.msk [tilespmem:v8+s21+$0x0], vm1;
	_ =	sdelay $0x4  }
0x50b: {  	[tilespmem:v39+s26+$0x0] =	vst.idx.msk vm1, v33  }
0x50c: {  	v40 =	vor.u32 $0x200, v38;
	v33 =	vld.idx.msk [tilespmem:v9+s21+$0x0], vm1;
	_ =	sdelay $0x4  }
0x50d: {  	[tilespmem:v40+s26+$0x0] =	vst.idx.msk vm1, v33  }
0x50e: {  	v41 =	vor.u32 $0x280, v38;
	v33 =	vld.idx.msk [tilespmem:v10+s21+$0x0], vm1;
	_ =	sdelay $0x4  }
0x50f: {  	[tilespmem:v41+s26+$0x0] =	vst.idx.msk vm1, v33  }
0x510: {  	v42 =	vor.u32 $0x300, v38;
	v33 =	vld.idx.msk [tilespmem:v11+s21+$0x0], vm1;
	_ =	sdelay $0x4  }
0x511: {  	[tilespmem:v42+s26+$0x0] =	vst.idx.msk vm1, v33  }
0x512: {  	v43 =	vor.u32 $0x380, v38;
	v33 =	vld.idx.msk [tilespmem:v12+s21+$0x0], vm1;
	_ =	sdelay $0x4  }
0x513: {  	[tilespmem:v43+s26+$0x0] =	vst.idx.msk vm1, v33  }
0x514: {  	v44 =	vadd.s32 $0x2000, v38;
	v34 =	vld.idx.msk [tilespmem:v13+s21+$0x0], vm1;
	_ =	sdelay $0x4  }
0x515: {  	[tilespmem:v44+s26+$0x0] =	vst.idx.msk vm1, v34  }
0x516: {  	v45 =	vadd.s32 $0x2080, v38;
	v34 =	vld.idx.msk [tilespmem:v14+s21+$0x0], vm1;
	_ =	sdelay $0x4  }
0x517: {  	[tilespmem:v45+s26+$0x0] =	vst.idx.msk vm1, v34  }
0x518: {  	v46 =	vadd.s32 $0x2100, v38;
	v34 =	vld.idx.msk [tilespmem:v15+s21+$0x0], vm1;
	_ =	sdelay $0x4  }
0x519: {  	[tilespmem:v46+s26+$0x0] =	vst.idx.msk vm1, v34  }
0x51a: {  	v47 =	vadd.s32 $0x2180, v38;
	v34 =	vld.idx.msk [tilespmem:v16+s21+$0x0], vm1;
	_ =	sdelay $0x4  }
0x51b: {  	[tilespmem:v47+s26+$0x0] =	vst.idx.msk vm1, v34  }
0x51c: {  	v48 =	vadd.s32 $0x2200, v38;
	v34 =	vld.idx.msk [tilespmem:v17+s21+$0x0], vm1;
	_ =	sdelay $0x4  }
0x51d: {  	[tilespmem:v48+s26+$0x0] =	vst.idx.msk vm1, v34  }
0x51e: {  	v49 =	vadd.s32 $0x2280, v38;
	v33 =	vld.idx.msk [tilespmem:v18+s21+$0x0], vm1;
	_ =	sdelay $0x4  }
0x51f: {  	[tilespmem:v49+s26+$0x0] =	vst.idx.msk vm1, v33  }
0x520: {  	v50 =	vadd.s32 $0x2300, v38;
	v33 =	vld.idx.msk [tilespmem:v19+s21+$0x0], vm1;
	_ =	sdelay $0x4  }
0x521: {  	[tilespmem:v50+s26+$0x0] =	vst.idx.msk vm1, v33  }
0x522: {  	vm0 =	vmmov vm1;
	v51 =	vadd.s32 $0x2380, v38;
	v33 =	vld.idx.msk [tilespmem:v20+s21+$0x0], vm1;
	_ =	sdelay $0x4  }
0x523: {  	[tilespmem:v51+s26+$0x0] =	vst.idx.msk vm1, v33  }
0x524: {  	v52 =	vadd.s32 $0x4000, v38;
	v33 =	vld.idx.msk [tilespmem:v21+s21+$0x0], vm0;
	_ =	sdelay $0x4  }
0x525: {  	[tilespmem:v52+s26+$0x0] =	vst.idx.msk vm0, v33  }
0x526: {  	v53 =	vadd.s32 $0x4080, v38;
	v33 =	vld.idx.msk [tilespmem:v22+s21+$0x0], vm0;
	_ =	sdelay $0x4  }
0x527: {  	[tilespmem:v53+s26+$0x0] =	vst.idx.msk vm0, v33  }
0x528: {  	v54 =	vadd.s32 $0x4100, v38;
	v33 =	vld.idx.msk [tilespmem:v23+s21+$0x0], vm0;
	_ =	sdelay $0x4  }
0x529: {  	[tilespmem:v54+s26+$0x0] =	vst.idx.msk vm0, v33  }
0x52a: {  	v55 =	vadd.s32 $0x4180, v38;
	v33 =	vld.idx.msk [tilespmem:v24+s21+$0x0], vm0;
	_ =	sdelay $0x4  }
0x52b: {  	[tilespmem:v55+s26+$0x0] =	vst.idx.msk vm0, v33  }
0x52c: {  	v56 =	vadd.s32 $0x4200, v38;
	v33 =	vld.idx.msk [tilespmem:v25+s21+$0x0], vm0;
	_ =	sdelay $0x4  }
0x52d: {  	[tilespmem:v56+s26+$0x0] =	vst.idx.msk vm0, v33  }
0x52e: {  	v57 =	vadd.s32 $0x4280, v38;
	v33 =	vld.idx.msk [tilespmem:v26+s21+$0x0], vm0;
	_ =	sdelay $0x4  }
0x52f: {  	[tilespmem:v57+s26+$0x0] =	vst.idx.msk vm0, v33  }
0x530: {  	v58 =	vadd.s32 $0x4300, v38;
	v33 =	vld.idx.msk [tilespmem:v27+s21+$0x0], vm0;
	_ =	sdelay $0x4  }
0x531: {  	[tilespmem:v58+s26+$0x0] =	vst.idx.msk vm0, v33  }
0x532: {  	v59 =	vadd.s32 $0x4380, v38;
	v33 =	vld.idx.msk [tilespmem:v28+s21+$0x0], vm0;
	_ =	sdelay $0x4  }
0x533: {  	[tilespmem:v59+s26+$0x0] =	vst.idx.msk vm0, v33  }
0x534: {  	v60 =	vadd.s32 $0x6000, v38;
	v33 =	vld.idx.msk [tilespmem:v29+s21+$0x0], vm0;
	_ =	sdelay $0x4  }
0x535: {  	[tilespmem:v60+s26+$0x0] =	vst.idx.msk vm0, v33  }
0x536: {  	v61 =	vadd.s32 $0x6080, v38;
	v33 =	vld.idx.msk [tilespmem:v30+s21+$0x0], vm0;
	_ =	sdelay $0x4  }
0x537: {  	[tilespmem:v61+s26+$0x0] =	vst.idx.msk vm0, v33  }
0x538: {  	v62 =	vadd.s32 $0x6100, v38;
	v34 =	vld.idx.msk [tilespmem:v31+s21+$0x0], vm0  }
0x539: {  	v33 =	vor.u32 $0x1B, v1;
	_ =	sdelay $0x3  }
0x53a: {  	[tilespmem:v62+s26+$0x0] =	vst.idx.msk vm0, v34  }
0x53b: {  	v36 =	vadd.s32 $0x6180, v38;
	v35 =	vld.idx.msk [tilespmem:v33+s21+$0x0], vm0  }
0x53c: {  	v34 =	vor.u32 $0x1C, v1;
	_ =	sdelay $0x3  }
0x53d: {  	[tilespmem:v36+s26+$0x0] =	vst.idx.msk vm0, v35  }
0x53e: {  	v37 =	vadd.s32 $0x6200, v38;
	v36 =	vld.idx.msk [tilespmem:v34+s21+$0x0], vm0  }
0x53f: {  	v35 =	vor.u32 $0x1D, v1;
	_ =	sdelay $0x3  }
0x540: {  	[tilespmem:v37+s26+$0x0] =	vst.idx.msk vm0, v36  }
0x541: {  	v39 =	vadd.s32 $0x6280, v38;
	v37 =	vld.idx.msk [tilespmem:v35+s21+$0x0], vm0  }
0x542: {  	v36 =	vor.u32 $0x1E, v1;
	_ =	sdelay $0x3  }
0x543: {  	[tilespmem:v39+s26+$0x0] =	vst.idx.msk vm0, v37  }
0x544: {  	v40 =	vadd.s32 $0x6300, v38;
	v39 =	vld.idx.msk [tilespmem:v36+s21+$0x0], vm0  }
0x545: {  	v37 =	vor.u32 $0x1F, v1;
	_ =	sdelay $0x3  }
0x546: {  	p2 =	sne.s32 s12, $0x2;
	[tilespmem:v40+s26+$0x0] =	vst.idx.msk vm0, v39  }
.Ltmp29:
0x547: {  	v38 =	vadd.s32 $0x6380, v38;
	v39 =	vld.idx.msk [tilespmem:v37+s21+$0x0], vm0;
	(pc) =	sbr.rel @!p2 .LBB2_43-.Ltmp29, $4  }
0x548: {  	s3 =	simm.s32 $0x10;
	s31 =	simm.s32 $0x0;
	p1 =	por $0x1, $0x1  }
0x549: {  	s0 =	simm.s32 $0x2;
	s1 =	sand.u32 $0x70, s3;
	p3 =	por $0x0, $0x0  }
0x54a: {  	v63 =	vor.u32 s3, v0;
	s4 =	sor.u32 s1, s31;
	s28 =	simm.s32 @!p3 $0x1AC00;
	s2 =	simm.s32 @!p3 $0x0  }
0x54b: {  	s24 =	simm.s32 @!p3 $0x7;
	s15 =	simm.s32 @!p3 $0x10;
	s2 =	sor.u32 @!p3 s1, s2;
	vm1 =	vlt.s32 v63, v32  }
.LBB2_42:
0x54c: {  	s1 =	sadd.s32 @!p3 $0x19C00, s2;
	v40 =	vor.u32 s4, v0;
	[tilespmem:v38+s26+$0x0] =	vst.idx.msk vm0, v39;
	vm0 =	vmmov vm1;
	s2 =	smov.u32 s0;
	s0 =	sadd.s32 $0x1, s0  }
0x54d: {  	[tilespmem:s28], [sflag:$0x7] =	stream.indirect.gather @!p3 [hbm4b:s6+s15], $0x80, s1, s15, $0xb8;
	[tilespmem:$0x1BC00] =	vst v63  }
0x54e: {  	p2 =	sne.s32 s12, s0;
	_ =	swait.ge @!p3 [sflag:s24], $0x800  }
0x54f: {  	[sflag:s24] =	ssyncset.done @!p3 $0x0  }
0x550: {  	[sflag:s24] =	ssyncadd.s32 @!p3 $0xFFFFF800  }
0x551: {  	v38 =	vld.idx.msk [tilespmem:v40+s19+$0x0], vm1;
	_ =	sdelay $0x5  }
0x552: {  	v39 =	vand.u32 $0x7F, v38;
	v38 =	vshll.u32 v38, $0x3  }
0x553: {  	v38 =	vand.u32 $0xFFFFFC00, v38;
	v40 =	vld.idx.msk [tilespmem:v1+s21+$0x0], vm1  }
0x554: {  	v38 =	vor.u32 v39, v38  }
0x555: {  	v39 =	vor.u32 $0x80, v38;
	v41 =	vadd.s32 $0x2000, v38;
	v42 =	vadd.s32 $0x2080, v38  }
0x556: {  	v43 =	vadd.s32 $0x2100, v38;
	v44 =	vadd.s32 $0x2180, v38;
	v45 =	vadd.s32 $0x2200, v38;
	_ =	sdelay $0x2  }
0x557: {  	[tilespmem:v38+s26+$0x0] =	vst.idx.msk vm1, v40  }
0x558: {  	v40 =	vld.idx.msk [tilespmem:v6+s21+$0x0], vm1;
	_ =	sdelay $0x5  }
0x559: {  	[tilespmem:v39+s26+$0x0] =	vst.idx.msk vm1, v40  }
0x55a: {  	v39 =	vld.idx.msk [tilespmem:v7+s21+$0x0], vm1  }
0x55b: {  	v40 =	vor.u32 $0x100, v38;
	_ =	sdelay $0x4  }
0x55c: {  	[tilespmem:v40+s26+$0x0] =	vst.idx.msk vm0, v39  }
0x55d: {  	v39 =	vld.idx.msk [tilespmem:v8+s21+$0x0], vm0  }
0x55e: {  	v40 =	vor.u32 $0x180, v38;
	_ =	sdelay $0x4  }
0x55f: {  	[tilespmem:v40+s26+$0x0] =	vst.idx.msk vm0, v39  }
0x560: {  	v39 =	vld.idx.msk [tilespmem:v9+s21+$0x0], vm0  }
0x561: {  	v40 =	vor.u32 $0x200, v38;
	_ =	sdelay $0x4  }
0x562: {  	[tilespmem:v40+s26+$0x0] =	vst.idx.msk vm0, v39  }
0x563: {  	v39 =	vld.idx.msk [tilespmem:v10+s21+$0x0], vm0  }
0x564: {  	v40 =	vor.u32 $0x280, v38;
	_ =	sdelay $0x4  }
0x565: {  	[tilespmem:v40+s26+$0x0] =	vst.idx.msk vm0, v39  }
0x566: {  	v39 =	vld.idx.msk [tilespmem:v11+s21+$0x0], vm0  }
0x567: {  	v40 =	vor.u32 $0x300, v38;
	_ =	sdelay $0x4  }
0x568: {  	[tilespmem:v40+s26+$0x0] =	vst.idx.msk vm0, v39  }
0x569: {  	v39 =	vld.idx.msk [tilespmem:v12+s21+$0x0], vm0  }
0x56a: {  	v40 =	vor.u32 $0x380, v38;
	_ =	sdelay $0x4  }
0x56b: {  	[tilespmem:v40+s26+$0x0] =	vst.idx.msk vm0, v39  }
0x56c: {  	v39 =	vld.idx.msk [tilespmem:v13+s21+$0x0], vm0;
	_ =	sdelay $0x5  }
0x56d: {  	[tilespmem:v41+s26+$0x0] =	vst.idx.msk vm0, v39  }
0x56e: {  	v39 =	vld.idx.msk [tilespmem:v14+s21+$0x0], vm0;
	_ =	sdelay $0x5  }
0x56f: {  	[tilespmem:v42+s26+$0x0] =	vst.idx.msk vm0, v39  }
0x570: {  	v39 =	vld.idx.msk [tilespmem:v15+s21+$0x0], vm0;
	_ =	sdelay $0x5  }
0x571: {  	[tilespmem:v43+s26+$0x0] =	vst.idx.msk vm0, v39  }
0x572: {  	v39 =	vld.idx.msk [tilespmem:v16+s21+$0x0], vm0;
	_ =	sdelay $0x5  }
0x573: {  	[tilespmem:v44+s26+$0x0] =	vst.idx.msk vm0, v39  }
0x574: {  	v39 =	vld.idx.msk [tilespmem:v17+s21+$0x0], vm0;
	_ =	sdelay $0x5  }
0x575: {  	[tilespmem:v45+s26+$0x0] =	vst.idx.msk vm0, v39  }
0x576: {  	v39 =	vld.idx.msk [tilespmem:v18+s21+$0x0], vm0  }
0x577: {  	v40 =	vadd.s32 $0x2280, v38;
	_ =	sdelay $0x4  }
0x578: {  	[tilespmem:v40+s26+$0x0] =	vst.idx.msk vm0, v39  }
0x579: {  	v39 =	vld.idx.msk [tilespmem:v19+s21+$0x0], vm0  }
0x57a: {  	v40 =	vadd.s32 $0x2300, v38;
	_ =	sdelay $0x4  }
0x57b: {  	[tilespmem:v40+s26+$0x0] =	vst.idx.msk vm0, v39  }
0x57c: {  	v39 =	vld.idx.msk [tilespmem:v20+s21+$0x0], vm0  }
0x57d: {  	v40 =	vadd.s32 $0x2380, v38;
	_ =	sdelay $0x4  }
0x57e: {  	[tilespmem:v40+s26+$0x0] =	vst.idx.msk vm0, v39  }
0x57f: {  	v39 =	vld.idx.msk [tilespmem:v21+s21+$0x0], vm0  }
0x580: {  	v40 =	vadd.s32 $0x4000, v38;
	_ =	sdelay $0x4  }
0x581: {  	[tilespmem:v40+s26+$0x0] =	vst.idx.msk vm0, v39  }
0x582: {  	v39 =	vld.idx.msk [tilespmem:v22+s21+$0x0], vm0  }
0x583: {  	v40 =	vadd.s32 $0x4080, v38;
	_ =	sdelay $0x4  }
0x584: {  	[tilespmem:v40+s26+$0x0] =	vst.idx.msk vm0, v39  }
0x585: {  	v39 =	vld.idx.msk [tilespmem:v23+s21+$0x0], vm0  }
0x586: {  	v40 =	vadd.s32 $0x4100, v38;
	_ =	sdelay $0x4  }
0x587: {  	[tilespmem:v40+s26+$0x0] =	vst.idx.msk vm0, v39  }
0x588: {  	v39 =	vld.idx.msk [tilespmem:v24+s21+$0x0], vm0  }
0x589: {  	v40 =	vadd.s32 $0x4180, v38;
	_ =	sdelay $0x4  }
0x58a: {  	[tilespmem:v40+s26+$0x0] =	vst.idx.msk vm0, v39  }
0x58b: {  	v39 =	vld.idx.msk [tilespmem:v25+s21+$0x0], vm0  }
0x58c: {  	v40 =	vadd.s32 $0x4200, v38;
	_ =	sdelay $0x4  }
0x58d: {  	[tilespmem:v40+s26+$0x0] =	vst.idx.msk vm0, v39  }
0x58e: {  	v39 =	vld.idx.msk [tilespmem:v26+s21+$0x0], vm0  }
0x58f: {  	v40 =	vadd.s32 $0x4280, v38;
	_ =	sdelay $0x4  }
0x590: {  	[tilespmem:v40+s26+$0x0] =	vst.idx.msk vm0, v39  }
0x591: {  	v39 =	vld.idx.msk [tilespmem:v27+s21+$0x0], vm0  }
0x592: {  	v40 =	vadd.s32 $0x4300, v38;
	_ =	sdelay $0x4  }
0x593: {  	[tilespmem:v40+s26+$0x0] =	vst.idx.msk vm0, v39  }
0x594: {  	v39 =	vld.idx.msk [tilespmem:v28+s21+$0x0], vm0  }
0x595: {  	v40 =	vadd.s32 $0x4380, v38;
	_ =	sdelay $0x4  }
0x596: {  	[tilespmem:v40+s26+$0x0] =	vst.idx.msk vm0, v39  }
0x597: {  	v39 =	vld.idx.msk [tilespmem:v29+s21+$0x0], vm0  }
0x598: {  	v40 =	vadd.s32 $0x6000, v38;
	_ =	sdelay $0x4  }
0x599: {  	[tilespmem:v40+s26+$0x0] =	vst.idx.msk vm0, v39  }
0x59a: {  	v39 =	vld.idx.msk [tilespmem:v30+s21+$0x0], vm0  }
0x59b: {  	v40 =	vadd.s32 $0x6080, v38;
	_ =	sdelay $0x4  }
0x59c: {  	[tilespmem:v40+s26+$0x0] =	vst.idx.msk vm0, v39  }
0x59d: {  	v39 =	vld.idx.msk [tilespmem:v31+s21+$0x0], vm0  }
0x59e: {  	v40 =	vadd.s32 $0x6100, v38;
	_ =	sdelay $0x4  }
0x59f: {  	[tilespmem:v40+s26+$0x0] =	vst.idx.msk vm0, v39  }
0x5a0: {  	v39 =	vld.idx.msk [tilespmem:v33+s21+$0x0], vm0  }
0x5a1: {  	v40 =	vadd.s32 $0x6180, v38;
	_ =	sdelay $0x4  }
0x5a2: {  	[tilespmem:v40+s26+$0x0] =	vst.idx.msk vm0, v39  }
0x5a3: {  	v39 =	vld.idx.msk [tilespmem:v34+s21+$0x0], vm0  }
0x5a4: {  	v40 =	vadd.s32 $0x6200, v38;
	_ =	sdelay $0x4  }
0x5a5: {  	[tilespmem:v40+s26+$0x0] =	vst.idx.msk vm0, v39  }
0x5a6: {  	v39 =	vld.idx.msk [tilespmem:v35+s21+$0x0], vm0  }
0x5a7: {  	v40 =	vadd.s32 $0x6280, v38;
	_ =	sdelay $0x4  }
0x5a8: {  	[tilespmem:v40+s26+$0x0] =	vst.idx.msk vm0, v39  }
0x5a9: {  	v39 =	vld.idx.msk [tilespmem:v36+s21+$0x0], vm0  }
0x5aa: {  	v40 =	vadd.s32 $0x6300, v38;
	_ =	sdelay $0x4  }
0x5ab: {  	[tilespmem:v40+s26+$0x0] =	vst.idx.msk vm0, v39  }
0x5ac: {  	v39 =	vld.idx.msk [tilespmem:v37+s21+$0x0], vm0  }
.Ltmp30:
0x5ad: {  	s3 =	sadd.s32 $0x10, s3;
	v38 =	vadd.s32 $0x6380, v38;
	(pc) =	sbr.rel @p2 .LBB2_42-.Ltmp30, $4  }
0x5ae: {  	s1 =	sshrl.u32 s2, $0x3;
	s4 =	sand.u32 $0x70, s3;
	p3 =	seq.s32 s2, $0x0  }
0x5af: {  	s2 =	sshll.u32 @!p3 s1, $0x9;
	s28 =	simm.s32 @!p3 $0x1AC00;
	s24 =	simm.s32 @!p3 $0x7  }
0x5b0: {  	s15 =	simm.s32 @!p3 $0x10;
	s1 =	sshll.u32 s1, $0x7;
	s2 =	sshra.s32 @!p3 s2, $0x2;
	v40 =	vor.u32 s3, v0  }
0x5b1: {  	s2 =	sor.u32 @!p3 s4, s2;
	s4 =	sor.u32 s4, s1;
	vm1 =	vlt.s32 v40, v32  }
.Ltmp31:
0x5b2: {  	_ = 	snop;
	(pc) =	sbr.rel .LBB2_43-.Ltmp31, $1  }
0x5b3: {  	_ =	sdelay $0x3  }
.LBB2_46:
0x5b4: {  	_ =	sfence.sel $0x180000  }
0x5b5: {  	[bflag:$0x0] =	sbarrier.arrive $0xFFFF  }
0x5b6: {  	_ =	strace $0x90000047  }
0x5b7: {  	s0 =	stileid.u32;
	[bflag:$0x2] =	sbarrier.arrive $0xFFFF  }
0x5b8: {  	p0 =	sne.s32 s0, $0x0;
	s0 =	rddreg [dreg:$0x4]  }
0x5b9: {  	s0 =	sadd.s32 @!p0 $0x100000, s0  }
0x5ba: {  	[sflag:s0] =	ssyncadd.tile.s32 @!p0 $0x1;
	_ =	shalt  }
.Lfunc_end2:
_tile_overlayer_lowered:
.L_overlay_start_2:
0x5bb: {  	(tag) =	ssettag $0x2  }
0x5bc: {  	s0 =	rddreg [dreg:$0x0];
	s2 =	stileid.u32  }
0x5bd: {  	s1 =	rddreg [dreg:$0x1];
	p0 =	sne.s32 s2, $0x0  }
0x5be: {  	s3 =	rddreg [dreg:$0x2];
	[bflag:$0x3] =	sbarrier.arrive $0xFFFF;
	s2 =	simm.s32 @!p0 $0x1C08  }
0x5bf: {  	[timem:s3], [sflag:s2] =	dma.local @!p0 [hbm:s0], s1  }
0x5c0: {  	s0 =	simm.s32 @!p0 $0x8  }
0x5c1: {  	_ =	swait.ge @!p0 [sflag:s0], s1  }
0x5c2: {  	s1 =	ssub.s32 @!p0 $0x0, s1;
	[sflag:s0] =	ssyncset.done @!p0 $0x0  }
0x5c3: {  	[sflag:s0] =	ssyncadd.s32 @!p0 s1  }
0x5c4: {  	[bflag:$0x3] =	sbarrier.arrive $0xFFFF  }
0x5c5: {  	_ =	shalt  }

</sc_bundles>
